<compile_context>
chip_gen: v7x
topology: tpu7x:2x2x1
jax: 0.10.2.dev20260603
libtpu: 0.0.44.dev20260713+nightly
codegen_flags: <defaults>
</compile_context>

<pallas_src>
import functools

import jax
import jax.numpy as jnp
from jax import lax
from jax.experimental import pallas as pl
from jax.experimental.pallas import tpu as pltpu
from jax.experimental.pallas import tpu_sc as plsc

_L = 16

_SHAPE_RATIO_THR = 0.25
_AREA_RATIO_THR = 0.01
_OBJECTNESS_THR = 0.5
_NMS_THR = 0.3


def _nms_body(n_pad, x1h, y1h, x2h, y2h, sh, imgh,
              ox1h, oy1h, ox2h, oy2h, osh,
              x1, y1, x2, y2, sc, area, sup,
              ox1, oy1, ox2, oy2, osc, img):
    nch = n_pad // _L
    cid = lax.axis_index("c")
    sid = lax.axis_index("s")

    @pl.when((cid == 0) & (sid == 0))
    def _():
        pltpu.sync_copy(x1h, x1)
        pltpu.sync_copy(y1h, y1)
        pltpu.sync_copy(x2h, x2)
        pltpu.sync_copy(y2h, y2)
        pltpu.sync_copy(sh, sc)
        pltpu.sync_copy(imgh, img)

        ix1 = img[0]
        iy1 = img[1]
        ix2 = img[2]
        iy2 = img[3]
        aimg = (ix2 - ix1) * (iy2 - iy1)

        def filt(c, acc):
            b = c * _L
            dx1 = x1[pl.ds(b, _L)]
            dy1 = y1[pl.ds(b, _L)]
            dx2 = x2[pl.ds(b, _L)]
            dy2 = y2[pl.ds(b, _L)]
            ds = sc[pl.ds(b, _L)]
            w = dx2 - dx1
            h = dy2 - dy1
            srat = w / (h + 1e-12)
            vshape = (srat > _SHAPE_RATIO_THR) & (srat < 1.0 / _SHAPE_RATIO_THR)
            iw = jnp.maximum(jnp.minimum(ix2, dx2) - jnp.maximum(ix1, dx1), 0.0)
            ih = jnp.maximum(jnp.minimum(iy2, dy2) - jnp.maximum(iy1, dy1), 0.0)
            iof = iw * ih / (aimg + 1e-6)
            v = vshape & (iof > _AREA_RATIO_THR) & (ds > _OBJECTNESS_THR)
            area[pl.ds(b, _L)] = w * h
            sup[pl.ds(b, _L)] = jnp.where(v, 0, 1).astype(jnp.int32)
            return acc + jnp.where(v, 1, 0).astype(jnp.int32)

        acc = lax.fori_loop(0, nch, filt, jnp.zeros((_L,), jnp.int32))
        nvalid = acc[0]
        for _i in range(1, _L):
            nvalid = nvalid + acc[_i]

        @pl.when(nvalid == 0)
        def _():
            lane = lax.iota(jnp.int32, _L)
            sup[pl.ds(0, _L)] = jnp.where(lane == 0, 0, 1).astype(jnp.int32)

        def outer(co, carry):
            b0 = co * _L
            cx1 = x1[pl.ds(b0, _L)]
            cy1 = y1[pl.ds(b0, _L)]
            cx2 = x2[pl.ds(b0, _L)]
            cy2 = y2[pl.ds(b0, _L)]
            car = area[pl.ds(b0, _L)]
            for lane in range(_L):
                k = b0 + lane
                supk = sup[pl.ds(b0, _L)][lane]

                @pl.when(supk == 0)
                def _(lane=lane, k=k):
                    bx1 = cx1[lane]
                    by1 = cy1[lane]
                    bx2 = cx2[lane]
                    by2 = cy2[lane]
                    ak = car[lane]

                    def inner(c, icarry):
                        b = c * _L
                        dx1 = x1[pl.ds(b, _L)]
                        dy1 = y1[pl.ds(b, _L)]
                        dx2 = x2[pl.ds(b, _L)]
                        dy2 = y2[pl.ds(b, _L)]
                        da = area[pl.ds(b, _L)]
                        iw = jnp.maximum(jnp.minimum(bx2, dx2) - jnp.maximum(bx1, dx1), 0.0)
                        ih = jnp.maximum(jnp.minimum(by2, dy2) - jnp.maximum(by1, dy1), 0.0)
                        inter = iw * ih
                        gidx = b + lax.iota(jnp.int32, _L)
                        hit = (inter > (ak + da - inter + 1e-6) * _NMS_THR) & (gidx > k)
                        sv = sup[pl.ds(b, _L)]
                        sup[pl.ds(b, _L)] = sv | jnp.where(hit, 1, 0).astype(jnp.int32)
                        return icarry

                    lax.fori_loop(co, nch, inner, jnp.int32(0))

            return carry

        lax.fori_loop(0, nch, outer, jnp.int32(0))

        def outp(c, carry):
            b = c * _L
            kf = jnp.where(sup[pl.ds(b, _L)] == 0, 1.0, 0.0)
            ox1[pl.ds(b, _L)] = x1[pl.ds(b, _L)] * kf
            oy1[pl.ds(b, _L)] = y1[pl.ds(b, _L)] * kf
            ox2[pl.ds(b, _L)] = x2[pl.ds(b, _L)] * kf
            oy2[pl.ds(b, _L)] = y2[pl.ds(b, _L)] * kf
            osc[pl.ds(b, _L)] = sc[pl.ds(b, _L)] * kf
            return carry

        lax.fori_loop(0, nch, outp, jnp.int32(0))

        pltpu.sync_copy(ox1, ox1h)
        pltpu.sync_copy(oy1, oy1h)
        pltpu.sync_copy(ox2, ox2h)
        pltpu.sync_copy(oy2, oy2h)
        pltpu.sync_copy(osc, osh)


@functools.partial(jax.jit, static_argnums=(6,))
def _run(x1, y1, x2, y2, ss, img, n_pad):
    mesh = plsc.VectorSubcoreMesh(core_axis_name="c", subcore_axis_name="s")
    f32 = jnp.float32
    out = jax.ShapeDtypeStruct((n_pad,), f32)
    vec = pltpu.VMEM((n_pad,), f32)
    kern = functools.partial(
        pl.kernel,
        mesh=mesh,
        out_type=[out, out, out, out, out],
        scratch_types=[
            vec, vec, vec, vec, vec,
            vec,
            pltpu.VMEM((n_pad,), jnp.int32),
            vec, vec, vec, vec, vec,
            pltpu.VMEM((4, _L), f32),
        ],
    )(functools.partial(_nms_body, n_pad))
    return kern(x1, y1, x2, y2, ss, img)


def kernel(boxes, scores, image_boxes):
    n = boxes.shape[0]
    n_pad = -(-n // 128) * 128
    pad = n_pad - n
    order = jnp.argsort(-scores, stable=True)
    bs = boxes[order]
    zs = jnp.zeros((pad,), jnp.float32)
    x1 = jnp.concatenate([bs[:, 0], zs])
    y1 = jnp.concatenate([bs[:, 1], zs])
    x2 = jnp.concatenate([bs[:, 2], zs])
    y2 = jnp.concatenate([bs[:, 3], zs])
    ss = jnp.concatenate([scores[order], zs])
    img = jnp.broadcast_to(image_boxes[0].reshape(4, 1), (4, _L)).astype(jnp.float32)
    ox1, oy1, ox2, oy2, osc = _run(x1, y1, x2, y2, ss, img, int(n_pad))
    rows = jnp.stack([ox1[:n], oy1[:n], ox2[:n], oy2[:n], osc[:n]], axis=1)
    return jnp.zeros((n, 5), jnp.float32).at[order].set(rows)

# --- scband reference (transcript-rebuilt; emitter-appended) ---
"""Pipeline reference for scband-baron-base-23081154249530 (READ-ONLY COPY).

The authoritative reference and input builder live on the scoring server;
editing this copy changes nothing except your own understanding.
"""

import jax, jax.numpy as jnp
import numpy as np

SHAPE_RATIO_THR = 0.25
AREA_RATIO_THR = 0.01
OBJECTNESS_THR = 0.5
NMS_THR = 0.3


def setup_inputs(seed: int = 0):
    key = jax.random.key(seed)
    k1, k2, k3 = jax.random.split(key, 3)
    N = 5000
    cxcy = jax.random.uniform(k1, (N, 2), minval=0.0, maxval=1024.0)
    wh = jax.random.uniform(k2, (N, 2), minval=8.0, maxval=400.0)
    x1y1 = jnp.clip(cxcy - wh / 2.0, 0.0, 1024.0)
    x2y2 = jnp.clip(cxcy + wh / 2.0, 0.0, 1024.0)
    boxes = jnp.concatenate([x1y1, x2y2], axis=1).astype(jnp.float32)
    scores = jax.random.uniform(k3, (N,), dtype=jnp.float32)
    image_boxes = jnp.array([[0.0, 0.0, 1024.0, 1024.0]], dtype=jnp.float32)
    return {"boxes": boxes, "scores": scores, "image_boxes": image_boxes}


def _iof(b1, b2):
    # intersection over area of b1 (mmdet bbox_overlaps mode='iof')
    lt = jnp.maximum(b1[:, None, :2], b2[None, :, :2])
    rb = jnp.minimum(b1[:, None, 2:], b2[None, :, 2:])
    whc = jnp.clip(rb - lt, 0.0)
    inter = whc[..., 0] * whc[..., 1]
    area1 = (b1[:, 2] - b1[:, 0]) * (b1[:, 3] - b1[:, 1])
    return inter / (area1[:, None] + 1e-6)


def _nms_keep(boxes, scores, valid, iou_thr):
    N = boxes.shape[0]
    areas = (boxes[:, 2] - boxes[:, 0]) * (boxes[:, 3] - boxes[:, 1])
    iw = jnp.clip(jnp.minimum(boxes[:, None, 2], boxes[None, :, 2]) - jnp.maximum(boxes[:, None, 0], boxes[None, :, 0]), 0.0)
    ih = jnp.clip(jnp.minimum(boxes[:, None, 3], boxes[None, :, 3]) - jnp.maximum(boxes[:, None, 1], boxes[None, :, 1]), 0.0)
    inter = iw * ih
    iou = inter / (areas[:, None] + areas[None, :] - inter + 1e-6)
    masked_scores = jnp.where(valid, scores, -jnp.inf)
    order = jnp.argsort(-masked_scores)
    iou_s = iou[order][:, order]
    valid_s = valid[order]
    idx = jnp.arange(N)

    def body(i, keep):
        sup = jnp.any((iou_s[i] > iou_thr) & keep & (idx < i))
        return keep.at[i].set(valid_s[i] & jnp.logical_not(sup))

    keep_s = jax.lax.fori_loop(0, N, body, jnp.zeros((N,), dtype=bool))
    keep = jnp.zeros((N,), dtype=bool).at[order].set(keep_s)
    return keep


def reference(boxes, scores, image_boxes):
    # BaronBase.preprocess_proposals
    iofs = _iof(image_boxes, boxes)[0]
    size_wh = boxes[:, 2:4] - boxes[:, 0:2]
    shape_ratio = size_wh[:, 0] / (size_wh[:, 1] + 1e-12)
    valid_shape_ratio = (SHAPE_RATIO_THR < shape_ratio) & (shape_ratio < 1.0 / SHAPE_RATIO_THR)
    valid_area = iofs > AREA_RATIO_THR
    valid_object = scores > OBJECTNESS_THR
    all_valid = valid_shape_ratio & valid_area & valid_object
    any_valid = jnp.any(all_valid)
    fallback = jnp.zeros_like(all_valid).at[jnp.argmax(scores)].set(True)
    all_valid = jnp.where(any_valid, all_valid, fallback)
    keep = _nms_keep(boxes, scores, all_valid, NMS_THR)
    keep = jax.lax.stop_gradient(keep)
    kept_boxes = boxes * keep[:, None].astype(boxes.dtype)
    kept_scores = scores * keep.astype(scores.dtype)
    return jnp.concatenate([kept_boxes, kept_scores[:, None]], axis=1)

if __name__ == "__main__":
    import jax
    _d = setup_inputs()
    print(jax.jit(kernel)(*tuple(_d.values())))

</pallas_src>

<mosaic_0001>
#map = affine_map<(d0, d1) -> (0)>
#map1 = affine_map<(d0, d1) -> (0, 0)>
module attributes {stable_mosaic.version = 14 : i64} {
  func.func @_nms_body(%arg0: i32, %arg1: i32, %arg2: memref<5120xf32, #tpu.memory_space<hbm>>, %arg3: memref<5120xf32, #tpu.memory_space<hbm>>, %arg4: memref<5120xf32, #tpu.memory_space<hbm>>, %arg5: memref<5120xf32, #tpu.memory_space<hbm>>, %arg6: memref<5120xf32, #tpu.memory_space<hbm>>, %arg7: memref<4x16xf32, #tpu.memory_space<hbm>>, %arg8: memref<5120xf32, #tpu.memory_space<hbm>>, %arg9: memref<5120xf32, #tpu.memory_space<hbm>>, %arg10: memref<5120xf32, #tpu.memory_space<hbm>>, %arg11: memref<5120xf32, #tpu.memory_space<hbm>>, %arg12: memref<5120xf32, #tpu.memory_space<hbm>>, %arg13: memref<5120xf32, #tpu.memory_space<vmem>>, %arg14: memref<5120xf32, #tpu.memory_space<vmem>>, %arg15: memref<5120xf32, #tpu.memory_space<vmem>>, %arg16: memref<5120xf32, #tpu.memory_space<vmem>>, %arg17: memref<5120xf32, #tpu.memory_space<vmem>>, %arg18: memref<5120xf32, #tpu.memory_space<vmem>>, %arg19: memref<5120xi32, #tpu.memory_space<vmem>>, %arg20: memref<5120xf32, #tpu.memory_space<vmem>>, %arg21: memref<5120xf32, #tpu.memory_space<vmem>>, %arg22: memref<5120xf32, #tpu.memory_space<vmem>>, %arg23: memref<5120xf32, #tpu.memory_space<vmem>>, %arg24: memref<5120xf32, #tpu.memory_space<vmem>>, %arg25: memref<4x16xf32, #tpu.memory_space<vmem>>) attributes {dimension_semantics = [#tpu.dimension_semantics<core_parallel>, #tpu.dimension_semantics<subcore_parallel>], iteration_bounds = array<i64: 2, 16>, scalar_prefetch = 0 : i64, scratch_operands = 13 : i64, tpu.core_type = #tpu.core_type<sc_vector_subcore>, window_params = [{transform_indices = #map}, {transform_indices = #map}, {transform_indices = #map}, {transform_indices = #map}, {transform_indices = #map}, {transform_indices = #map1}, {transform_indices = #map}, {transform_indices = #map}, {transform_indices = #map}, {transform_indices = #map}, {transform_indices = #map}]} {
    %eq3A = arith.constant 0 : i32
    %eq3A_0 = arith.cmpi eq, %arg0, %eq3A : i32
    %eq3A_1 = arith.constant 0 : i32
    %eq3A_2 = arith.cmpi eq, %arg1, %eq3A_1 : i32
    %and3A = arith.andi %eq3A_0, %eq3A_2 : i1
    %convert_element_type3A = arith.extui %and3A : i1 to i32
    %cond3A = arith.constant 0 : i32
    %cond3A_3 = arith.cmpi ne, %convert_element_type3A, %cond3A : i32
    scf.if %cond3A_3 {
      "tpu.region"() ({
        %run_scoped3A = tpu.sem_alloc : memref<!tpu.dma_semaphore, #tpu.memory_space<semaphore_mem>>
        tpu.enqueue_dma source(%arg2 : memref<5120xf32, #tpu.memory_space<hbm>>) target(%arg13 : memref<5120xf32, #tpu.memory_space<vmem>>) target_semaphore(%run_scoped3A : memref<!tpu.dma_semaphore, #tpu.memory_space<semaphore_mem>>)
        tpu.wait_dma2 semaphore(%run_scoped3A : memref<!tpu.dma_semaphore, #tpu.memory_space<semaphore_mem>>) src(%arg2 : memref<5120xf32, #tpu.memory_space<hbm>>) dst(%arg13 : memref<5120xf32, #tpu.memory_space<vmem>>)
        tpu.yield
      }) : () -> ()
      "tpu.region"() ({
        %run_scoped3A = tpu.sem_alloc : memref<!tpu.dma_semaphore, #tpu.memory_space<semaphore_mem>>
        tpu.enqueue_dma source(%arg3 : memref<5120xf32, #tpu.memory_space<hbm>>) target(%arg14 : memref<5120xf32, #tpu.memory_space<vmem>>) target_semaphore(%run_scoped3A : memref<!tpu.dma_semaphore, #tpu.memory_space<semaphore_mem>>)
        tpu.wait_dma2 semaphore(%run_scoped3A : memref<!tpu.dma_semaphore, #tpu.memory_space<semaphore_mem>>) src(%arg3 : memref<5120xf32, #tpu.memory_space<hbm>>) dst(%arg14 : memref<5120xf32, #tpu.memory_space<vmem>>)
        tpu.yield
      }) : () -> ()
      "tpu.region"() ({
        %run_scoped3A = tpu.sem_alloc : memref<!tpu.dma_semaphore, #tpu.memory_space<semaphore_mem>>
        tpu.enqueue_dma source(%arg4 : memref<5120xf32, #tpu.memory_space<hbm>>) target(%arg15 : memref<5120xf32, #tpu.memory_space<vmem>>) target_semaphore(%run_scoped3A : memref<!tpu.dma_semaphore, #tpu.memory_space<semaphore_mem>>)
        tpu.wait_dma2 semaphore(%run_scoped3A : memref<!tpu.dma_semaphore, #tpu.memory_space<semaphore_mem>>) src(%arg4 : memref<5120xf32, #tpu.memory_space<hbm>>) dst(%arg15 : memref<5120xf32, #tpu.memory_space<vmem>>)
        tpu.yield
      }) : () -> ()
      "tpu.region"() ({
        %run_scoped3A = tpu.sem_alloc : memref<!tpu.dma_semaphore, #tpu.memory_space<semaphore_mem>>
        tpu.enqueue_dma source(%arg5 : memref<5120xf32, #tpu.memory_space<hbm>>) target(%arg16 : memref<5120xf32, #tpu.memory_space<vmem>>) target_semaphore(%run_scoped3A : memref<!tpu.dma_semaphore, #tpu.memory_space<semaphore_mem>>)
        tpu.wait_dma2 semaphore(%run_scoped3A : memref<!tpu.dma_semaphore, #tpu.memory_space<semaphore_mem>>) src(%arg5 : memref<5120xf32, #tpu.memory_space<hbm>>) dst(%arg16 : memref<5120xf32, #tpu.memory_space<vmem>>)
        tpu.yield
      }) : () -> ()
      "tpu.region"() ({
        %run_scoped3A = tpu.sem_alloc : memref<!tpu.dma_semaphore, #tpu.memory_space<semaphore_mem>>
        tpu.enqueue_dma source(%arg6 : memref<5120xf32, #tpu.memory_space<hbm>>) target(%arg17 : memref<5120xf32, #tpu.memory_space<vmem>>) target_semaphore(%run_scoped3A : memref<!tpu.dma_semaphore, #tpu.memory_space<semaphore_mem>>)
        tpu.wait_dma2 semaphore(%run_scoped3A : memref<!tpu.dma_semaphore, #tpu.memory_space<semaphore_mem>>) src(%arg6 : memref<5120xf32, #tpu.memory_space<hbm>>) dst(%arg17 : memref<5120xf32, #tpu.memory_space<vmem>>)
        tpu.yield
      }) : () -> ()
      "tpu.region"() ({
        %run_scoped3A = tpu.sem_alloc : memref<!tpu.dma_semaphore, #tpu.memory_space<semaphore_mem>>
        tpu.enqueue_dma source(%arg7 : memref<4x16xf32, #tpu.memory_space<hbm>>) target(%arg25 : memref<4x16xf32, #tpu.memory_space<vmem>>) target_semaphore(%run_scoped3A : memref<!tpu.dma_semaphore, #tpu.memory_space<semaphore_mem>>)
        tpu.wait_dma2 semaphore(%run_scoped3A : memref<!tpu.dma_semaphore, #tpu.memory_space<semaphore_mem>>) src(%arg7 : memref<4x16xf32, #tpu.memory_space<hbm>>) dst(%arg25 : memref<4x16xf32, #tpu.memory_space<vmem>>)
        tpu.yield
      }) : () -> ()
      %get3A = arith.constant 0 : i32
      %get3A_4 = arith.index_cast %get3A : i32 to index
      %get3A_5 = arith.constant 0 : index
      %get3A_6 = tpu.vector_load %arg25[%get3A_4, %get3A_5] {strides = array<i32>} : memref<4x16xf32, #tpu.memory_space<vmem>>, vector<1x16xf32>,
      %get3A_7 = vector.shape_cast %get3A_6 : vector<1x16xf32> to vector<16xf32>
      %get3A_8 = arith.constant 1 : i32
      %get3A_9 = arith.index_cast %get3A_8 : i32 to index
      %get3A_10 = arith.constant 0 : index
      %get3A_11 = tpu.vector_load %arg25[%get3A_9, %get3A_10] {strides = array<i32>} : memref<4x16xf32, #tpu.memory_space<vmem>>, vector<1x16xf32>,
      %get3A_12 = vector.shape_cast %get3A_11 : vector<1x16xf32> to vector<16xf32>
      %get3A_13 = arith.constant 2 : i32
      %get3A_14 = arith.index_cast %get3A_13 : i32 to index
      %get3A_15 = arith.constant 0 : index
      %get3A_16 = tpu.vector_load %arg25[%get3A_14, %get3A_15] {strides = array<i32>} : memref<4x16xf32, #tpu.memory_space<vmem>>, vector<1x16xf32>,
      %get3A_17 = vector.shape_cast %get3A_16 : vector<1x16xf32> to vector<16xf32>
      %get3A_18 = arith.constant 3 : i32
      %get3A_19 = arith.index_cast %get3A_18 : i32 to index
      %get3A_20 = arith.constant 0 : index
      %get3A_21 = tpu.vector_load %arg25[%get3A_19, %get3A_20] {strides = array<i32>} : memref<4x16xf32, #tpu.memory_space<vmem>>, vector<1x16xf32>,
      %get3A_22 = vector.shape_cast %get3A_21 : vector<1x16xf32> to vector<16xf32>
      %sub3A = arith.subf %get3A_17, %get3A_7 : vector<16xf32>
      %sub3A_23 = arith.subf %get3A_22, %get3A_12 : vector<16xf32>
      %mul3A = arith.mulf %sub3A, %sub3A_23 : vector<16xf32>
      %broadcast_in_dim3A = arith.constant 0 : i32
      %broadcast_in_dim3A_24 = vector.broadcast %broadcast_in_dim3A : i32 to vector<16xi32>
      %scan3A = arith.constant 0 : i32
      %scan3A_25 = arith.constant 320 : i32
      %scan3A_26 = arith.addi %scan3A, %scan3A_25 : i32
      %scan3A_27 = arith.constant 1 : i32
      %scan3A_28 = scf.for %scan3A_91 = %scan3A to %scan3A_26 step %scan3A_27 iter_args(%scan3A_92 = %broadcast_in_dim3A_24) -> (vector<16xi32>)  : i32 {
        %mul3A_93 = arith.constant 16 : i32
        %mul3A_94 = arith.muli %scan3A_91, %mul3A_93 : i32
        %get3A_95 = arith.index_cast %mul3A_94 : i32 to index
        %get3A_96 = tpu.vector_load %arg13[%get3A_95] {strides = array<i32>} : memref<5120xf32, #tpu.memory_space<vmem>>, vector<16xf32>,
        %get3A_97 = vector.shape_cast %get3A_96 : vector<16xf32> to vector<16xf32>
        %get3A_98 = arith.index_cast %mul3A_94 : i32 to index
        %get3A_99 = tpu.vector_load %arg14[%get3A_98] {strides = array<i32>} : memref<5120xf32, #tpu.memory_space<vmem>>, vector<16xf32>,
        %get3A_100 = vector.shape_cast %get3A_99 : vector<16xf32> to vector<16xf32>
        %get3A_101 = arith.index_cast %mul3A_94 : i32 to index
        %get3A_102 = tpu.vector_load %arg15[%get3A_101] {strides = array<i32>} : memref<5120xf32, #tpu.memory_space<vmem>>, vector<16xf32>,
        %get3A_103 = vector.shape_cast %get3A_102 : vector<16xf32> to vector<16xf32>
        %get3A_104 = arith.index_cast %mul3A_94 : i32 to index
        %get3A_105 = tpu.vector_load %arg16[%get3A_104] {strides = array<i32>} : memref<5120xf32, #tpu.memory_space<vmem>>, vector<16xf32>,
        %get3A_106 = vector.shape_cast %get3A_105 : vector<16xf32> to vector<16xf32>
        %get3A_107 = arith.index_cast %mul3A_94 : i32 to index
        %get3A_108 = tpu.vector_load %arg17[%get3A_107] {strides = array<i32>} : memref<5120xf32, #tpu.memory_space<vmem>>, vector<16xf32>,
        %get3A_109 = vector.shape_cast %get3A_108 : vector<16xf32> to vector<16xf32>
        %sub3A_110 = arith.subf %get3A_103, %get3A_97 : vector<16xf32>
        %sub3A_111 = arith.subf %get3A_106, %get3A_100 : vector<16xf32>
        %add3A_112 = arith.constant 9.99999996E-13 : f32
        %add3A_113 = vector.broadcast %add3A_112 : f32 to vector<16xf32>
        %add3A_114 = arith.addf %sub3A_111, %add3A_113 : vector<16xf32>
        %div3A = arith.divf %sub3A_110, %add3A_114 : vector<16xf32>
        %gt3A = arith.constant 2.500000e-01 : f32
        %gt3A_115 = vector.broadcast %gt3A : f32 to vector<16xf32>
        %gt3A_116 = arith.cmpf ogt, %div3A, %gt3A_115 : vector<16xf32>
        %lt3A = arith.constant 4.000000e+00 : f32
        %lt3A_117 = vector.broadcast %lt3A : f32 to vector<16xf32>
        %lt3A_118 = arith.cmpf olt, %div3A, %lt3A_117 : vector<16xf32>
        %and3A_119 = arith.andi %gt3A_116, %lt3A_118 : vector<16xi1>
        %min3A = arith.minimumf %get3A_17, %get3A_103 : vector<16xf32>
        %max3A = arith.maximumf %get3A_7, %get3A_97 : vector<16xf32>
        %sub3A_120 = arith.subf %min3A, %max3A : vector<16xf32>
        %max3A_121 = arith.constant 0.000000e+00 : f32
        %max3A_122 = vector.broadcast %max3A_121 : f32 to vector<16xf32>
        %max3A_123 = arith.maximumf %sub3A_120, %max3A_122 : vector<16xf32>
        %min3A_124 = arith.minimumf %get3A_22, %get3A_106 : vector<16xf32>
        %max3A_125 = arith.maximumf %get3A_12, %get3A_100 : vector<16xf32>
        %sub3A_126 = arith.subf %min3A_124, %max3A_125 : vector<16xf32>
        %max3A_127 = arith.constant 0.000000e+00 : f32
        %max3A_128 = vector.broadcast %max3A_127 : f32 to vector<16xf32>
        %max3A_129 = arith.maximumf %sub3A_126, %max3A_128 : vector<16xf32>
        %mul3A_130 = arith.mulf %max3A_123, %max3A_129 : vector<16xf32>
        %add3A_131 = arith.constant 9.99999997E-7 : f32
        %add3A_132 = vector.broadcast %add3A_131 : f32 to vector<16xf32>
        %add3A_133 = arith.addf %mul3A, %add3A_132 : vector<16xf32>
        %div3A_134 = arith.divf %mul3A_130, %add3A_133 : vector<16xf32>
        %gt3A_135 = arith.constant 0.00999999977 : f32
        %gt3A_136 = vector.broadcast %gt3A_135 : f32 to vector<16xf32>
        %gt3A_137 = arith.cmpf ogt, %div3A_134, %gt3A_136 : vector<16xf32>
        %and3A_138 = arith.andi %and3A_119, %gt3A_137 : vector<16xi1>
        %gt3A_139 = arith.constant 5.000000e-01 : f32
        %gt3A_140 = vector.broadcast %gt3A_139 : f32 to vector<16xf32>
        %gt3A_141 = arith.cmpf ogt, %get3A_109, %gt3A_140 : vector<16xf32>
        %and3A_142 = arith.andi %and3A_138, %gt3A_141 : vector<16xi1>
        %mul3A_143 = arith.mulf %sub3A_110, %sub3A_111 : vector<16xf32>
        %swap3A = arith.index_cast %mul3A_94 : i32 to index
        %swap3A_144 = tpu.vector_load %arg18[%swap3A] {strides = array<i32>} : memref<5120xf32, #tpu.memory_space<vmem>>, vector<16xf32>,
        %swap3A_145 = vector.shape_cast %swap3A_144 : vector<16xf32> to vector<16xf32>
        %swap3A_146 = vector.shape_cast %mul3A_143 : vector<16xf32> to vector<16xf32>
        tpu.vector_store %arg18[%swap3A], %swap3A_146 {strides = array<i32>} : memref<5120xf32, #tpu.memory_space<vmem>>, vector<16xf32>,
        %jit3A = arith.constant 0 : i32
        %jit3A_147 = arith.constant 1 : i32
        %broadcast_in_dim3A_148 = vector.broadcast %jit3A : i32 to vector<16xi32>
        %broadcast_in_dim3A_149 = vector.broadcast %jit3A_147 : i32 to vector<16xi32>
        %select_n3A = arith.select %and3A_142, %broadcast_in_dim3A_148, %broadcast_in_dim3A_149 : vector<16xi1>, vector<16xi32>
        %swap3A_150 = arith.index_cast %mul3A_94 : i32 to index
        %swap3A_151 = tpu.vector_load %arg19[%swap3A_150] {strides = array<i32>} : memref<5120xi32, #tpu.memory_space<vmem>>, vector<16xi32>,
        %swap3A_152 = vector.shape_cast %swap3A_151 : vector<16xi32> to vector<16xi32>
        %swap3A_153 = vector.shape_cast %select_n3A : vector<16xi32> to vector<16xi32>
        tpu.vector_store %arg19[%swap3A_150], %swap3A_153 {strides = array<i32>} : memref<5120xi32, #tpu.memory_space<vmem>>, vector<16xi32>,
        %jit3A_154 = arith.constant 1 : i32
        %jit3A_155 = arith.constant 0 : i32
        %broadcast_in_dim3A_156 = vector.broadcast %jit3A_154 : i32 to vector<16xi32>
        %broadcast_in_dim3A_157 = vector.broadcast %jit3A_155 : i32 to vector<16xi32>
        %select_n3A_158 = arith.select %and3A_142, %broadcast_in_dim3A_156, %broadcast_in_dim3A_157 : vector<16xi1>, vector<16xi32>
        %add3A_159 = arith.addi %scan3A_92, %select_n3A_158 : vector<16xi32>
        scf.yield %add3A_159 : vector<16xi32>
      }
      %scan3A_29 = arith.constant 320 : i32
      %slice3A = vector.extract_strided_slice %scan3A_28 {offsets = [0], sizes = [1], strides = [1]} : vector<16xi32> to vector<1xi32>
      %squeeze3A = vector.extract %slice3A[0] : i32 from vector<1xi32>
      %slice3A_30 = vector.extract_strided_slice %scan3A_28 {offsets = [1], sizes = [1], strides = [1]} : vector<16xi32> to vector<1xi32>
      %squeeze3A_31 = vector.extract %slice3A_30[0] : i32 from vector<1xi32>
      %add3A = arith.addi %squeeze3A, %squeeze3A_31 : i32
      %slice3A_32 = vector.extract_strided_slice %scan3A_28 {offsets = [2], sizes = [1], strides = [1]} : vector<16xi32> to vector<1xi32>
      %squeeze3A_33 = vector.extract %slice3A_32[0] : i32 from vector<1xi32>
      %add3A_34 = arith.addi %add3A, %squeeze3A_33 : i32
      %slice3A_35 = vector.extract_strided_slice %scan3A_28 {offsets = [3], sizes = [1], strides = [1]} : vector<16xi32> to vector<1xi32>
      %squeeze3A_36 = vector.extract %slice3A_35[0] : i32 from vector<1xi32>
      %add3A_37 = arith.addi %add3A_34, %squeeze3A_36 : i32
      %slice3A_38 = vector.extract_strided_slice %scan3A_28 {offsets = [4], sizes = [1], strides = [1]} : vector<16xi32> to vector<1xi32>
      %squeeze3A_39 = vector.extract %slice3A_38[0] : i32 from vector<1xi32>
      %add3A_40 = arith.addi %add3A_37, %squeeze3A_39 : i32
      %slice3A_41 = vector.extract_strided_slice %scan3A_28 {offsets = [5], sizes = [1], strides = [1]} : vector<16xi32> to vector<1xi32>
      %squeeze3A_42 = vector.extract %slice3A_41[0] : i32 from vector<1xi32>
      %add3A_43 = arith.addi %add3A_40, %squeeze3A_42 : i32
      %slice3A_44 = vector.extract_strided_slice %scan3A_28 {offsets = [6], sizes = [1], strides = [1]} : vector<16xi32> to vector<1xi32>
      %squeeze3A_45 = vector.extract %slice3A_44[0] : i32 from vector<1xi32>
      %add3A_46 = arith.addi %add3A_43, %squeeze3A_45 : i32
      %slice3A_47 = vector.extract_strided_slice %scan3A_28 {offsets = [7], sizes = [1], strides = [1]} : vector<16xi32> to vector<1xi32>
      %squeeze3A_48 = vector.extract %slice3A_47[0] : i32 from vector<1xi32>
      %add3A_49 = arith.addi %add3A_46, %squeeze3A_48 : i32
      %slice3A_50 = vector.extract_strided_slice %scan3A_28 {offsets = [8], sizes = [1], strides = [1]} : vector<16xi32> to vector<1xi32>
      %squeeze3A_51 = vector.extract %slice3A_50[0] : i32 from vector<1xi32>
      %add3A_52 = arith.addi %add3A_49, %squeeze3A_51 : i32
      %slice3A_53 = vector.extract_strided_slice %scan3A_28 {offsets = [9], sizes = [1], strides = [1]} : vector<16xi32> to vector<1xi32>
      %squeeze3A_54 = vector.extract %slice3A_53[0] : i32 from vector<1xi32>
      %add3A_55 = arith.addi %add3A_52, %squeeze3A_54 : i32
      %slice3A_56 = vector.extract_strided_slice %scan3A_28 {offsets = [10], sizes = [1], strides = [1]} : vector<16xi32> to vector<1xi32>
      %squeeze3A_57 = vector.extract %slice3A_56[0] : i32 from vector<1xi32>
      %add3A_58 = arith.addi %add3A_55, %squeeze3A_57 : i32
      %slice3A_59 = vector.extract_strided_slice %scan3A_28 {offsets = [11], sizes = [1], strides = [1]} : vector<16xi32> to vector<1xi32>
      %squeeze3A_60 = vector.extract %slice3A_59[0] : i32 from vector<1xi32>
      %add3A_61 = arith.addi %add3A_58, %squeeze3A_60 : i32
      %slice3A_62 = vector.extract_strided_slice %scan3A_28 {offsets = [12], sizes = [1], strides = [1]} : vector<16xi32> to vector<1xi32>
      %squeeze3A_63 = vector.extract %slice3A_62[0] : i32 from vector<1xi32>
      %add3A_64 = arith.addi %add3A_61, %squeeze3A_63 : i32
      %slice3A_65 = vector.extract_strided_slice %scan3A_28 {offsets = [13], sizes = [1], strides = [1]} : vector<16xi32> to vector<1xi32>
      %squeeze3A_66 = vector.extract %slice3A_65[0] : i32 from vector<1xi32>
      %add3A_67 = arith.addi %add3A_64, %squeeze3A_66 : i32
      %slice3A_68 = vector.extract_strided_slice %scan3A_28 {offsets = [14], sizes = [1], strides = [1]} : vector<16xi32> to vector<1xi32>
      %squeeze3A_69 = vector.extract %slice3A_68[0] : i32 from vector<1xi32>
      %add3A_70 = arith.addi %add3A_67, %squeeze3A_69 : i32
      %slice3A_71 = vector.extract_strided_slice %scan3A_28 {offsets = [15], sizes = [1], strides = [1]} : vector<16xi32> to vector<1xi32>
      %squeeze3A_72 = vector.extract %slice3A_71[0] : i32 from vector<1xi32>
      %add3A_73 = arith.addi %add3A_70, %squeeze3A_72 : i32
      %eq3A_74 = arith.constant 0 : i32
      %eq3A_75 = arith.cmpi eq, %add3A_73, %eq3A_74 : i32
      %convert_element_type3A_76 = arith.extui %eq3A_75 : i1 to i32
      %cond3A_77 = arith.constant 0 : i32
      %cond3A_78 = arith.cmpi ne, %convert_element_type3A_76, %cond3A_77 : i32
      scf.if %cond3A_78 {
        %iota3A = tpu.iota {dimensions = array<i32: 0>} : vector<16xi32>
        %eq3A_91 = arith.constant 0 : i32
        %eq3A_92 = vector.broadcast %eq3A_91 : i32 to vector<16xi32>
        %eq3A_93 = arith.cmpi eq, %iota3A, %eq3A_92 : vector<16xi32>
        %jit3A = arith.constant 0 : i32
        %jit3A_94 = arith.constant 1 : i32
        %broadcast_in_dim3A_95 = vector.broadcast %jit3A : i32 to vector<16xi32>
        %broadcast_in_dim3A_96 = vector.broadcast %jit3A_94 : i32 to vector<16xi32>
        %select_n3A = arith.select %eq3A_93, %broadcast_in_dim3A_95, %broadcast_in_dim3A_96 : vector<16xi1>, vector<16xi32>
        %swap3A = arith.constant 0 : index
        %swap3A_97 = tpu.vector_load %arg19[%swap3A] {strides = array<i32>} : memref<5120xi32, #tpu.memory_space<vmem>>, vector<16xi32>,
        %swap3A_98 = vector.shape_cast %swap3A_97 : vector<16xi32> to vector<16xi32>
        %swap3A_99 = vector.shape_cast %select_n3A : vector<16xi32> to vector<16xi32>
        tpu.vector_store %arg19[%swap3A], %swap3A_99 {strides = array<i32>} : memref<5120xi32, #tpu.memory_space<vmem>>, vector<16xi32>,
      } else {
      }
      %scan3A_79 = arith.constant 0 : i32
      %scan3A_80 = arith.constant 0 : i32
      %scan3A_81 = arith.constant 320 : i32
      %scan3A_82 = arith.addi %scan3A_80, %scan3A_81 : i32
      %scan3A_83 = arith.constant 1 : i32
      scf.for %scan3A_91 = %scan3A_80 to %scan3A_82 step %scan3A_83  : i32 {
        %mul3A_92 = arith.constant 16 : i32
        %mul3A_93 = arith.muli %scan3A_91, %mul3A_92 : i32
        %get3A_94 = arith.index_cast %mul3A_93 : i32 to index
        %get3A_95 = tpu.vector_load %arg13[%get3A_94] {strides = array<i32>} : memref<5120xf32, #tpu.memory_space<vmem>>, vector<16xf32>,
        %get3A_96 = vector.shape_cast %get3A_95 : vector<16xf32> to vector<16xf32>
        %get3A_97 = arith.index_cast %mul3A_93 : i32 to index
        %get3A_98 = tpu.vector_load %arg14[%get3A_97] {strides = array<i32>} : memref<5120xf32, #tpu.memory_space<vmem>>, vector<16xf32>,
        %get3A_99 = vector.shape_cast %get3A_98 : vector<16xf32> to vector<16xf32>
        %get3A_100 = arith.index_cast %mul3A_93 : i32 to index
        %get3A_101 = tpu.vector_load %arg15[%get3A_100] {strides = array<i32>} : memref<5120xf32, #tpu.memory_space<vmem>>, vector<16xf32>,
        %get3A_102 = vector.shape_cast %get3A_101 : vector<16xf32> to vector<16xf32>
        %get3A_103 = arith.index_cast %mul3A_93 : i32 to index
        %get3A_104 = tpu.vector_load %arg16[%get3A_103] {strides = array<i32>} : memref<5120xf32, #tpu.memory_space<vmem>>, vector<16xf32>,
        %get3A_105 = vector.shape_cast %get3A_104 : vector<16xf32> to vector<16xf32>
        %get3A_106 = arith.index_cast %mul3A_93 : i32 to index
        %get3A_107 = tpu.vector_load %arg18[%get3A_106] {strides = array<i32>} : memref<5120xf32, #tpu.memory_space<vmem>>, vector<16xf32>,
        %get3A_108 = vector.shape_cast %get3A_107 : vector<16xf32> to vector<16xf32>
        %add3A_109 = arith.constant 0 : i32
        %add3A_110 = arith.addi %mul3A_93, %add3A_109 : i32
        %get3A_111 = arith.index_cast %mul3A_93 : i32 to index
        %get3A_112 = tpu.vector_load %arg19[%get3A_111] {strides = array<i32>} : memref<5120xi32, #tpu.memory_space<vmem>>, vector<16xi32>,
        %get3A_113 = vector.shape_cast %get3A_112 : vector<16xi32> to vector<16xi32>
        %slice3A_114 = vector.extract_strided_slice %get3A_113 {offsets = [0], sizes = [1], strides = [1]} : vector<16xi32> to vector<1xi32>
        %squeeze3A_115 = vector.extract %slice3A_114[0] : i32 from vector<1xi32>
        %eq3A_116 = arith.constant 0 : i32
        %eq3A_117 = arith.cmpi eq, %squeeze3A_115, %eq3A_116 : i32
        %convert_element_type3A_118 = arith.extui %eq3A_117 : i1 to i32
        %cond3A_119 = arith.constant 0 : i32
        %cond3A_120 = arith.cmpi ne, %convert_element_type3A_118, %cond3A_119 : i32
        scf.if %cond3A_120 {
          %slice3A_301 = vector.extract_strided_slice %get3A_96 {offsets = [0], sizes = [1], strides = [1]} : vector<16xf32> to vector<1xf32>
          %squeeze3A_302 = vector.extract %slice3A_301[0] : f32 from vector<1xf32>
          %slice3A_303 = vector.extract_strided_slice %get3A_99 {offsets = [0], sizes = [1], strides = [1]} : vector<16xf32> to vector<1xf32>
          %squeeze3A_304 = vector.extract %slice3A_303[0] : f32 from vector<1xf32>
          %slice3A_305 = vector.extract_strided_slice %get3A_102 {offsets = [0], sizes = [1], strides = [1]} : vector<16xf32> to vector<1xf32>
          %squeeze3A_306 = vector.extract %slice3A_305[0] : f32 from vector<1xf32>
          %slice3A_307 = vector.extract_strided_slice %get3A_105 {offsets = [0], sizes = [1], strides = [1]} : vector<16xf32> to vector<1xf32>
          %squeeze3A_308 = vector.extract %slice3A_307[0] : f32 from vector<1xf32>
          %slice3A_309 = vector.extract_strided_slice %get3A_108 {offsets = [0], sizes = [1], strides = [1]} : vector<16xf32> to vector<1xf32>
          %squeeze3A_310 = vector.extract %slice3A_309[0] : f32 from vector<1xf32>
          %while3A = arith.constant 0 : i32
          %while3A_311 = arith.constant 320 : i32
          %while3A_312 = arith.subi %while3A_311, %scan3A_91 : i32
          %while3A_313 = arith.addi %scan3A_91, %while3A_312 : i32
          %while3A_314 = arith.constant 1 : i32
          %while3A_315 = arith.divsi %while3A_312, %while3A_314 : i32
          %while3A_316 = arith.muli %while3A_315, %while3A_314 : i32
          %while3A_317 = arith.addi %scan3A_91, %while3A_316 : i32
          %while3A_318 = arith.constant 1 : i32
          scf.for %while3A_320 = %scan3A_91 to %while3A_317 step %while3A_318  : i32 {
            %mul3A_321 = arith.constant 16 : i32
            %mul3A_322 = arith.muli %while3A_320, %mul3A_321 : i32
            %get3A_323 = arith.index_cast %mul3A_322 : i32 to index
            %get3A_324 = tpu.vector_load %arg13[%get3A_323] {strides = array<i32>} : memref<5120xf32, #tpu.memory_space<vmem>>, vector<16xf32>,
            %get3A_325 = vector.shape_cast %get3A_324 : vector<16xf32> to vector<16xf32>
            %get3A_326 = arith.index_cast %mul3A_322 : i32 to index
            %get3A_327 = tpu.vector_load %arg14[%get3A_326] {strides = array<i32>} : memref<5120xf32, #tpu.memory_space<vmem>>, vector<16xf32>,
            %get3A_328 = vector.shape_cast %get3A_327 : vector<16xf32> to vector<16xf32>
            %get3A_329 = arith.index_cast %mul3A_322 : i32 to index
            %get3A_330 = tpu.vector_load %arg15[%get3A_329] {strides = array<i32>} : memref<5120xf32, #tpu.memory_space<vmem>>, vector<16xf32>,
            %get3A_331 = vector.shape_cast %get3A_330 : vector<16xf32> to vector<16xf32>
            %get3A_332 = arith.index_cast %mul3A_322 : i32 to index
            %get3A_333 = tpu.vector_load %arg16[%get3A_332] {strides = array<i32>} : memref<5120xf32, #tpu.memory_space<vmem>>, vector<16xf32>,
            %get3A_334 = vector.shape_cast %get3A_333 : vector<16xf32> to vector<16xf32>
            %get3A_335 = arith.index_cast %mul3A_322 : i32 to index
            %get3A_336 = tpu.vector_load %arg18[%get3A_335] {strides = array<i32>} : memref<5120xf32, #tpu.memory_space<vmem>>, vector<16xf32>,
            %get3A_337 = vector.shape_cast %get3A_336 : vector<16xf32> to vector<16xf32>
            %min3A = vector.broadcast %squeeze3A_306 : f32 to vector<16xf32>
            %min3A_338 = arith.minimumf %min3A, %get3A_331 : vector<16xf32>
            %max3A = vector.broadcast %squeeze3A_302 : f32 to vector<16xf32>
            %max3A_339 = arith.maximumf %max3A, %get3A_325 : vector<16xf32>
            %sub3A_340 = arith.subf %min3A_338, %max3A_339 : vector<16xf32>
            %max3A_341 = arith.constant 0.000000e+00 : f32
            %max3A_342 = vector.broadcast %max3A_341 : f32 to vector<16xf32>
            %max3A_343 = arith.maximumf %sub3A_340, %max3A_342 : vector<16xf32>
            %min3A_344 = vector.broadcast %squeeze3A_308 : f32 to vector<16xf32>
            %min3A_345 = arith.minimumf %min3A_344, %get3A_334 : vector<16xf32>
            %max3A_346 = vector.broadcast %squeeze3A_304 : f32 to vector<16xf32>
            %max3A_347 = arith.maximumf %max3A_346, %get3A_328 : vector<16xf32>
            %sub3A_348 = arith.subf %min3A_345, %max3A_347 : vector<16xf32>
            %max3A_349 = arith.constant 0.000000e+00 : f32
            %max3A_350 = vector.broadcast %max3A_349 : f32 to vector<16xf32>
            %max3A_351 = arith.maximumf %sub3A_348, %max3A_350 : vector<16xf32>
            %mul3A_352 = arith.mulf %max3A_343, %max3A_351 : vector<16xf32>
            %iota3A = tpu.iota {dimensions = array<i32: 0>} : vector<16xi32>
            %add3A_353 = vector.broadcast %mul3A_322 : i32 to vector<16xi32>
            %add3A_354 = arith.addi %add3A_353, %iota3A : vector<16xi32>
            %add3A_355 = vector.broadcast %squeeze3A_310 : f32 to vector<16xf32>
            %add3A_356 = arith.addf %add3A_355, %get3A_337 : vector<16xf32>
            %sub3A_357 = arith.subf %add3A_356, %mul3A_352 : vector<16xf32>
            %add3A_358 = arith.constant 9.99999997E-7 : f32
            %add3A_359 = vector.broadcast %add3A_358 : f32 to vector<16xf32>
            %add3A_360 = arith.addf %sub3A_357, %add3A_359 : vector<16xf32>
            %mul3A_361 = arith.constant 3.000000e-01 : f32
            %mul3A_362 = vector.broadcast %mul3A_361 : f32 to vector<16xf32>
            %mul3A_363 = arith.mulf %add3A_360, %mul3A_362 : vector<16xf32>
            %gt3A = arith.cmpf ogt, %mul3A_352, %mul3A_363 : vector<16xf32>
            %gt3A_364 = vector.broadcast %add3A_110 : i32 to vector<16xi32>
            %gt3A_365 = arith.cmpi sgt, %add3A_354, %gt3A_364 : vector<16xi32>
            %and3A_366 = arith.andi %gt3A, %gt3A_365 : vector<16xi1>
            %get3A_367 = arith.index_cast %mul3A_322 : i32 to index
            %get3A_368 = tpu.vector_load %arg19[%get3A_367] {strides = array<i32>} : memref<5120xi32, #tpu.memory_space<vmem>>, vector<16xi32>,
            %get3A_369 = vector.shape_cast %get3A_368 : vector<16xi32> to vector<16xi32>
            %jit3A = arith.constant 1 : i32
            %jit3A_370 = arith.constant 0 : i32
            %broadcast_in_dim3A_371 = vector.broadcast %jit3A : i32 to vector<16xi32>
            %broadcast_in_dim3A_372 = vector.broadcast %jit3A_370 : i32 to vector<16xi32>
            %select_n3A = arith.select %and3A_366, %broadcast_in_dim3A_371, %broadcast_in_dim3A_372 : vector<16xi1>, vector<16xi32>
            %or3A = arith.ori %get3A_369, %select_n3A : vector<16xi32>
            %swap3A = arith.index_cast %mul3A_322 : i32 to index
            %swap3A_373 = tpu.vector_load %arg19[%swap3A] {strides = array<i32>} : memref<5120xi32, #tpu.memory_space<vmem>>, vector<16xi32>,
            %swap3A_374 = vector.shape_cast %swap3A_373 : vector<16xi32> to vector<16xi32>
            %swap3A_375 = vector.shape_cast %or3A : vector<16xi32> to vector<16xi32>
            tpu.vector_store %arg19[%swap3A], %swap3A_375 {strides = array<i32>} : memref<5120xi32, #tpu.memory_space<vmem>>, vector<16xi32>,
          }
          %while3A_319 = arith.constant 1 : i32
          scf.for %while3A_320 = %while3A_317 to %while3A_313 step %while3A_319  : i32 {
            %mul3A_321 = arith.constant 16 : i32
            %mul3A_322 = arith.muli %while3A_320, %mul3A_321 : i32
            %get3A_323 = arith.index_cast %mul3A_322 : i32 to index
            %get3A_324 = tpu.vector_load %arg13[%get3A_323] {strides = array<i32>} : memref<5120xf32, #tpu.memory_space<vmem>>, vector<16xf32>,
            %get3A_325 = vector.shape_cast %get3A_324 : vector<16xf32> to vector<16xf32>
            %get3A_326 = arith.index_cast %mul3A_322 : i32 to index
            %get3A_327 = tpu.vector_load %arg14[%get3A_326] {strides = array<i32>} : memref<5120xf32, #tpu.memory_space<vmem>>, vector<16xf32>,
            %get3A_328 = vector.shape_cast %get3A_327 : vector<16xf32> to vector<16xf32>
            %get3A_329 = arith.index_cast %mul3A_322 : i32 to index
            %get3A_330 = tpu.vector_load %arg15[%get3A_329] {strides = array<i32>} : memref<5120xf32, #tpu.memory_space<vmem>>, vector<16xf32>,
            %get3A_331 = vector.shape_cast %get3A_330 : vector<16xf32> to vector<16xf32>
            %get3A_332 = arith.index_cast %mul3A_322 : i32 to index
            %get3A_333 = tpu.vector_load %arg16[%get3A_332] {strides = array<i32>} : memref<5120xf32, #tpu.memory_space<vmem>>, vector<16xf32>,
            %get3A_334 = vector.shape_cast %get3A_333 : vector<16xf32> to vector<16xf32>
            %get3A_335 = arith.index_cast %mul3A_322 : i32 to index
            %get3A_336 = tpu.vector_load %arg18[%get3A_335] {strides = array<i32>} : memref<5120xf32, #tpu.memory_space<vmem>>, vector<16xf32>,
            %get3A_337 = vector.shape_cast %get3A_336 : vector<16xf32> to vector<16xf32>
            %min3A = vector.broadcast %squeeze3A_306 : f32 to vector<16xf32>
            %min3A_338 = arith.minimumf %min3A, %get3A_331 : vector<16xf32>
            %max3A = vector.broadcast %squeeze3A_302 : f32 to vector<16xf32>
            %max3A_339 = arith.maximumf %max3A, %get3A_325 : vector<16xf32>
            %sub3A_340 = arith.subf %min3A_338, %max3A_339 : vector<16xf32>
            %max3A_341 = arith.constant 0.000000e+00 : f32
            %max3A_342 = vector.broadcast %max3A_341 : f32 to vector<16xf32>
            %max3A_343 = arith.maximumf %sub3A_340, %max3A_342 : vector<16xf32>
            %min3A_344 = vector.broadcast %squeeze3A_308 : f32 to vector<16xf32>
            %min3A_345 = arith.minimumf %min3A_344, %get3A_334 : vector<16xf32>
            %max3A_346 = vector.broadcast %squeeze3A_304 : f32 to vector<16xf32>
            %max3A_347 = arith.maximumf %max3A_346, %get3A_328 : vector<16xf32>
            %sub3A_348 = arith.subf %min3A_345, %max3A_347 : vector<16xf32>
            %max3A_349 = arith.constant 0.000000e+00 : f32
            %max3A_350 = vector.broadcast %max3A_349 : f32 to vector<16xf32>
            %max3A_351 = arith.maximumf %sub3A_348, %max3A_350 : vector<16xf32>
            %mul3A_352 = arith.mulf %max3A_343, %max3A_351 : vector<16xf32>
            %iota3A = tpu.iota {dimensions = array<i32: 0>} : vector<16xi32>
            %add3A_353 = vector.broadcast %mul3A_322 : i32 to vector<16xi32>
            %add3A_354 = arith.addi %add3A_353, %iota3A : vector<16xi32>
            %add3A_355 = vector.broadcast %squeeze3A_310 : f32 to vector<16xf32>
            %add3A_356 = arith.addf %add3A_355, %get3A_337 : vector<16xf32>
            %sub3A_357 = arith.subf %add3A_356, %mul3A_352 : vector<16xf32>
            %add3A_358 = arith.constant 9.99999997E-7 : f32
            %add3A_359 = vector.broadcast %add3A_358 : f32 to vector<16xf32>
            %add3A_360 = arith.addf %sub3A_357, %add3A_359 : vector<16xf32>
            %mul3A_361 = arith.constant 3.000000e-01 : f32
            %mul3A_362 = vector.broadcast %mul3A_361 : f32 to vector<16xf32>
            %mul3A_363 = arith.mulf %add3A_360, %mul3A_362 : vector<16xf32>
            %gt3A = arith.cmpf ogt, %mul3A_352, %mul3A_363 : vector<16xf32>
            %gt3A_364 = vector.broadcast %add3A_110 : i32 to vector<16xi32>
            %gt3A_365 = arith.cmpi sgt, %add3A_354, %gt3A_364 : vector<16xi32>
            %and3A_366 = arith.andi %gt3A, %gt3A_365 : vector<16xi1>
            %get3A_367 = arith.index_cast %mul3A_322 : i32 to index
            %get3A_368 = tpu.vector_load %arg19[%get3A_367] {strides = array<i32>} : memref<5120xi32, #tpu.memory_space<vmem>>, vector<16xi32>,
            %get3A_369 = vector.shape_cast %get3A_368 : vector<16xi32> to vector<16xi32>
            %jit3A = arith.constant 1 : i32
            %jit3A_370 = arith.constant 0 : i32
            %broadcast_in_dim3A_371 = vector.broadcast %jit3A : i32 to vector<16xi32>
            %broadcast_in_dim3A_372 = vector.broadcast %jit3A_370 : i32 to vector<16xi32>
            %select_n3A = arith.select %and3A_366, %broadcast_in_dim3A_371, %broadcast_in_dim3A_372 : vector<16xi1>, vector<16xi32>
            %or3A = arith.ori %get3A_369, %select_n3A : vector<16xi32>
            %swap3A = arith.index_cast %mul3A_322 : i32 to index
            %swap3A_373 = tpu.vector_load %arg19[%swap3A] {strides = array<i32>} : memref<5120xi32, #tpu.memory_space<vmem>>, vector<16xi32>,
            %swap3A_374 = vector.shape_cast %swap3A_373 : vector<16xi32> to vector<16xi32>
            %swap3A_375 = vector.shape_cast %or3A : vector<16xi32> to vector<16xi32>
            tpu.vector_store %arg19[%swap3A], %swap3A_375 {strides = array<i32>} : memref<5120xi32, #tpu.memory_space<vmem>>, vector<16xi32>,
          }
        } else {
        }
        %add3A_121 = arith.constant 1 : i32
        %add3A_122 = arith.addi %mul3A_93, %add3A_121 : i32
        %get3A_123 = arith.index_cast %mul3A_93 : i32 to index
        %get3A_124 = tpu.vector_load %arg19[%get3A_123] {strides = array<i32>} : memref<5120xi32, #tpu.memory_space<vmem>>, vector<16xi32>,
        %get3A_125 = vector.shape_cast %get3A_124 : vector<16xi32> to vector<16xi32>
        %slice3A_126 = vector.extract_strided_slice %get3A_125 {offsets = [1], sizes = [1], strides = [1]} : vector<16xi32> to vector<1xi32>
        %squeeze3A_127 = vector.extract %slice3A_126[0] : i32 from vector<1xi32>
        %eq3A_128 = arith.constant 0 : i32
        %eq3A_129 = arith.cmpi eq, %squeeze3A_127, %eq3A_128 : i32
        %convert_element_type3A_130 = arith.extui %eq3A_129 : i1 to i32
        %cond3A_131 = arith.constant 0 : i32
        %cond3A_132 = arith.cmpi ne, %convert_element_type3A_130, %cond3A_131 : i32
        scf.if %cond3A_132 {
          %slice3A_301 = vector.extract_strided_slice %get3A_96 {offsets = [1], sizes = [1], strides = [1]} : vector<16xf32> to vector<1xf32>
          %squeeze3A_302 = vector.extract %slice3A_301[0] : f32 from vector<1xf32>
          %slice3A_303 = vector.extract_strided_slice %get3A_99 {offsets = [1], sizes = [1], strides = [1]} : vector<16xf32> to vector<1xf32>
          %squeeze3A_304 = vector.extract %slice3A_303[0] : f32 from vector<1xf32>
          %slice3A_305 = vector.extract_strided_slice %get3A_102 {offsets = [1], sizes = [1], strides = [1]} : vector<16xf32> to vector<1xf32>
          %squeeze3A_306 = vector.extract %slice3A_305[0] : f32 from vector<1xf32>
          %slice3A_307 = vector.extract_strided_slice %get3A_105 {offsets = [1], sizes = [1], strides = [1]} : vector<16xf32> to vector<1xf32>
          %squeeze3A_308 = vector.extract %slice3A_307[0] : f32 from vector<1xf32>
          %slice3A_309 = vector.extract_strided_slice %get3A_108 {offsets = [1], sizes = [1], strides = [1]} : vector<16xf32> to vector<1xf32>
          %squeeze3A_310 = vector.extract %slice3A_309[0] : f32 from vector<1xf32>
          %while3A = arith.constant 0 : i32
          %while3A_311 = arith.constant 320 : i32
          %while3A_312 = arith.subi %while3A_311, %scan3A_91 : i32
          %while3A_313 = arith.addi %scan3A_91, %while3A_312 : i32
          %while3A_314 = arith.constant 1 : i32
          %while3A_315 = arith.divsi %while3A_312, %while3A_314 : i32
          %while3A_316 = arith.muli %while3A_315, %while3A_314 : i32
          %while3A_317 = arith.addi %scan3A_91, %while3A_316 : i32
          %while3A_318 = arith.constant 1 : i32
          scf.for %while3A_320 = %scan3A_91 to %while3A_317 step %while3A_318  : i32 {
            %mul3A_321 = arith.constant 16 : i32
            %mul3A_322 = arith.muli %while3A_320, %mul3A_321 : i32
            %get3A_323 = arith.index_cast %mul3A_322 : i32 to index
            %get3A_324 = tpu.vector_load %arg13[%get3A_323] {strides = array<i32>} : memref<5120xf32, #tpu.memory_space<vmem>>, vector<16xf32>,
            %get3A_325 = vector.shape_cast %get3A_324 : vector<16xf32> to vector<16xf32>
            %get3A_326 = arith.index_cast %mul3A_322 : i32 to index
            %get3A_327 = tpu.vector_load %arg14[%get3A_326] {strides = array<i32>} : memref<5120xf32, #tpu.memory_space<vmem>>, vector<16xf32>,
            %get3A_328 = vector.shape_cast %get3A_327 : vector<16xf32> to vector<16xf32>
            %get3A_329 = arith.index_cast %mul3A_322 : i32 to index
            %get3A_330 = tpu.vector_load %arg15[%get3A_329] {strides = array<i32>} : memref<5120xf32, #tpu.memory_space<vmem>>, vector<16xf32>,
            %get3A_331 = vector.shape_cast %get3A_330 : vector<16xf32> to vector<16xf32>
            %get3A_332 = arith.index_cast %mul3A_322 : i32 to index
            %get3A_333 = tpu.vector_load %arg16[%get3A_332] {strides = array<i32>} : memref<5120xf32, #tpu.memory_space<vmem>>, vector<16xf32>,
            %get3A_334 = vector.shape_cast %get3A_333 : vector<16xf32> to vector<16xf32>
            %get3A_335 = arith.index_cast %mul3A_322 : i32 to index
            %get3A_336 = tpu.vector_load %arg18[%get3A_335] {strides = array<i32>} : memref<5120xf32, #tpu.memory_space<vmem>>, vector<16xf32>,
            %get3A_337 = vector.shape_cast %get3A_336 : vector<16xf32> to vector<16xf32>
            %min3A = vector.broadcast %squeeze3A_306 : f32 to vector<16xf32>
            %min3A_338 = arith.minimumf %min3A, %get3A_331 : vector<16xf32>
            %max3A = vector.broadcast %squeeze3A_302 : f32 to vector<16xf32>
            %max3A_339 = arith.maximumf %max3A, %get3A_325 : vector<16xf32>
            %sub3A_340 = arith.subf %min3A_338, %max3A_339 : vector<16xf32>
            %max3A_341 = arith.constant 0.000000e+00 : f32
            %max3A_342 = vector.broadcast %max3A_341 : f32 to vector<16xf32>
            %max3A_343 = arith.maximumf %sub3A_340, %max3A_342 : vector<16xf32>
            %min3A_344 = vector.broadcast %squeeze3A_308 : f32 to vector<16xf32>
            %min3A_345 = arith.minimumf %min3A_344, %get3A_334 : vector<16xf32>
            %max3A_346 = vector.broadcast %squeeze3A_304 : f32 to vector<16xf32>
            %max3A_347 = arith.maximumf %max3A_346, %get3A_328 : vector<16xf32>
            %sub3A_348 = arith.subf %min3A_345, %max3A_347 : vector<16xf32>
            %max3A_349 = arith.constant 0.000000e+00 : f32
            %max3A_350 = vector.broadcast %max3A_349 : f32 to vector<16xf32>
            %max3A_351 = arith.maximumf %sub3A_348, %max3A_350 : vector<16xf32>
            %mul3A_352 = arith.mulf %max3A_343, %max3A_351 : vector<16xf32>
            %iota3A = tpu.iota {dimensions = array<i32: 0>} : vector<16xi32>
            %add3A_353 = vector.broadcast %mul3A_322 : i32 to vector<16xi32>
            %add3A_354 = arith.addi %add3A_353, %iota3A : vector<16xi32>
            %add3A_355 = vector.broadcast %squeeze3A_310 : f32 to vector<16xf32>
            %add3A_356 = arith.addf %add3A_355, %get3A_337 : vector<16xf32>
            %sub3A_357 = arith.subf %add3A_356, %mul3A_352 : vector<16xf32>
            %add3A_358 = arith.constant 9.99999997E-7 : f32
            %add3A_359 = vector.broadcast %add3A_358 : f32 to vector<16xf32>
            %add3A_360 = arith.addf %sub3A_357, %add3A_359 : vector<16xf32>
            %mul3A_361 = arith.constant 3.000000e-01 : f32
            %mul3A_362 = vector.broadcast %mul3A_361 : f32 to vector<16xf32>
            %mul3A_363 = arith.mulf %add3A_360, %mul3A_362 : vector<16xf32>
            %gt3A = arith.cmpf ogt, %mul3A_352, %mul3A_363 : vector<16xf32>
            %gt3A_364 = vector.broadcast %add3A_122 : i32 to vector<16xi32>
            %gt3A_365 = arith.cmpi sgt, %add3A_354, %gt3A_364 : vector<16xi32>
            %and3A_366 = arith.andi %gt3A, %gt3A_365 : vector<16xi1>
            %get3A_367 = arith.index_cast %mul3A_322 : i32 to index
            %get3A_368 = tpu.vector_load %arg19[%get3A_367] {strides = array<i32>} : memref<5120xi32, #tpu.memory_space<vmem>>, vector<16xi32>,
            %get3A_369 = vector.shape_cast %get3A_368 : vector<16xi32> to vector<16xi32>
            %jit3A = arith.constant 1 : i32
            %jit3A_370 = arith.constant 0 : i32
            %broadcast_in_dim3A_371 = vector.broadcast %jit3A : i32 to vector<16xi32>
            %broadcast_in_dim3A_372 = vector.broadcast %jit3A_370 : i32 to vector<16xi32>
            %select_n3A = arith.select %and3A_366, %broadcast_in_dim3A_371, %broadcast_in_dim3A_372 : vector<16xi1>, vector<16xi32>
            %or3A = arith.ori %get3A_369, %select_n3A : vector<16xi32>
            %swap3A = arith.index_cast %mul3A_322 : i32 to index
            %swap3A_373 = tpu.vector_load %arg19[%swap3A] {strides = array<i32>} : memref<5120xi32, #tpu.memory_space<vmem>>, vector<16xi32>,
            %swap3A_374 = vector.shape_cast %swap3A_373 : vector<16xi32> to vector<16xi32>
            %swap3A_375 = vector.shape_cast %or3A : vector<16xi32> to vector<16xi32>
            tpu.vector_store %arg19[%swap3A], %swap3A_375 {strides = array<i32>} : memref<5120xi32, #tpu.memory_space<vmem>>, vector<16xi32>,
          }
          %while3A_319 = arith.constant 1 : i32
          scf.for %while3A_320 = %while3A_317 to %while3A_313 step %while3A_319  : i32 {
            %mul3A_321 = arith.constant 16 : i32
            %mul3A_322 = arith.muli %while3A_320, %mul3A_321 : i32
            %get3A_323 = arith.index_cast %mul3A_322 : i32 to index
            %get3A_324 = tpu.vector_load %arg13[%get3A_323] {strides = array<i32>} : memref<5120xf32, #tpu.memory_space<vmem>>, vector<16xf32>,
            %get3A_325 = vector.shape_cast %get3A_324 : vector<16xf32> to vector<16xf32>
            %get3A_326 = arith.index_cast %mul3A_322 : i32 to index
            %get3A_327 = tpu.vector_load %arg14[%get3A_326] {strides = array<i32>} : memref<5120xf32, #tpu.memory_space<vmem>>, vector<16xf32>,
            %get3A_328 = vector.shape_cast %get3A_327 : vector<16xf32> to vector<16xf32>
            %get3A_329 = arith.index_cast %mul3A_322 : i32 to index
            %get3A_330 = tpu.vector_load %arg15[%get3A_329] {strides = array<i32>} : memref<5120xf32, #tpu.memory_space<vmem>>, vector<16xf32>,
            %get3A_331 = vector.shape_cast %get3A_330 : vector<16xf32> to vector<16xf32>
            %get3A_332 = arith.index_cast %mul3A_322 : i32 to index
            %get3A_333 = tpu.vector_load %arg16[%get3A_332] {strides = array<i32>} : memref<5120xf32, #tpu.memory_space<vmem>>, vector<16xf32>,
            %get3A_334 = vector.shape_cast %get3A_333 : vector<16xf32> to vector<16xf32>
            %get3A_335 = arith.index_cast %mul3A_322 : i32 to index
            %get3A_336 = tpu.vector_load %arg18[%get3A_335] {strides = array<i32>} : memref<5120xf32, #tpu.memory_space<vmem>>, vector<16xf32>,
            %get3A_337 = vector.shape_cast %get3A_336 : vector<16xf32> to vector<16xf32>
            %min3A = vector.broadcast %squeeze3A_306 : f32 to vector<16xf32>
            %min3A_338 = arith.minimumf %min3A, %get3A_331 : vector<16xf32>
            %max3A = vector.broadcast %squeeze3A_302 : f32 to vector<16xf32>
            %max3A_339 = arith.maximumf %max3A, %get3A_325 : vector<16xf32>
            %sub3A_340 = arith.subf %min3A_338, %max3A_339 : vector<16xf32>
            %max3A_341 = arith.constant 0.000000e+00 : f32
            %max3A_342 = vector.broadcast %max3A_341 : f32 to vector<16xf32>
            %max3A_343 = arith.maximumf %sub3A_340, %max3A_342 : vector<16xf32>
            %min3A_344 = vector.broadcast %squeeze3A_308 : f32 to vector<16xf32>
            %min3A_345 = arith.minimumf %min3A_344, %get3A_334 : vector<16xf32>
            %max3A_346 = vector.broadcast %squeeze3A_304 : f32 to vector<16xf32>
            %max3A_347 = arith.maximumf %max3A_346, %get3A_328 : vector<16xf32>
            %sub3A_348 = arith.subf %min3A_345, %max3A_347 : vector<16xf32>
            %max3A_349 = arith.constant 0.000000e+00 : f32
            %max3A_350 = vector.broadcast %max3A_349 : f32 to vector<16xf32>
            %max3A_351 = arith.maximumf %sub3A_348, %max3A_350 : vector<16xf32>
            %mul3A_352 = arith.mulf %max3A_343, %max3A_351 : vector<16xf32>
            %iota3A = tpu.iota {dimensions = array<i32: 0>} : vector<16xi32>
            %add3A_353 = vector.broadcast %mul3A_322 : i32 to vector<16xi32>
            %add3A_354 = arith.addi %add3A_353, %iota3A : vector<16xi32>
            %add3A_355 = vector.broadcast %squeeze3A_310 : f32 to vector<16xf32>
            %add3A_356 = arith.addf %add3A_355, %get3A_337 : vector<16xf32>
            %sub3A_357 = arith.subf %add3A_356, %mul3A_352 : vector<16xf32>
            %add3A_358 = arith.constant 9.99999997E-7 : f32
            %add3A_359 = vector.broadcast %add3A_358 : f32 to vector<16xf32>
            %add3A_360 = arith.addf %sub3A_357, %add3A_359 : vector<16xf32>
            %mul3A_361 = arith.constant 3.000000e-01 : f32
            %mul3A_362 = vector.broadcast %mul3A_361 : f32 to vector<16xf32>
            %mul3A_363 = arith.mulf %add3A_360, %mul3A_362 : vector<16xf32>
            %gt3A = arith.cmpf ogt, %mul3A_352, %mul3A_363 : vector<16xf32>
            %gt3A_364 = vector.broadcast %add3A_122 : i32 to vector<16xi32>
            %gt3A_365 = arith.cmpi sgt, %add3A_354, %gt3A_364 : vector<16xi32>
            %and3A_366 = arith.andi %gt3A, %gt3A_365 : vector<16xi1>
            %get3A_367 = arith.index_cast %mul3A_322 : i32 to index
            %get3A_368 = tpu.vector_load %arg19[%get3A_367] {strides = array<i32>} : memref<5120xi32, #tpu.memory_space<vmem>>, vector<16xi32>,
            %get3A_369 = vector.shape_cast %get3A_368 : vector<16xi32> to vector<16xi32>
            %jit3A = arith.constant 1 : i32
            %jit3A_370 = arith.constant 0 : i32
            %broadcast_in_dim3A_371 = vector.broadcast %jit3A : i32 to vector<16xi32>
            %broadcast_in_dim3A_372 = vector.broadcast %jit3A_370 : i32 to vector<16xi32>
            %select_n3A = arith.select %and3A_366, %broadcast_in_dim3A_371, %broadcast_in_dim3A_372 : vector<16xi1>, vector<16xi32>
            %or3A = arith.ori %get3A_369, %select_n3A : vector<16xi32>
            %swap3A = arith.index_cast %mul3A_322 : i32 to index
            %swap3A_373 = tpu.vector_load %arg19[%swap3A] {strides = array<i32>} : memref<5120xi32, #tpu.memory_space<vmem>>, vector<16xi32>,
            %swap3A_374 = vector.shape_cast %swap3A_373 : vector<16xi32> to vector<16xi32>
            %swap3A_375 = vector.shape_cast %or3A : vector<16xi32> to vector<16xi32>
            tpu.vector_store %arg19[%swap3A], %swap3A_375 {strides = array<i32>} : memref<5120xi32, #tpu.memory_space<vmem>>, vector<16xi32>,
          }
        } else {
        }
        %add3A_133 = arith.constant 2 : i32
        %add3A_134 = arith.addi %mul3A_93, %add3A_133 : i32
        %get3A_135 = arith.index_cast %mul3A_93 : i32 to index
        %get3A_136 = tpu.vector_load %arg19[%get3A_135] {strides = array<i32>} : memref<5120xi32, #tpu.memory_space<vmem>>, vector<16xi32>,
        %get3A_137 = vector.shape_cast %get3A_136 : vector<16xi32> to vector<16xi32>
        %slice3A_138 = vector.extract_strided_slice %get3A_137 {offsets = [2], sizes = [1], strides = [1]} : vector<16xi32> to vector<1xi32>
        %squeeze3A_139 = vector.extract %slice3A_138[0] : i32 from vector<1xi32>
        %eq3A_140 = arith.constant 0 : i32
        %eq3A_141 = arith.cmpi eq, %squeeze3A_139, %eq3A_140 : i32
        %convert_element_type3A_142 = arith.extui %eq3A_141 : i1 to i32
        %cond3A_143 = arith.constant 0 : i32
        %cond3A_144 = arith.cmpi ne, %convert_element_type3A_142, %cond3A_143 : i32
        scf.if %cond3A_144 {
          %slice3A_301 = vector.extract_strided_slice %get3A_96 {offsets = [2], sizes = [1], strides = [1]} : vector<16xf32> to vector<1xf32>
          %squeeze3A_302 = vector.extract %slice3A_301[0] : f32 from vector<1xf32>
          %slice3A_303 = vector.extract_strided_slice %get3A_99 {offsets = [2], sizes = [1], strides = [1]} : vector<16xf32> to vector<1xf32>
          %squeeze3A_304 = vector.extract %slice3A_303[0] : f32 from vector<1xf32>
          %slice3A_305 = vector.extract_strided_slice %get3A_102 {offsets = [2], sizes = [1], strides = [1]} : vector<16xf32> to vector<1xf32>
          %squeeze3A_306 = vector.extract %slice3A_305[0] : f32 from vector<1xf32>
          %slice3A_307 = vector.extract_strided_slice %get3A_105 {offsets = [2], sizes = [1], strides = [1]} : vector<16xf32> to vector<1xf32>
          %squeeze3A_308 = vector.extract %slice3A_307[0] : f32 from vector<1xf32>
          %slice3A_309 = vector.extract_strided_slice %get3A_108 {offsets = [2], sizes = [1], strides = [1]} : vector<16xf32> to vector<1xf32>
          %squeeze3A_310 = vector.extract %slice3A_309[0] : f32 from vector<1xf32>
          %while3A = arith.constant 0 : i32
          %while3A_311 = arith.constant 320 : i32
          %while3A_312 = arith.subi %while3A_311, %scan3A_91 : i32
          %while3A_313 = arith.addi %scan3A_91, %while3A_312 : i32
          %while3A_314 = arith.constant 1 : i32
          %while3A_315 = arith.divsi %while3A_312, %while3A_314 : i32
          %while3A_316 = arith.muli %while3A_315, %while3A_314 : i32
          %while3A_317 = arith.addi %scan3A_91, %while3A_316 : i32
          %while3A_318 = arith.constant 1 : i32
          scf.for %while3A_320 = %scan3A_91 to %while3A_317 step %while3A_318  : i32 {
            %mul3A_321 = arith.constant 16 : i32
            %mul3A_322 = arith.muli %while3A_320, %mul3A_321 : i32
            %get3A_323 = arith.index_cast %mul3A_322 : i32 to index
            %get3A_324 = tpu.vector_load %arg13[%get3A_323] {strides = array<i32>} : memref<5120xf32, #tpu.memory_space<vmem>>, vector<16xf32>,
            %get3A_325 = vector.shape_cast %get3A_324 : vector<16xf32> to vector<16xf32>
            %get3A_326 = arith.index_cast %mul3A_322 : i32 to index
            %get3A_327 = tpu.vector_load %arg14[%get3A_326] {strides = array<i32>} : memref<5120xf32, #tpu.memory_space<vmem>>, vector<16xf32>,
            %get3A_328 = vector.shape_cast %get3A_327 : vector<16xf32> to vector<16xf32>
            %get3A_329 = arith.index_cast %mul3A_322 : i32 to index
            %get3A_330 = tpu.vector_load %arg15[%get3A_329] {strides = array<i32>} : memref<5120xf32, #tpu.memory_space<vmem>>, vector<16xf32>,
            %get3A_331 = vector.shape_cast %get3A_330 : vector<16xf32> to vector<16xf32>
            %get3A_332 = arith.index_cast %mul3A_322 : i32 to index
            %get3A_333 = tpu.vector_load %arg16[%get3A_332] {strides = array<i32>} : memref<5120xf32, #tpu.memory_space<vmem>>, vector<16xf32>,
            %get3A_334 = vector.shape_cast %get3A_333 : vector<16xf32> to vector<16xf32>
            %get3A_335 = arith.index_cast %mul3A_322 : i32 to index
            %get3A_336 = tpu.vector_load %arg18[%get3A_335] {strides = array<i32>} : memref<5120xf32, #tpu.memory_space<vmem>>, vector<16xf32>,
            %get3A_337 = vector.shape_cast %get3A_336 : vector<16xf32> to vector<16xf32>
            %min3A = vector.broadcast %squeeze3A_306 : f32 to vector<16xf32>
            %min3A_338 = arith.minimumf %min3A, %get3A_331 : vector<16xf32>
            %max3A = vector.broadcast %squeeze3A_302 : f32 to vector<16xf32>
            %max3A_339 = arith.maximumf %max3A, %get3A_325 : vector<16xf32>
            %sub3A_340 = arith.subf %min3A_338, %max3A_339 : vector<16xf32>
            %max3A_341 = arith.constant 0.000000e+00 : f32
            %max3A_342 = vector.broadcast %max3A_341 : f32 to vector<16xf32>
            %max3A_343 = arith.maximumf %sub3A_340, %max3A_342 : vector<16xf32>
            %min3A_344 = vector.broadcast %squeeze3A_308 : f32 to vector<16xf32>
            %min3A_345 = arith.minimumf %min3A_344, %get3A_334 : vector<16xf32>
            %max3A_346 = vector.broadcast %squeeze3A_304 : f32 to vector<16xf32>
            %max3A_347 = arith.maximumf %max3A_346, %get3A_328 : vector<16xf32>
            %sub3A_348 = arith.subf %min3A_345, %max3A_347 : vector<16xf32>
            %max3A_349 = arith.constant 0.000000e+00 : f32
            %max3A_350 = vector.broadcast %max3A_349 : f32 to vector<16xf32>
            %max3A_351 = arith.maximumf %sub3A_348, %max3A_350 : vector<16xf32>
            %mul3A_352 = arith.mulf %max3A_343, %max3A_351 : vector<16xf32>
            %iota3A = tpu.iota {dimensions = array<i32: 0>} : vector<16xi32>
            %add3A_353 = vector.broadcast %mul3A_322 : i32 to vector<16xi32>
            %add3A_354 = arith.addi %add3A_353, %iota3A : vector<16xi32>
            %add3A_355 = vector.broadcast %squeeze3A_310 : f32 to vector<16xf32>
            %add3A_356 = arith.addf %add3A_355, %get3A_337 : vector<16xf32>
            %sub3A_357 = arith.subf %add3A_356, %mul3A_352 : vector<16xf32>
            %add3A_358 = arith.constant 9.99999997E-7 : f32
            %add3A_359 = vector.broadcast %add3A_358 : f32 to vector<16xf32>
            %add3A_360 = arith.addf %sub3A_357, %add3A_359 : vector<16xf32>
            %mul3A_361 = arith.constant 3.000000e-01 : f32
            %mul3A_362 = vector.broadcast %mul3A_361 : f32 to vector<16xf32>
            %mul3A_363 = arith.mulf %add3A_360, %mul3A_362 : vector<16xf32>
            %gt3A = arith.cmpf ogt, %mul3A_352, %mul3A_363 : vector<16xf32>
            %gt3A_364 = vector.broadcast %add3A_134 : i32 to vector<16xi32>
            %gt3A_365 = arith.cmpi sgt, %add3A_354, %gt3A_364 : vector<16xi32>
            %and3A_366 = arith.andi %gt3A, %gt3A_365 : vector<16xi1>
            %get3A_367 = arith.index_cast %mul3A_322 : i32 to index
            %get3A_368 = tpu.vector_load %arg19[%get3A_367] {strides = array<i32>} : memref<5120xi32, #tpu.memory_space<vmem>>, vector<16xi32>,
            %get3A_369 = vector.shape_cast %get3A_368 : vector<16xi32> to vector<16xi32>
            %jit3A = arith.constant 1 : i32
            %jit3A_370 = arith.constant 0 : i32
            %broadcast_in_dim3A_371 = vector.broadcast %jit3A : i32 to vector<16xi32>
            %broadcast_in_dim3A_372 = vector.broadcast %jit3A_370 : i32 to vector<16xi32>
            %select_n3A = arith.select %and3A_366, %broadcast_in_dim3A_371, %broadcast_in_dim3A_372 : vector<16xi1>, vector<16xi32>
            %or3A = arith.ori %get3A_369, %select_n3A : vector<16xi32>
            %swap3A = arith.index_cast %mul3A_322 : i32 to index
            %swap3A_373 = tpu.vector_load %arg19[%swap3A] {strides = array<i32>} : memref<5120xi32, #tpu.memory_space<vmem>>, vector<16xi32>,
            %swap3A_374 = vector.shape_cast %swap3A_373 : vector<16xi32> to vector<16xi32>
            %swap3A_375 = vector.shape_cast %or3A : vector<16xi32> to vector<16xi32>
            tpu.vector_store %arg19[%swap3A], %swap3A_375 {strides = array<i32>} : memref<5120xi32, #tpu.memory_space<vmem>>, vector<16xi32>,
          }
          %while3A_319 = arith.constant 1 : i32
          scf.for %while3A_320 = %while3A_317 to %while3A_313 step %while3A_319  : i32 {
            %mul3A_321 = arith.constant 16 : i32
            %mul3A_322 = arith.muli %while3A_320, %mul3A_321 : i32
            %get3A_323 = arith.index_cast %mul3A_322 : i32 to index
            %get3A_324 = tpu.vector_load %arg13[%get3A_323] {strides = array<i32>} : memref<5120xf32, #tpu.memory_space<vmem>>, vector<16xf32>,
            %get3A_325 = vector.shape_cast %get3A_324 : vector<16xf32> to vector<16xf32>
            %get3A_326 = arith.index_cast %mul3A_322 : i32 to index
            %get3A_327 = tpu.vector_load %arg14[%get3A_326] {strides = array<i32>} : memref<5120xf32, #tpu.memory_space<vmem>>, vector<16xf32>,
            %get3A_328 = vector.shape_cast %get3A_327 : vector<16xf32> to vector<16xf32>
            %get3A_329 = arith.index_cast %mul3A_322 : i32 to index
            %get3A_330 = tpu.vector_load %arg15[%get3A_329] {strides = array<i32>} : memref<5120xf32, #tpu.memory_space<vmem>>, vector<16xf32>,
            %get3A_331 = vector.shape_cast %get3A_330 : vector<16xf32> to vector<16xf32>
            %get3A_332 = arith.index_cast %mul3A_322 : i32 to index
            %get3A_333 = tpu.vector_load %arg16[%get3A_332] {strides = array<i32>} : memref<5120xf32, #tpu.memory_space<vmem>>, vector<16xf32>,
            %get3A_334 = vector.shape_cast %get3A_333 : vector<16xf32> to vector<16xf32>
            %get3A_335 = arith.index_cast %mul3A_322 : i32 to index
            %get3A_336 = tpu.vector_load %arg18[%get3A_335] {strides = array<i32>} : memref<5120xf32, #tpu.memory_space<vmem>>, vector<16xf32>,
            %get3A_337 = vector.shape_cast %get3A_336 : vector<16xf32> to vector<16xf32>
            %min3A = vector.broadcast %squeeze3A_306 : f32 to vector<16xf32>
            %min3A_338 = arith.minimumf %min3A, %get3A_331 : vector<16xf32>
            %max3A = vector.broadcast %squeeze3A_302 : f32 to vector<16xf32>
            %max3A_339 = arith.maximumf %max3A, %get3A_325 : vector<16xf32>
            %sub3A_340 = arith.subf %min3A_338, %max3A_339 : vector<16xf32>
            %max3A_341 = arith.constant 0.000000e+00 : f32
            %max3A_342 = vector.broadcast %max3A_341 : f32 to vector<16xf32>
            %max3A_343 = arith.maximumf %sub3A_340, %max3A_342 : vector<16xf32>
            %min3A_344 = vector.broadcast %squeeze3A_308 : f32 to vector<16xf32>
            %min3A_345 = arith.minimumf %min3A_344, %get3A_334 : vector<16xf32>
            %max3A_346 = vector.broadcast %squeeze3A_304 : f32 to vector<16xf32>
            %max3A_347 = arith.maximumf %max3A_346, %get3A_328 : vector<16xf32>
            %sub3A_348 = arith.subf %min3A_345, %max3A_347 : vector<16xf32>
            %max3A_349 = arith.constant 0.000000e+00 : f32
            %max3A_350 = vector.broadcast %max3A_349 : f32 to vector<16xf32>
            %max3A_351 = arith.maximumf %sub3A_348, %max3A_350 : vector<16xf32>
            %mul3A_352 = arith.mulf %max3A_343, %max3A_351 : vector<16xf32>
            %iota3A = tpu.iota {dimensions = array<i32: 0>} : vector<16xi32>
            %add3A_353 = vector.broadcast %mul3A_322 : i32 to vector<16xi32>
            %add3A_354 = arith.addi %add3A_353, %iota3A : vector<16xi32>
            %add3A_355 = vector.broadcast %squeeze3A_310 : f32 to vector<16xf32>
            %add3A_356 = arith.addf %add3A_355, %get3A_337 : vector<16xf32>
            %sub3A_357 = arith.subf %add3A_356, %mul3A_352 : vector<16xf32>
            %add3A_358 = arith.constant 9.99999997E-7 : f32
            %add3A_359 = vector.broadcast %add3A_358 : f32 to vector<16xf32>
            %add3A_360 = arith.addf %sub3A_357, %add3A_359 : vector<16xf32>
            %mul3A_361 = arith.constant 3.000000e-01 : f32
            %mul3A_362 = vector.broadcast %mul3A_361 : f32 to vector<16xf32>
            %mul3A_363 = arith.mulf %add3A_360, %mul3A_362 : vector<16xf32>
            %gt3A = arith.cmpf ogt, %mul3A_352, %mul3A_363 : vector<16xf32>
            %gt3A_364 = vector.broadcast %add3A_134 : i32 to vector<16xi32>
            %gt3A_365 = arith.cmpi sgt, %add3A_354, %gt3A_364 : vector<16xi32>
            %and3A_366 = arith.andi %gt3A, %gt3A_365 : vector<16xi1>
            %get3A_367 = arith.index_cast %mul3A_322 : i32 to index
            %get3A_368 = tpu.vector_load %arg19[%get3A_367] {strides = array<i32>} : memref<5120xi32, #tpu.memory_space<vmem>>, vector<16xi32>,
            %get3A_369 = vector.shape_cast %get3A_368 : vector<16xi32> to vector<16xi32>
            %jit3A = arith.constant 1 : i32
            %jit3A_370 = arith.constant 0 : i32
            %broadcast_in_dim3A_371 = vector.broadcast %jit3A : i32 to vector<16xi32>
            %broadcast_in_dim3A_372 = vector.broadcast %jit3A_370 : i32 to vector<16xi32>
            %select_n3A = arith.select %and3A_366, %broadcast_in_dim3A_371, %broadcast_in_dim3A_372 : vector<16xi1>, vector<16xi32>
            %or3A = arith.ori %get3A_369, %select_n3A : vector<16xi32>
            %swap3A = arith.index_cast %mul3A_322 : i32 to index
            %swap3A_373 = tpu.vector_load %arg19[%swap3A] {strides = array<i32>} : memref<5120xi32, #tpu.memory_space<vmem>>, vector<16xi32>,
            %swap3A_374 = vector.shape_cast %swap3A_373 : vector<16xi32> to vector<16xi32>
            %swap3A_375 = vector.shape_cast %or3A : vector<16xi32> to vector<16xi32>
            tpu.vector_store %arg19[%swap3A], %swap3A_375 {strides = array<i32>} : memref<5120xi32, #tpu.memory_space<vmem>>, vector<16xi32>,
          }
        } else {
        }
        %add3A_145 = arith.constant 3 : i32
        %add3A_146 = arith.addi %mul3A_93, %add3A_145 : i32
        %get3A_147 = arith.index_cast %mul3A_93 : i32 to index
        %get3A_148 = tpu.vector_load %arg19[%get3A_147] {strides = array<i32>} : memref<5120xi32, #tpu.memory_space<vmem>>, vector<16xi32>,
        %get3A_149 = vector.shape_cast %get3A_148 : vector<16xi32> to vector<16xi32>
        %slice3A_150 = vector.extract_strided_slice %get3A_149 {offsets = [3], sizes = [1], strides = [1]} : vector<16xi32> to vector<1xi32>
        %squeeze3A_151 = vector.extract %slice3A_150[0] : i32 from vector<1xi32>
        %eq3A_152 = arith.constant 0 : i32
        %eq3A_153 = arith.cmpi eq, %squeeze3A_151, %eq3A_152 : i32
        %convert_element_type3A_154 = arith.extui %eq3A_153 : i1 to i32
        %cond3A_155 = arith.constant 0 : i32
        %cond3A_156 = arith.cmpi ne, %convert_element_type3A_154, %cond3A_155 : i32
        scf.if %cond3A_156 {
          %slice3A_301 = vector.extract_strided_slice %get3A_96 {offsets = [3], sizes = [1], strides = [1]} : vector<16xf32> to vector<1xf32>
          %squeeze3A_302 = vector.extract %slice3A_301[0] : f32 from vector<1xf32>
          %slice3A_303 = vector.extract_strided_slice %get3A_99 {offsets = [3], sizes = [1], strides = [1]} : vector<16xf32> to vector<1xf32>
          %squeeze3A_304 = vector.extract %slice3A_303[0] : f32 from vector<1xf32>
          %slice3A_305 = vector.extract_strided_slice %get3A_102 {offsets = [3], sizes = [1], strides = [1]} : vector<16xf32> to vector<1xf32>
          %squeeze3A_306 = vector.extract %slice3A_305[0] : f32 from vector<1xf32>
          %slice3A_307 = vector.extract_strided_slice %get3A_105 {offsets = [3], sizes = [1], strides = [1]} : vector<16xf32> to vector<1xf32>
          %squeeze3A_308 = vector.extract %slice3A_307[0] : f32 from vector<1xf32>
          %slice3A_309 = vector.extract_strided_slice %get3A_108 {offsets = [3], sizes = [1], strides = [1]} : vector<16xf32> to vector<1xf32>
          %squeeze3A_310 = vector.extract %slice3A_309[0] : f32 from vector<1xf32>
          %while3A = arith.constant 0 : i32
          %while3A_311 = arith.constant 320 : i32
          %while3A_312 = arith.subi %while3A_311, %scan3A_91 : i32
          %while3A_313 = arith.addi %scan3A_91, %while3A_312 : i32
          %while3A_314 = arith.constant 1 : i32
          %while3A_315 = arith.divsi %while3A_312, %while3A_314 : i32
          %while3A_316 = arith.muli %while3A_315, %while3A_314 : i32
          %while3A_317 = arith.addi %scan3A_91, %while3A_316 : i32
          %while3A_318 = arith.constant 1 : i32
          scf.for %while3A_320 = %scan3A_91 to %while3A_317 step %while3A_318  : i32 {
            %mul3A_321 = arith.constant 16 : i32
            %mul3A_322 = arith.muli %while3A_320, %mul3A_321 : i32
            %get3A_323 = arith.index_cast %mul3A_322 : i32 to index
            %get3A_324 = tpu.vector_load %arg13[%get3A_323] {strides = array<i32>} : memref<5120xf32, #tpu.memory_space<vmem>>, vector<16xf32>,
            %get3A_325 = vector.shape_cast %get3A_324 : vector<16xf32> to vector<16xf32>
            %get3A_326 = arith.index_cast %mul3A_322 : i32 to index
            %get3A_327 = tpu.vector_load %arg14[%get3A_326] {strides = array<i32>} : memref<5120xf32, #tpu.memory_space<vmem>>, vector<16xf32>,
            %get3A_328 = vector.shape_cast %get3A_327 : vector<16xf32> to vector<16xf32>
            %get3A_329 = arith.index_cast %mul3A_322 : i32 to index
            %get3A_330 = tpu.vector_load %arg15[%get3A_329] {strides = array<i32>} : memref<5120xf32, #tpu.memory_space<vmem>>, vector<16xf32>,
            %get3A_331 = vector.shape_cast %get3A_330 : vector<16xf32> to vector<16xf32>
            %get3A_332 = arith.index_cast %mul3A_322 : i32 to index
            %get3A_333 = tpu.vector_load %arg16[%get3A_332] {strides = array<i32>} : memref<5120xf32, #tpu.memory_space<vmem>>, vector<16xf32>,
            %get3A_334 = vector.shape_cast %get3A_333 : vector<16xf32> to vector<16xf32>
            %get3A_335 = arith.index_cast %mul3A_322 : i32 to index
            %get3A_336 = tpu.vector_load %arg18[%get3A_335] {strides = array<i32>} : memref<5120xf32, #tpu.memory_space<vmem>>, vector<16xf32>,
            %get3A_337 = vector.shape_cast %get3A_336 : vector<16xf32> to vector<16xf32>
            %min3A = vector.broadcast %squeeze3A_306 : f32 to vector<16xf32>
            %min3A_338 = arith.minimumf %min3A, %get3A_331 : vector<16xf32>
            %max3A = vector.broadcast %squeeze3A_302 : f32 to vector<16xf32>
            %max3A_339 = arith.maximumf %max3A, %get3A_325 : vector<16xf32>
            %sub3A_340 = arith.subf %min3A_338, %max3A_339 : vector<16xf32>
            %max3A_341 = arith.constant 0.000000e+00 : f32
            %max3A_342 = vector.broadcast %max3A_341 : f32 to vector<16xf32>
            %max3A_343 = arith.maximumf %sub3A_340, %max3A_342 : vector<16xf32>
            %min3A_344 = vector.broadcast %squeeze3A_308 : f32 to vector<16xf32>
            %min3A_345 = arith.minimumf %min3A_344, %get3A_334 : vector<16xf32>
            %max3A_346 = vector.broadcast %squeeze3A_304 : f32 to vector<16xf32>
            %max3A_347 = arith.maximumf %max3A_346, %get3A_328 : vector<16xf32>
            %sub3A_348 = arith.subf %min3A_345, %max3A_347 : vector<16xf32>
            %max3A_349 = arith.constant 0.000000e+00 : f32
            %max3A_350 = vector.broadcast %max3A_349 : f32 to vector<16xf32>
            %max3A_351 = arith.maximumf %sub3A_348, %max3A_350 : vector<16xf32>
            %mul3A_352 = arith.mulf %max3A_343, %max3A_351 : vector<16xf32>
            %iota3A = tpu.iota {dimensions = array<i32: 0>} : vector<16xi32>
            %add3A_353 = vector.broadcast %mul3A_322 : i32 to vector<16xi32>
            %add3A_354 = arith.addi %add3A_353, %iota3A : vector<16xi32>
            %add3A_355 = vector.broadcast %squeeze3A_310 : f32 to vector<16xf32>
            %add3A_356 = arith.addf %add3A_355, %get3A_337 : vector<16xf32>
            %sub3A_357 = arith.subf %add3A_356, %mul3A_352 : vector<16xf32>
            %add3A_358 = arith.constant 9.99999997E-7 : f32
            %add3A_359 = vector.broadcast %add3A_358 : f32 to vector<16xf32>
            %add3A_360 = arith.addf %sub3A_357, %add3A_359 : vector<16xf32>
            %mul3A_361 = arith.constant 3.000000e-01 : f32
            %mul3A_362 = vector.broadcast %mul3A_361 : f32 to vector<16xf32>
            %mul3A_363 = arith.mulf %add3A_360, %mul3A_362 : vector<16xf32>
            %gt3A = arith.cmpf ogt, %mul3A_352, %mul3A_363 : vector<16xf32>
            %gt3A_364 = vector.broadcast %add3A_146 : i32 to vector<16xi32>
            %gt3A_365 = arith.cmpi sgt, %add3A_354, %gt3A_364 : vector<16xi32>
            %and3A_366 = arith.andi %gt3A, %gt3A_365 : vector<16xi1>
            %get3A_367 = arith.index_cast %mul3A_322 : i32 to index
            %get3A_368 = tpu.vector_load %arg19[%get3A_367] {strides = array<i32>} : memref<5120xi32, #tpu.memory_space<vmem>>, vector<16xi32>,
            %get3A_369 = vector.shape_cast %get3A_368 : vector<16xi32> to vector<16xi32>
            %jit3A = arith.constant 1 : i32
            %jit3A_370 = arith.constant 0 : i32
            %broadcast_in_dim3A_371 = vector.broadcast %jit3A : i32 to vector<16xi32>
            %broadcast_in_dim3A_372 = vector.broadcast %jit3A_370 : i32 to vector<16xi32>
            %select_n3A = arith.select %and3A_366, %broadcast_in_dim3A_371, %broadcast_in_dim3A_372 : vector<16xi1>, vector<16xi32>
            %or3A = arith.ori %get3A_369, %select_n3A : vector<16xi32>
            %swap3A = arith.index_cast %mul3A_322 : i32 to index
            %swap3A_373 = tpu.vector_load %arg19[%swap3A] {strides = array<i32>} : memref<5120xi32, #tpu.memory_space<vmem>>, vector<16xi32>,
            %swap3A_374 = vector.shape_cast %swap3A_373 : vector<16xi32> to vector<16xi32>
            %swap3A_375 = vector.shape_cast %or3A : vector<16xi32> to vector<16xi32>
            tpu.vector_store %arg19[%swap3A], %swap3A_375 {strides = array<i32>} : memref<5120xi32, #tpu.memory_space<vmem>>, vector<16xi32>,
          }
          %while3A_319 = arith.constant 1 : i32
          scf.for %while3A_320 = %while3A_317 to %while3A_313 step %while3A_319  : i32 {
            %mul3A_321 = arith.constant 16 : i32
            %mul3A_322 = arith.muli %while3A_320, %mul3A_321 : i32
            %get3A_323 = arith.index_cast %mul3A_322 : i32 to index
            %get3A_324 = tpu.vector_load %arg13[%get3A_323] {strides = array<i32>} : memref<5120xf32, #tpu.memory_space<vmem>>, vector<16xf32>,
            %get3A_325 = vector.shape_cast %get3A_324 : vector<16xf32> to vector<16xf32>
            %get3A_326 = arith.index_cast %mul3A_322 : i32 to index
            %get3A_327 = tpu.vector_load %arg14[%get3A_326] {strides = array<i32>} : memref<5120xf32, #tpu.memory_space<vmem>>, vector<16xf32>,
            %get3A_328 = vector.shape_cast %get3A_327 : vector<16xf32> to vector<16xf32>
            %get3A_329 = arith.index_cast %mul3A_322 : i32 to index
            %get3A_330 = tpu.vector_load %arg15[%get3A_329] {strides = array<i32>} : memref<5120xf32, #tpu.memory_space<vmem>>, vector<16xf32>,
            %get3A_331 = vector.shape_cast %get3A_330 : vector<16xf32> to vector<16xf32>
            %get3A_332 = arith.index_cast %mul3A_322 : i32 to index
            %get3A_333 = tpu.vector_load %arg16[%get3A_332] {strides = array<i32>} : memref<5120xf32, #tpu.memory_space<vmem>>, vector<16xf32>,
            %get3A_334 = vector.shape_cast %get3A_333 : vector<16xf32> to vector<16xf32>
            %get3A_335 = arith.index_cast %mul3A_322 : i32 to index
            %get3A_336 = tpu.vector_load %arg18[%get3A_335] {strides = array<i32>} : memref<5120xf32, #tpu.memory_space<vmem>>, vector<16xf32>,
            %get3A_337 = vector.shape_cast %get3A_336 : vector<16xf32> to vector<16xf32>
            %min3A = vector.broadcast %squeeze3A_306 : f32 to vector<16xf32>
            %min3A_338 = arith.minimumf %min3A, %get3A_331 : vector<16xf32>
            %max3A = vector.broadcast %squeeze3A_302 : f32 to vector<16xf32>
            %max3A_339 = arith.maximumf %max3A, %get3A_325 : vector<16xf32>
            %sub3A_340 = arith.subf %min3A_338, %max3A_339 : vector<16xf32>
            %max3A_341 = arith.constant 0.000000e+00 : f32
            %max3A_342 = vector.broadcast %max3A_341 : f32 to vector<16xf32>
            %max3A_343 = arith.maximumf %sub3A_340, %max3A_342 : vector<16xf32>
            %min3A_344 = vector.broadcast %squeeze3A_308 : f32 to vector<16xf32>
            %min3A_345 = arith.minimumf %min3A_344, %get3A_334 : vector<16xf32>
            %max3A_346 = vector.broadcast %squeeze3A_304 : f32 to vector<16xf32>
            %max3A_347 = arith.maximumf %max3A_346, %get3A_328 : vector<16xf32>
            %sub3A_348 = arith.subf %min3A_345, %max3A_347 : vector<16xf32>
            %max3A_349 = arith.constant 0.000000e+00 : f32
            %max3A_350 = vector.broadcast %max3A_349 : f32 to vector<16xf32>
            %max3A_351 = arith.maximumf %sub3A_348, %max3A_350 : vector<16xf32>
            %mul3A_352 = arith.mulf %max3A_343, %max3A_351 : vector<16xf32>
            %iota3A = tpu.iota {dimensions = array<i32: 0>} : vector<16xi32>
            %add3A_353 = vector.broadcast %mul3A_322 : i32 to vector<16xi32>
            %add3A_354 = arith.addi %add3A_353, %iota3A : vector<16xi32>
            %add3A_355 = vector.broadcast %squeeze3A_310 : f32 to vector<16xf32>
            %add3A_356 = arith.addf %add3A_355, %get3A_337 : vector<16xf32>
            %sub3A_357 = arith.subf %add3A_356, %mul3A_352 : vector<16xf32>
            %add3A_358 = arith.constant 9.99999997E-7 : f32
            %add3A_359 = vector.broadcast %add3A_358 : f32 to vector<16xf32>
            %add3A_360 = arith.addf %sub3A_357, %add3A_359 : vector<16xf32>
            %mul3A_361 = arith.constant 3.000000e-01 : f32
            %mul3A_362 = vector.broadcast %mul3A_361 : f32 to vector<16xf32>
            %mul3A_363 = arith.mulf %add3A_360, %mul3A_362 : vector<16xf32>
            %gt3A = arith.cmpf ogt, %mul3A_352, %mul3A_363 : vector<16xf32>
            %gt3A_364 = vector.broadcast %add3A_146 : i32 to vector<16xi32>
            %gt3A_365 = arith.cmpi sgt, %add3A_354, %gt3A_364 : vector<16xi32>
            %and3A_366 = arith.andi %gt3A, %gt3A_365 : vector<16xi1>
            %get3A_367 = arith.index_cast %mul3A_322 : i32 to index
            %get3A_368 = tpu.vector_load %arg19[%get3A_367] {strides = array<i32>} : memref<5120xi32, #tpu.memory_space<vmem>>, vector<16xi32>,
            %get3A_369 = vector.shape_cast %get3A_368 : vector<16xi32> to vector<16xi32>
            %jit3A = arith.constant 1 : i32
            %jit3A_370 = arith.constant 0 : i32
            %broadcast_in_dim3A_371 = vector.broadcast %jit3A : i32 to vector<16xi32>
            %broadcast_in_dim3A_372 = vector.broadcast %jit3A_370 : i32 to vector<16xi32>
            %select_n3A = arith.select %and3A_366, %broadcast_in_dim3A_371, %broadcast_in_dim3A_372 : vector<16xi1>, vector<16xi32>
            %or3A = arith.ori %get3A_369, %select_n3A : vector<16xi32>
            %swap3A = arith.index_cast %mul3A_322 : i32 to index
            %swap3A_373 = tpu.vector_load %arg19[%swap3A] {strides = array<i32>} : memref<5120xi32, #tpu.memory_space<vmem>>, vector<16xi32>,
            %swap3A_374 = vector.shape_cast %swap3A_373 : vector<16xi32> to vector<16xi32>
            %swap3A_375 = vector.shape_cast %or3A : vector<16xi32> to vector<16xi32>
            tpu.vector_store %arg19[%swap3A], %swap3A_375 {strides = array<i32>} : memref<5120xi32, #tpu.memory_space<vmem>>, vector<16xi32>,
          }
        } else {
        }
        %add3A_157 = arith.constant 4 : i32
        %add3A_158 = arith.addi %mul3A_93, %add3A_157 : i32
        %get3A_159 = arith.index_cast %mul3A_93 : i32 to index
        %get3A_160 = tpu.vector_load %arg19[%get3A_159] {strides = array<i32>} : memref<5120xi32, #tpu.memory_space<vmem>>, vector<16xi32>,
        %get3A_161 = vector.shape_cast %get3A_160 : vector<16xi32> to vector<16xi32>
        %slice3A_162 = vector.extract_strided_slice %get3A_161 {offsets = [4], sizes = [1], strides = [1]} : vector<16xi32> to vector<1xi32>
        %squeeze3A_163 = vector.extract %slice3A_162[0] : i32 from vector<1xi32>
        %eq3A_164 = arith.constant 0 : i32
        %eq3A_165 = arith.cmpi eq, %squeeze3A_163, %eq3A_164 : i32
        %convert_element_type3A_166 = arith.extui %eq3A_165 : i1 to i32
        %cond3A_167 = arith.constant 0 : i32
        %cond3A_168 = arith.cmpi ne, %convert_element_type3A_166, %cond3A_167 : i32
        scf.if %cond3A_168 {
          %slice3A_301 = vector.extract_strided_slice %get3A_96 {offsets = [4], sizes = [1], strides = [1]} : vector<16xf32> to vector<1xf32>
          %squeeze3A_302 = vector.extract %slice3A_301[0] : f32 from vector<1xf32>
          %slice3A_303 = vector.extract_strided_slice %get3A_99 {offsets = [4], sizes = [1], strides = [1]} : vector<16xf32> to vector<1xf32>
          %squeeze3A_304 = vector.extract %slice3A_303[0] : f32 from vector<1xf32>
          %slice3A_305 = vector.extract_strided_slice %get3A_102 {offsets = [4], sizes = [1], strides = [1]} : vector<16xf32> to vector<1xf32>
          %squeeze3A_306 = vector.extract %slice3A_305[0] : f32 from vector<1xf32>
          %slice3A_307 = vector.extract_strided_slice %get3A_105 {offsets = [4], sizes = [1], strides = [1]} : vector<16xf32> to vector<1xf32>
          %squeeze3A_308 = vector.extract %slice3A_307[0] : f32 from vector<1xf32>
          %slice3A_309 = vector.extract_strided_slice %get3A_108 {offsets = [4], sizes = [1], strides = [1]} : vector<16xf32> to vector<1xf32>
          %squeeze3A_310 = vector.extract %slice3A_309[0] : f32 from vector<1xf32>
          %while3A = arith.constant 0 : i32
          %while3A_311 = arith.constant 320 : i32
          %while3A_312 = arith.subi %while3A_311, %scan3A_91 : i32
          %while3A_313 = arith.addi %scan3A_91, %while3A_312 : i32
          %while3A_314 = arith.constant 1 : i32
          %while3A_315 = arith.divsi %while3A_312, %while3A_314 : i32
          %while3A_316 = arith.muli %while3A_315, %while3A_314 : i32
          %while3A_317 = arith.addi %scan3A_91, %while3A_316 : i32
          %while3A_318 = arith.constant 1 : i32
          scf.for %while3A_320 = %scan3A_91 to %while3A_317 step %while3A_318  : i32 {
            %mul3A_321 = arith.constant 16 : i32
            %mul3A_322 = arith.muli %while3A_320, %mul3A_321 : i32
            %get3A_323 = arith.index_cast %mul3A_322 : i32 to index
            %get3A_324 = tpu.vector_load %arg13[%get3A_323] {strides = array<i32>} : memref<5120xf32, #tpu.memory_space<vmem>>, vector<16xf32>,
            %get3A_325 = vector.shape_cast %get3A_324 : vector<16xf32> to vector<16xf32>
            %get3A_326 = arith.index_cast %mul3A_322 : i32 to index
            %get3A_327 = tpu.vector_load %arg14[%get3A_326] {strides = array<i32>} : memref<5120xf32, #tpu.memory_space<vmem>>, vector<16xf32>,
            %get3A_328 = vector.shape_cast %get3A_327 : vector<16xf32> to vector<16xf32>
            %get3A_329 = arith.index_cast %mul3A_322 : i32 to index
            %get3A_330 = tpu.vector_load %arg15[%get3A_329] {strides = array<i32>} : memref<5120xf32, #tpu.memory_space<vmem>>, vector<16xf32>,
            %get3A_331 = vector.shape_cast %get3A_330 : vector<16xf32> to vector<16xf32>
            %get3A_332 = arith.index_cast %mul3A_322 : i32 to index
            %get3A_333 = tpu.vector_load %arg16[%get3A_332] {strides = array<i32>} : memref<5120xf32, #tpu.memory_space<vmem>>, vector<16xf32>,
            %get3A_334 = vector.shape_cast %get3A_333 : vector<16xf32> to vector<16xf32>
            %get3A_335 = arith.index_cast %mul3A_322 : i32 to index
            %get3A_336 = tpu.vector_load %arg18[%get3A_335] {strides = array<i32>} : memref<5120xf32, #tpu.memory_space<vmem>>, vector<16xf32>,
            %get3A_337 = vector.shape_cast %get3A_336 : vector<16xf32> to vector<16xf32>
            %min3A = vector.broadcast %squeeze3A_306 : f32 to vector<16xf32>
            %min3A_338 = arith.minimumf %min3A, %get3A_331 : vector<16xf32>
            %max3A = vector.broadcast %squeeze3A_302 : f32 to vector<16xf32>
            %max3A_339 = arith.maximumf %max3A, %get3A_325 : vector<16xf32>
            %sub3A_340 = arith.subf %min3A_338, %max3A_339 : vector<16xf32>
            %max3A_341 = arith.constant 0.000000e+00 : f32
            %max3A_342 = vector.broadcast %max3A_341 : f32 to vector<16xf32>
            %max3A_343 = arith.maximumf %sub3A_340, %max3A_342 : vector<16xf32>
            %min3A_344 = vector.broadcast %squeeze3A_308 : f32 to vector<16xf32>
            %min3A_345 = arith.minimumf %min3A_344, %get3A_334 : vector<16xf32>
            %max3A_346 = vector.broadcast %squeeze3A_304 : f32 to vector<16xf32>
            %max3A_347 = arith.maximumf %max3A_346, %get3A_328 : vector<16xf32>
            %sub3A_348 = arith.subf %min3A_345, %max3A_347 : vector<16xf32>
            %max3A_349 = arith.constant 0.000000e+00 : f32
            %max3A_350 = vector.broadcast %max3A_349 : f32 to vector<16xf32>
            %max3A_351 = arith.maximumf %sub3A_348, %max3A_350 : vector<16xf32>
            %mul3A_352 = arith.mulf %max3A_343, %max3A_351 : vector<16xf32>
            %iota3A = tpu.iota {dimensions = array<i32: 0>} : vector<16xi32>
            %add3A_353 = vector.broadcast %mul3A_322 : i32 to vector<16xi32>
            %add3A_354 = arith.addi %add3A_353, %iota3A : vector<16xi32>
            %add3A_355 = vector.broadcast %squeeze3A_310 : f32 to vector<16xf32>
            %add3A_356 = arith.addf %add3A_355, %get3A_337 : vector<16xf32>
            %sub3A_357 = arith.subf %add3A_356, %mul3A_352 : vector<16xf32>
            %add3A_358 = arith.constant 9.99999997E-7 : f32
            %add3A_359 = vector.broadcast %add3A_358 : f32 to vector<16xf32>
            %add3A_360 = arith.addf %sub3A_357, %add3A_359 : vector<16xf32>
            %mul3A_361 = arith.constant 3.000000e-01 : f32
            %mul3A_362 = vector.broadcast %mul3A_361 : f32 to vector<16xf32>
            %mul3A_363 = arith.mulf %add3A_360, %mul3A_362 : vector<16xf32>
            %gt3A = arith.cmpf ogt, %mul3A_352, %mul3A_363 : vector<16xf32>
            %gt3A_364 = vector.broadcast %add3A_158 : i32 to vector<16xi32>
            %gt3A_365 = arith.cmpi sgt, %add3A_354, %gt3A_364 : vector<16xi32>
            %and3A_366 = arith.andi %gt3A, %gt3A_365 : vector<16xi1>
            %get3A_367 = arith.index_cast %mul3A_322 : i32 to index
            %get3A_368 = tpu.vector_load %arg19[%get3A_367] {strides = array<i32>} : memref<5120xi32, #tpu.memory_space<vmem>>, vector<16xi32>,
            %get3A_369 = vector.shape_cast %get3A_368 : vector<16xi32> to vector<16xi32>
            %jit3A = arith.constant 1 : i32
            %jit3A_370 = arith.constant 0 : i32
            %broadcast_in_dim3A_371 = vector.broadcast %jit3A : i32 to vector<16xi32>
            %broadcast_in_dim3A_372 = vector.broadcast %jit3A_370 : i32 to vector<16xi32>
            %select_n3A = arith.select %and3A_366, %broadcast_in_dim3A_371, %broadcast_in_dim3A_372 : vector<16xi1>, vector<16xi32>
            %or3A = arith.ori %get3A_369, %select_n3A : vector<16xi32>
            %swap3A = arith.index_cast %mul3A_322 : i32 to index
            %swap3A_373 = tpu.vector_load %arg19[%swap3A] {strides = array<i32>} : memref<5120xi32, #tpu.memory_space<vmem>>, vector<16xi32>,
            %swap3A_374 = vector.shape_cast %swap3A_373 : vector<16xi32> to vector<16xi32>
            %swap3A_375 = vector.shape_cast %or3A : vector<16xi32> to vector<16xi32>
            tpu.vector_store %arg19[%swap3A], %swap3A_375 {strides = array<i32>} : memref<5120xi32, #tpu.memory_space<vmem>>, vector<16xi32>,
          }
          %while3A_319 = arith.constant 1 : i32
          scf.for %while3A_320 = %while3A_317 to %while3A_313 step %while3A_319  : i32 {
            %mul3A_321 = arith.constant 16 : i32
            %mul3A_322 = arith.muli %while3A_320, %mul3A_321 : i32
            %get3A_323 = arith.index_cast %mul3A_322 : i32 to index
            %get3A_324 = tpu.vector_load %arg13[%get3A_323] {strides = array<i32>} : memref<5120xf32, #tpu.memory_space<vmem>>, vector<16xf32>,
            %get3A_325 = vector.shape_cast %get3A_324 : vector<16xf32> to vector<16xf32>
            %get3A_326 = arith.index_cast %mul3A_322 : i32 to index
            %get3A_327 = tpu.vector_load %arg14[%get3A_326] {strides = array<i32>} : memref<5120xf32, #tpu.memory_space<vmem>>, vector<16xf32>,
            %get3A_328 = vector.shape_cast %get3A_327 : vector<16xf32> to vector<16xf32>
            %get3A_329 = arith.index_cast %mul3A_322 : i32 to index
            %get3A_330 = tpu.vector_load %arg15[%get3A_329] {strides = array<i32>} : memref<5120xf32, #tpu.memory_space<vmem>>, vector<16xf32>,
            %get3A_331 = vector.shape_cast %get3A_330 : vector<16xf32> to vector<16xf32>
            %get3A_332 = arith.index_cast %mul3A_322 : i32 to index
            %get3A_333 = tpu.vector_load %arg16[%get3A_332] {strides = array<i32>} : memref<5120xf32, #tpu.memory_space<vmem>>, vector<16xf32>,
            %get3A_334 = vector.shape_cast %get3A_333 : vector<16xf32> to vector<16xf32>
            %get3A_335 = arith.index_cast %mul3A_322 : i32 to index
            %get3A_336 = tpu.vector_load %arg18[%get3A_335] {strides = array<i32>} : memref<5120xf32, #tpu.memory_space<vmem>>, vector<16xf32>,
            %get3A_337 = vector.shape_cast %get3A_336 : vector<16xf32> to vector<16xf32>
            %min3A = vector.broadcast %squeeze3A_306 : f32 to vector<16xf32>
            %min3A_338 = arith.minimumf %min3A, %get3A_331 : vector<16xf32>
            %max3A = vector.broadcast %squeeze3A_302 : f32 to vector<16xf32>
            %max3A_339 = arith.maximumf %max3A, %get3A_325 : vector<16xf32>
            %sub3A_340 = arith.subf %min3A_338, %max3A_339 : vector<16xf32>
            %max3A_341 = arith.constant 0.000000e+00 : f32
            %max3A_342 = vector.broadcast %max3A_341 : f32 to vector<16xf32>
            %max3A_343 = arith.maximumf %sub3A_340, %max3A_342 : vector<16xf32>
            %min3A_344 = vector.broadcast %squeeze3A_308 : f32 to vector<16xf32>
            %min3A_345 = arith.minimumf %min3A_344, %get3A_334 : vector<16xf32>
            %max3A_346 = vector.broadcast %squeeze3A_304 : f32 to vector<16xf32>
            %max3A_347 = arith.maximumf %max3A_346, %get3A_328 : vector<16xf32>
            %sub3A_348 = arith.subf %min3A_345, %max3A_347 : vector<16xf32>
            %max3A_349 = arith.constant 0.000000e+00 : f32
            %max3A_350 = vector.broadcast %max3A_349 : f32 to vector<16xf32>
            %max3A_351 = arith.maximumf %sub3A_348, %max3A_350 : vector<16xf32>
            %mul3A_352 = arith.mulf %max3A_343, %max3A_351 : vector<16xf32>
            %iota3A = tpu.iota {dimensions = array<i32: 0>} : vector<16xi32>
            %add3A_353 = vector.broadcast %mul3A_322 : i32 to vector<16xi32>
            %add3A_354 = arith.addi %add3A_353, %iota3A : vector<16xi32>
            %add3A_355 = vector.broadcast %squeeze3A_310 : f32 to vector<16xf32>
            %add3A_356 = arith.addf %add3A_355, %get3A_337 : vector<16xf32>
            %sub3A_357 = arith.subf %add3A_356, %mul3A_352 : vector<16xf32>
            %add3A_358 = arith.constant 9.99999997E-7 : f32
            %add3A_359 = vector.broadcast %add3A_358 : f32 to vector<16xf32>
            %add3A_360 = arith.addf %sub3A_357, %add3A_359 : vector<16xf32>
            %mul3A_361 = arith.constant 3.000000e-01 : f32
            %mul3A_362 = vector.broadcast %mul3A_361 : f32 to vector<16xf32>
            %mul3A_363 = arith.mulf %add3A_360, %mul3A_362 : vector<16xf32>
            %gt3A = arith.cmpf ogt, %mul3A_352, %mul3A_363 : vector<16xf32>
            %gt3A_364 = vector.broadcast %add3A_158 : i32 to vector<16xi32>
            %gt3A_365 = arith.cmpi sgt, %add3A_354, %gt3A_364 : vector<16xi32>
            %and3A_366 = arith.andi %gt3A, %gt3A_365 : vector<16xi1>
            %get3A_367 = arith.index_cast %mul3A_322 : i32 to index
            %get3A_368 = tpu.vector_load %arg19[%get3A_367] {strides = array<i32>} : memref<5120xi32, #tpu.memory_space<vmem>>, vector<16xi32>,
            %get3A_369 = vector.shape_cast %get3A_368 : vector<16xi32> to vector<16xi32>
            %jit3A = arith.constant 1 : i32
            %jit3A_370 = arith.constant 0 : i32
            %broadcast_in_dim3A_371 = vector.broadcast %jit3A : i32 to vector<16xi32>
            %broadcast_in_dim3A_372 = vector.broadcast %jit3A_370 : i32 to vector<16xi32>
            %select_n3A = arith.select %and3A_366, %broadcast_in_dim3A_371, %broadcast_in_dim3A_372 : vector<16xi1>, vector<16xi32>
            %or3A = arith.ori %get3A_369, %select_n3A : vector<16xi32>
            %swap3A = arith.index_cast %mul3A_322 : i32 to index
            %swap3A_373 = tpu.vector_load %arg19[%swap3A] {strides = array<i32>} : memref<5120xi32, #tpu.memory_space<vmem>>, vector<16xi32>,
            %swap3A_374 = vector.shape_cast %swap3A_373 : vector<16xi32> to vector<16xi32>
            %swap3A_375 = vector.shape_cast %or3A : vector<16xi32> to vector<16xi32>
            tpu.vector_store %arg19[%swap3A], %swap3A_375 {strides = array<i32>} : memref<5120xi32, #tpu.memory_space<vmem>>, vector<16xi32>,
          }
        } else {
        }
        %add3A_169 = arith.constant 5 : i32
        %add3A_170 = arith.addi %mul3A_93, %add3A_169 : i32
        %get3A_171 = arith.index_cast %mul3A_93 : i32 to index
        %get3A_172 = tpu.vector_load %arg19[%get3A_171] {strides = array<i32>} : memref<5120xi32, #tpu.memory_space<vmem>>, vector<16xi32>,
        %get3A_173 = vector.shape_cast %get3A_172 : vector<16xi32> to vector<16xi32>
        %slice3A_174 = vector.extract_strided_slice %get3A_173 {offsets = [5], sizes = [1], strides = [1]} : vector<16xi32> to vector<1xi32>
        %squeeze3A_175 = vector.extract %slice3A_174[0] : i32 from vector<1xi32>
        %eq3A_176 = arith.constant 0 : i32
        %eq3A_177 = arith.cmpi eq, %squeeze3A_175, %eq3A_176 : i32
        %convert_element_type3A_178 = arith.extui %eq3A_177 : i1 to i32
        %cond3A_179 = arith.constant 0 : i32
        %cond3A_180 = arith.cmpi ne, %convert_element_type3A_178, %cond3A_179 : i32
        scf.if %cond3A_180 {
          %slice3A_301 = vector.extract_strided_slice %get3A_96 {offsets = [5], sizes = [1], strides = [1]} : vector<16xf32> to vector<1xf32>
          %squeeze3A_302 = vector.extract %slice3A_301[0] : f32 from vector<1xf32>
          %slice3A_303 = vector.extract_strided_slice %get3A_99 {offsets = [5], sizes = [1], strides = [1]} : vector<16xf32> to vector<1xf32>
          %squeeze3A_304 = vector.extract %slice3A_303[0] : f32 from vector<1xf32>
          %slice3A_305 = vector.extract_strided_slice %get3A_102 {offsets = [5], sizes = [1], strides = [1]} : vector<16xf32> to vector<1xf32>
          %squeeze3A_306 = vector.extract %slice3A_305[0] : f32 from vector<1xf32>
          %slice3A_307 = vector.extract_strided_slice %get3A_105 {offsets = [5], sizes = [1], strides = [1]} : vector<16xf32> to vector<1xf32>
          %squeeze3A_308 = vector.extract %slice3A_307[0] : f32 from vector<1xf32>
          %slice3A_309 = vector.extract_strided_slice %get3A_108 {offsets = [5], sizes = [1], strides = [1]} : vector<16xf32> to vector<1xf32>
          %squeeze3A_310 = vector.extract %slice3A_309[0] : f32 from vector<1xf32>
          %while3A = arith.constant 0 : i32
          %while3A_311 = arith.constant 320 : i32
          %while3A_312 = arith.subi %while3A_311, %scan3A_91 : i32
          %while3A_313 = arith.addi %scan3A_91, %while3A_312 : i32
          %while3A_314 = arith.constant 1 : i32
          %while3A_315 = arith.divsi %while3A_312, %while3A_314 : i32
          %while3A_316 = arith.muli %while3A_315, %while3A_314 : i32
          %while3A_317 = arith.addi %scan3A_91, %while3A_316 : i32
          %while3A_318 = arith.constant 1 : i32
          scf.for %while3A_320 = %scan3A_91 to %while3A_317 step %while3A_318  : i32 {
            %mul3A_321 = arith.constant 16 : i32
            %mul3A_322 = arith.muli %while3A_320, %mul3A_321 : i32
            %get3A_323 = arith.index_cast %mul3A_322 : i32 to index
            %get3A_324 = tpu.vector_load %arg13[%get3A_323] {strides = array<i32>} : memref<5120xf32, #tpu.memory_space<vmem>>, vector<16xf32>,
            %get3A_325 = vector.shape_cast %get3A_324 : vector<16xf32> to vector<16xf32>
            %get3A_326 = arith.index_cast %mul3A_322 : i32 to index
            %get3A_327 = tpu.vector_load %arg14[%get3A_326] {strides = array<i32>} : memref<5120xf32, #tpu.memory_space<vmem>>, vector<16xf32>,
            %get3A_328 = vector.shape_cast %get3A_327 : vector<16xf32> to vector<16xf32>
            %get3A_329 = arith.index_cast %mul3A_322 : i32 to index
            %get3A_330 = tpu.vector_load %arg15[%get3A_329] {strides = array<i32>} : memref<5120xf32, #tpu.memory_space<vmem>>, vector<16xf32>,
            %get3A_331 = vector.shape_cast %get3A_330 : vector<16xf32> to vector<16xf32>
            %get3A_332 = arith.index_cast %mul3A_322 : i32 to index
            %get3A_333 = tpu.vector_load %arg16[%get3A_332] {strides = array<i32>} : memref<5120xf32, #tpu.memory_space<vmem>>, vector<16xf32>,
            %get3A_334 = vector.shape_cast %get3A_333 : vector<16xf32> to vector<16xf32>
            %get3A_335 = arith.index_cast %mul3A_322 : i32 to index
            %get3A_336 = tpu.vector_load %arg18[%get3A_335] {strides = array<i32>} : memref<5120xf32, #tpu.memory_space<vmem>>, vector<16xf32>,
            %get3A_337 = vector.shape_cast %get3A_336 : vector<16xf32> to vector<16xf32>
            %min3A = vector.broadcast %squeeze3A_306 : f32 to vector<16xf32>
            %min3A_338 = arith.minimumf %min3A, %get3A_331 : vector<16xf32>
            %max3A = vector.broadcast %squeeze3A_302 : f32 to vector<16xf32>
            %max3A_339 = arith.maximumf %max3A, %get3A_325 : vector<16xf32>
            %sub3A_340 = arith.subf %min3A_338, %max3A_339 : vector<16xf32>
            %max3A_341 = arith.constant 0.000000e+00 : f32
            %max3A_342 = vector.broadcast %max3A_341 : f32 to vector<16xf32>
            %max3A_343 = arith.maximumf %sub3A_340, %max3A_342 : vector<16xf32>
            %min3A_344 = vector.broadcast %squeeze3A_308 : f32 to vector<16xf32>
            %min3A_345 = arith.minimumf %min3A_344, %get3A_334 : vector<16xf32>
            %max3A_346 = vector.broadcast %squeeze3A_304 : f32 to vector<16xf32>
            %max3A_347 = arith.maximumf %max3A_346, %get3A_328 : vector<16xf32>
            %sub3A_348 = arith.subf %min3A_345, %max3A_347 : vector<16xf32>
            %max3A_349 = arith.constant 0.000000e+00 : f32
            %max3A_350 = vector.broadcast %max3A_349 : f32 to vector<16xf32>
            %max3A_351 = arith.maximumf %sub3A_348, %max3A_350 : vector<16xf32>
            %mul3A_352 = arith.mulf %max3A_343, %max3A_351 : vector<16xf32>
            %iota3A = tpu.iota {dimensions = array<i32: 0>} : vector<16xi32>
            %add3A_353 = vector.broadcast %mul3A_322 : i32 to vector<16xi32>
            %add3A_354 = arith.addi %add3A_353, %iota3A : vector<16xi32>
            %add3A_355 = vector.broadcast %squeeze3A_310 : f32 to vector<16xf32>
            %add3A_356 = arith.addf %add3A_355, %get3A_337 : vector<16xf32>
            %sub3A_357 = arith.subf %add3A_356, %mul3A_352 : vector<16xf32>
            %add3A_358 = arith.constant 9.99999997E-7 : f32
            %add3A_359 = vector.broadcast %add3A_358 : f32 to vector<16xf32>
            %add3A_360 = arith.addf %sub3A_357, %add3A_359 : vector<16xf32>
            %mul3A_361 = arith.constant 3.000000e-01 : f32
            %mul3A_362 = vector.broadcast %mul3A_361 : f32 to vector<16xf32>
            %mul3A_363 = arith.mulf %add3A_360, %mul3A_362 : vector<16xf32>
            %gt3A = arith.cmpf ogt, %mul3A_352, %mul3A_363 : vector<16xf32>
            %gt3A_364 = vector.broadcast %add3A_170 : i32 to vector<16xi32>
            %gt3A_365 = arith.cmpi sgt, %add3A_354, %gt3A_364 : vector<16xi32>
            %and3A_366 = arith.andi %gt3A, %gt3A_365 : vector<16xi1>
            %get3A_367 = arith.index_cast %mul3A_322 : i32 to index
            %get3A_368 = tpu.vector_load %arg19[%get3A_367] {strides = array<i32>} : memref<5120xi32, #tpu.memory_space<vmem>>, vector<16xi32>,
            %get3A_369 = vector.shape_cast %get3A_368 : vector<16xi32> to vector<16xi32>
            %jit3A = arith.constant 1 : i32
            %jit3A_370 = arith.constant 0 : i32
            %broadcast_in_dim3A_371 = vector.broadcast %jit3A : i32 to vector<16xi32>
            %broadcast_in_dim3A_372 = vector.broadcast %jit3A_370 : i32 to vector<16xi32>
            %select_n3A = arith.select %and3A_366, %broadcast_in_dim3A_371, %broadcast_in_dim3A_372 : vector<16xi1>, vector<16xi32>
            %or3A = arith.ori %get3A_369, %select_n3A : vector<16xi32>
            %swap3A = arith.index_cast %mul3A_322 : i32 to index
            %swap3A_373 = tpu.vector_load %arg19[%swap3A] {strides = array<i32>} : memref<5120xi32, #tpu.memory_space<vmem>>, vector<16xi32>,
            %swap3A_374 = vector.shape_cast %swap3A_373 : vector<16xi32> to vector<16xi32>
            %swap3A_375 = vector.shape_cast %or3A : vector<16xi32> to vector<16xi32>
            tpu.vector_store %arg19[%swap3A], %swap3A_375 {strides = array<i32>} : memref<5120xi32, #tpu.memory_space<vmem>>, vector<16xi32>,
          }
          %while3A_319 = arith.constant 1 : i32
          scf.for %while3A_320 = %while3A_317 to %while3A_313 step %while3A_319  : i32 {
            %mul3A_321 = arith.constant 16 : i32
            %mul3A_322 = arith.muli %while3A_320, %mul3A_321 : i32
            %get3A_323 = arith.index_cast %mul3A_322 : i32 to index
            %get3A_324 = tpu.vector_load %arg13[%get3A_323] {strides = array<i32>} : memref<5120xf32, #tpu.memory_space<vmem>>, vector<16xf32>,
            %get3A_325 = vector.shape_cast %get3A_324 : vector<16xf32> to vector<16xf32>
            %get3A_326 = arith.index_cast %mul3A_322 : i32 to index
            %get3A_327 = tpu.vector_load %arg14[%get3A_326] {strides = array<i32>} : memref<5120xf32, #tpu.memory_space<vmem>>, vector<16xf32>,
            %get3A_328 = vector.shape_cast %get3A_327 : vector<16xf32> to vector<16xf32>
            %get3A_329 = arith.index_cast %mul3A_322 : i32 to index
            %get3A_330 = tpu.vector_load %arg15[%get3A_329] {strides = array<i32>} : memref<5120xf32, #tpu.memory_space<vmem>>, vector<16xf32>,
            %get3A_331 = vector.shape_cast %get3A_330 : vector<16xf32> to vector<16xf32>
            %get3A_332 = arith.index_cast %mul3A_322 : i32 to index
            %get3A_333 = tpu.vector_load %arg16[%get3A_332] {strides = array<i32>} : memref<5120xf32, #tpu.memory_space<vmem>>, vector<16xf32>,
            %get3A_334 = vector.shape_cast %get3A_333 : vector<16xf32> to vector<16xf32>
            %get3A_335 = arith.index_cast %mul3A_322 : i32 to index
            %get3A_336 = tpu.vector_load %arg18[%get3A_335] {strides = array<i32>} : memref<5120xf32, #tpu.memory_space<vmem>>, vector<16xf32>,
            %get3A_337 = vector.shape_cast %get3A_336 : vector<16xf32> to vector<16xf32>
            %min3A = vector.broadcast %squeeze3A_306 : f32 to vector<16xf32>
            %min3A_338 = arith.minimumf %min3A, %get3A_331 : vector<16xf32>
            %max3A = vector.broadcast %squeeze3A_302 : f32 to vector<16xf32>
            %max3A_339 = arith.maximumf %max3A, %get3A_325 : vector<16xf32>
            %sub3A_340 = arith.subf %min3A_338, %max3A_339 : vector<16xf32>
            %max3A_341 = arith.constant 0.000000e+00 : f32
            %max3A_342 = vector.broadcast %max3A_341 : f32 to vector<16xf32>
            %max3A_343 = arith.maximumf %sub3A_340, %max3A_342 : vector<16xf32>
            %min3A_344 = vector.broadcast %squeeze3A_308 : f32 to vector<16xf32>
            %min3A_345 = arith.minimumf %min3A_344, %get3A_334 : vector<16xf32>
            %max3A_346 = vector.broadcast %squeeze3A_304 : f32 to vector<16xf32>
            %max3A_347 = arith.maximumf %max3A_346, %get3A_328 : vector<16xf32>
            %sub3A_348 = arith.subf %min3A_345, %max3A_347 : vector<16xf32>
            %max3A_349 = arith.constant 0.000000e+00 : f32
            %max3A_350 = vector.broadcast %max3A_349 : f32 to vector<16xf32>
            %max3A_351 = arith.maximumf %sub3A_348, %max3A_350 : vector<16xf32>
            %mul3A_352 = arith.mulf %max3A_343, %max3A_351 : vector<16xf32>
            %iota3A = tpu.iota {dimensions = array<i32: 0>} : vector<16xi32>
            %add3A_353 = vector.broadcast %mul3A_322 : i32 to vector<16xi32>
            %add3A_354 = arith.addi %add3A_353, %iota3A : vector<16xi32>
            %add3A_355 = vector.broadcast %squeeze3A_310 : f32 to vector<16xf32>
            %add3A_356 = arith.addf %add3A_355, %get3A_337 : vector<16xf32>
            %sub3A_357 = arith.subf %add3A_356, %mul3A_352 : vector<16xf32>
            %add3A_358 = arith.constant 9.99999997E-7 : f32
            %add3A_359 = vector.broadcast %add3A_358 : f32 to vector<16xf32>
            %add3A_360 = arith.addf %sub3A_357, %add3A_359 : vector<16xf32>
            %mul3A_361 = arith.constant 3.000000e-01 : f32
            %mul3A_362 = vector.broadcast %mul3A_361 : f32 to vector<16xf32>
            %mul3A_363 = arith.mulf %add3A_360, %mul3A_362 : vector<16xf32>
            %gt3A = arith.cmpf ogt, %mul3A_352, %mul3A_363 : vector<16xf32>
            %gt3A_364 = vector.broadcast %add3A_170 : i32 to vector<16xi32>
            %gt3A_365 = arith.cmpi sgt, %add3A_354, %gt3A_364 : vector<16xi32>
            %and3A_366 = arith.andi %gt3A, %gt3A_365 : vector<16xi1>
            %get3A_367 = arith.index_cast %mul3A_322 : i32 to index
            %get3A_368 = tpu.vector_load %arg19[%get3A_367] {strides = array<i32>} : memref<5120xi32, #tpu.memory_space<vmem>>, vector<16xi32>,
            %get3A_369 = vector.shape_cast %get3A_368 : vector<16xi32> to vector<16xi32>
            %jit3A = arith.constant 1 : i32
            %jit3A_370 = arith.constant 0 : i32
            %broadcast_in_dim3A_371 = vector.broadcast %jit3A : i32 to vector<16xi32>
            %broadcast_in_dim3A_372 = vector.broadcast %jit3A_370 : i32 to vector<16xi32>
            %select_n3A = arith.select %and3A_366, %broadcast_in_dim3A_371, %broadcast_in_dim3A_372 : vector<16xi1>, vector<16xi32>
            %or3A = arith.ori %get3A_369, %select_n3A : vector<16xi32>
            %swap3A = arith.index_cast %mul3A_322 : i32 to index
            %swap3A_373 = tpu.vector_load %arg19[%swap3A] {strides = array<i32>} : memref<5120xi32, #tpu.memory_space<vmem>>, vector<16xi32>,
            %swap3A_374 = vector.shape_cast %swap3A_373 : vector<16xi32> to vector<16xi32>
            %swap3A_375 = vector.shape_cast %or3A : vector<16xi32> to vector<16xi32>
            tpu.vector_store %arg19[%swap3A], %swap3A_375 {strides = array<i32>} : memref<5120xi32, #tpu.memory_space<vmem>>, vector<16xi32>,
          }
        } else {
        }
        %add3A_181 = arith.constant 6 : i32
        %add3A_182 = arith.addi %mul3A_93, %add3A_181 : i32
        %get3A_183 = arith.index_cast %mul3A_93 : i32 to index
        %get3A_184 = tpu.vector_load %arg19[%get3A_183] {strides = array<i32>} : memref<5120xi32, #tpu.memory_space<vmem>>, vector<16xi32>,
        %get3A_185 = vector.shape_cast %get3A_184 : vector<16xi32> to vector<16xi32>
        %slice3A_186 = vector.extract_strided_slice %get3A_185 {offsets = [6], sizes = [1], strides = [1]} : vector<16xi32> to vector<1xi32>
        %squeeze3A_187 = vector.extract %slice3A_186[0] : i32 from vector<1xi32>
        %eq3A_188 = arith.constant 0 : i32
        %eq3A_189 = arith.cmpi eq, %squeeze3A_187, %eq3A_188 : i32
        %convert_element_type3A_190 = arith.extui %eq3A_189 : i1 to i32
        %cond3A_191 = arith.constant 0 : i32
        %cond3A_192 = arith.cmpi ne, %convert_element_type3A_190, %cond3A_191 : i32
        scf.if %cond3A_192 {
          %slice3A_301 = vector.extract_strided_slice %get3A_96 {offsets = [6], sizes = [1], strides = [1]} : vector<16xf32> to vector<1xf32>
          %squeeze3A_302 = vector.extract %slice3A_301[0] : f32 from vector<1xf32>
          %slice3A_303 = vector.extract_strided_slice %get3A_99 {offsets = [6], sizes = [1], strides = [1]} : vector<16xf32> to vector<1xf32>
          %squeeze3A_304 = vector.extract %slice3A_303[0] : f32 from vector<1xf32>
          %slice3A_305 = vector.extract_strided_slice %get3A_102 {offsets = [6], sizes = [1], strides = [1]} : vector<16xf32> to vector<1xf32>
          %squeeze3A_306 = vector.extract %slice3A_305[0] : f32 from vector<1xf32>
          %slice3A_307 = vector.extract_strided_slice %get3A_105 {offsets = [6], sizes = [1], strides = [1]} : vector<16xf32> to vector<1xf32>
          %squeeze3A_308 = vector.extract %slice3A_307[0] : f32 from vector<1xf32>
          %slice3A_309 = vector.extract_strided_slice %get3A_108 {offsets = [6], sizes = [1], strides = [1]} : vector<16xf32> to vector<1xf32>
          %squeeze3A_310 = vector.extract %slice3A_309[0] : f32 from vector<1xf32>
          %while3A = arith.constant 0 : i32
          %while3A_311 = arith.constant 320 : i32
          %while3A_312 = arith.subi %while3A_311, %scan3A_91 : i32
          %while3A_313 = arith.addi %scan3A_91, %while3A_312 : i32
          %while3A_314 = arith.constant 1 : i32
          %while3A_315 = arith.divsi %while3A_312, %while3A_314 : i32
          %while3A_316 = arith.muli %while3A_315, %while3A_314 : i32
          %while3A_317 = arith.addi %scan3A_91, %while3A_316 : i32
          %while3A_318 = arith.constant 1 : i32
          scf.for %while3A_320 = %scan3A_91 to %while3A_317 step %while3A_318  : i32 {
            %mul3A_321 = arith.constant 16 : i32
            %mul3A_322 = arith.muli %while3A_320, %mul3A_321 : i32
            %get3A_323 = arith.index_cast %mul3A_322 : i32 to index
            %get3A_324 = tpu.vector_load %arg13[%get3A_323] {strides = array<i32>} : memref<5120xf32, #tpu.memory_space<vmem>>, vector<16xf32>,
            %get3A_325 = vector.shape_cast %get3A_324 : vector<16xf32> to vector<16xf32>
            %get3A_326 = arith.index_cast %mul3A_322 : i32 to index
            %get3A_327 = tpu.vector_load %arg14[%get3A_326] {strides = array<i32>} : memref<5120xf32, #tpu.memory_space<vmem>>, vector<16xf32>,
            %get3A_328 = vector.shape_cast %get3A_327 : vector<16xf32> to vector<16xf32>
            %get3A_329 = arith.index_cast %mul3A_322 : i32 to index
            %get3A_330 = tpu.vector_load %arg15[%get3A_329] {strides = array<i32>} : memref<5120xf32, #tpu.memory_space<vmem>>, vector<16xf32>,
            %get3A_331 = vector.shape_cast %get3A_330 : vector<16xf32> to vector<16xf32>
            %get3A_332 = arith.index_cast %mul3A_322 : i32 to index
            %get3A_333 = tpu.vector_load %arg16[%get3A_332] {strides = array<i32>} : memref<5120xf32, #tpu.memory_space<vmem>>, vector<16xf32>,
            %get3A_334 = vector.shape_cast %get3A_333 : vector<16xf32> to vector<16xf32>
            %get3A_335 = arith.index_cast %mul3A_322 : i32 to index
            %get3A_336 = tpu.vector_load %arg18[%get3A_335] {strides = array<i32>} : memref<5120xf32, #tpu.memory_space<vmem>>, vector<16xf32>,
            %get3A_337 = vector.shape_cast %get3A_336 : vector<16xf32> to vector<16xf32>
            %min3A = vector.broadcast %squeeze3A_306 : f32 to vector<16xf32>
            %min3A_338 = arith.minimumf %min3A, %get3A_331 : vector<16xf32>
            %max3A = vector.broadcast %squeeze3A_302 : f32 to vector<16xf32>
            %max3A_339 = arith.maximumf %max3A, %get3A_325 : vector<16xf32>
            %sub3A_340 = arith.subf %min3A_338, %max3A_339 : vector<16xf32>
            %max3A_341 = arith.constant 0.000000e+00 : f32
            %max3A_342 = vector.broadcast %max3A_341 : f32 to vector<16xf32>
            %max3A_343 = arith.maximumf %sub3A_340, %max3A_342 : vector<16xf32>
            %min3A_344 = vector.broadcast %squeeze3A_308 : f32 to vector<16xf32>
            %min3A_345 = arith.minimumf %min3A_344, %get3A_334 : vector<16xf32>
            %max3A_346 = vector.broadcast %squeeze3A_304 : f32 to vector<16xf32>
            %max3A_347 = arith.maximumf %max3A_346, %get3A_328 : vector<16xf32>
            %sub3A_348 = arith.subf %min3A_345, %max3A_347 : vector<16xf32>
            %max3A_349 = arith.constant 0.000000e+00 : f32
            %max3A_350 = vector.broadcast %max3A_349 : f32 to vector<16xf32>
            %max3A_351 = arith.maximumf %sub3A_348, %max3A_350 : vector<16xf32>
            %mul3A_352 = arith.mulf %max3A_343, %max3A_351 : vector<16xf32>
            %iota3A = tpu.iota {dimensions = array<i32: 0>} : vector<16xi32>
            %add3A_353 = vector.broadcast %mul3A_322 : i32 to vector<16xi32>
            %add3A_354 = arith.addi %add3A_353, %iota3A : vector<16xi32>
            %add3A_355 = vector.broadcast %squeeze3A_310 : f32 to vector<16xf32>
            %add3A_356 = arith.addf %add3A_355, %get3A_337 : vector<16xf32>
            %sub3A_357 = arith.subf %add3A_356, %mul3A_352 : vector<16xf32>
            %add3A_358 = arith.constant 9.99999997E-7 : f32
            %add3A_359 = vector.broadcast %add3A_358 : f32 to vector<16xf32>
            %add3A_360 = arith.addf %sub3A_357, %add3A_359 : vector<16xf32>
            %mul3A_361 = arith.constant 3.000000e-01 : f32
            %mul3A_362 = vector.broadcast %mul3A_361 : f32 to vector<16xf32>
            %mul3A_363 = arith.mulf %add3A_360, %mul3A_362 : vector<16xf32>
            %gt3A = arith.cmpf ogt, %mul3A_352, %mul3A_363 : vector<16xf32>
            %gt3A_364 = vector.broadcast %add3A_182 : i32 to vector<16xi32>
            %gt3A_365 = arith.cmpi sgt, %add3A_354, %gt3A_364 : vector<16xi32>
            %and3A_366 = arith.andi %gt3A, %gt3A_365 : vector<16xi1>
            %get3A_367 = arith.index_cast %mul3A_322 : i32 to index
            %get3A_368 = tpu.vector_load %arg19[%get3A_367] {strides = array<i32>} : memref<5120xi32, #tpu.memory_space<vmem>>, vector<16xi32>,
            %get3A_369 = vector.shape_cast %get3A_368 : vector<16xi32> to vector<16xi32>
            %jit3A = arith.constant 1 : i32
            %jit3A_370 = arith.constant 0 : i32
            %broadcast_in_dim3A_371 = vector.broadcast %jit3A : i32 to vector<16xi32>
            %broadcast_in_dim3A_372 = vector.broadcast %jit3A_370 : i32 to vector<16xi32>
            %select_n3A = arith.select %and3A_366, %broadcast_in_dim3A_371, %broadcast_in_dim3A_372 : vector<16xi1>, vector<16xi32>
            %or3A = arith.ori %get3A_369, %select_n3A : vector<16xi32>
            %swap3A = arith.index_cast %mul3A_322 : i32 to index
            %swap3A_373 = tpu.vector_load %arg19[%swap3A] {strides = array<i32>} : memref<5120xi32, #tpu.memory_space<vmem>>, vector<16xi32>,
            %swap3A_374 = vector.shape_cast %swap3A_373 : vector<16xi32> to vector<16xi32>
            %swap3A_375 = vector.shape_cast %or3A : vector<16xi32> to vector<16xi32>
            tpu.vector_store %arg19[%swap3A], %swap3A_375 {strides = array<i32>} : memref<5120xi32, #tpu.memory_space<vmem>>, vector<16xi32>,
          }
          %while3A_319 = arith.constant 1 : i32
          scf.for %while3A_320 = %while3A_317 to %while3A_313 step %while3A_319  : i32 {
            %mul3A_321 = arith.constant 16 : i32
            %mul3A_322 = arith.muli %while3A_320, %mul3A_321 : i32
            %get3A_323 = arith.index_cast %mul3A_322 : i32 to index
            %get3A_324 = tpu.vector_load %arg13[%get3A_323] {strides = array<i32>} : memref<5120xf32, #tpu.memory_space<vmem>>, vector<16xf32>,
            %get3A_325 = vector.shape_cast %get3A_324 : vector<16xf32> to vector<16xf32>
            %get3A_326 = arith.index_cast %mul3A_322 : i32 to index
            %get3A_327 = tpu.vector_load %arg14[%get3A_326] {strides = array<i32>} : memref<5120xf32, #tpu.memory_space<vmem>>, vector<16xf32>,
            %get3A_328 = vector.shape_cast %get3A_327 : vector<16xf32> to vector<16xf32>
            %get3A_329 = arith.index_cast %mul3A_322 : i32 to index
            %get3A_330 = tpu.vector_load %arg15[%get3A_329] {strides = array<i32>} : memref<5120xf32, #tpu.memory_space<vmem>>, vector<16xf32>,
            %get3A_331 = vector.shape_cast %get3A_330 : vector<16xf32> to vector<16xf32>
            %get3A_332 = arith.index_cast %mul3A_322 : i32 to index
            %get3A_333 = tpu.vector_load %arg16[%get3A_332] {strides = array<i32>} : memref<5120xf32, #tpu.memory_space<vmem>>, vector<16xf32>,
            %get3A_334 = vector.shape_cast %get3A_333 : vector<16xf32> to vector<16xf32>
            %get3A_335 = arith.index_cast %mul3A_322 : i32 to index
            %get3A_336 = tpu.vector_load %arg18[%get3A_335] {strides = array<i32>} : memref<5120xf32, #tpu.memory_space<vmem>>, vector<16xf32>,
            %get3A_337 = vector.shape_cast %get3A_336 : vector<16xf32> to vector<16xf32>
            %min3A = vector.broadcast %squeeze3A_306 : f32 to vector<16xf32>
            %min3A_338 = arith.minimumf %min3A, %get3A_331 : vector<16xf32>
            %max3A = vector.broadcast %squeeze3A_302 : f32 to vector<16xf32>
            %max3A_339 = arith.maximumf %max3A, %get3A_325 : vector<16xf32>
            %sub3A_340 = arith.subf %min3A_338, %max3A_339 : vector<16xf32>
            %max3A_341 = arith.constant 0.000000e+00 : f32
            %max3A_342 = vector.broadcast %max3A_341 : f32 to vector<16xf32>
            %max3A_343 = arith.maximumf %sub3A_340, %max3A_342 : vector<16xf32>
            %min3A_344 = vector.broadcast %squeeze3A_308 : f32 to vector<16xf32>
            %min3A_345 = arith.minimumf %min3A_344, %get3A_334 : vector<16xf32>
            %max3A_346 = vector.broadcast %squeeze3A_304 : f32 to vector<16xf32>
            %max3A_347 = arith.maximumf %max3A_346, %get3A_328 : vector<16xf32>
            %sub3A_348 = arith.subf %min3A_345, %max3A_347 : vector<16xf32>
            %max3A_349 = arith.constant 0.000000e+00 : f32
            %max3A_350 = vector.broadcast %max3A_349 : f32 to vector<16xf32>
            %max3A_351 = arith.maximumf %sub3A_348, %max3A_350 : vector<16xf32>
            %mul3A_352 = arith.mulf %max3A_343, %max3A_351 : vector<16xf32>
            %iota3A = tpu.iota {dimensions = array<i32: 0>} : vector<16xi32>
            %add3A_353 = vector.broadcast %mul3A_322 : i32 to vector<16xi32>
            %add3A_354 = arith.addi %add3A_353, %iota3A : vector<16xi32>
            %add3A_355 = vector.broadcast %squeeze3A_310 : f32 to vector<16xf32>
            %add3A_356 = arith.addf %add3A_355, %get3A_337 : vector<16xf32>
            %sub3A_357 = arith.subf %add3A_356, %mul3A_352 : vector<16xf32>
            %add3A_358 = arith.constant 9.99999997E-7 : f32
            %add3A_359 = vector.broadcast %add3A_358 : f32 to vector<16xf32>
            %add3A_360 = arith.addf %sub3A_357, %add3A_359 : vector<16xf32>
            %mul3A_361 = arith.constant 3.000000e-01 : f32
            %mul3A_362 = vector.broadcast %mul3A_361 : f32 to vector<16xf32>
            %mul3A_363 = arith.mulf %add3A_360, %mul3A_362 : vector<16xf32>
            %gt3A = arith.cmpf ogt, %mul3A_352, %mul3A_363 : vector<16xf32>
            %gt3A_364 = vector.broadcast %add3A_182 : i32 to vector<16xi32>
            %gt3A_365 = arith.cmpi sgt, %add3A_354, %gt3A_364 : vector<16xi32>
            %and3A_366 = arith.andi %gt3A, %gt3A_365 : vector<16xi1>
            %get3A_367 = arith.index_cast %mul3A_322 : i32 to index
            %get3A_368 = tpu.vector_load %arg19[%get3A_367] {strides = array<i32>} : memref<5120xi32, #tpu.memory_space<vmem>>, vector<16xi32>,
            %get3A_369 = vector.shape_cast %get3A_368 : vector<16xi32> to vector<16xi32>
            %jit3A = arith.constant 1 : i32
            %jit3A_370 = arith.constant 0 : i32
            %broadcast_in_dim3A_371 = vector.broadcast %jit3A : i32 to vector<16xi32>
            %broadcast_in_dim3A_372 = vector.broadcast %jit3A_370 : i32 to vector<16xi32>
            %select_n3A = arith.select %and3A_366, %broadcast_in_dim3A_371, %broadcast_in_dim3A_372 : vector<16xi1>, vector<16xi32>
            %or3A = arith.ori %get3A_369, %select_n3A : vector<16xi32>
            %swap3A = arith.index_cast %mul3A_322 : i32 to index
            %swap3A_373 = tpu.vector_load %arg19[%swap3A] {strides = array<i32>} : memref<5120xi32, #tpu.memory_space<vmem>>, vector<16xi32>,
            %swap3A_374 = vector.shape_cast %swap3A_373 : vector<16xi32> to vector<16xi32>
            %swap3A_375 = vector.shape_cast %or3A : vector<16xi32> to vector<16xi32>
            tpu.vector_store %arg19[%swap3A], %swap3A_375 {strides = array<i32>} : memref<5120xi32, #tpu.memory_space<vmem>>, vector<16xi32>,
          }
        } else {
        }
        %add3A_193 = arith.constant 7 : i32
        %add3A_194 = arith.addi %mul3A_93, %add3A_193 : i32
        %get3A_195 = arith.index_cast %mul3A_93 : i32 to index
        %get3A_196 = tpu.vector_load %arg19[%get3A_195] {strides = array<i32>} : memref<5120xi32, #tpu.memory_space<vmem>>, vector<16xi32>,
        %get3A_197 = vector.shape_cast %get3A_196 : vector<16xi32> to vector<16xi32>
        %slice3A_198 = vector.extract_strided_slice %get3A_197 {offsets = [7], sizes = [1], strides = [1]} : vector<16xi32> to vector<1xi32>
        %squeeze3A_199 = vector.extract %slice3A_198[0] : i32 from vector<1xi32>
        %eq3A_200 = arith.constant 0 : i32
        %eq3A_201 = arith.cmpi eq, %squeeze3A_199, %eq3A_200 : i32
        %convert_element_type3A_202 = arith.extui %eq3A_201 : i1 to i32
        %cond3A_203 = arith.constant 0 : i32
        %cond3A_204 = arith.cmpi ne, %convert_element_type3A_202, %cond3A_203 : i32
        scf.if %cond3A_204 {
          %slice3A_301 = vector.extract_strided_slice %get3A_96 {offsets = [7], sizes = [1], strides = [1]} : vector<16xf32> to vector<1xf32>
          %squeeze3A_302 = vector.extract %slice3A_301[0] : f32 from vector<1xf32>
          %slice3A_303 = vector.extract_strided_slice %get3A_99 {offsets = [7], sizes = [1], strides = [1]} : vector<16xf32> to vector<1xf32>
          %squeeze3A_304 = vector.extract %slice3A_303[0] : f32 from vector<1xf32>
          %slice3A_305 = vector.extract_strided_slice %get3A_102 {offsets = [7], sizes = [1], strides = [1]} : vector<16xf32> to vector<1xf32>
          %squeeze3A_306 = vector.extract %slice3A_305[0] : f32 from vector<1xf32>
          %slice3A_307 = vector.extract_strided_slice %get3A_105 {offsets = [7], sizes = [1], strides = [1]} : vector<16xf32> to vector<1xf32>
          %squeeze3A_308 = vector.extract %slice3A_307[0] : f32 from vector<1xf32>
          %slice3A_309 = vector.extract_strided_slice %get3A_108 {offsets = [7], sizes = [1], strides = [1]} : vector<16xf32> to vector<1xf32>
          %squeeze3A_310 = vector.extract %slice3A_309[0] : f32 from vector<1xf32>
          %while3A = arith.constant 0 : i32
          %while3A_311 = arith.constant 320 : i32
          %while3A_312 = arith.subi %while3A_311, %scan3A_91 : i32
          %while3A_313 = arith.addi %scan3A_91, %while3A_312 : i32
          %while3A_314 = arith.constant 1 : i32
          %while3A_315 = arith.divsi %while3A_312, %while3A_314 : i32
          %while3A_316 = arith.muli %while3A_315, %while3A_314 : i32
          %while3A_317 = arith.addi %scan3A_91, %while3A_316 : i32
          %while3A_318 = arith.constant 1 : i32
          scf.for %while3A_320 = %scan3A_91 to %while3A_317 step %while3A_318  : i32 {
            %mul3A_321 = arith.constant 16 : i32
            %mul3A_322 = arith.muli %while3A_320, %mul3A_321 : i32
            %get3A_323 = arith.index_cast %mul3A_322 : i32 to index
            %get3A_324 = tpu.vector_load %arg13[%get3A_323] {strides = array<i32>} : memref<5120xf32, #tpu.memory_space<vmem>>, vector<16xf32>,
            %get3A_325 = vector.shape_cast %get3A_324 : vector<16xf32> to vector<16xf32>
            %get3A_326 = arith.index_cast %mul3A_322 : i32 to index
            %get3A_327 = tpu.vector_load %arg14[%get3A_326] {strides = array<i32>} : memref<5120xf32, #tpu.memory_space<vmem>>, vector<16xf32>,
            %get3A_328 = vector.shape_cast %get3A_327 : vector<16xf32> to vector<16xf32>
            %get3A_329 = arith.index_cast %mul3A_322 : i32 to index
            %get3A_330 = tpu.vector_load %arg15[%get3A_329] {strides = array<i32>} : memref<5120xf32, #tpu.memory_space<vmem>>, vector<16xf32>,
            %get3A_331 = vector.shape_cast %get3A_330 : vector<16xf32> to vector<16xf32>
            %get3A_332 = arith.index_cast %mul3A_322 : i32 to index
            %get3A_333 = tpu.vector_load %arg16[%get3A_332] {strides = array<i32>} : memref<5120xf32, #tpu.memory_space<vmem>>, vector<16xf32>,
            %get3A_334 = vector.shape_cast %get3A_333 : vector<16xf32> to vector<16xf32>
            %get3A_335 = arith.index_cast %mul3A_322 : i32 to index
            %get3A_336 = tpu.vector_load %arg18[%get3A_335] {strides = array<i32>} : memref<5120xf32, #tpu.memory_space<vmem>>, vector<16xf32>,
            %get3A_337 = vector.shape_cast %get3A_336 : vector<16xf32> to vector<16xf32>
            %min3A = vector.broadcast %squeeze3A_306 : f32 to vector<16xf32>
            %min3A_338 = arith.minimumf %min3A, %get3A_331 : vector<16xf32>
            %max3A = vector.broadcast %squeeze3A_302 : f32 to vector<16xf32>
            %max3A_339 = arith.maximumf %max3A, %get3A_325 : vector<16xf32>
            %sub3A_340 = arith.subf %min3A_338, %max3A_339 : vector<16xf32>
            %max3A_341 = arith.constant 0.000000e+00 : f32
            %max3A_342 = vector.broadcast %max3A_341 : f32 to vector<16xf32>
            %max3A_343 = arith.maximumf %sub3A_340, %max3A_342 : vector<16xf32>
            %min3A_344 = vector.broadcast %squeeze3A_308 : f32 to vector<16xf32>
            %min3A_345 = arith.minimumf %min3A_344, %get3A_334 : vector<16xf32>
            %max3A_346 = vector.broadcast %squeeze3A_304 : f32 to vector<16xf32>
            %max3A_347 = arith.maximumf %max3A_346, %get3A_328 : vector<16xf32>
            %sub3A_348 = arith.subf %min3A_345, %max3A_347 : vector<16xf32>
            %max3A_349 = arith.constant 0.000000e+00 : f32
            %max3A_350 = vector.broadcast %max3A_349 : f32 to vector<16xf32>
            %max3A_351 = arith.maximumf %sub3A_348, %max3A_350 : vector<16xf32>
            %mul3A_352 = arith.mulf %max3A_343, %max3A_351 : vector<16xf32>
            %iota3A = tpu.iota {dimensions = array<i32: 0>} : vector<16xi32>
            %add3A_353 = vector.broadcast %mul3A_322 : i32 to vector<16xi32>
            %add3A_354 = arith.addi %add3A_353, %iota3A : vector<16xi32>
            %add3A_355 = vector.broadcast %squeeze3A_310 : f32 to vector<16xf32>
            %add3A_356 = arith.addf %add3A_355, %get3A_337 : vector<16xf32>
            %sub3A_357 = arith.subf %add3A_356, %mul3A_352 : vector<16xf32>
            %add3A_358 = arith.constant 9.99999997E-7 : f32
            %add3A_359 = vector.broadcast %add3A_358 : f32 to vector<16xf32>
            %add3A_360 = arith.addf %sub3A_357, %add3A_359 : vector<16xf32>
            %mul3A_361 = arith.constant 3.000000e-01 : f32
            %mul3A_362 = vector.broadcast %mul3A_361 : f32 to vector<16xf32>
            %mul3A_363 = arith.mulf %add3A_360, %mul3A_362 : vector<16xf32>
            %gt3A = arith.cmpf ogt, %mul3A_352, %mul3A_363 : vector<16xf32>
            %gt3A_364 = vector.broadcast %add3A_194 : i32 to vector<16xi32>
            %gt3A_365 = arith.cmpi sgt, %add3A_354, %gt3A_364 : vector<16xi32>
            %and3A_366 = arith.andi %gt3A, %gt3A_365 : vector<16xi1>
            %get3A_367 = arith.index_cast %mul3A_322 : i32 to index
            %get3A_368 = tpu.vector_load %arg19[%get3A_367] {strides = array<i32>} : memref<5120xi32, #tpu.memory_space<vmem>>, vector<16xi32>,
            %get3A_369 = vector.shape_cast %get3A_368 : vector<16xi32> to vector<16xi32>
            %jit3A = arith.constant 1 : i32
            %jit3A_370 = arith.constant 0 : i32
            %broadcast_in_dim3A_371 = vector.broadcast %jit3A : i32 to vector<16xi32>
            %broadcast_in_dim3A_372 = vector.broadcast %jit3A_370 : i32 to vector<16xi32>
            %select_n3A = arith.select %and3A_366, %broadcast_in_dim3A_371, %broadcast_in_dim3A_372 : vector<16xi1>, vector<16xi32>
            %or3A = arith.ori %get3A_369, %select_n3A : vector<16xi32>
            %swap3A = arith.index_cast %mul3A_322 : i32 to index
            %swap3A_373 = tpu.vector_load %arg19[%swap3A] {strides = array<i32>} : memref<5120xi32, #tpu.memory_space<vmem>>, vector<16xi32>,
            %swap3A_374 = vector.shape_cast %swap3A_373 : vector<16xi32> to vector<16xi32>
            %swap3A_375 = vector.shape_cast %or3A : vector<16xi32> to vector<16xi32>
            tpu.vector_store %arg19[%swap3A], %swap3A_375 {strides = array<i32>} : memref<5120xi32, #tpu.memory_space<vmem>>, vector<16xi32>,
          }
          %while3A_319 = arith.constant 1 : i32
          scf.for %while3A_320 = %while3A_317 to %while3A_313 step %while3A_319  : i32 {
            %mul3A_321 = arith.constant 16 : i32
            %mul3A_322 = arith.muli %while3A_320, %mul3A_321 : i32
            %get3A_323 = arith.index_cast %mul3A_322 : i32 to index
            %get3A_324 = tpu.vector_load %arg13[%get3A_323] {strides = array<i32>} : memref<5120xf32, #tpu.memory_space<vmem>>, vector<16xf32>,
            %get3A_325 = vector.shape_cast %get3A_324 : vector<16xf32> to vector<16xf32>
            %get3A_326 = arith.index_cast %mul3A_322 : i32 to index
            %get3A_327 = tpu.vector_load %arg14[%get3A_326] {strides = array<i32>} : memref<5120xf32, #tpu.memory_space<vmem>>, vector<16xf32>,
            %get3A_328 = vector.shape_cast %get3A_327 : vector<16xf32> to vector<16xf32>
            %get3A_329 = arith.index_cast %mul3A_322 : i32 to index
            %get3A_330 = tpu.vector_load %arg15[%get3A_329] {strides = array<i32>} : memref<5120xf32, #tpu.memory_space<vmem>>, vector<16xf32>,
            %get3A_331 = vector.shape_cast %get3A_330 : vector<16xf32> to vector<16xf32>
            %get3A_332 = arith.index_cast %mul3A_322 : i32 to index
            %get3A_333 = tpu.vector_load %arg16[%get3A_332] {strides = array<i32>} : memref<5120xf32, #tpu.memory_space<vmem>>, vector<16xf32>,
            %get3A_334 = vector.shape_cast %get3A_333 : vector<16xf32> to vector<16xf32>
            %get3A_335 = arith.index_cast %mul3A_322 : i32 to index
            %get3A_336 = tpu.vector_load %arg18[%get3A_335] {strides = array<i32>} : memref<5120xf32, #tpu.memory_space<vmem>>, vector<16xf32>,
            %get3A_337 = vector.shape_cast %get3A_336 : vector<16xf32> to vector<16xf32>
            %min3A = vector.broadcast %squeeze3A_306 : f32 to vector<16xf32>
            %min3A_338 = arith.minimumf %min3A, %get3A_331 : vector<16xf32>
            %max3A = vector.broadcast %squeeze3A_302 : f32 to vector<16xf32>
            %max3A_339 = arith.maximumf %max3A, %get3A_325 : vector<16xf32>
            %sub3A_340 = arith.subf %min3A_338, %max3A_339 : vector<16xf32>
            %max3A_341 = arith.constant 0.000000e+00 : f32
            %max3A_342 = vector.broadcast %max3A_341 : f32 to vector<16xf32>
            %max3A_343 = arith.maximumf %sub3A_340, %max3A_342 : vector<16xf32>
            %min3A_344 = vector.broadcast %squeeze3A_308 : f32 to vector<16xf32>
            %min3A_345 = arith.minimumf %min3A_344, %get3A_334 : vector<16xf32>
            %max3A_346 = vector.broadcast %squeeze3A_304 : f32 to vector<16xf32>
            %max3A_347 = arith.maximumf %max3A_346, %get3A_328 : vector<16xf32>
            %sub3A_348 = arith.subf %min3A_345, %max3A_347 : vector<16xf32>
            %max3A_349 = arith.constant 0.000000e+00 : f32
            %max3A_350 = vector.broadcast %max3A_349 : f32 to vector<16xf32>
            %max3A_351 = arith.maximumf %sub3A_348, %max3A_350 : vector<16xf32>
            %mul3A_352 = arith.mulf %max3A_343, %max3A_351 : vector<16xf32>
            %iota3A = tpu.iota {dimensions = array<i32: 0>} : vector<16xi32>
            %add3A_353 = vector.broadcast %mul3A_322 : i32 to vector<16xi32>
            %add3A_354 = arith.addi %add3A_353, %iota3A : vector<16xi32>
            %add3A_355 = vector.broadcast %squeeze3A_310 : f32 to vector<16xf32>
            %add3A_356 = arith.addf %add3A_355, %get3A_337 : vector<16xf32>
            %sub3A_357 = arith.subf %add3A_356, %mul3A_352 : vector<16xf32>
            %add3A_358 = arith.constant 9.99999997E-7 : f32
            %add3A_359 = vector.broadcast %add3A_358 : f32 to vector<16xf32>
            %add3A_360 = arith.addf %sub3A_357, %add3A_359 : vector<16xf32>
            %mul3A_361 = arith.constant 3.000000e-01 : f32
            %mul3A_362 = vector.broadcast %mul3A_361 : f32 to vector<16xf32>
            %mul3A_363 = arith.mulf %add3A_360, %mul3A_362 : vector<16xf32>
            %gt3A = arith.cmpf ogt, %mul3A_352, %mul3A_363 : vector<16xf32>
            %gt3A_364 = vector.broadcast %add3A_194 : i32 to vector<16xi32>
            %gt3A_365 = arith.cmpi sgt, %add3A_354, %gt3A_364 : vector<16xi32>
            %and3A_366 = arith.andi %gt3A, %gt3A_365 : vector<16xi1>
            %get3A_367 = arith.index_cast %mul3A_322 : i32 to index
            %get3A_368 = tpu.vector_load %arg19[%get3A_367] {strides = array<i32>} : memref<5120xi32, #tpu.memory_space<vmem>>, vector<16xi32>,
            %get3A_369 = vector.shape_cast %get3A_368 : vector<16xi32> to vector<16xi32>
            %jit3A = arith.constant 1 : i32
            %jit3A_370 = arith.constant 0 : i32
            %broadcast_in_dim3A_371 = vector.broadcast %jit3A : i32 to vector<16xi32>
            %broadcast_in_dim3A_372 = vector.broadcast %jit3A_370 : i32 to vector<16xi32>
            %select_n3A = arith.select %and3A_366, %broadcast_in_dim3A_371, %broadcast_in_dim3A_372 : vector<16xi1>, vector<16xi32>
            %or3A = arith.ori %get3A_369, %select_n3A : vector<16xi32>
            %swap3A = arith.index_cast %mul3A_322 : i32 to index
            %swap3A_373 = tpu.vector_load %arg19[%swap3A] {strides = array<i32>} : memref<5120xi32, #tpu.memory_space<vmem>>, vector<16xi32>,
            %swap3A_374 = vector.shape_cast %swap3A_373 : vector<16xi32> to vector<16xi32>
            %swap3A_375 = vector.shape_cast %or3A : vector<16xi32> to vector<16xi32>
            tpu.vector_store %arg19[%swap3A], %swap3A_375 {strides = array<i32>} : memref<5120xi32, #tpu.memory_space<vmem>>, vector<16xi32>,
          }
        } else {
        }
        %add3A_205 = arith.constant 8 : i32
        %add3A_206 = arith.addi %mul3A_93, %add3A_205 : i32
        %get3A_207 = arith.index_cast %mul3A_93 : i32 to index
        %get3A_208 = tpu.vector_load %arg19[%get3A_207] {strides = array<i32>} : memref<5120xi32, #tpu.memory_space<vmem>>, vector<16xi32>,
        %get3A_209 = vector.shape_cast %get3A_208 : vector<16xi32> to vector<16xi32>
        %slice3A_210 = vector.extract_strided_slice %get3A_209 {offsets = [8], sizes = [1], strides = [1]} : vector<16xi32> to vector<1xi32>
        %squeeze3A_211 = vector.extract %slice3A_210[0] : i32 from vector<1xi32>
        %eq3A_212 = arith.constant 0 : i32
        %eq3A_213 = arith.cmpi eq, %squeeze3A_211, %eq3A_212 : i32
        %convert_element_type3A_214 = arith.extui %eq3A_213 : i1 to i32
        %cond3A_215 = arith.constant 0 : i32
        %cond3A_216 = arith.cmpi ne, %convert_element_type3A_214, %cond3A_215 : i32
        scf.if %cond3A_216 {
          %slice3A_301 = vector.extract_strided_slice %get3A_96 {offsets = [8], sizes = [1], strides = [1]} : vector<16xf32> to vector<1xf32>
          %squeeze3A_302 = vector.extract %slice3A_301[0] : f32 from vector<1xf32>
          %slice3A_303 = vector.extract_strided_slice %get3A_99 {offsets = [8], sizes = [1], strides = [1]} : vector<16xf32> to vector<1xf32>
          %squeeze3A_304 = vector.extract %slice3A_303[0] : f32 from vector<1xf32>
          %slice3A_305 = vector.extract_strided_slice %get3A_102 {offsets = [8], sizes = [1], strides = [1]} : vector<16xf32> to vector<1xf32>
          %squeeze3A_306 = vector.extract %slice3A_305[0] : f32 from vector<1xf32>
          %slice3A_307 = vector.extract_strided_slice %get3A_105 {offsets = [8], sizes = [1], strides = [1]} : vector<16xf32> to vector<1xf32>
          %squeeze3A_308 = vector.extract %slice3A_307[0] : f32 from vector<1xf32>
          %slice3A_309 = vector.extract_strided_slice %get3A_108 {offsets = [8], sizes = [1], strides = [1]} : vector<16xf32> to vector<1xf32>
          %squeeze3A_310 = vector.extract %slice3A_309[0] : f32 from vector<1xf32>
          %while3A = arith.constant 0 : i32
          %while3A_311 = arith.constant 320 : i32
          %while3A_312 = arith.subi %while3A_311, %scan3A_91 : i32
          %while3A_313 = arith.addi %scan3A_91, %while3A_312 : i32
          %while3A_314 = arith.constant 1 : i32
          %while3A_315 = arith.divsi %while3A_312, %while3A_314 : i32
          %while3A_316 = arith.muli %while3A_315, %while3A_314 : i32
          %while3A_317 = arith.addi %scan3A_91, %while3A_316 : i32
          %while3A_318 = arith.constant 1 : i32
          scf.for %while3A_320 = %scan3A_91 to %while3A_317 step %while3A_318  : i32 {
            %mul3A_321 = arith.constant 16 : i32
            %mul3A_322 = arith.muli %while3A_320, %mul3A_321 : i32
            %get3A_323 = arith.index_cast %mul3A_322 : i32 to index
            %get3A_324 = tpu.vector_load %arg13[%get3A_323] {strides = array<i32>} : memref<5120xf32, #tpu.memory_space<vmem>>, vector<16xf32>,
            %get3A_325 = vector.shape_cast %get3A_324 : vector<16xf32> to vector<16xf32>
            %get3A_326 = arith.index_cast %mul3A_322 : i32 to index
            %get3A_327 = tpu.vector_load %arg14[%get3A_326] {strides = array<i32>} : memref<5120xf32, #tpu.memory_space<vmem>>, vector<16xf32>,
            %get3A_328 = vector.shape_cast %get3A_327 : vector<16xf32> to vector<16xf32>
            %get3A_329 = arith.index_cast %mul3A_322 : i32 to index
            %get3A_330 = tpu.vector_load %arg15[%get3A_329] {strides = array<i32>} : memref<5120xf32, #tpu.memory_space<vmem>>, vector<16xf32>,
            %get3A_331 = vector.shape_cast %get3A_330 : vector<16xf32> to vector<16xf32>
            %get3A_332 = arith.index_cast %mul3A_322 : i32 to index
            %get3A_333 = tpu.vector_load %arg16[%get3A_332] {strides = array<i32>} : memref<5120xf32, #tpu.memory_space<vmem>>, vector<16xf32>,
            %get3A_334 = vector.shape_cast %get3A_333 : vector<16xf32> to vector<16xf32>
            %get3A_335 = arith.index_cast %mul3A_322 : i32 to index
            %get3A_336 = tpu.vector_load %arg18[%get3A_335] {strides = array<i32>} : memref<5120xf32, #tpu.memory_space<vmem>>, vector<16xf32>,
            %get3A_337 = vector.shape_cast %get3A_336 : vector<16xf32> to vector<16xf32>
            %min3A = vector.broadcast %squeeze3A_306 : f32 to vector<16xf32>
            %min3A_338 = arith.minimumf %min3A, %get3A_331 : vector<16xf32>
            %max3A = vector.broadcast %squeeze3A_302 : f32 to vector<16xf32>
            %max3A_339 = arith.maximumf %max3A, %get3A_325 : vector<16xf32>
            %sub3A_340 = arith.subf %min3A_338, %max3A_339 : vector<16xf32>
            %max3A_341 = arith.constant 0.000000e+00 : f32
            %max3A_342 = vector.broadcast %max3A_341 : f32 to vector<16xf32>
            %max3A_343 = arith.maximumf %sub3A_340, %max3A_342 : vector<16xf32>
            %min3A_344 = vector.broadcast %squeeze3A_308 : f32 to vector<16xf32>
            %min3A_345 = arith.minimumf %min3A_344, %get3A_334 : vector<16xf32>
            %max3A_346 = vector.broadcast %squeeze3A_304 : f32 to vector<16xf32>
            %max3A_347 = arith.maximumf %max3A_346, %get3A_328 : vector<16xf32>
            %sub3A_348 = arith.subf %min3A_345, %max3A_347 : vector<16xf32>
            %max3A_349 = arith.constant 0.000000e+00 : f32
            %max3A_350 = vector.broadcast %max3A_349 : f32 to vector<16xf32>
            %max3A_351 = arith.maximumf %sub3A_348, %max3A_350 : vector<16xf32>
            %mul3A_352 = arith.mulf %max3A_343, %max3A_351 : vector<16xf32>
            %iota3A = tpu.iota {dimensions = array<i32: 0>} : vector<16xi32>
            %add3A_353 = vector.broadcast %mul3A_322 : i32 to vector<16xi32>
            %add3A_354 = arith.addi %add3A_353, %iota3A : vector<16xi32>
            %add3A_355 = vector.broadcast %squeeze3A_310 : f32 to vector<16xf32>
            %add3A_356 = arith.addf %add3A_355, %get3A_337 : vector<16xf32>
            %sub3A_357 = arith.subf %add3A_356, %mul3A_352 : vector<16xf32>
            %add3A_358 = arith.constant 9.99999997E-7 : f32
            %add3A_359 = vector.broadcast %add3A_358 : f32 to vector<16xf32>
            %add3A_360 = arith.addf %sub3A_357, %add3A_359 : vector<16xf32>
            %mul3A_361 = arith.constant 3.000000e-01 : f32
            %mul3A_362 = vector.broadcast %mul3A_361 : f32 to vector<16xf32>
            %mul3A_363 = arith.mulf %add3A_360, %mul3A_362 : vector<16xf32>
            %gt3A = arith.cmpf ogt, %mul3A_352, %mul3A_363 : vector<16xf32>
            %gt3A_364 = vector.broadcast %add3A_206 : i32 to vector<16xi32>
            %gt3A_365 = arith.cmpi sgt, %add3A_354, %gt3A_364 : vector<16xi32>
            %and3A_366 = arith.andi %gt3A, %gt3A_365 : vector<16xi1>
            %get3A_367 = arith.index_cast %mul3A_322 : i32 to index
            %get3A_368 = tpu.vector_load %arg19[%get3A_367] {strides = array<i32>} : memref<5120xi32, #tpu.memory_space<vmem>>, vector<16xi32>,
            %get3A_369 = vector.shape_cast %get3A_368 : vector<16xi32> to vector<16xi32>
            %jit3A = arith.constant 1 : i32
            %jit3A_370 = arith.constant 0 : i32
            %broadcast_in_dim3A_371 = vector.broadcast %jit3A : i32 to vector<16xi32>
            %broadcast_in_dim3A_372 = vector.broadcast %jit3A_370 : i32 to vector<16xi32>
            %select_n3A = arith.select %and3A_366, %broadcast_in_dim3A_371, %broadcast_in_dim3A_372 : vector<16xi1>, vector<16xi32>
            %or3A = arith.ori %get3A_369, %select_n3A : vector<16xi32>
            %swap3A = arith.index_cast %mul3A_322 : i32 to index
            %swap3A_373 = tpu.vector_load %arg19[%swap3A] {strides = array<i32>} : memref<5120xi32, #tpu.memory_space<vmem>>, vector<16xi32>,
            %swap3A_374 = vector.shape_cast %swap3A_373 : vector<16xi32> to vector<16xi32>
            %swap3A_375 = vector.shape_cast %or3A : vector<16xi32> to vector<16xi32>
            tpu.vector_store %arg19[%swap3A], %swap3A_375 {strides = array<i32>} : memref<5120xi32, #tpu.memory_space<vmem>>, vector<16xi32>,
          }
          %while3A_319 = arith.constant 1 : i32
          scf.for %while3A_320 = %while3A_317 to %while3A_313 step %while3A_319  : i32 {
            %mul3A_321 = arith.constant 16 : i32
            %mul3A_322 = arith.muli %while3A_320, %mul3A_321 : i32
            %get3A_323 = arith.index_cast %mul3A_322 : i32 to index
            %get3A_324 = tpu.vector_load %arg13[%get3A_323] {strides = array<i32>} : memref<5120xf32, #tpu.memory_space<vmem>>, vector<16xf32>,
            %get3A_325 = vector.shape_cast %get3A_324 : vector<16xf32> to vector<16xf32>
            %get3A_326 = arith.index_cast %mul3A_322 : i32 to index
            %get3A_327 = tpu.vector_load %arg14[%get3A_326] {strides = array<i32>} : memref<5120xf32, #tpu.memory_space<vmem>>, vector<16xf32>,
            %get3A_328 = vector.shape_cast %get3A_327 : vector<16xf32> to vector<16xf32>
            %get3A_329 = arith.index_cast %mul3A_322 : i32 to index
            %get3A_330 = tpu.vector_load %arg15[%get3A_329] {strides = array<i32>} : memref<5120xf32, #tpu.memory_space<vmem>>, vector<16xf32>,
            %get3A_331 = vector.shape_cast %get3A_330 : vector<16xf32> to vector<16xf32>
            %get3A_332 = arith.index_cast %mul3A_322 : i32 to index
            %get3A_333 = tpu.vector_load %arg16[%get3A_332] {strides = array<i32>} : memref<5120xf32, #tpu.memory_space<vmem>>, vector<16xf32>,
            %get3A_334 = vector.shape_cast %get3A_333 : vector<16xf32> to vector<16xf32>
            %get3A_335 = arith.index_cast %mul3A_322 : i32 to index
            %get3A_336 = tpu.vector_load %arg18[%get3A_335] {strides = array<i32>} : memref<5120xf32, #tpu.memory_space<vmem>>, vector<16xf32>,
            %get3A_337 = vector.shape_cast %get3A_336 : vector<16xf32> to vector<16xf32>
            %min3A = vector.broadcast %squeeze3A_306 : f32 to vector<16xf32>
            %min3A_338 = arith.minimumf %min3A, %get3A_331 : vector<16xf32>
            %max3A = vector.broadcast %squeeze3A_302 : f32 to vector<16xf32>
            %max3A_339 = arith.maximumf %max3A, %get3A_325 : vector<16xf32>
            %sub3A_340 = arith.subf %min3A_338, %max3A_339 : vector<16xf32>
            %max3A_341 = arith.constant 0.000000e+00 : f32
            %max3A_342 = vector.broadcast %max3A_341 : f32 to vector<16xf32>
            %max3A_343 = arith.maximumf %sub3A_340, %max3A_342 : vector<16xf32>
            %min3A_344 = vector.broadcast %squeeze3A_308 : f32 to vector<16xf32>
            %min3A_345 = arith.minimumf %min3A_344, %get3A_334 : vector<16xf32>
            %max3A_346 = vector.broadcast %squeeze3A_304 : f32 to vector<16xf32>
            %max3A_347 = arith.maximumf %max3A_346, %get3A_328 : vector<16xf32>
            %sub3A_348 = arith.subf %min3A_345, %max3A_347 : vector<16xf32>
            %max3A_349 = arith.constant 0.000000e+00 : f32
            %max3A_350 = vector.broadcast %max3A_349 : f32 to vector<16xf32>
            %max3A_351 = arith.maximumf %sub3A_348, %max3A_350 : vector<16xf32>
            %mul3A_352 = arith.mulf %max3A_343, %max3A_351 : vector<16xf32>
            %iota3A = tpu.iota {dimensions = array<i32: 0>} : vector<16xi32>
            %add3A_353 = vector.broadcast %mul3A_322 : i32 to vector<16xi32>
            %add3A_354 = arith.addi %add3A_353, %iota3A : vector<16xi32>
            %add3A_355 = vector.broadcast %squeeze3A_310 : f32 to vector<16xf32>
            %add3A_356 = arith.addf %add3A_355, %get3A_337 : vector<16xf32>
            %sub3A_357 = arith.subf %add3A_356, %mul3A_352 : vector<16xf32>
            %add3A_358 = arith.constant 9.99999997E-7 : f32
            %add3A_359 = vector.broadcast %add3A_358 : f32 to vector<16xf32>
            %add3A_360 = arith.addf %sub3A_357, %add3A_359 : vector<16xf32>
            %mul3A_361 = arith.constant 3.000000e-01 : f32
            %mul3A_362 = vector.broadcast %mul3A_361 : f32 to vector<16xf32>
            %mul3A_363 = arith.mulf %add3A_360, %mul3A_362 : vector<16xf32>
            %gt3A = arith.cmpf ogt, %mul3A_352, %mul3A_363 : vector<16xf32>
            %gt3A_364 = vector.broadcast %add3A_206 : i32 to vector<16xi32>
            %gt3A_365 = arith.cmpi sgt, %add3A_354, %gt3A_364 : vector<16xi32>
            %and3A_366 = arith.andi %gt3A, %gt3A_365 : vector<16xi1>
            %get3A_367 = arith.index_cast %mul3A_322 : i32 to index
            %get3A_368 = tpu.vector_load %arg19[%get3A_367] {strides = array<i32>} : memref<5120xi32, #tpu.memory_space<vmem>>, vector<16xi32>,
            %get3A_369 = vector.shape_cast %get3A_368 : vector<16xi32> to vector<16xi32>
            %jit3A = arith.constant 1 : i32
            %jit3A_370 = arith.constant 0 : i32
            %broadcast_in_dim3A_371 = vector.broadcast %jit3A : i32 to vector<16xi32>
            %broadcast_in_dim3A_372 = vector.broadcast %jit3A_370 : i32 to vector<16xi32>
            %select_n3A = arith.select %and3A_366, %broadcast_in_dim3A_371, %broadcast_in_dim3A_372 : vector<16xi1>, vector<16xi32>
            %or3A = arith.ori %get3A_369, %select_n3A : vector<16xi32>
            %swap3A = arith.index_cast %mul3A_322 : i32 to index
            %swap3A_373 = tpu.vector_load %arg19[%swap3A] {strides = array<i32>} : memref<5120xi32, #tpu.memory_space<vmem>>, vector<16xi32>,
            %swap3A_374 = vector.shape_cast %swap3A_373 : vector<16xi32> to vector<16xi32>
            %swap3A_375 = vector.shape_cast %or3A : vector<16xi32> to vector<16xi32>
            tpu.vector_store %arg19[%swap3A], %swap3A_375 {strides = array<i32>} : memref<5120xi32, #tpu.memory_space<vmem>>, vector<16xi32>,
          }
        } else {
        }
        %add3A_217 = arith.constant 9 : i32
        %add3A_218 = arith.addi %mul3A_93, %add3A_217 : i32
        %get3A_219 = arith.index_cast %mul3A_93 : i32 to index
        %get3A_220 = tpu.vector_load %arg19[%get3A_219] {strides = array<i32>} : memref<5120xi32, #tpu.memory_space<vmem>>, vector<16xi32>,
        %get3A_221 = vector.shape_cast %get3A_220 : vector<16xi32> to vector<16xi32>
        %slice3A_222 = vector.extract_strided_slice %get3A_221 {offsets = [9], sizes = [1], strides = [1]} : vector<16xi32> to vector<1xi32>
        %squeeze3A_223 = vector.extract %slice3A_222[0] : i32 from vector<1xi32>
        %eq3A_224 = arith.constant 0 : i32
        %eq3A_225 = arith.cmpi eq, %squeeze3A_223, %eq3A_224 : i32
        %convert_element_type3A_226 = arith.extui %eq3A_225 : i1 to i32
        %cond3A_227 = arith.constant 0 : i32
        %cond3A_228 = arith.cmpi ne, %convert_element_type3A_226, %cond3A_227 : i32
        scf.if %cond3A_228 {
          %slice3A_301 = vector.extract_strided_slice %get3A_96 {offsets = [9], sizes = [1], strides = [1]} : vector<16xf32> to vector<1xf32>
          %squeeze3A_302 = vector.extract %slice3A_301[0] : f32 from vector<1xf32>
          %slice3A_303 = vector.extract_strided_slice %get3A_99 {offsets = [9], sizes = [1], strides = [1]} : vector<16xf32> to vector<1xf32>
          %squeeze3A_304 = vector.extract %slice3A_303[0] : f32 from vector<1xf32>
          %slice3A_305 = vector.extract_strided_slice %get3A_102 {offsets = [9], sizes = [1], strides = [1]} : vector<16xf32> to vector<1xf32>
          %squeeze3A_306 = vector.extract %slice3A_305[0] : f32 from vector<1xf32>
          %slice3A_307 = vector.extract_strided_slice %get3A_105 {offsets = [9], sizes = [1], strides = [1]} : vector<16xf32> to vector<1xf32>
          %squeeze3A_308 = vector.extract %slice3A_307[0] : f32 from vector<1xf32>
          %slice3A_309 = vector.extract_strided_slice %get3A_108 {offsets = [9], sizes = [1], strides = [1]} : vector<16xf32> to vector<1xf32>
          %squeeze3A_310 = vector.extract %slice3A_309[0] : f32 from vector<1xf32>
          %while3A = arith.constant 0 : i32
          %while3A_311 = arith.constant 320 : i32
          %while3A_312 = arith.subi %while3A_311, %scan3A_91 : i32
          %while3A_313 = arith.addi %scan3A_91, %while3A_312 : i32
          %while3A_314 = arith.constant 1 : i32
          %while3A_315 = arith.divsi %while3A_312, %while3A_314 : i32
          %while3A_316 = arith.muli %while3A_315, %while3A_314 : i32
          %while3A_317 = arith.addi %scan3A_91, %while3A_316 : i32
          %while3A_318 = arith.constant 1 : i32
          scf.for %while3A_320 = %scan3A_91 to %while3A_317 step %while3A_318  : i32 {
            %mul3A_321 = arith.constant 16 : i32
            %mul3A_322 = arith.muli %while3A_320, %mul3A_321 : i32
            %get3A_323 = arith.index_cast %mul3A_322 : i32 to index
            %get3A_324 = tpu.vector_load %arg13[%get3A_323] {strides = array<i32>} : memref<5120xf32, #tpu.memory_space<vmem>>, vector<16xf32>,
            %get3A_325 = vector.shape_cast %get3A_324 : vector<16xf32> to vector<16xf32>
            %get3A_326 = arith.index_cast %mul3A_322 : i32 to index
            %get3A_327 = tpu.vector_load %arg14[%get3A_326] {strides = array<i32>} : memref<5120xf32, #tpu.memory_space<vmem>>, vector<16xf32>,
            %get3A_328 = vector.shape_cast %get3A_327 : vector<16xf32> to vector<16xf32>
            %get3A_329 = arith.index_cast %mul3A_322 : i32 to index
            %get3A_330 = tpu.vector_load %arg15[%get3A_329] {strides = array<i32>} : memref<5120xf32, #tpu.memory_space<vmem>>, vector<16xf32>,
            %get3A_331 = vector.shape_cast %get3A_330 : vector<16xf32> to vector<16xf32>
            %get3A_332 = arith.index_cast %mul3A_322 : i32 to index
            %get3A_333 = tpu.vector_load %arg16[%get3A_332] {strides = array<i32>} : memref<5120xf32, #tpu.memory_space<vmem>>, vector<16xf32>,
            %get3A_334 = vector.shape_cast %get3A_333 : vector<16xf32> to vector<16xf32>
            %get3A_335 = arith.index_cast %mul3A_322 : i32 to index
            %get3A_336 = tpu.vector_load %arg18[%get3A_335] {strides = array<i32>} : memref<5120xf32, #tpu.memory_space<vmem>>, vector<16xf32>,
            %get3A_337 = vector.shape_cast %get3A_336 : vector<16xf32> to vector<16xf32>
            %min3A = vector.broadcast %squeeze3A_306 : f32 to vector<16xf32>
            %min3A_338 = arith.minimumf %min3A, %get3A_331 : vector<16xf32>
            %max3A = vector.broadcast %squeeze3A_302 : f32 to vector<16xf32>
            %max3A_339 = arith.maximumf %max3A, %get3A_325 : vector<16xf32>
            %sub3A_340 = arith.subf %min3A_338, %max3A_339 : vector<16xf32>
            %max3A_341 = arith.constant 0.000000e+00 : f32
            %max3A_342 = vector.broadcast %max3A_341 : f32 to vector<16xf32>
            %max3A_343 = arith.maximumf %sub3A_340, %max3A_342 : vector<16xf32>
            %min3A_344 = vector.broadcast %squeeze3A_308 : f32 to vector<16xf32>
            %min3A_345 = arith.minimumf %min3A_344, %get3A_334 : vector<16xf32>
            %max3A_346 = vector.broadcast %squeeze3A_304 : f32 to vector<16xf32>
            %max3A_347 = arith.maximumf %max3A_346, %get3A_328 : vector<16xf32>
            %sub3A_348 = arith.subf %min3A_345, %max3A_347 : vector<16xf32>
            %max3A_349 = arith.constant 0.000000e+00 : f32
            %max3A_350 = vector.broadcast %max3A_349 : f32 to vector<16xf32>
            %max3A_351 = arith.maximumf %sub3A_348, %max3A_350 : vector<16xf32>
            %mul3A_352 = arith.mulf %max3A_343, %max3A_351 : vector<16xf32>
            %iota3A = tpu.iota {dimensions = array<i32: 0>} : vector<16xi32>
            %add3A_353 = vector.broadcast %mul3A_322 : i32 to vector<16xi32>
            %add3A_354 = arith.addi %add3A_353, %iota3A : vector<16xi32>
            %add3A_355 = vector.broadcast %squeeze3A_310 : f32 to vector<16xf32>
            %add3A_356 = arith.addf %add3A_355, %get3A_337 : vector<16xf32>
            %sub3A_357 = arith.subf %add3A_356, %mul3A_352 : vector<16xf32>
            %add3A_358 = arith.constant 9.99999997E-7 : f32
            %add3A_359 = vector.broadcast %add3A_358 : f32 to vector<16xf32>
            %add3A_360 = arith.addf %sub3A_357, %add3A_359 : vector<16xf32>
            %mul3A_361 = arith.constant 3.000000e-01 : f32
            %mul3A_362 = vector.broadcast %mul3A_361 : f32 to vector<16xf32>
            %mul3A_363 = arith.mulf %add3A_360, %mul3A_362 : vector<16xf32>
            %gt3A = arith.cmpf ogt, %mul3A_352, %mul3A_363 : vector<16xf32>
            %gt3A_364 = vector.broadcast %add3A_218 : i32 to vector<16xi32>
            %gt3A_365 = arith.cmpi sgt, %add3A_354, %gt3A_364 : vector<16xi32>
            %and3A_366 = arith.andi %gt3A, %gt3A_365 : vector<16xi1>
            %get3A_367 = arith.index_cast %mul3A_322 : i32 to index
            %get3A_368 = tpu.vector_load %arg19[%get3A_367] {strides = array<i32>} : memref<5120xi32, #tpu.memory_space<vmem>>, vector<16xi32>,
            %get3A_369 = vector.shape_cast %get3A_368 : vector<16xi32> to vector<16xi32>
            %jit3A = arith.constant 1 : i32
            %jit3A_370 = arith.constant 0 : i32
            %broadcast_in_dim3A_371 = vector.broadcast %jit3A : i32 to vector<16xi32>
            %broadcast_in_dim3A_372 = vector.broadcast %jit3A_370 : i32 to vector<16xi32>
            %select_n3A = arith.select %and3A_366, %broadcast_in_dim3A_371, %broadcast_in_dim3A_372 : vector<16xi1>, vector<16xi32>
            %or3A = arith.ori %get3A_369, %select_n3A : vector<16xi32>
            %swap3A = arith.index_cast %mul3A_322 : i32 to index
            %swap3A_373 = tpu.vector_load %arg19[%swap3A] {strides = array<i32>} : memref<5120xi32, #tpu.memory_space<vmem>>, vector<16xi32>,
            %swap3A_374 = vector.shape_cast %swap3A_373 : vector<16xi32> to vector<16xi32>
            %swap3A_375 = vector.shape_cast %or3A : vector<16xi32> to vector<16xi32>
            tpu.vector_store %arg19[%swap3A], %swap3A_375 {strides = array<i32>} : memref<5120xi32, #tpu.memory_space<vmem>>, vector<16xi32>,
          }
          %while3A_319 = arith.constant 1 : i32
          scf.for %while3A_320 = %while3A_317 to %while3A_313 step %while3A_319  : i32 {
            %mul3A_321 = arith.constant 16 : i32
            %mul3A_322 = arith.muli %while3A_320, %mul3A_321 : i32
            %get3A_323 = arith.index_cast %mul3A_322 : i32 to index
            %get3A_324 = tpu.vector_load %arg13[%get3A_323] {strides = array<i32>} : memref<5120xf32, #tpu.memory_space<vmem>>, vector<16xf32>,
            %get3A_325 = vector.shape_cast %get3A_324 : vector<16xf32> to vector<16xf32>
            %get3A_326 = arith.index_cast %mul3A_322 : i32 to index
            %get3A_327 = tpu.vector_load %arg14[%get3A_326] {strides = array<i32>} : memref<5120xf32, #tpu.memory_space<vmem>>, vector<16xf32>,
            %get3A_328 = vector.shape_cast %get3A_327 : vector<16xf32> to vector<16xf32>
            %get3A_329 = arith.index_cast %mul3A_322 : i32 to index
            %get3A_330 = tpu.vector_load %arg15[%get3A_329] {strides = array<i32>} : memref<5120xf32, #tpu.memory_space<vmem>>, vector<16xf32>,
            %get3A_331 = vector.shape_cast %get3A_330 : vector<16xf32> to vector<16xf32>
            %get3A_332 = arith.index_cast %mul3A_322 : i32 to index
            %get3A_333 = tpu.vector_load %arg16[%get3A_332] {strides = array<i32>} : memref<5120xf32, #tpu.memory_space<vmem>>, vector<16xf32>,
            %get3A_334 = vector.shape_cast %get3A_333 : vector<16xf32> to vector<16xf32>
            %get3A_335 = arith.index_cast %mul3A_322 : i32 to index
            %get3A_336 = tpu.vector_load %arg18[%get3A_335] {strides = array<i32>} : memref<5120xf32, #tpu.memory_space<vmem>>, vector<16xf32>,
            %get3A_337 = vector.shape_cast %get3A_336 : vector<16xf32> to vector<16xf32>
            %min3A = vector.broadcast %squeeze3A_306 : f32 to vector<16xf32>
            %min3A_338 = arith.minimumf %min3A, %get3A_331 : vector<16xf32>
            %max3A = vector.broadcast %squeeze3A_302 : f32 to vector<16xf32>
            %max3A_339 = arith.maximumf %max3A, %get3A_325 : vector<16xf32>
            %sub3A_340 = arith.subf %min3A_338, %max3A_339 : vector<16xf32>
            %max3A_341 = arith.constant 0.000000e+00 : f32
            %max3A_342 = vector.broadcast %max3A_341 : f32 to vector<16xf32>
            %max3A_343 = arith.maximumf %sub3A_340, %max3A_342 : vector<16xf32>
            %min3A_344 = vector.broadcast %squeeze3A_308 : f32 to vector<16xf32>
            %min3A_345 = arith.minimumf %min3A_344, %get3A_334 : vector<16xf32>
            %max3A_346 = vector.broadcast %squeeze3A_304 : f32 to vector<16xf32>
            %max3A_347 = arith.maximumf %max3A_346, %get3A_328 : vector<16xf32>
            %sub3A_348 = arith.subf %min3A_345, %max3A_347 : vector<16xf32>
            %max3A_349 = arith.constant 0.000000e+00 : f32
            %max3A_350 = vector.broadcast %max3A_349 : f32 to vector<16xf32>
            %max3A_351 = arith.maximumf %sub3A_348, %max3A_350 : vector<16xf32>
            %mul3A_352 = arith.mulf %max3A_343, %max3A_351 : vector<16xf32>
            %iota3A = tpu.iota {dimensions = array<i32: 0>} : vector<16xi32>
            %add3A_353 = vector.broadcast %mul3A_322 : i32 to vector<16xi32>
            %add3A_354 = arith.addi %add3A_353, %iota3A : vector<16xi32>
            %add3A_355 = vector.broadcast %squeeze3A_310 : f32 to vector<16xf32>
            %add3A_356 = arith.addf %add3A_355, %get3A_337 : vector<16xf32>
            %sub3A_357 = arith.subf %add3A_356, %mul3A_352 : vector<16xf32>
            %add3A_358 = arith.constant 9.99999997E-7 : f32
            %add3A_359 = vector.broadcast %add3A_358 : f32 to vector<16xf32>
            %add3A_360 = arith.addf %sub3A_357, %add3A_359 : vector<16xf32>
            %mul3A_361 = arith.constant 3.000000e-01 : f32
            %mul3A_362 = vector.broadcast %mul3A_361 : f32 to vector<16xf32>
            %mul3A_363 = arith.mulf %add3A_360, %mul3A_362 : vector<16xf32>
            %gt3A = arith.cmpf ogt, %mul3A_352, %mul3A_363 : vector<16xf32>
            %gt3A_364 = vector.broadcast %add3A_218 : i32 to vector<16xi32>
            %gt3A_365 = arith.cmpi sgt, %add3A_354, %gt3A_364 : vector<16xi32>
            %and3A_366 = arith.andi %gt3A, %gt3A_365 : vector<16xi1>
            %get3A_367 = arith.index_cast %mul3A_322 : i32 to index
            %get3A_368 = tpu.vector_load %arg19[%get3A_367] {strides = array<i32>} : memref<5120xi32, #tpu.memory_space<vmem>>, vector<16xi32>,
            %get3A_369 = vector.shape_cast %get3A_368 : vector<16xi32> to vector<16xi32>
            %jit3A = arith.constant 1 : i32
            %jit3A_370 = arith.constant 0 : i32
            %broadcast_in_dim3A_371 = vector.broadcast %jit3A : i32 to vector<16xi32>
            %broadcast_in_dim3A_372 = vector.broadcast %jit3A_370 : i32 to vector<16xi32>
            %select_n3A = arith.select %and3A_366, %broadcast_in_dim3A_371, %broadcast_in_dim3A_372 : vector<16xi1>, vector<16xi32>
            %or3A = arith.ori %get3A_369, %select_n3A : vector<16xi32>
            %swap3A = arith.index_cast %mul3A_322 : i32 to index
            %swap3A_373 = tpu.vector_load %arg19[%swap3A] {strides = array<i32>} : memref<5120xi32, #tpu.memory_space<vmem>>, vector<16xi32>,
            %swap3A_374 = vector.shape_cast %swap3A_373 : vector<16xi32> to vector<16xi32>
            %swap3A_375 = vector.shape_cast %or3A : vector<16xi32> to vector<16xi32>
            tpu.vector_store %arg19[%swap3A], %swap3A_375 {strides = array<i32>} : memref<5120xi32, #tpu.memory_space<vmem>>, vector<16xi32>,
          }
        } else {
        }
        %add3A_229 = arith.constant 10 : i32
        %add3A_230 = arith.addi %mul3A_93, %add3A_229 : i32
        %get3A_231 = arith.index_cast %mul3A_93 : i32 to index
        %get3A_232 = tpu.vector_load %arg19[%get3A_231] {strides = array<i32>} : memref<5120xi32, #tpu.memory_space<vmem>>, vector<16xi32>,
        %get3A_233 = vector.shape_cast %get3A_232 : vector<16xi32> to vector<16xi32>
        %slice3A_234 = vector.extract_strided_slice %get3A_233 {offsets = [10], sizes = [1], strides = [1]} : vector<16xi32> to vector<1xi32>
        %squeeze3A_235 = vector.extract %slice3A_234[0] : i32 from vector<1xi32>
        %eq3A_236 = arith.constant 0 : i32
        %eq3A_237 = arith.cmpi eq, %squeeze3A_235, %eq3A_236 : i32
        %convert_element_type3A_238 = arith.extui %eq3A_237 : i1 to i32
        %cond3A_239 = arith.constant 0 : i32
        %cond3A_240 = arith.cmpi ne, %convert_element_type3A_238, %cond3A_239 : i32
        scf.if %cond3A_240 {
          %slice3A_301 = vector.extract_strided_slice %get3A_96 {offsets = [10], sizes = [1], strides = [1]} : vector<16xf32> to vector<1xf32>
          %squeeze3A_302 = vector.extract %slice3A_301[0] : f32 from vector<1xf32>
          %slice3A_303 = vector.extract_strided_slice %get3A_99 {offsets = [10], sizes = [1], strides = [1]} : vector<16xf32> to vector<1xf32>
          %squeeze3A_304 = vector.extract %slice3A_303[0] : f32 from vector<1xf32>
          %slice3A_305 = vector.extract_strided_slice %get3A_102 {offsets = [10], sizes = [1], strides = [1]} : vector<16xf32> to vector<1xf32>
          %squeeze3A_306 = vector.extract %slice3A_305[0] : f32 from vector<1xf32>
          %slice3A_307 = vector.extract_strided_slice %get3A_105 {offsets = [10], sizes = [1], strides = [1]} : vector<16xf32> to vector<1xf32>
          %squeeze3A_308 = vector.extract %slice3A_307[0] : f32 from vector<1xf32>
          %slice3A_309 = vector.extract_strided_slice %get3A_108 {offsets = [10], sizes = [1], strides = [1]} : vector<16xf32> to vector<1xf32>
          %squeeze3A_310 = vector.extract %slice3A_309[0] : f32 from vector<1xf32>
          %while3A = arith.constant 0 : i32
          %while3A_311 = arith.constant 320 : i32
          %while3A_312 = arith.subi %while3A_311, %scan3A_91 : i32
          %while3A_313 = arith.addi %scan3A_91, %while3A_312 : i32
          %while3A_314 = arith.constant 1 : i32
          %while3A_315 = arith.divsi %while3A_312, %while3A_314 : i32
          %while3A_316 = arith.muli %while3A_315, %while3A_314 : i32
          %while3A_317 = arith.addi %scan3A_91, %while3A_316 : i32
          %while3A_318 = arith.constant 1 : i32
          scf.for %while3A_320 = %scan3A_91 to %while3A_317 step %while3A_318  : i32 {
            %mul3A_321 = arith.constant 16 : i32
            %mul3A_322 = arith.muli %while3A_320, %mul3A_321 : i32
            %get3A_323 = arith.index_cast %mul3A_322 : i32 to index
            %get3A_324 = tpu.vector_load %arg13[%get3A_323] {strides = array<i32>} : memref<5120xf32, #tpu.memory_space<vmem>>, vector<16xf32>,
            %get3A_325 = vector.shape_cast %get3A_324 : vector<16xf32> to vector<16xf32>
            %get3A_326 = arith.index_cast %mul3A_322 : i32 to index
            %get3A_327 = tpu.vector_load %arg14[%get3A_326] {strides = array<i32>} : memref<5120xf32, #tpu.memory_space<vmem>>, vector<16xf32>,
            %get3A_328 = vector.shape_cast %get3A_327 : vector<16xf32> to vector<16xf32>
            %get3A_329 = arith.index_cast %mul3A_322 : i32 to index
            %get3A_330 = tpu.vector_load %arg15[%get3A_329] {strides = array<i32>} : memref<5120xf32, #tpu.memory_space<vmem>>, vector<16xf32>,
            %get3A_331 = vector.shape_cast %get3A_330 : vector<16xf32> to vector<16xf32>
            %get3A_332 = arith.index_cast %mul3A_322 : i32 to index
            %get3A_333 = tpu.vector_load %arg16[%get3A_332] {strides = array<i32>} : memref<5120xf32, #tpu.memory_space<vmem>>, vector<16xf32>,
            %get3A_334 = vector.shape_cast %get3A_333 : vector<16xf32> to vector<16xf32>
            %get3A_335 = arith.index_cast %mul3A_322 : i32 to index
            %get3A_336 = tpu.vector_load %arg18[%get3A_335] {strides = array<i32>} : memref<5120xf32, #tpu.memory_space<vmem>>, vector<16xf32>,
            %get3A_337 = vector.shape_cast %get3A_336 : vector<16xf32> to vector<16xf32>
            %min3A = vector.broadcast %squeeze3A_306 : f32 to vector<16xf32>
            %min3A_338 = arith.minimumf %min3A, %get3A_331 : vector<16xf32>
            %max3A = vector.broadcast %squeeze3A_302 : f32 to vector<16xf32>
            %max3A_339 = arith.maximumf %max3A, %get3A_325 : vector<16xf32>
            %sub3A_340 = arith.subf %min3A_338, %max3A_339 : vector<16xf32>
            %max3A_341 = arith.constant 0.000000e+00 : f32
            %max3A_342 = vector.broadcast %max3A_341 : f32 to vector<16xf32>
            %max3A_343 = arith.maximumf %sub3A_340, %max3A_342 : vector<16xf32>
            %min3A_344 = vector.broadcast %squeeze3A_308 : f32 to vector<16xf32>
            %min3A_345 = arith.minimumf %min3A_344, %get3A_334 : vector<16xf32>
            %max3A_346 = vector.broadcast %squeeze3A_304 : f32 to vector<16xf32>
            %max3A_347 = arith.maximumf %max3A_346, %get3A_328 : vector<16xf32>
            %sub3A_348 = arith.subf %min3A_345, %max3A_347 : vector<16xf32>
            %max3A_349 = arith.constant 0.000000e+00 : f32
            %max3A_350 = vector.broadcast %max3A_349 : f32 to vector<16xf32>
            %max3A_351 = arith.maximumf %sub3A_348, %max3A_350 : vector<16xf32>
            %mul3A_352 = arith.mulf %max3A_343, %max3A_351 : vector<16xf32>
            %iota3A = tpu.iota {dimensions = array<i32: 0>} : vector<16xi32>
            %add3A_353 = vector.broadcast %mul3A_322 : i32 to vector<16xi32>
            %add3A_354 = arith.addi %add3A_353, %iota3A : vector<16xi32>
            %add3A_355 = vector.broadcast %squeeze3A_310 : f32 to vector<16xf32>
            %add3A_356 = arith.addf %add3A_355, %get3A_337 : vector<16xf32>
            %sub3A_357 = arith.subf %add3A_356, %mul3A_352 : vector<16xf32>
            %add3A_358 = arith.constant 9.99999997E-7 : f32
            %add3A_359 = vector.broadcast %add3A_358 : f32 to vector<16xf32>
            %add3A_360 = arith.addf %sub3A_357, %add3A_359 : vector<16xf32>
            %mul3A_361 = arith.constant 3.000000e-01 : f32
            %mul3A_362 = vector.broadcast %mul3A_361 : f32 to vector<16xf32>
            %mul3A_363 = arith.mulf %add3A_360, %mul3A_362 : vector<16xf32>
            %gt3A = arith.cmpf ogt, %mul3A_352, %mul3A_363 : vector<16xf32>
            %gt3A_364 = vector.broadcast %add3A_230 : i32 to vector<16xi32>
            %gt3A_365 = arith.cmpi sgt, %add3A_354, %gt3A_364 : vector<16xi32>
            %and3A_366 = arith.andi %gt3A, %gt3A_365 : vector<16xi1>
            %get3A_367 = arith.index_cast %mul3A_322 : i32 to index
            %get3A_368 = tpu.vector_load %arg19[%get3A_367] {strides = array<i32>} : memref<5120xi32, #tpu.memory_space<vmem>>, vector<16xi32>,
            %get3A_369 = vector.shape_cast %get3A_368 : vector<16xi32> to vector<16xi32>
            %jit3A = arith.constant 1 : i32
            %jit3A_370 = arith.constant 0 : i32
            %broadcast_in_dim3A_371 = vector.broadcast %jit3A : i32 to vector<16xi32>
            %broadcast_in_dim3A_372 = vector.broadcast %jit3A_370 : i32 to vector<16xi32>
            %select_n3A = arith.select %and3A_366, %broadcast_in_dim3A_371, %broadcast_in_dim3A_372 : vector<16xi1>, vector<16xi32>
            %or3A = arith.ori %get3A_369, %select_n3A : vector<16xi32>
            %swap3A = arith.index_cast %mul3A_322 : i32 to index
            %swap3A_373 = tpu.vector_load %arg19[%swap3A] {strides = array<i32>} : memref<5120xi32, #tpu.memory_space<vmem>>, vector<16xi32>,
            %swap3A_374 = vector.shape_cast %swap3A_373 : vector<16xi32> to vector<16xi32>
            %swap3A_375 = vector.shape_cast %or3A : vector<16xi32> to vector<16xi32>
            tpu.vector_store %arg19[%swap3A], %swap3A_375 {strides = array<i32>} : memref<5120xi32, #tpu.memory_space<vmem>>, vector<16xi32>,
          }
          %while3A_319 = arith.constant 1 : i32
          scf.for %while3A_320 = %while3A_317 to %while3A_313 step %while3A_319  : i32 {
            %mul3A_321 = arith.constant 16 : i32
            %mul3A_322 = arith.muli %while3A_320, %mul3A_321 : i32
            %get3A_323 = arith.index_cast %mul3A_322 : i32 to index
            %get3A_324 = tpu.vector_load %arg13[%get3A_323] {strides = array<i32>} : memref<5120xf32, #tpu.memory_space<vmem>>, vector<16xf32>,
            %get3A_325 = vector.shape_cast %get3A_324 : vector<16xf32> to vector<16xf32>
            %get3A_326 = arith.index_cast %mul3A_322 : i32 to index
            %get3A_327 = tpu.vector_load %arg14[%get3A_326] {strides = array<i32>} : memref<5120xf32, #tpu.memory_space<vmem>>, vector<16xf32>,
            %get3A_328 = vector.shape_cast %get3A_327 : vector<16xf32> to vector<16xf32>
            %get3A_329 = arith.index_cast %mul3A_322 : i32 to index
            %get3A_330 = tpu.vector_load %arg15[%get3A_329] {strides = array<i32>} : memref<5120xf32, #tpu.memory_space<vmem>>, vector<16xf32>,
            %get3A_331 = vector.shape_cast %get3A_330 : vector<16xf32> to vector<16xf32>
            %get3A_332 = arith.index_cast %mul3A_322 : i32 to index
            %get3A_333 = tpu.vector_load %arg16[%get3A_332] {strides = array<i32>} : memref<5120xf32, #tpu.memory_space<vmem>>, vector<16xf32>,
            %get3A_334 = vector.shape_cast %get3A_333 : vector<16xf32> to vector<16xf32>
            %get3A_335 = arith.index_cast %mul3A_322 : i32 to index
            %get3A_336 = tpu.vector_load %arg18[%get3A_335] {strides = array<i32>} : memref<5120xf32, #tpu.memory_space<vmem>>, vector<16xf32>,
            %get3A_337 = vector.shape_cast %get3A_336 : vector<16xf32> to vector<16xf32>
            %min3A = vector.broadcast %squeeze3A_306 : f32 to vector<16xf32>
            %min3A_338 = arith.minimumf %min3A, %get3A_331 : vector<16xf32>
            %max3A = vector.broadcast %squeeze3A_302 : f32 to vector<16xf32>
            %max3A_339 = arith.maximumf %max3A, %get3A_325 : vector<16xf32>
            %sub3A_340 = arith.subf %min3A_338, %max3A_339 : vector<16xf32>
            %max3A_341 = arith.constant 0.000000e+00 : f32
            %max3A_342 = vector.broadcast %max3A_341 : f32 to vector<16xf32>
            %max3A_343 = arith.maximumf %sub3A_340, %max3A_342 : vector<16xf32>
            %min3A_344 = vector.broadcast %squeeze3A_308 : f32 to vector<16xf32>
            %min3A_345 = arith.minimumf %min3A_344, %get3A_334 : vector<16xf32>
            %max3A_346 = vector.broadcast %squeeze3A_304 : f32 to vector<16xf32>
            %max3A_347 = arith.maximumf %max3A_346, %get3A_328 : vector<16xf32>
            %sub3A_348 = arith.subf %min3A_345, %max3A_347 : vector<16xf32>
            %max3A_349 = arith.constant 0.000000e+00 : f32
            %max3A_350 = vector.broadcast %max3A_349 : f32 to vector<16xf32>
            %max3A_351 = arith.maximumf %sub3A_348, %max3A_350 : vector<16xf32>
            %mul3A_352 = arith.mulf %max3A_343, %max3A_351 : vector<16xf32>
            %iota3A = tpu.iota {dimensions = array<i32: 0>} : vector<16xi32>
            %add3A_353 = vector.broadcast %mul3A_322 : i32 to vector<16xi32>
            %add3A_354 = arith.addi %add3A_353, %iota3A : vector<16xi32>
            %add3A_355 = vector.broadcast %squeeze3A_310 : f32 to vector<16xf32>
            %add3A_356 = arith.addf %add3A_355, %get3A_337 : vector<16xf32>
            %sub3A_357 = arith.subf %add3A_356, %mul3A_352 : vector<16xf32>
            %add3A_358 = arith.constant 9.99999997E-7 : f32
            %add3A_359 = vector.broadcast %add3A_358 : f32 to vector<16xf32>
            %add3A_360 = arith.addf %sub3A_357, %add3A_359 : vector<16xf32>
            %mul3A_361 = arith.constant 3.000000e-01 : f32
            %mul3A_362 = vector.broadcast %mul3A_361 : f32 to vector<16xf32>
            %mul3A_363 = arith.mulf %add3A_360, %mul3A_362 : vector<16xf32>
            %gt3A = arith.cmpf ogt, %mul3A_352, %mul3A_363 : vector<16xf32>
            %gt3A_364 = vector.broadcast %add3A_230 : i32 to vector<16xi32>
            %gt3A_365 = arith.cmpi sgt, %add3A_354, %gt3A_364 : vector<16xi32>
            %and3A_366 = arith.andi %gt3A, %gt3A_365 : vector<16xi1>
            %get3A_367 = arith.index_cast %mul3A_322 : i32 to index
            %get3A_368 = tpu.vector_load %arg19[%get3A_367] {strides = array<i32>} : memref<5120xi32, #tpu.memory_space<vmem>>, vector<16xi32>,
            %get3A_369 = vector.shape_cast %get3A_368 : vector<16xi32> to vector<16xi32>
            %jit3A = arith.constant 1 : i32
            %jit3A_370 = arith.constant 0 : i32
            %broadcast_in_dim3A_371 = vector.broadcast %jit3A : i32 to vector<16xi32>
            %broadcast_in_dim3A_372 = vector.broadcast %jit3A_370 : i32 to vector<16xi32>
            %select_n3A = arith.select %and3A_366, %broadcast_in_dim3A_371, %broadcast_in_dim3A_372 : vector<16xi1>, vector<16xi32>
            %or3A = arith.ori %get3A_369, %select_n3A : vector<16xi32>
            %swap3A = arith.index_cast %mul3A_322 : i32 to index
            %swap3A_373 = tpu.vector_load %arg19[%swap3A] {strides = array<i32>} : memref<5120xi32, #tpu.memory_space<vmem>>, vector<16xi32>,
            %swap3A_374 = vector.shape_cast %swap3A_373 : vector<16xi32> to vector<16xi32>
            %swap3A_375 = vector.shape_cast %or3A : vector<16xi32> to vector<16xi32>
            tpu.vector_store %arg19[%swap3A], %swap3A_375 {strides = array<i32>} : memref<5120xi32, #tpu.memory_space<vmem>>, vector<16xi32>,
          }
        } else {
        }
        %add3A_241 = arith.constant 11 : i32
        %add3A_242 = arith.addi %mul3A_93, %add3A_241 : i32
        %get3A_243 = arith.index_cast %mul3A_93 : i32 to index
        %get3A_244 = tpu.vector_load %arg19[%get3A_243] {strides = array<i32>} : memref<5120xi32, #tpu.memory_space<vmem>>, vector<16xi32>,
        %get3A_245 = vector.shape_cast %get3A_244 : vector<16xi32> to vector<16xi32>
        %slice3A_246 = vector.extract_strided_slice %get3A_245 {offsets = [11], sizes = [1], strides = [1]} : vector<16xi32> to vector<1xi32>
        %squeeze3A_247 = vector.extract %slice3A_246[0] : i32 from vector<1xi32>
        %eq3A_248 = arith.constant 0 : i32
        %eq3A_249 = arith.cmpi eq, %squeeze3A_247, %eq3A_248 : i32
        %convert_element_type3A_250 = arith.extui %eq3A_249 : i1 to i32
        %cond3A_251 = arith.constant 0 : i32
        %cond3A_252 = arith.cmpi ne, %convert_element_type3A_250, %cond3A_251 : i32
        scf.if %cond3A_252 {
          %slice3A_301 = vector.extract_strided_slice %get3A_96 {offsets = [11], sizes = [1], strides = [1]} : vector<16xf32> to vector<1xf32>
          %squeeze3A_302 = vector.extract %slice3A_301[0] : f32 from vector<1xf32>
          %slice3A_303 = vector.extract_strided_slice %get3A_99 {offsets = [11], sizes = [1], strides = [1]} : vector<16xf32> to vector<1xf32>
          %squeeze3A_304 = vector.extract %slice3A_303[0] : f32 from vector<1xf32>
          %slice3A_305 = vector.extract_strided_slice %get3A_102 {offsets = [11], sizes = [1], strides = [1]} : vector<16xf32> to vector<1xf32>
          %squeeze3A_306 = vector.extract %slice3A_305[0] : f32 from vector<1xf32>
          %slice3A_307 = vector.extract_strided_slice %get3A_105 {offsets = [11], sizes = [1], strides = [1]} : vector<16xf32> to vector<1xf32>
          %squeeze3A_308 = vector.extract %slice3A_307[0] : f32 from vector<1xf32>
          %slice3A_309 = vector.extract_strided_slice %get3A_108 {offsets = [11], sizes = [1], strides = [1]} : vector<16xf32> to vector<1xf32>
          %squeeze3A_310 = vector.extract %slice3A_309[0] : f32 from vector<1xf32>
          %while3A = arith.constant 0 : i32
          %while3A_311 = arith.constant 320 : i32
          %while3A_312 = arith.subi %while3A_311, %scan3A_91 : i32
          %while3A_313 = arith.addi %scan3A_91, %while3A_312 : i32
          %while3A_314 = arith.constant 1 : i32
          %while3A_315 = arith.divsi %while3A_312, %while3A_314 : i32
          %while3A_316 = arith.muli %while3A_315, %while3A_314 : i32
          %while3A_317 = arith.addi %scan3A_91, %while3A_316 : i32
          %while3A_318 = arith.constant 1 : i32
          scf.for %while3A_320 = %scan3A_91 to %while3A_317 step %while3A_318  : i32 {
            %mul3A_321 = arith.constant 16 : i32
            %mul3A_322 = arith.muli %while3A_320, %mul3A_321 : i32
            %get3A_323 = arith.index_cast %mul3A_322 : i32 to index
            %get3A_324 = tpu.vector_load %arg13[%get3A_323] {strides = array<i32>} : memref<5120xf32, #tpu.memory_space<vmem>>, vector<16xf32>,
            %get3A_325 = vector.shape_cast %get3A_324 : vector<16xf32> to vector<16xf32>
            %get3A_326 = arith.index_cast %mul3A_322 : i32 to index
            %get3A_327 = tpu.vector_load %arg14[%get3A_326] {strides = array<i32>} : memref<5120xf32, #tpu.memory_space<vmem>>, vector<16xf32>,
            %get3A_328 = vector.shape_cast %get3A_327 : vector<16xf32> to vector<16xf32>
            %get3A_329 = arith.index_cast %mul3A_322 : i32 to index
            %get3A_330 = tpu.vector_load %arg15[%get3A_329] {strides = array<i32>} : memref<5120xf32, #tpu.memory_space<vmem>>, vector<16xf32>,
            %get3A_331 = vector.shape_cast %get3A_330 : vector<16xf32> to vector<16xf32>
            %get3A_332 = arith.index_cast %mul3A_322 : i32 to index
            %get3A_333 = tpu.vector_load %arg16[%get3A_332] {strides = array<i32>} : memref<5120xf32, #tpu.memory_space<vmem>>, vector<16xf32>,
            %get3A_334 = vector.shape_cast %get3A_333 : vector<16xf32> to vector<16xf32>
            %get3A_335 = arith.index_cast %mul3A_322 : i32 to index
            %get3A_336 = tpu.vector_load %arg18[%get3A_335] {strides = array<i32>} : memref<5120xf32, #tpu.memory_space<vmem>>, vector<16xf32>,
            %get3A_337 = vector.shape_cast %get3A_336 : vector<16xf32> to vector<16xf32>
            %min3A = vector.broadcast %squeeze3A_306 : f32 to vector<16xf32>
            %min3A_338 = arith.minimumf %min3A, %get3A_331 : vector<16xf32>
            %max3A = vector.broadcast %squeeze3A_302 : f32 to vector<16xf32>
            %max3A_339 = arith.maximumf %max3A, %get3A_325 : vector<16xf32>
            %sub3A_340 = arith.subf %min3A_338, %max3A_339 : vector<16xf32>
            %max3A_341 = arith.constant 0.000000e+00 : f32
            %max3A_342 = vector.broadcast %max3A_341 : f32 to vector<16xf32>
            %max3A_343 = arith.maximumf %sub3A_340, %max3A_342 : vector<16xf32>
            %min3A_344 = vector.broadcast %squeeze3A_308 : f32 to vector<16xf32>
            %min3A_345 = arith.minimumf %min3A_344, %get3A_334 : vector<16xf32>
            %max3A_346 = vector.broadcast %squeeze3A_304 : f32 to vector<16xf32>
            %max3A_347 = arith.maximumf %max3A_346, %get3A_328 : vector<16xf32>
            %sub3A_348 = arith.subf %min3A_345, %max3A_347 : vector<16xf32>
            %max3A_349 = arith.constant 0.000000e+00 : f32
            %max3A_350 = vector.broadcast %max3A_349 : f32 to vector<16xf32>
            %max3A_351 = arith.maximumf %sub3A_348, %max3A_350 : vector<16xf32>
            %mul3A_352 = arith.mulf %max3A_343, %max3A_351 : vector<16xf32>
            %iota3A = tpu.iota {dimensions = array<i32: 0>} : vector<16xi32>
            %add3A_353 = vector.broadcast %mul3A_322 : i32 to vector<16xi32>
            %add3A_354 = arith.addi %add3A_353, %iota3A : vector<16xi32>
            %add3A_355 = vector.broadcast %squeeze3A_310 : f32 to vector<16xf32>
            %add3A_356 = arith.addf %add3A_355, %get3A_337 : vector<16xf32>
            %sub3A_357 = arith.subf %add3A_356, %mul3A_352 : vector<16xf32>
            %add3A_358 = arith.constant 9.99999997E-7 : f32
            %add3A_359 = vector.broadcast %add3A_358 : f32 to vector<16xf32>
            %add3A_360 = arith.addf %sub3A_357, %add3A_359 : vector<16xf32>
            %mul3A_361 = arith.constant 3.000000e-01 : f32
            %mul3A_362 = vector.broadcast %mul3A_361 : f32 to vector<16xf32>
            %mul3A_363 = arith.mulf %add3A_360, %mul3A_362 : vector<16xf32>
            %gt3A = arith.cmpf ogt, %mul3A_352, %mul3A_363 : vector<16xf32>
            %gt3A_364 = vector.broadcast %add3A_242 : i32 to vector<16xi32>
            %gt3A_365 = arith.cmpi sgt, %add3A_354, %gt3A_364 : vector<16xi32>
            %and3A_366 = arith.andi %gt3A, %gt3A_365 : vector<16xi1>
            %get3A_367 = arith.index_cast %mul3A_322 : i32 to index
            %get3A_368 = tpu.vector_load %arg19[%get3A_367] {strides = array<i32>} : memref<5120xi32, #tpu.memory_space<vmem>>, vector<16xi32>,
            %get3A_369 = vector.shape_cast %get3A_368 : vector<16xi32> to vector<16xi32>
            %jit3A = arith.constant 1 : i32
            %jit3A_370 = arith.constant 0 : i32
            %broadcast_in_dim3A_371 = vector.broadcast %jit3A : i32 to vector<16xi32>
            %broadcast_in_dim3A_372 = vector.broadcast %jit3A_370 : i32 to vector<16xi32>
            %select_n3A = arith.select %and3A_366, %broadcast_in_dim3A_371, %broadcast_in_dim3A_372 : vector<16xi1>, vector<16xi32>
            %or3A = arith.ori %get3A_369, %select_n3A : vector<16xi32>
            %swap3A = arith.index_cast %mul3A_322 : i32 to index
            %swap3A_373 = tpu.vector_load %arg19[%swap3A] {strides = array<i32>} : memref<5120xi32, #tpu.memory_space<vmem>>, vector<16xi32>,
            %swap3A_374 = vector.shape_cast %swap3A_373 : vector<16xi32> to vector<16xi32>
            %swap3A_375 = vector.shape_cast %or3A : vector<16xi32> to vector<16xi32>
            tpu.vector_store %arg19[%swap3A], %swap3A_375 {strides = array<i32>} : memref<5120xi32, #tpu.memory_space<vmem>>, vector<16xi32>,
          }
          %while3A_319 = arith.constant 1 : i32
          scf.for %while3A_320 = %while3A_317 to %while3A_313 step %while3A_319  : i32 {
            %mul3A_321 = arith.constant 16 : i32
            %mul3A_322 = arith.muli %while3A_320, %mul3A_321 : i32
            %get3A_323 = arith.index_cast %mul3A_322 : i32 to index
            %get3A_324 = tpu.vector_load %arg13[%get3A_323] {strides = array<i32>} : memref<5120xf32, #tpu.memory_space<vmem>>, vector<16xf32>,
            %get3A_325 = vector.shape_cast %get3A_324 : vector<16xf32> to vector<16xf32>
            %get3A_326 = arith.index_cast %mul3A_322 : i32 to index
            %get3A_327 = tpu.vector_load %arg14[%get3A_326] {strides = array<i32>} : memref<5120xf32, #tpu.memory_space<vmem>>, vector<16xf32>,
            %get3A_328 = vector.shape_cast %get3A_327 : vector<16xf32> to vector<16xf32>
            %get3A_329 = arith.index_cast %mul3A_322 : i32 to index
            %get3A_330 = tpu.vector_load %arg15[%get3A_329] {strides = array<i32>} : memref<5120xf32, #tpu.memory_space<vmem>>, vector<16xf32>,
            %get3A_331 = vector.shape_cast %get3A_330 : vector<16xf32> to vector<16xf32>
            %get3A_332 = arith.index_cast %mul3A_322 : i32 to index
            %get3A_333 = tpu.vector_load %arg16[%get3A_332] {strides = array<i32>} : memref<5120xf32, #tpu.memory_space<vmem>>, vector<16xf32>,
            %get3A_334 = vector.shape_cast %get3A_333 : vector<16xf32> to vector<16xf32>
            %get3A_335 = arith.index_cast %mul3A_322 : i32 to index
            %get3A_336 = tpu.vector_load %arg18[%get3A_335] {strides = array<i32>} : memref<5120xf32, #tpu.memory_space<vmem>>, vector<16xf32>,
            %get3A_337 = vector.shape_cast %get3A_336 : vector<16xf32> to vector<16xf32>
            %min3A = vector.broadcast %squeeze3A_306 : f32 to vector<16xf32>
            %min3A_338 = arith.minimumf %min3A, %get3A_331 : vector<16xf32>
            %max3A = vector.broadcast %squeeze3A_302 : f32 to vector<16xf32>
            %max3A_339 = arith.maximumf %max3A, %get3A_325 : vector<16xf32>
            %sub3A_340 = arith.subf %min3A_338, %max3A_339 : vector<16xf32>
            %max3A_341 = arith.constant 0.000000e+00 : f32
            %max3A_342 = vector.broadcast %max3A_341 : f32 to vector<16xf32>
            %max3A_343 = arith.maximumf %sub3A_340, %max3A_342 : vector<16xf32>
            %min3A_344 = vector.broadcast %squeeze3A_308 : f32 to vector<16xf32>
            %min3A_345 = arith.minimumf %min3A_344, %get3A_334 : vector<16xf32>
            %max3A_346 = vector.broadcast %squeeze3A_304 : f32 to vector<16xf32>
            %max3A_347 = arith.maximumf %max3A_346, %get3A_328 : vector<16xf32>
            %sub3A_348 = arith.subf %min3A_345, %max3A_347 : vector<16xf32>
            %max3A_349 = arith.constant 0.000000e+00 : f32
            %max3A_350 = vector.broadcast %max3A_349 : f32 to vector<16xf32>
            %max3A_351 = arith.maximumf %sub3A_348, %max3A_350 : vector<16xf32>
            %mul3A_352 = arith.mulf %max3A_343, %max3A_351 : vector<16xf32>
            %iota3A = tpu.iota {dimensions = array<i32: 0>} : vector<16xi32>
            %add3A_353 = vector.broadcast %mul3A_322 : i32 to vector<16xi32>
            %add3A_354 = arith.addi %add3A_353, %iota3A : vector<16xi32>
            %add3A_355 = vector.broadcast %squeeze3A_310 : f32 to vector<16xf32>
            %add3A_356 = arith.addf %add3A_355, %get3A_337 : vector<16xf32>
            %sub3A_357 = arith.subf %add3A_356, %mul3A_352 : vector<16xf32>
            %add3A_358 = arith.constant 9.99999997E-7 : f32
            %add3A_359 = vector.broadcast %add3A_358 : f32 to vector<16xf32>
            %add3A_360 = arith.addf %sub3A_357, %add3A_359 : vector<16xf32>
            %mul3A_361 = arith.constant 3.000000e-01 : f32
            %mul3A_362 = vector.broadcast %mul3A_361 : f32 to vector<16xf32>
            %mul3A_363 = arith.mulf %add3A_360, %mul3A_362 : vector<16xf32>
            %gt3A = arith.cmpf ogt, %mul3A_352, %mul3A_363 : vector<16xf32>
            %gt3A_364 = vector.broadcast %add3A_242 : i32 to vector<16xi32>
            %gt3A_365 = arith.cmpi sgt, %add3A_354, %gt3A_364 : vector<16xi32>
            %and3A_366 = arith.andi %gt3A, %gt3A_365 : vector<16xi1>
            %get3A_367 = arith.index_cast %mul3A_322 : i32 to index
            %get3A_368 = tpu.vector_load %arg19[%get3A_367] {strides = array<i32>} : memref<5120xi32, #tpu.memory_space<vmem>>, vector<16xi32>,
            %get3A_369 = vector.shape_cast %get3A_368 : vector<16xi32> to vector<16xi32>
            %jit3A = arith.constant 1 : i32
            %jit3A_370 = arith.constant 0 : i32
            %broadcast_in_dim3A_371 = vector.broadcast %jit3A : i32 to vector<16xi32>
            %broadcast_in_dim3A_372 = vector.broadcast %jit3A_370 : i32 to vector<16xi32>
            %select_n3A = arith.select %and3A_366, %broadcast_in_dim3A_371, %broadcast_in_dim3A_372 : vector<16xi1>, vector<16xi32>
            %or3A = arith.ori %get3A_369, %select_n3A : vector<16xi32>
            %swap3A = arith.index_cast %mul3A_322 : i32 to index
            %swap3A_373 = tpu.vector_load %arg19[%swap3A] {strides = array<i32>} : memref<5120xi32, #tpu.memory_space<vmem>>, vector<16xi32>,
            %swap3A_374 = vector.shape_cast %swap3A_373 : vector<16xi32> to vector<16xi32>
            %swap3A_375 = vector.shape_cast %or3A : vector<16xi32> to vector<16xi32>
            tpu.vector_store %arg19[%swap3A], %swap3A_375 {strides = array<i32>} : memref<5120xi32, #tpu.memory_space<vmem>>, vector<16xi32>,
          }
        } else {
        }
        %add3A_253 = arith.constant 12 : i32
        %add3A_254 = arith.addi %mul3A_93, %add3A_253 : i32
        %get3A_255 = arith.index_cast %mul3A_93 : i32 to index
        %get3A_256 = tpu.vector_load %arg19[%get3A_255] {strides = array<i32>} : memref<5120xi32, #tpu.memory_space<vmem>>, vector<16xi32>,
        %get3A_257 = vector.shape_cast %get3A_256 : vector<16xi32> to vector<16xi32>
        %slice3A_258 = vector.extract_strided_slice %get3A_257 {offsets = [12], sizes = [1], strides = [1]} : vector<16xi32> to vector<1xi32>
        %squeeze3A_259 = vector.extract %slice3A_258[0] : i32 from vector<1xi32>
        %eq3A_260 = arith.constant 0 : i32
        %eq3A_261 = arith.cmpi eq, %squeeze3A_259, %eq3A_260 : i32
        %convert_element_type3A_262 = arith.extui %eq3A_261 : i1 to i32
        %cond3A_263 = arith.constant 0 : i32
        %cond3A_264 = arith.cmpi ne, %convert_element_type3A_262, %cond3A_263 : i32
        scf.if %cond3A_264 {
          %slice3A_301 = vector.extract_strided_slice %get3A_96 {offsets = [12], sizes = [1], strides = [1]} : vector<16xf32> to vector<1xf32>
          %squeeze3A_302 = vector.extract %slice3A_301[0] : f32 from vector<1xf32>
          %slice3A_303 = vector.extract_strided_slice %get3A_99 {offsets = [12], sizes = [1], strides = [1]} : vector<16xf32> to vector<1xf32>
          %squeeze3A_304 = vector.extract %slice3A_303[0] : f32 from vector<1xf32>
          %slice3A_305 = vector.extract_strided_slice %get3A_102 {offsets = [12], sizes = [1], strides = [1]} : vector<16xf32> to vector<1xf32>
          %squeeze3A_306 = vector.extract %slice3A_305[0] : f32 from vector<1xf32>
          %slice3A_307 = vector.extract_strided_slice %get3A_105 {offsets = [12], sizes = [1], strides = [1]} : vector<16xf32> to vector<1xf32>
          %squeeze3A_308 = vector.extract %slice3A_307[0] : f32 from vector<1xf32>
          %slice3A_309 = vector.extract_strided_slice %get3A_108 {offsets = [12], sizes = [1], strides = [1]} : vector<16xf32> to vector<1xf32>
          %squeeze3A_310 = vector.extract %slice3A_309[0] : f32 from vector<1xf32>
          %while3A = arith.constant 0 : i32
          %while3A_311 = arith.constant 320 : i32
          %while3A_312 = arith.subi %while3A_311, %scan3A_91 : i32
          %while3A_313 = arith.addi %scan3A_91, %while3A_312 : i32
          %while3A_314 = arith.constant 1 : i32
          %while3A_315 = arith.divsi %while3A_312, %while3A_314 : i32
          %while3A_316 = arith.muli %while3A_315, %while3A_314 : i32
          %while3A_317 = arith.addi %scan3A_91, %while3A_316 : i32
          %while3A_318 = arith.constant 1 : i32
          scf.for %while3A_320 = %scan3A_91 to %while3A_317 step %while3A_318  : i32 {
            %mul3A_321 = arith.constant 16 : i32
            %mul3A_322 = arith.muli %while3A_320, %mul3A_321 : i32
            %get3A_323 = arith.index_cast %mul3A_322 : i32 to index
            %get3A_324 = tpu.vector_load %arg13[%get3A_323] {strides = array<i32>} : memref<5120xf32, #tpu.memory_space<vmem>>, vector<16xf32>,
            %get3A_325 = vector.shape_cast %get3A_324 : vector<16xf32> to vector<16xf32>
            %get3A_326 = arith.index_cast %mul3A_322 : i32 to index
            %get3A_327 = tpu.vector_load %arg14[%get3A_326] {strides = array<i32>} : memref<5120xf32, #tpu.memory_space<vmem>>, vector<16xf32>,
            %get3A_328 = vector.shape_cast %get3A_327 : vector<16xf32> to vector<16xf32>
            %get3A_329 = arith.index_cast %mul3A_322 : i32 to index
            %get3A_330 = tpu.vector_load %arg15[%get3A_329] {strides = array<i32>} : memref<5120xf32, #tpu.memory_space<vmem>>, vector<16xf32>,
            %get3A_331 = vector.shape_cast %get3A_330 : vector<16xf32> to vector<16xf32>
            %get3A_332 = arith.index_cast %mul3A_322 : i32 to index
            %get3A_333 = tpu.vector_load %arg16[%get3A_332] {strides = array<i32>} : memref<5120xf32, #tpu.memory_space<vmem>>, vector<16xf32>,
            %get3A_334 = vector.shape_cast %get3A_333 : vector<16xf32> to vector<16xf32>
            %get3A_335 = arith.index_cast %mul3A_322 : i32 to index
            %get3A_336 = tpu.vector_load %arg18[%get3A_335] {strides = array<i32>} : memref<5120xf32, #tpu.memory_space<vmem>>, vector<16xf32>,
            %get3A_337 = vector.shape_cast %get3A_336 : vector<16xf32> to vector<16xf32>
            %min3A = vector.broadcast %squeeze3A_306 : f32 to vector<16xf32>
            %min3A_338 = arith.minimumf %min3A, %get3A_331 : vector<16xf32>
            %max3A = vector.broadcast %squeeze3A_302 : f32 to vector<16xf32>
            %max3A_339 = arith.maximumf %max3A, %get3A_325 : vector<16xf32>
            %sub3A_340 = arith.subf %min3A_338, %max3A_339 : vector<16xf32>
            %max3A_341 = arith.constant 0.000000e+00 : f32
            %max3A_342 = vector.broadcast %max3A_341 : f32 to vector<16xf32>
            %max3A_343 = arith.maximumf %sub3A_340, %max3A_342 : vector<16xf32>
            %min3A_344 = vector.broadcast %squeeze3A_308 : f32 to vector<16xf32>
            %min3A_345 = arith.minimumf %min3A_344, %get3A_334 : vector<16xf32>
            %max3A_346 = vector.broadcast %squeeze3A_304 : f32 to vector<16xf32>
            %max3A_347 = arith.maximumf %max3A_346, %get3A_328 : vector<16xf32>
            %sub3A_348 = arith.subf %min3A_345, %max3A_347 : vector<16xf32>
            %max3A_349 = arith.constant 0.000000e+00 : f32
            %max3A_350 = vector.broadcast %max3A_349 : f32 to vector<16xf32>
            %max3A_351 = arith.maximumf %sub3A_348, %max3A_350 : vector<16xf32>
            %mul3A_352 = arith.mulf %max3A_343, %max3A_351 : vector<16xf32>
            %iota3A = tpu.iota {dimensions = array<i32: 0>} : vector<16xi32>
            %add3A_353 = vector.broadcast %mul3A_322 : i32 to vector<16xi32>
            %add3A_354 = arith.addi %add3A_353, %iota3A : vector<16xi32>
            %add3A_355 = vector.broadcast %squeeze3A_310 : f32 to vector<16xf32>
            %add3A_356 = arith.addf %add3A_355, %get3A_337 : vector<16xf32>
            %sub3A_357 = arith.subf %add3A_356, %mul3A_352 : vector<16xf32>
            %add3A_358 = arith.constant 9.99999997E-7 : f32
            %add3A_359 = vector.broadcast %add3A_358 : f32 to vector<16xf32>
            %add3A_360 = arith.addf %sub3A_357, %add3A_359 : vector<16xf32>
            %mul3A_361 = arith.constant 3.000000e-01 : f32
            %mul3A_362 = vector.broadcast %mul3A_361 : f32 to vector<16xf32>
            %mul3A_363 = arith.mulf %add3A_360, %mul3A_362 : vector<16xf32>
            %gt3A = arith.cmpf ogt, %mul3A_352, %mul3A_363 : vector<16xf32>
            %gt3A_364 = vector.broadcast %add3A_254 : i32 to vector<16xi32>
            %gt3A_365 = arith.cmpi sgt, %add3A_354, %gt3A_364 : vector<16xi32>
            %and3A_366 = arith.andi %gt3A, %gt3A_365 : vector<16xi1>
            %get3A_367 = arith.index_cast %mul3A_322 : i32 to index
            %get3A_368 = tpu.vector_load %arg19[%get3A_367] {strides = array<i32>} : memref<5120xi32, #tpu.memory_space<vmem>>, vector<16xi32>,
            %get3A_369 = vector.shape_cast %get3A_368 : vector<16xi32> to vector<16xi32>
            %jit3A = arith.constant 1 : i32
            %jit3A_370 = arith.constant 0 : i32
            %broadcast_in_dim3A_371 = vector.broadcast %jit3A : i32 to vector<16xi32>
            %broadcast_in_dim3A_372 = vector.broadcast %jit3A_370 : i32 to vector<16xi32>
            %select_n3A = arith.select %and3A_366, %broadcast_in_dim3A_371, %broadcast_in_dim3A_372 : vector<16xi1>, vector<16xi32>
            %or3A = arith.ori %get3A_369, %select_n3A : vector<16xi32>
            %swap3A = arith.index_cast %mul3A_322 : i32 to index
            %swap3A_373 = tpu.vector_load %arg19[%swap3A] {strides = array<i32>} : memref<5120xi32, #tpu.memory_space<vmem>>, vector<16xi32>,
            %swap3A_374 = vector.shape_cast %swap3A_373 : vector<16xi32> to vector<16xi32>
            %swap3A_375 = vector.shape_cast %or3A : vector<16xi32> to vector<16xi32>
            tpu.vector_store %arg19[%swap3A], %swap3A_375 {strides = array<i32>} : memref<5120xi32, #tpu.memory_space<vmem>>, vector<16xi32>,
          }
          %while3A_319 = arith.constant 1 : i32
          scf.for %while3A_320 = %while3A_317 to %while3A_313 step %while3A_319  : i32 {
            %mul3A_321 = arith.constant 16 : i32
            %mul3A_322 = arith.muli %while3A_320, %mul3A_321 : i32
            %get3A_323 = arith.index_cast %mul3A_322 : i32 to index
            %get3A_324 = tpu.vector_load %arg13[%get3A_323] {strides = array<i32>} : memref<5120xf32, #tpu.memory_space<vmem>>, vector<16xf32>,
            %get3A_325 = vector.shape_cast %get3A_324 : vector<16xf32> to vector<16xf32>
            %get3A_326 = arith.index_cast %mul3A_322 : i32 to index
            %get3A_327 = tpu.vector_load %arg14[%get3A_326] {strides = array<i32>} : memref<5120xf32, #tpu.memory_space<vmem>>, vector<16xf32>,
            %get3A_328 = vector.shape_cast %get3A_327 : vector<16xf32> to vector<16xf32>
            %get3A_329 = arith.index_cast %mul3A_322 : i32 to index
            %get3A_330 = tpu.vector_load %arg15[%get3A_329] {strides = array<i32>} : memref<5120xf32, #tpu.memory_space<vmem>>, vector<16xf32>,
            %get3A_331 = vector.shape_cast %get3A_330 : vector<16xf32> to vector<16xf32>
            %get3A_332 = arith.index_cast %mul3A_322 : i32 to index
            %get3A_333 = tpu.vector_load %arg16[%get3A_332] {strides = array<i32>} : memref<5120xf32, #tpu.memory_space<vmem>>, vector<16xf32>,
            %get3A_334 = vector.shape_cast %get3A_333 : vector<16xf32> to vector<16xf32>
            %get3A_335 = arith.index_cast %mul3A_322 : i32 to index
            %get3A_336 = tpu.vector_load %arg18[%get3A_335] {strides = array<i32>} : memref<5120xf32, #tpu.memory_space<vmem>>, vector<16xf32>,
            %get3A_337 = vector.shape_cast %get3A_336 : vector<16xf32> to vector<16xf32>
            %min3A = vector.broadcast %squeeze3A_306 : f32 to vector<16xf32>
            %min3A_338 = arith.minimumf %min3A, %get3A_331 : vector<16xf32>
            %max3A = vector.broadcast %squeeze3A_302 : f32 to vector<16xf32>
            %max3A_339 = arith.maximumf %max3A, %get3A_325 : vector<16xf32>
            %sub3A_340 = arith.subf %min3A_338, %max3A_339 : vector<16xf32>
            %max3A_341 = arith.constant 0.000000e+00 : f32
            %max3A_342 = vector.broadcast %max3A_341 : f32 to vector<16xf32>
            %max3A_343 = arith.maximumf %sub3A_340, %max3A_342 : vector<16xf32>
            %min3A_344 = vector.broadcast %squeeze3A_308 : f32 to vector<16xf32>
            %min3A_345 = arith.minimumf %min3A_344, %get3A_334 : vector<16xf32>
            %max3A_346 = vector.broadcast %squeeze3A_304 : f32 to vector<16xf32>
            %max3A_347 = arith.maximumf %max3A_346, %get3A_328 : vector<16xf32>
            %sub3A_348 = arith.subf %min3A_345, %max3A_347 : vector<16xf32>
            %max3A_349 = arith.constant 0.000000e+00 : f32
            %max3A_350 = vector.broadcast %max3A_349 : f32 to vector<16xf32>
            %max3A_351 = arith.maximumf %sub3A_348, %max3A_350 : vector<16xf32>
            %mul3A_352 = arith.mulf %max3A_343, %max3A_351 : vector<16xf32>
            %iota3A = tpu.iota {dimensions = array<i32: 0>} : vector<16xi32>
            %add3A_353 = vector.broadcast %mul3A_322 : i32 to vector<16xi32>
            %add3A_354 = arith.addi %add3A_353, %iota3A : vector<16xi32>
            %add3A_355 = vector.broadcast %squeeze3A_310 : f32 to vector<16xf32>
            %add3A_356 = arith.addf %add3A_355, %get3A_337 : vector<16xf32>
            %sub3A_357 = arith.subf %add3A_356, %mul3A_352 : vector<16xf32>
            %add3A_358 = arith.constant 9.99999997E-7 : f32
            %add3A_359 = vector.broadcast %add3A_358 : f32 to vector<16xf32>
            %add3A_360 = arith.addf %sub3A_357, %add3A_359 : vector<16xf32>
            %mul3A_361 = arith.constant 3.000000e-01 : f32
            %mul3A_362 = vector.broadcast %mul3A_361 : f32 to vector<16xf32>
            %mul3A_363 = arith.mulf %add3A_360, %mul3A_362 : vector<16xf32>
            %gt3A = arith.cmpf ogt, %mul3A_352, %mul3A_363 : vector<16xf32>
            %gt3A_364 = vector.broadcast %add3A_254 : i32 to vector<16xi32>
            %gt3A_365 = arith.cmpi sgt, %add3A_354, %gt3A_364 : vector<16xi32>
            %and3A_366 = arith.andi %gt3A, %gt3A_365 : vector<16xi1>
            %get3A_367 = arith.index_cast %mul3A_322 : i32 to index
            %get3A_368 = tpu.vector_load %arg19[%get3A_367] {strides = array<i32>} : memref<5120xi32, #tpu.memory_space<vmem>>, vector<16xi32>,
            %get3A_369 = vector.shape_cast %get3A_368 : vector<16xi32> to vector<16xi32>
            %jit3A = arith.constant 1 : i32
            %jit3A_370 = arith.constant 0 : i32
            %broadcast_in_dim3A_371 = vector.broadcast %jit3A : i32 to vector<16xi32>
            %broadcast_in_dim3A_372 = vector.broadcast %jit3A_370 : i32 to vector<16xi32>
            %select_n3A = arith.select %and3A_366, %broadcast_in_dim3A_371, %broadcast_in_dim3A_372 : vector<16xi1>, vector<16xi32>
            %or3A = arith.ori %get3A_369, %select_n3A : vector<16xi32>
            %swap3A = arith.index_cast %mul3A_322 : i32 to index
            %swap3A_373 = tpu.vector_load %arg19[%swap3A] {strides = array<i32>} : memref<5120xi32, #tpu.memory_space<vmem>>, vector<16xi32>,
            %swap3A_374 = vector.shape_cast %swap3A_373 : vector<16xi32> to vector<16xi32>
            %swap3A_375 = vector.shape_cast %or3A : vector<16xi32> to vector<16xi32>
            tpu.vector_store %arg19[%swap3A], %swap3A_375 {strides = array<i32>} : memref<5120xi32, #tpu.memory_space<vmem>>, vector<16xi32>,
          }
        } else {
        }
        %add3A_265 = arith.constant 13 : i32
        %add3A_266 = arith.addi %mul3A_93, %add3A_265 : i32
        %get3A_267 = arith.index_cast %mul3A_93 : i32 to index
        %get3A_268 = tpu.vector_load %arg19[%get3A_267] {strides = array<i32>} : memref<5120xi32, #tpu.memory_space<vmem>>, vector<16xi32>,
        %get3A_269 = vector.shape_cast %get3A_268 : vector<16xi32> to vector<16xi32>
        %slice3A_270 = vector.extract_strided_slice %get3A_269 {offsets = [13], sizes = [1], strides = [1]} : vector<16xi32> to vector<1xi32>
        %squeeze3A_271 = vector.extract %slice3A_270[0] : i32 from vector<1xi32>
        %eq3A_272 = arith.constant 0 : i32
        %eq3A_273 = arith.cmpi eq, %squeeze3A_271, %eq3A_272 : i32
        %convert_element_type3A_274 = arith.extui %eq3A_273 : i1 to i32
        %cond3A_275 = arith.constant 0 : i32
        %cond3A_276 = arith.cmpi ne, %convert_element_type3A_274, %cond3A_275 : i32
        scf.if %cond3A_276 {
          %slice3A_301 = vector.extract_strided_slice %get3A_96 {offsets = [13], sizes = [1], strides = [1]} : vector<16xf32> to vector<1xf32>
          %squeeze3A_302 = vector.extract %slice3A_301[0] : f32 from vector<1xf32>
          %slice3A_303 = vector.extract_strided_slice %get3A_99 {offsets = [13], sizes = [1], strides = [1]} : vector<16xf32> to vector<1xf32>
          %squeeze3A_304 = vector.extract %slice3A_303[0] : f32 from vector<1xf32>
          %slice3A_305 = vector.extract_strided_slice %get3A_102 {offsets = [13], sizes = [1], strides = [1]} : vector<16xf32> to vector<1xf32>
          %squeeze3A_306 = vector.extract %slice3A_305[0] : f32 from vector<1xf32>
          %slice3A_307 = vector.extract_strided_slice %get3A_105 {offsets = [13], sizes = [1], strides = [1]} : vector<16xf32> to vector<1xf32>
          %squeeze3A_308 = vector.extract %slice3A_307[0] : f32 from vector<1xf32>
          %slice3A_309 = vector.extract_strided_slice %get3A_108 {offsets = [13], sizes = [1], strides = [1]} : vector<16xf32> to vector<1xf32>
          %squeeze3A_310 = vector.extract %slice3A_309[0] : f32 from vector<1xf32>
          %while3A = arith.constant 0 : i32
          %while3A_311 = arith.constant 320 : i32
          %while3A_312 = arith.subi %while3A_311, %scan3A_91 : i32
          %while3A_313 = arith.addi %scan3A_91, %while3A_312 : i32
          %while3A_314 = arith.constant 1 : i32
          %while3A_315 = arith.divsi %while3A_312, %while3A_314 : i32
          %while3A_316 = arith.muli %while3A_315, %while3A_314 : i32
          %while3A_317 = arith.addi %scan3A_91, %while3A_316 : i32
          %while3A_318 = arith.constant 1 : i32
          scf.for %while3A_320 = %scan3A_91 to %while3A_317 step %while3A_318  : i32 {
            %mul3A_321 = arith.constant 16 : i32
            %mul3A_322 = arith.muli %while3A_320, %mul3A_321 : i32
            %get3A_323 = arith.index_cast %mul3A_322 : i32 to index
            %get3A_324 = tpu.vector_load %arg13[%get3A_323] {strides = array<i32>} : memref<5120xf32, #tpu.memory_space<vmem>>, vector<16xf32>,
            %get3A_325 = vector.shape_cast %get3A_324 : vector<16xf32> to vector<16xf32>
            %get3A_326 = arith.index_cast %mul3A_322 : i32 to index
            %get3A_327 = tpu.vector_load %arg14[%get3A_326] {strides = array<i32>} : memref<5120xf32, #tpu.memory_space<vmem>>, vector<16xf32>,
            %get3A_328 = vector.shape_cast %get3A_327 : vector<16xf32> to vector<16xf32>
            %get3A_329 = arith.index_cast %mul3A_322 : i32 to index
            %get3A_330 = tpu.vector_load %arg15[%get3A_329] {strides = array<i32>} : memref<5120xf32, #tpu.memory_space<vmem>>, vector<16xf32>,
            %get3A_331 = vector.shape_cast %get3A_330 : vector<16xf32> to vector<16xf32>
            %get3A_332 = arith.index_cast %mul3A_322 : i32 to index
            %get3A_333 = tpu.vector_load %arg16[%get3A_332] {strides = array<i32>} : memref<5120xf32, #tpu.memory_space<vmem>>, vector<16xf32>,
            %get3A_334 = vector.shape_cast %get3A_333 : vector<16xf32> to vector<16xf32>
            %get3A_335 = arith.index_cast %mul3A_322 : i32 to index
            %get3A_336 = tpu.vector_load %arg18[%get3A_335] {strides = array<i32>} : memref<5120xf32, #tpu.memory_space<vmem>>, vector<16xf32>,
            %get3A_337 = vector.shape_cast %get3A_336 : vector<16xf32> to vector<16xf32>
            %min3A = vector.broadcast %squeeze3A_306 : f32 to vector<16xf32>
            %min3A_338 = arith.minimumf %min3A, %get3A_331 : vector<16xf32>
            %max3A = vector.broadcast %squeeze3A_302 : f32 to vector<16xf32>
            %max3A_339 = arith.maximumf %max3A, %get3A_325 : vector<16xf32>
            %sub3A_340 = arith.subf %min3A_338, %max3A_339 : vector<16xf32>
            %max3A_341 = arith.constant 0.000000e+00 : f32
            %max3A_342 = vector.broadcast %max3A_341 : f32 to vector<16xf32>
            %max3A_343 = arith.maximumf %sub3A_340, %max3A_342 : vector<16xf32>
            %min3A_344 = vector.broadcast %squeeze3A_308 : f32 to vector<16xf32>
            %min3A_345 = arith.minimumf %min3A_344, %get3A_334 : vector<16xf32>
            %max3A_346 = vector.broadcast %squeeze3A_304 : f32 to vector<16xf32>
            %max3A_347 = arith.maximumf %max3A_346, %get3A_328 : vector<16xf32>
            %sub3A_348 = arith.subf %min3A_345, %max3A_347 : vector<16xf32>
            %max3A_349 = arith.constant 0.000000e+00 : f32
            %max3A_350 = vector.broadcast %max3A_349 : f32 to vector<16xf32>
            %max3A_351 = arith.maximumf %sub3A_348, %max3A_350 : vector<16xf32>
            %mul3A_352 = arith.mulf %max3A_343, %max3A_351 : vector<16xf32>
            %iota3A = tpu.iota {dimensions = array<i32: 0>} : vector<16xi32>
            %add3A_353 = vector.broadcast %mul3A_322 : i32 to vector<16xi32>
            %add3A_354 = arith.addi %add3A_353, %iota3A : vector<16xi32>
            %add3A_355 = vector.broadcast %squeeze3A_310 : f32 to vector<16xf32>
            %add3A_356 = arith.addf %add3A_355, %get3A_337 : vector<16xf32>
            %sub3A_357 = arith.subf %add3A_356, %mul3A_352 : vector<16xf32>
            %add3A_358 = arith.constant 9.99999997E-7 : f32
            %add3A_359 = vector.broadcast %add3A_358 : f32 to vector<16xf32>
            %add3A_360 = arith.addf %sub3A_357, %add3A_359 : vector<16xf32>
            %mul3A_361 = arith.constant 3.000000e-01 : f32
            %mul3A_362 = vector.broadcast %mul3A_361 : f32 to vector<16xf32>
            %mul3A_363 = arith.mulf %add3A_360, %mul3A_362 : vector<16xf32>
            %gt3A = arith.cmpf ogt, %mul3A_352, %mul3A_363 : vector<16xf32>
            %gt3A_364 = vector.broadcast %add3A_266 : i32 to vector<16xi32>
            %gt3A_365 = arith.cmpi sgt, %add3A_354, %gt3A_364 : vector<16xi32>
            %and3A_366 = arith.andi %gt3A, %gt3A_365 : vector<16xi1>
            %get3A_367 = arith.index_cast %mul3A_322 : i32 to index
            %get3A_368 = tpu.vector_load %arg19[%get3A_367] {strides = array<i32>} : memref<5120xi32, #tpu.memory_space<vmem>>, vector<16xi32>,
            %get3A_369 = vector.shape_cast %get3A_368 : vector<16xi32> to vector<16xi32>
            %jit3A = arith.constant 1 : i32
            %jit3A_370 = arith.constant 0 : i32
            %broadcast_in_dim3A_371 = vector.broadcast %jit3A : i32 to vector<16xi32>
            %broadcast_in_dim3A_372 = vector.broadcast %jit3A_370 : i32 to vector<16xi32>
            %select_n3A = arith.select %and3A_366, %broadcast_in_dim3A_371, %broadcast_in_dim3A_372 : vector<16xi1>, vector<16xi32>
            %or3A = arith.ori %get3A_369, %select_n3A : vector<16xi32>
            %swap3A = arith.index_cast %mul3A_322 : i32 to index
            %swap3A_373 = tpu.vector_load %arg19[%swap3A] {strides = array<i32>} : memref<5120xi32, #tpu.memory_space<vmem>>, vector<16xi32>,
            %swap3A_374 = vector.shape_cast %swap3A_373 : vector<16xi32> to vector<16xi32>
            %swap3A_375 = vector.shape_cast %or3A : vector<16xi32> to vector<16xi32>
            tpu.vector_store %arg19[%swap3A], %swap3A_375 {strides = array<i32>} : memref<5120xi32, #tpu.memory_space<vmem>>, vector<16xi32>,
          }
          %while3A_319 = arith.constant 1 : i32
          scf.for %while3A_320 = %while3A_317 to %while3A_313 step %while3A_319  : i32 {
            %mul3A_321 = arith.constant 16 : i32
            %mul3A_322 = arith.muli %while3A_320, %mul3A_321 : i32
            %get3A_323 = arith.index_cast %mul3A_322 : i32 to index
            %get3A_324 = tpu.vector_load %arg13[%get3A_323] {strides = array<i32>} : memref<5120xf32, #tpu.memory_space<vmem>>, vector<16xf32>,
            %get3A_325 = vector.shape_cast %get3A_324 : vector<16xf32> to vector<16xf32>
            %get3A_326 = arith.index_cast %mul3A_322 : i32 to index
            %get3A_327 = tpu.vector_load %arg14[%get3A_326] {strides = array<i32>} : memref<5120xf32, #tpu.memory_space<vmem>>, vector<16xf32>,
            %get3A_328 = vector.shape_cast %get3A_327 : vector<16xf32> to vector<16xf32>
            %get3A_329 = arith.index_cast %mul3A_322 : i32 to index
            %get3A_330 = tpu.vector_load %arg15[%get3A_329] {strides = array<i32>} : memref<5120xf32, #tpu.memory_space<vmem>>, vector<16xf32>,
            %get3A_331 = vector.shape_cast %get3A_330 : vector<16xf32> to vector<16xf32>
            %get3A_332 = arith.index_cast %mul3A_322 : i32 to index
            %get3A_333 = tpu.vector_load %arg16[%get3A_332] {strides = array<i32>} : memref<5120xf32, #tpu.memory_space<vmem>>, vector<16xf32>,
            %get3A_334 = vector.shape_cast %get3A_333 : vector<16xf32> to vector<16xf32>
            %get3A_335 = arith.index_cast %mul3A_322 : i32 to index
            %get3A_336 = tpu.vector_load %arg18[%get3A_335] {strides = array<i32>} : memref<5120xf32, #tpu.memory_space<vmem>>, vector<16xf32>,
            %get3A_337 = vector.shape_cast %get3A_336 : vector<16xf32> to vector<16xf32>
            %min3A = vector.broadcast %squeeze3A_306 : f32 to vector<16xf32>
            %min3A_338 = arith.minimumf %min3A, %get3A_331 : vector<16xf32>
            %max3A = vector.broadcast %squeeze3A_302 : f32 to vector<16xf32>
            %max3A_339 = arith.maximumf %max3A, %get3A_325 : vector<16xf32>
            %sub3A_340 = arith.subf %min3A_338, %max3A_339 : vector<16xf32>
            %max3A_341 = arith.constant 0.000000e+00 : f32
            %max3A_342 = vector.broadcast %max3A_341 : f32 to vector<16xf32>
            %max3A_343 = arith.maximumf %sub3A_340, %max3A_342 : vector<16xf32>
            %min3A_344 = vector.broadcast %squeeze3A_308 : f32 to vector<16xf32>
            %min3A_345 = arith.minimumf %min3A_344, %get3A_334 : vector<16xf32>
            %max3A_346 = vector.broadcast %squeeze3A_304 : f32 to vector<16xf32>
            %max3A_347 = arith.maximumf %max3A_346, %get3A_328 : vector<16xf32>
            %sub3A_348 = arith.subf %min3A_345, %max3A_347 : vector<16xf32>
            %max3A_349 = arith.constant 0.000000e+00 : f32
            %max3A_350 = vector.broadcast %max3A_349 : f32 to vector<16xf32>
            %max3A_351 = arith.maximumf %sub3A_348, %max3A_350 : vector<16xf32>
            %mul3A_352 = arith.mulf %max3A_343, %max3A_351 : vector<16xf32>
            %iota3A = tpu.iota {dimensions = array<i32: 0>} : vector<16xi32>
            %add3A_353 = vector.broadcast %mul3A_322 : i32 to vector<16xi32>
            %add3A_354 = arith.addi %add3A_353, %iota3A : vector<16xi32>
            %add3A_355 = vector.broadcast %squeeze3A_310 : f32 to vector<16xf32>
            %add3A_356 = arith.addf %add3A_355, %get3A_337 : vector<16xf32>
            %sub3A_357 = arith.subf %add3A_356, %mul3A_352 : vector<16xf32>
            %add3A_358 = arith.constant 9.99999997E-7 : f32
            %add3A_359 = vector.broadcast %add3A_358 : f32 to vector<16xf32>
            %add3A_360 = arith.addf %sub3A_357, %add3A_359 : vector<16xf32>
            %mul3A_361 = arith.constant 3.000000e-01 : f32
            %mul3A_362 = vector.broadcast %mul3A_361 : f32 to vector<16xf32>
            %mul3A_363 = arith.mulf %add3A_360, %mul3A_362 : vector<16xf32>
            %gt3A = arith.cmpf ogt, %mul3A_352, %mul3A_363 : vector<16xf32>
            %gt3A_364 = vector.broadcast %add3A_266 : i32 to vector<16xi32>
            %gt3A_365 = arith.cmpi sgt, %add3A_354, %gt3A_364 : vector<16xi32>
            %and3A_366 = arith.andi %gt3A, %gt3A_365 : vector<16xi1>
            %get3A_367 = arith.index_cast %mul3A_322 : i32 to index
            %get3A_368 = tpu.vector_load %arg19[%get3A_367] {strides = array<i32>} : memref<5120xi32, #tpu.memory_space<vmem>>, vector<16xi32>,
            %get3A_369 = vector.shape_cast %get3A_368 : vector<16xi32> to vector<16xi32>
            %jit3A = arith.constant 1 : i32
            %jit3A_370 = arith.constant 0 : i32
            %broadcast_in_dim3A_371 = vector.broadcast %jit3A : i32 to vector<16xi32>
            %broadcast_in_dim3A_372 = vector.broadcast %jit3A_370 : i32 to vector<16xi32>
            %select_n3A = arith.select %and3A_366, %broadcast_in_dim3A_371, %broadcast_in_dim3A_372 : vector<16xi1>, vector<16xi32>
            %or3A = arith.ori %get3A_369, %select_n3A : vector<16xi32>
            %swap3A = arith.index_cast %mul3A_322 : i32 to index
            %swap3A_373 = tpu.vector_load %arg19[%swap3A] {strides = array<i32>} : memref<5120xi32, #tpu.memory_space<vmem>>, vector<16xi32>,
            %swap3A_374 = vector.shape_cast %swap3A_373 : vector<16xi32> to vector<16xi32>
            %swap3A_375 = vector.shape_cast %or3A : vector<16xi32> to vector<16xi32>
            tpu.vector_store %arg19[%swap3A], %swap3A_375 {strides = array<i32>} : memref<5120xi32, #tpu.memory_space<vmem>>, vector<16xi32>,
          }
        } else {
        }
        %add3A_277 = arith.constant 14 : i32
        %add3A_278 = arith.addi %mul3A_93, %add3A_277 : i32
        %get3A_279 = arith.index_cast %mul3A_93 : i32 to index
        %get3A_280 = tpu.vector_load %arg19[%get3A_279] {strides = array<i32>} : memref<5120xi32, #tpu.memory_space<vmem>>, vector<16xi32>,
        %get3A_281 = vector.shape_cast %get3A_280 : vector<16xi32> to vector<16xi32>
        %slice3A_282 = vector.extract_strided_slice %get3A_281 {offsets = [14], sizes = [1], strides = [1]} : vector<16xi32> to vector<1xi32>
        %squeeze3A_283 = vector.extract %slice3A_282[0] : i32 from vector<1xi32>
        %eq3A_284 = arith.constant 0 : i32
        %eq3A_285 = arith.cmpi eq, %squeeze3A_283, %eq3A_284 : i32
        %convert_element_type3A_286 = arith.extui %eq3A_285 : i1 to i32
        %cond3A_287 = arith.constant 0 : i32
        %cond3A_288 = arith.cmpi ne, %convert_element_type3A_286, %cond3A_287 : i32
        scf.if %cond3A_288 {
          %slice3A_301 = vector.extract_strided_slice %get3A_96 {offsets = [14], sizes = [1], strides = [1]} : vector<16xf32> to vector<1xf32>
          %squeeze3A_302 = vector.extract %slice3A_301[0] : f32 from vector<1xf32>
          %slice3A_303 = vector.extract_strided_slice %get3A_99 {offsets = [14], sizes = [1], strides = [1]} : vector<16xf32> to vector<1xf32>
          %squeeze3A_304 = vector.extract %slice3A_303[0] : f32 from vector<1xf32>
          %slice3A_305 = vector.extract_strided_slice %get3A_102 {offsets = [14], sizes = [1], strides = [1]} : vector<16xf32> to vector<1xf32>
          %squeeze3A_306 = vector.extract %slice3A_305[0] : f32 from vector<1xf32>
          %slice3A_307 = vector.extract_strided_slice %get3A_105 {offsets = [14], sizes = [1], strides = [1]} : vector<16xf32> to vector<1xf32>
          %squeeze3A_308 = vector.extract %slice3A_307[0] : f32 from vector<1xf32>
          %slice3A_309 = vector.extract_strided_slice %get3A_108 {offsets = [14], sizes = [1], strides = [1]} : vector<16xf32> to vector<1xf32>
          %squeeze3A_310 = vector.extract %slice3A_309[0] : f32 from vector<1xf32>
          %while3A = arith.constant 0 : i32
          %while3A_311 = arith.constant 320 : i32
          %while3A_312 = arith.subi %while3A_311, %scan3A_91 : i32
          %while3A_313 = arith.addi %scan3A_91, %while3A_312 : i32
          %while3A_314 = arith.constant 1 : i32
          %while3A_315 = arith.divsi %while3A_312, %while3A_314 : i32
          %while3A_316 = arith.muli %while3A_315, %while3A_314 : i32
          %while3A_317 = arith.addi %scan3A_91, %while3A_316 : i32
          %while3A_318 = arith.constant 1 : i32
          scf.for %while3A_320 = %scan3A_91 to %while3A_317 step %while3A_318  : i32 {
            %mul3A_321 = arith.constant 16 : i32
            %mul3A_322 = arith.muli %while3A_320, %mul3A_321 : i32
            %get3A_323 = arith.index_cast %mul3A_322 : i32 to index
            %get3A_324 = tpu.vector_load %arg13[%get3A_323] {strides = array<i32>} : memref<5120xf32, #tpu.memory_space<vmem>>, vector<16xf32>,
            %get3A_325 = vector.shape_cast %get3A_324 : vector<16xf32> to vector<16xf32>
            %get3A_326 = arith.index_cast %mul3A_322 : i32 to index
            %get3A_327 = tpu.vector_load %arg14[%get3A_326] {strides = array<i32>} : memref<5120xf32, #tpu.memory_space<vmem>>, vector<16xf32>,
            %get3A_328 = vector.shape_cast %get3A_327 : vector<16xf32> to vector<16xf32>
            %get3A_329 = arith.index_cast %mul3A_322 : i32 to index
            %get3A_330 = tpu.vector_load %arg15[%get3A_329] {strides = array<i32>} : memref<5120xf32, #tpu.memory_space<vmem>>, vector<16xf32>,
            %get3A_331 = vector.shape_cast %get3A_330 : vector<16xf32> to vector<16xf32>
            %get3A_332 = arith.index_cast %mul3A_322 : i32 to index
            %get3A_333 = tpu.vector_load %arg16[%get3A_332] {strides = array<i32>} : memref<5120xf32, #tpu.memory_space<vmem>>, vector<16xf32>,
            %get3A_334 = vector.shape_cast %get3A_333 : vector<16xf32> to vector<16xf32>
            %get3A_335 = arith.index_cast %mul3A_322 : i32 to index
            %get3A_336 = tpu.vector_load %arg18[%get3A_335] {strides = array<i32>} : memref<5120xf32, #tpu.memory_space<vmem>>, vector<16xf32>,
            %get3A_337 = vector.shape_cast %get3A_336 : vector<16xf32> to vector<16xf32>
            %min3A = vector.broadcast %squeeze3A_306 : f32 to vector<16xf32>
            %min3A_338 = arith.minimumf %min3A, %get3A_331 : vector<16xf32>
            %max3A = vector.broadcast %squeeze3A_302 : f32 to vector<16xf32>
            %max3A_339 = arith.maximumf %max3A, %get3A_325 : vector<16xf32>
            %sub3A_340 = arith.subf %min3A_338, %max3A_339 : vector<16xf32>
            %max3A_341 = arith.constant 0.000000e+00 : f32
            %max3A_342 = vector.broadcast %max3A_341 : f32 to vector<16xf32>
            %max3A_343 = arith.maximumf %sub3A_340, %max3A_342 : vector<16xf32>
            %min3A_344 = vector.broadcast %squeeze3A_308 : f32 to vector<16xf32>
            %min3A_345 = arith.minimumf %min3A_344, %get3A_334 : vector<16xf32>
            %max3A_346 = vector.broadcast %squeeze3A_304 : f32 to vector<16xf32>
            %max3A_347 = arith.maximumf %max3A_346, %get3A_328 : vector<16xf32>
            %sub3A_348 = arith.subf %min3A_345, %max3A_347 : vector<16xf32>
            %max3A_349 = arith.constant 0.000000e+00 : f32
            %max3A_350 = vector.broadcast %max3A_349 : f32 to vector<16xf32>
            %max3A_351 = arith.maximumf %sub3A_348, %max3A_350 : vector<16xf32>
            %mul3A_352 = arith.mulf %max3A_343, %max3A_351 : vector<16xf32>
            %iota3A = tpu.iota {dimensions = array<i32: 0>} : vector<16xi32>
            %add3A_353 = vector.broadcast %mul3A_322 : i32 to vector<16xi32>
            %add3A_354 = arith.addi %add3A_353, %iota3A : vector<16xi32>
            %add3A_355 = vector.broadcast %squeeze3A_310 : f32 to vector<16xf32>
            %add3A_356 = arith.addf %add3A_355, %get3A_337 : vector<16xf32>
            %sub3A_357 = arith.subf %add3A_356, %mul3A_352 : vector<16xf32>
            %add3A_358 = arith.constant 9.99999997E-7 : f32
            %add3A_359 = vector.broadcast %add3A_358 : f32 to vector<16xf32>
            %add3A_360 = arith.addf %sub3A_357, %add3A_359 : vector<16xf32>
            %mul3A_361 = arith.constant 3.000000e-01 : f32
            %mul3A_362 = vector.broadcast %mul3A_361 : f32 to vector<16xf32>
            %mul3A_363 = arith.mulf %add3A_360, %mul3A_362 : vector<16xf32>
            %gt3A = arith.cmpf ogt, %mul3A_352, %mul3A_363 : vector<16xf32>
            %gt3A_364 = vector.broadcast %add3A_278 : i32 to vector<16xi32>
            %gt3A_365 = arith.cmpi sgt, %add3A_354, %gt3A_364 : vector<16xi32>
            %and3A_366 = arith.andi %gt3A, %gt3A_365 : vector<16xi1>
            %get3A_367 = arith.index_cast %mul3A_322 : i32 to index
            %get3A_368 = tpu.vector_load %arg19[%get3A_367] {strides = array<i32>} : memref<5120xi32, #tpu.memory_space<vmem>>, vector<16xi32>,
            %get3A_369 = vector.shape_cast %get3A_368 : vector<16xi32> to vector<16xi32>
            %jit3A = arith.constant 1 : i32
            %jit3A_370 = arith.constant 0 : i32
            %broadcast_in_dim3A_371 = vector.broadcast %jit3A : i32 to vector<16xi32>
            %broadcast_in_dim3A_372 = vector.broadcast %jit3A_370 : i32 to vector<16xi32>
            %select_n3A = arith.select %and3A_366, %broadcast_in_dim3A_371, %broadcast_in_dim3A_372 : vector<16xi1>, vector<16xi32>
            %or3A = arith.ori %get3A_369, %select_n3A : vector<16xi32>
            %swap3A = arith.index_cast %mul3A_322 : i32 to index
            %swap3A_373 = tpu.vector_load %arg19[%swap3A] {strides = array<i32>} : memref<5120xi32, #tpu.memory_space<vmem>>, vector<16xi32>,
            %swap3A_374 = vector.shape_cast %swap3A_373 : vector<16xi32> to vector<16xi32>
            %swap3A_375 = vector.shape_cast %or3A : vector<16xi32> to vector<16xi32>
            tpu.vector_store %arg19[%swap3A], %swap3A_375 {strides = array<i32>} : memref<5120xi32, #tpu.memory_space<vmem>>, vector<16xi32>,
          }
          %while3A_319 = arith.constant 1 : i32
          scf.for %while3A_320 = %while3A_317 to %while3A_313 step %while3A_319  : i32 {
            %mul3A_321 = arith.constant 16 : i32
            %mul3A_322 = arith.muli %while3A_320, %mul3A_321 : i32
            %get3A_323 = arith.index_cast %mul3A_322 : i32 to index
            %get3A_324 = tpu.vector_load %arg13[%get3A_323] {strides = array<i32>} : memref<5120xf32, #tpu.memory_space<vmem>>, vector<16xf32>,
            %get3A_325 = vector.shape_cast %get3A_324 : vector<16xf32> to vector<16xf32>
            %get3A_326 = arith.index_cast %mul3A_322 : i32 to index
            %get3A_327 = tpu.vector_load %arg14[%get3A_326] {strides = array<i32>} : memref<5120xf32, #tpu.memory_space<vmem>>, vector<16xf32>,
            %get3A_328 = vector.shape_cast %get3A_327 : vector<16xf32> to vector<16xf32>
            %get3A_329 = arith.index_cast %mul3A_322 : i32 to index
            %get3A_330 = tpu.vector_load %arg15[%get3A_329] {strides = array<i32>} : memref<5120xf32, #tpu.memory_space<vmem>>, vector<16xf32>,
            %get3A_331 = vector.shape_cast %get3A_330 : vector<16xf32> to vector<16xf32>
            %get3A_332 = arith.index_cast %mul3A_322 : i32 to index
            %get3A_333 = tpu.vector_load %arg16[%get3A_332] {strides = array<i32>} : memref<5120xf32, #tpu.memory_space<vmem>>, vector<16xf32>,
            %get3A_334 = vector.shape_cast %get3A_333 : vector<16xf32> to vector<16xf32>
            %get3A_335 = arith.index_cast %mul3A_322 : i32 to index
            %get3A_336 = tpu.vector_load %arg18[%get3A_335] {strides = array<i32>} : memref<5120xf32, #tpu.memory_space<vmem>>, vector<16xf32>,
            %get3A_337 = vector.shape_cast %get3A_336 : vector<16xf32> to vector<16xf32>
            %min3A = vector.broadcast %squeeze3A_306 : f32 to vector<16xf32>
            %min3A_338 = arith.minimumf %min3A, %get3A_331 : vector<16xf32>
            %max3A = vector.broadcast %squeeze3A_302 : f32 to vector<16xf32>
            %max3A_339 = arith.maximumf %max3A, %get3A_325 : vector<16xf32>
            %sub3A_340 = arith.subf %min3A_338, %max3A_339 : vector<16xf32>
            %max3A_341 = arith.constant 0.000000e+00 : f32
            %max3A_342 = vector.broadcast %max3A_341 : f32 to vector<16xf32>
            %max3A_343 = arith.maximumf %sub3A_340, %max3A_342 : vector<16xf32>
            %min3A_344 = vector.broadcast %squeeze3A_308 : f32 to vector<16xf32>
            %min3A_345 = arith.minimumf %min3A_344, %get3A_334 : vector<16xf32>
            %max3A_346 = vector.broadcast %squeeze3A_304 : f32 to vector<16xf32>
            %max3A_347 = arith.maximumf %max3A_346, %get3A_328 : vector<16xf32>
            %sub3A_348 = arith.subf %min3A_345, %max3A_347 : vector<16xf32>
            %max3A_349 = arith.constant 0.000000e+00 : f32
            %max3A_350 = vector.broadcast %max3A_349 : f32 to vector<16xf32>
            %max3A_351 = arith.maximumf %sub3A_348, %max3A_350 : vector<16xf32>
            %mul3A_352 = arith.mulf %max3A_343, %max3A_351 : vector<16xf32>
            %iota3A = tpu.iota {dimensions = array<i32: 0>} : vector<16xi32>
            %add3A_353 = vector.broadcast %mul3A_322 : i32 to vector<16xi32>
            %add3A_354 = arith.addi %add3A_353, %iota3A : vector<16xi32>
            %add3A_355 = vector.broadcast %squeeze3A_310 : f32 to vector<16xf32>
            %add3A_356 = arith.addf %add3A_355, %get3A_337 : vector<16xf32>
            %sub3A_357 = arith.subf %add3A_356, %mul3A_352 : vector<16xf32>
            %add3A_358 = arith.constant 9.99999997E-7 : f32
            %add3A_359 = vector.broadcast %add3A_358 : f32 to vector<16xf32>
            %add3A_360 = arith.addf %sub3A_357, %add3A_359 : vector<16xf32>
            %mul3A_361 = arith.constant 3.000000e-01 : f32
            %mul3A_362 = vector.broadcast %mul3A_361 : f32 to vector<16xf32>
            %mul3A_363 = arith.mulf %add3A_360, %mul3A_362 : vector<16xf32>
            %gt3A = arith.cmpf ogt, %mul3A_352, %mul3A_363 : vector<16xf32>
            %gt3A_364 = vector.broadcast %add3A_278 : i32 to vector<16xi32>
            %gt3A_365 = arith.cmpi sgt, %add3A_354, %gt3A_364 : vector<16xi32>
            %and3A_366 = arith.andi %gt3A, %gt3A_365 : vector<16xi1>
            %get3A_367 = arith.index_cast %mul3A_322 : i32 to index
            %get3A_368 = tpu.vector_load %arg19[%get3A_367] {strides = array<i32>} : memref<5120xi32, #tpu.memory_space<vmem>>, vector<16xi32>,
            %get3A_369 = vector.shape_cast %get3A_368 : vector<16xi32> to vector<16xi32>
            %jit3A = arith.constant 1 : i32
            %jit3A_370 = arith.constant 0 : i32
            %broadcast_in_dim3A_371 = vector.broadcast %jit3A : i32 to vector<16xi32>
            %broadcast_in_dim3A_372 = vector.broadcast %jit3A_370 : i32 to vector<16xi32>
            %select_n3A = arith.select %and3A_366, %broadcast_in_dim3A_371, %broadcast_in_dim3A_372 : vector<16xi1>, vector<16xi32>
            %or3A = arith.ori %get3A_369, %select_n3A : vector<16xi32>
            %swap3A = arith.index_cast %mul3A_322 : i32 to index
            %swap3A_373 = tpu.vector_load %arg19[%swap3A] {strides = array<i32>} : memref<5120xi32, #tpu.memory_space<vmem>>, vector<16xi32>,
            %swap3A_374 = vector.shape_cast %swap3A_373 : vector<16xi32> to vector<16xi32>
            %swap3A_375 = vector.shape_cast %or3A : vector<16xi32> to vector<16xi32>
            tpu.vector_store %arg19[%swap3A], %swap3A_375 {strides = array<i32>} : memref<5120xi32, #tpu.memory_space<vmem>>, vector<16xi32>,
          }
        } else {
        }
        %add3A_289 = arith.constant 15 : i32
        %add3A_290 = arith.addi %mul3A_93, %add3A_289 : i32
        %get3A_291 = arith.index_cast %mul3A_93 : i32 to index
        %get3A_292 = tpu.vector_load %arg19[%get3A_291] {strides = array<i32>} : memref<5120xi32, #tpu.memory_space<vmem>>, vector<16xi32>,
        %get3A_293 = vector.shape_cast %get3A_292 : vector<16xi32> to vector<16xi32>
        %slice3A_294 = vector.extract_strided_slice %get3A_293 {offsets = [15], sizes = [1], strides = [1]} : vector<16xi32> to vector<1xi32>
        %squeeze3A_295 = vector.extract %slice3A_294[0] : i32 from vector<1xi32>
        %eq3A_296 = arith.constant 0 : i32
        %eq3A_297 = arith.cmpi eq, %squeeze3A_295, %eq3A_296 : i32
        %convert_element_type3A_298 = arith.extui %eq3A_297 : i1 to i32
        %cond3A_299 = arith.constant 0 : i32
        %cond3A_300 = arith.cmpi ne, %convert_element_type3A_298, %cond3A_299 : i32
        scf.if %cond3A_300 {
          %slice3A_301 = vector.extract_strided_slice %get3A_96 {offsets = [15], sizes = [1], strides = [1]} : vector<16xf32> to vector<1xf32>
          %squeeze3A_302 = vector.extract %slice3A_301[0] : f32 from vector<1xf32>
          %slice3A_303 = vector.extract_strided_slice %get3A_99 {offsets = [15], sizes = [1], strides = [1]} : vector<16xf32> to vector<1xf32>
          %squeeze3A_304 = vector.extract %slice3A_303[0] : f32 from vector<1xf32>
          %slice3A_305 = vector.extract_strided_slice %get3A_102 {offsets = [15], sizes = [1], strides = [1]} : vector<16xf32> to vector<1xf32>
          %squeeze3A_306 = vector.extract %slice3A_305[0] : f32 from vector<1xf32>
          %slice3A_307 = vector.extract_strided_slice %get3A_105 {offsets = [15], sizes = [1], strides = [1]} : vector<16xf32> to vector<1xf32>
          %squeeze3A_308 = vector.extract %slice3A_307[0] : f32 from vector<1xf32>
          %slice3A_309 = vector.extract_strided_slice %get3A_108 {offsets = [15], sizes = [1], strides = [1]} : vector<16xf32> to vector<1xf32>
          %squeeze3A_310 = vector.extract %slice3A_309[0] : f32 from vector<1xf32>
          %while3A = arith.constant 0 : i32
          %while3A_311 = arith.constant 320 : i32
          %while3A_312 = arith.subi %while3A_311, %scan3A_91 : i32
          %while3A_313 = arith.addi %scan3A_91, %while3A_312 : i32
          %while3A_314 = arith.constant 1 : i32
          %while3A_315 = arith.divsi %while3A_312, %while3A_314 : i32
          %while3A_316 = arith.muli %while3A_315, %while3A_314 : i32
          %while3A_317 = arith.addi %scan3A_91, %while3A_316 : i32
          %while3A_318 = arith.constant 1 : i32
          scf.for %while3A_320 = %scan3A_91 to %while3A_317 step %while3A_318  : i32 {
            %mul3A_321 = arith.constant 16 : i32
            %mul3A_322 = arith.muli %while3A_320, %mul3A_321 : i32
            %get3A_323 = arith.index_cast %mul3A_322 : i32 to index
            %get3A_324 = tpu.vector_load %arg13[%get3A_323] {strides = array<i32>} : memref<5120xf32, #tpu.memory_space<vmem>>, vector<16xf32>,
            %get3A_325 = vector.shape_cast %get3A_324 : vector<16xf32> to vector<16xf32>
            %get3A_326 = arith.index_cast %mul3A_322 : i32 to index
            %get3A_327 = tpu.vector_load %arg14[%get3A_326] {strides = array<i32>} : memref<5120xf32, #tpu.memory_space<vmem>>, vector<16xf32>,
            %get3A_328 = vector.shape_cast %get3A_327 : vector<16xf32> to vector<16xf32>
            %get3A_329 = arith.index_cast %mul3A_322 : i32 to index
            %get3A_330 = tpu.vector_load %arg15[%get3A_329] {strides = array<i32>} : memref<5120xf32, #tpu.memory_space<vmem>>, vector<16xf32>,
            %get3A_331 = vector.shape_cast %get3A_330 : vector<16xf32> to vector<16xf32>
            %get3A_332 = arith.index_cast %mul3A_322 : i32 to index
            %get3A_333 = tpu.vector_load %arg16[%get3A_332] {strides = array<i32>} : memref<5120xf32, #tpu.memory_space<vmem>>, vector<16xf32>,
            %get3A_334 = vector.shape_cast %get3A_333 : vector<16xf32> to vector<16xf32>
            %get3A_335 = arith.index_cast %mul3A_322 : i32 to index
            %get3A_336 = tpu.vector_load %arg18[%get3A_335] {strides = array<i32>} : memref<5120xf32, #tpu.memory_space<vmem>>, vector<16xf32>,
            %get3A_337 = vector.shape_cast %get3A_336 : vector<16xf32> to vector<16xf32>
            %min3A = vector.broadcast %squeeze3A_306 : f32 to vector<16xf32>
            %min3A_338 = arith.minimumf %min3A, %get3A_331 : vector<16xf32>
            %max3A = vector.broadcast %squeeze3A_302 : f32 to vector<16xf32>
            %max3A_339 = arith.maximumf %max3A, %get3A_325 : vector<16xf32>
            %sub3A_340 = arith.subf %min3A_338, %max3A_339 : vector<16xf32>
            %max3A_341 = arith.constant 0.000000e+00 : f32
            %max3A_342 = vector.broadcast %max3A_341 : f32 to vector<16xf32>
            %max3A_343 = arith.maximumf %sub3A_340, %max3A_342 : vector<16xf32>
            %min3A_344 = vector.broadcast %squeeze3A_308 : f32 to vector<16xf32>
            %min3A_345 = arith.minimumf %min3A_344, %get3A_334 : vector<16xf32>
            %max3A_346 = vector.broadcast %squeeze3A_304 : f32 to vector<16xf32>
            %max3A_347 = arith.maximumf %max3A_346, %get3A_328 : vector<16xf32>
            %sub3A_348 = arith.subf %min3A_345, %max3A_347 : vector<16xf32>
            %max3A_349 = arith.constant 0.000000e+00 : f32
            %max3A_350 = vector.broadcast %max3A_349 : f32 to vector<16xf32>
            %max3A_351 = arith.maximumf %sub3A_348, %max3A_350 : vector<16xf32>
            %mul3A_352 = arith.mulf %max3A_343, %max3A_351 : vector<16xf32>
            %iota3A = tpu.iota {dimensions = array<i32: 0>} : vector<16xi32>
            %add3A_353 = vector.broadcast %mul3A_322 : i32 to vector<16xi32>
            %add3A_354 = arith.addi %add3A_353, %iota3A : vector<16xi32>
            %add3A_355 = vector.broadcast %squeeze3A_310 : f32 to vector<16xf32>
            %add3A_356 = arith.addf %add3A_355, %get3A_337 : vector<16xf32>
            %sub3A_357 = arith.subf %add3A_356, %mul3A_352 : vector<16xf32>
            %add3A_358 = arith.constant 9.99999997E-7 : f32
            %add3A_359 = vector.broadcast %add3A_358 : f32 to vector<16xf32>
            %add3A_360 = arith.addf %sub3A_357, %add3A_359 : vector<16xf32>
            %mul3A_361 = arith.constant 3.000000e-01 : f32
            %mul3A_362 = vector.broadcast %mul3A_361 : f32 to vector<16xf32>
            %mul3A_363 = arith.mulf %add3A_360, %mul3A_362 : vector<16xf32>
            %gt3A = arith.cmpf ogt, %mul3A_352, %mul3A_363 : vector<16xf32>
            %gt3A_364 = vector.broadcast %add3A_290 : i32 to vector<16xi32>
            %gt3A_365 = arith.cmpi sgt, %add3A_354, %gt3A_364 : vector<16xi32>
            %and3A_366 = arith.andi %gt3A, %gt3A_365 : vector<16xi1>
            %get3A_367 = arith.index_cast %mul3A_322 : i32 to index
            %get3A_368 = tpu.vector_load %arg19[%get3A_367] {strides = array<i32>} : memref<5120xi32, #tpu.memory_space<vmem>>, vector<16xi32>,
            %get3A_369 = vector.shape_cast %get3A_368 : vector<16xi32> to vector<16xi32>
            %jit3A = arith.constant 1 : i32
            %jit3A_370 = arith.constant 0 : i32
            %broadcast_in_dim3A_371 = vector.broadcast %jit3A : i32 to vector<16xi32>
            %broadcast_in_dim3A_372 = vector.broadcast %jit3A_370 : i32 to vector<16xi32>
            %select_n3A = arith.select %and3A_366, %broadcast_in_dim3A_371, %broadcast_in_dim3A_372 : vector<16xi1>, vector<16xi32>
            %or3A = arith.ori %get3A_369, %select_n3A : vector<16xi32>
            %swap3A = arith.index_cast %mul3A_322 : i32 to index
            %swap3A_373 = tpu.vector_load %arg19[%swap3A] {strides = array<i32>} : memref<5120xi32, #tpu.memory_space<vmem>>, vector<16xi32>,
            %swap3A_374 = vector.shape_cast %swap3A_373 : vector<16xi32> to vector<16xi32>
            %swap3A_375 = vector.shape_cast %or3A : vector<16xi32> to vector<16xi32>
            tpu.vector_store %arg19[%swap3A], %swap3A_375 {strides = array<i32>} : memref<5120xi32, #tpu.memory_space<vmem>>, vector<16xi32>,
          }
          %while3A_319 = arith.constant 1 : i32
          scf.for %while3A_320 = %while3A_317 to %while3A_313 step %while3A_319  : i32 {
            %mul3A_321 = arith.constant 16 : i32
            %mul3A_322 = arith.muli %while3A_320, %mul3A_321 : i32
            %get3A_323 = arith.index_cast %mul3A_322 : i32 to index
            %get3A_324 = tpu.vector_load %arg13[%get3A_323] {strides = array<i32>} : memref<5120xf32, #tpu.memory_space<vmem>>, vector<16xf32>,
            %get3A_325 = vector.shape_cast %get3A_324 : vector<16xf32> to vector<16xf32>
            %get3A_326 = arith.index_cast %mul3A_322 : i32 to index
            %get3A_327 = tpu.vector_load %arg14[%get3A_326] {strides = array<i32>} : memref<5120xf32, #tpu.memory_space<vmem>>, vector<16xf32>,
            %get3A_328 = vector.shape_cast %get3A_327 : vector<16xf32> to vector<16xf32>
            %get3A_329 = arith.index_cast %mul3A_322 : i32 to index
            %get3A_330 = tpu.vector_load %arg15[%get3A_329] {strides = array<i32>} : memref<5120xf32, #tpu.memory_space<vmem>>, vector<16xf32>,
            %get3A_331 = vector.shape_cast %get3A_330 : vector<16xf32> to vector<16xf32>
            %get3A_332 = arith.index_cast %mul3A_322 : i32 to index
            %get3A_333 = tpu.vector_load %arg16[%get3A_332] {strides = array<i32>} : memref<5120xf32, #tpu.memory_space<vmem>>, vector<16xf32>,
            %get3A_334 = vector.shape_cast %get3A_333 : vector<16xf32> to vector<16xf32>
            %get3A_335 = arith.index_cast %mul3A_322 : i32 to index
            %get3A_336 = tpu.vector_load %arg18[%get3A_335] {strides = array<i32>} : memref<5120xf32, #tpu.memory_space<vmem>>, vector<16xf32>,
            %get3A_337 = vector.shape_cast %get3A_336 : vector<16xf32> to vector<16xf32>
            %min3A = vector.broadcast %squeeze3A_306 : f32 to vector<16xf32>
            %min3A_338 = arith.minimumf %min3A, %get3A_331 : vector<16xf32>
            %max3A = vector.broadcast %squeeze3A_302 : f32 to vector<16xf32>
            %max3A_339 = arith.maximumf %max3A, %get3A_325 : vector<16xf32>
            %sub3A_340 = arith.subf %min3A_338, %max3A_339 : vector<16xf32>
            %max3A_341 = arith.constant 0.000000e+00 : f32
            %max3A_342 = vector.broadcast %max3A_341 : f32 to vector<16xf32>
            %max3A_343 = arith.maximumf %sub3A_340, %max3A_342 : vector<16xf32>
            %min3A_344 = vector.broadcast %squeeze3A_308 : f32 to vector<16xf32>
            %min3A_345 = arith.minimumf %min3A_344, %get3A_334 : vector<16xf32>
            %max3A_346 = vector.broadcast %squeeze3A_304 : f32 to vector<16xf32>
            %max3A_347 = arith.maximumf %max3A_346, %get3A_328 : vector<16xf32>
            %sub3A_348 = arith.subf %min3A_345, %max3A_347 : vector<16xf32>
            %max3A_349 = arith.constant 0.000000e+00 : f32
            %max3A_350 = vector.broadcast %max3A_349 : f32 to vector<16xf32>
            %max3A_351 = arith.maximumf %sub3A_348, %max3A_350 : vector<16xf32>
            %mul3A_352 = arith.mulf %max3A_343, %max3A_351 : vector<16xf32>
            %iota3A = tpu.iota {dimensions = array<i32: 0>} : vector<16xi32>
            %add3A_353 = vector.broadcast %mul3A_322 : i32 to vector<16xi32>
            %add3A_354 = arith.addi %add3A_353, %iota3A : vector<16xi32>
            %add3A_355 = vector.broadcast %squeeze3A_310 : f32 to vector<16xf32>
            %add3A_356 = arith.addf %add3A_355, %get3A_337 : vector<16xf32>
            %sub3A_357 = arith.subf %add3A_356, %mul3A_352 : vector<16xf32>
            %add3A_358 = arith.constant 9.99999997E-7 : f32
            %add3A_359 = vector.broadcast %add3A_358 : f32 to vector<16xf32>
            %add3A_360 = arith.addf %sub3A_357, %add3A_359 : vector<16xf32>
            %mul3A_361 = arith.constant 3.000000e-01 : f32
            %mul3A_362 = vector.broadcast %mul3A_361 : f32 to vector<16xf32>
            %mul3A_363 = arith.mulf %add3A_360, %mul3A_362 : vector<16xf32>
            %gt3A = arith.cmpf ogt, %mul3A_352, %mul3A_363 : vector<16xf32>
            %gt3A_364 = vector.broadcast %add3A_290 : i32 to vector<16xi32>
            %gt3A_365 = arith.cmpi sgt, %add3A_354, %gt3A_364 : vector<16xi32>
            %and3A_366 = arith.andi %gt3A, %gt3A_365 : vector<16xi1>
            %get3A_367 = arith.index_cast %mul3A_322 : i32 to index
            %get3A_368 = tpu.vector_load %arg19[%get3A_367] {strides = array<i32>} : memref<5120xi32, #tpu.memory_space<vmem>>, vector<16xi32>,
            %get3A_369 = vector.shape_cast %get3A_368 : vector<16xi32> to vector<16xi32>
            %jit3A = arith.constant 1 : i32
            %jit3A_370 = arith.constant 0 : i32
            %broadcast_in_dim3A_371 = vector.broadcast %jit3A : i32 to vector<16xi32>
            %broadcast_in_dim3A_372 = vector.broadcast %jit3A_370 : i32 to vector<16xi32>
            %select_n3A = arith.select %and3A_366, %broadcast_in_dim3A_371, %broadcast_in_dim3A_372 : vector<16xi1>, vector<16xi32>
            %or3A = arith.ori %get3A_369, %select_n3A : vector<16xi32>
            %swap3A = arith.index_cast %mul3A_322 : i32 to index
            %swap3A_373 = tpu.vector_load %arg19[%swap3A] {strides = array<i32>} : memref<5120xi32, #tpu.memory_space<vmem>>, vector<16xi32>,
            %swap3A_374 = vector.shape_cast %swap3A_373 : vector<16xi32> to vector<16xi32>
            %swap3A_375 = vector.shape_cast %or3A : vector<16xi32> to vector<16xi32>
            tpu.vector_store %arg19[%swap3A], %swap3A_375 {strides = array<i32>} : memref<5120xi32, #tpu.memory_space<vmem>>, vector<16xi32>,
          }
        } else {
        }
      }
      %scan3A_84 = arith.constant 320 : i32
      %scan3A_85 = arith.constant 0 : i32
      %scan3A_86 = arith.constant 0 : i32
      %scan3A_87 = arith.constant 320 : i32
      %scan3A_88 = arith.addi %scan3A_86, %scan3A_87 : i32
      %scan3A_89 = arith.constant 1 : i32
      scf.for %scan3A_91 = %scan3A_86 to %scan3A_88 step %scan3A_89  : i32 {
        %mul3A_92 = arith.constant 16 : i32
        %mul3A_93 = arith.muli %scan3A_91, %mul3A_92 : i32
        %get3A_94 = arith.index_cast %mul3A_93 : i32 to index
        %get3A_95 = tpu.vector_load %arg19[%get3A_94] {strides = array<i32>} : memref<5120xi32, #tpu.memory_space<vmem>>, vector<16xi32>,
        %get3A_96 = vector.shape_cast %get3A_95 : vector<16xi32> to vector<16xi32>
        %eq3A_97 = arith.constant 0 : i32
        %eq3A_98 = vector.broadcast %eq3A_97 : i32 to vector<16xi32>
        %eq3A_99 = arith.cmpi eq, %get3A_96, %eq3A_98 : vector<16xi32>
        %jit3A = arith.constant 1.000000e+00 : f32
        %jit3A_100 = arith.constant 0.000000e+00 : f32
        %broadcast_in_dim3A_101 = vector.broadcast %jit3A : f32 to vector<16xf32>
        %broadcast_in_dim3A_102 = vector.broadcast %jit3A_100 : f32 to vector<16xf32>
        %select_n3A = arith.select %eq3A_99, %broadcast_in_dim3A_101, %broadcast_in_dim3A_102 : vector<16xi1>, vector<16xf32>
        %get3A_103 = arith.index_cast %mul3A_93 : i32 to index
        %get3A_104 = tpu.vector_load %arg13[%get3A_103] {strides = array<i32>} : memref<5120xf32, #tpu.memory_space<vmem>>, vector<16xf32>,
        %get3A_105 = vector.shape_cast %get3A_104 : vector<16xf32> to vector<16xf32>
        %mul3A_106 = arith.mulf %get3A_105, %select_n3A : vector<16xf32>
        %swap3A = arith.index_cast %mul3A_93 : i32 to index
        %swap3A_107 = tpu.vector_load %arg20[%swap3A] {strides = array<i32>} : memref<5120xf32, #tpu.memory_space<vmem>>, vector<16xf32>,
        %swap3A_108 = vector.shape_cast %swap3A_107 : vector<16xf32> to vector<16xf32>
        %swap3A_109 = vector.shape_cast %mul3A_106 : vector<16xf32> to vector<16xf32>
        tpu.vector_store %arg20[%swap3A], %swap3A_109 {strides = array<i32>} : memref<5120xf32, #tpu.memory_space<vmem>>, vector<16xf32>,
        %get3A_110 = arith.index_cast %mul3A_93 : i32 to index
        %get3A_111 = tpu.vector_load %arg14[%get3A_110] {strides = array<i32>} : memref<5120xf32, #tpu.memory_space<vmem>>, vector<16xf32>,
        %get3A_112 = vector.shape_cast %get3A_111 : vector<16xf32> to vector<16xf32>
        %mul3A_113 = arith.mulf %get3A_112, %select_n3A : vector<16xf32>
        %swap3A_114 = arith.index_cast %mul3A_93 : i32 to index
        %swap3A_115 = tpu.vector_load %arg21[%swap3A_114] {strides = array<i32>} : memref<5120xf32, #tpu.memory_space<vmem>>, vector<16xf32>,
        %swap3A_116 = vector.shape_cast %swap3A_115 : vector<16xf32> to vector<16xf32>
        %swap3A_117 = vector.shape_cast %mul3A_113 : vector<16xf32> to vector<16xf32>
        tpu.vector_store %arg21[%swap3A_114], %swap3A_117 {strides = array<i32>} : memref<5120xf32, #tpu.memory_space<vmem>>, vector<16xf32>,
        %get3A_118 = arith.index_cast %mul3A_93 : i32 to index
        %get3A_119 = tpu.vector_load %arg15[%get3A_118] {strides = array<i32>} : memref<5120xf32, #tpu.memory_space<vmem>>, vector<16xf32>,
        %get3A_120 = vector.shape_cast %get3A_119 : vector<16xf32> to vector<16xf32>
        %mul3A_121 = arith.mulf %get3A_120, %select_n3A : vector<16xf32>
        %swap3A_122 = arith.index_cast %mul3A_93 : i32 to index
        %swap3A_123 = tpu.vector_load %arg22[%swap3A_122] {strides = array<i32>} : memref<5120xf32, #tpu.memory_space<vmem>>, vector<16xf32>,
        %swap3A_124 = vector.shape_cast %swap3A_123 : vector<16xf32> to vector<16xf32>
        %swap3A_125 = vector.shape_cast %mul3A_121 : vector<16xf32> to vector<16xf32>
        tpu.vector_store %arg22[%swap3A_122], %swap3A_125 {strides = array<i32>} : memref<5120xf32, #tpu.memory_space<vmem>>, vector<16xf32>,
        %get3A_126 = arith.index_cast %mul3A_93 : i32 to index
        %get3A_127 = tpu.vector_load %arg16[%get3A_126] {strides = array<i32>} : memref<5120xf32, #tpu.memory_space<vmem>>, vector<16xf32>,
        %get3A_128 = vector.shape_cast %get3A_127 : vector<16xf32> to vector<16xf32>
        %mul3A_129 = arith.mulf %get3A_128, %select_n3A : vector<16xf32>
        %swap3A_130 = arith.index_cast %mul3A_93 : i32 to index
        %swap3A_131 = tpu.vector_load %arg23[%swap3A_130] {strides = array<i32>} : memref<5120xf32, #tpu.memory_space<vmem>>, vector<16xf32>,
        %swap3A_132 = vector.shape_cast %swap3A_131 : vector<16xf32> to vector<16xf32>
        %swap3A_133 = vector.shape_cast %mul3A_129 : vector<16xf32> to vector<16xf32>
        tpu.vector_store %arg23[%swap3A_130], %swap3A_133 {strides = array<i32>} : memref<5120xf32, #tpu.memory_space<vmem>>, vector<16xf32>,
        %get3A_134 = arith.index_cast %mul3A_93 : i32 to index
        %get3A_135 = tpu.vector_load %arg17[%get3A_134] {strides = array<i32>} : memref<5120xf32, #tpu.memory_space<vmem>>, vector<16xf32>,
        %get3A_136 = vector.shape_cast %get3A_135 : vector<16xf32> to vector<16xf32>
        %mul3A_137 = arith.mulf %get3A_136, %select_n3A : vector<16xf32>
        %swap3A_138 = arith.index_cast %mul3A_93 : i32 to index
        %swap3A_139 = tpu.vector_load %arg24[%swap3A_138] {strides = array<i32>} : memref<5120xf32, #tpu.memory_space<vmem>>, vector<16xf32>,
        %swap3A_140 = vector.shape_cast %swap3A_139 : vector<16xf32> to vector<16xf32>
        %swap3A_141 = vector.shape_cast %mul3A_137 : vector<16xf32> to vector<16xf32>
        tpu.vector_store %arg24[%swap3A_138], %swap3A_141 {strides = array<i32>} : memref<5120xf32, #tpu.memory_space<vmem>>, vector<16xf32>,
      }
      %scan3A_90 = arith.constant 320 : i32
      "tpu.region"() ({
        %run_scoped3A = tpu.sem_alloc : memref<!tpu.dma_semaphore, #tpu.memory_space<semaphore_mem>>
        tpu.enqueue_dma source(%arg20 : memref<5120xf32, #tpu.memory_space<vmem>>) target(%arg8 : memref<5120xf32, #tpu.memory_space<hbm>>) target_semaphore(%run_scoped3A : memref<!tpu.dma_semaphore, #tpu.memory_space<semaphore_mem>>)
        tpu.wait_dma2 semaphore(%run_scoped3A : memref<!tpu.dma_semaphore, #tpu.memory_space<semaphore_mem>>) src(%arg20 : memref<5120xf32, #tpu.memory_space<vmem>>) dst(%arg8 : memref<5120xf32, #tpu.memory_space<hbm>>)
        tpu.yield
      }) : () -> ()
      "tpu.region"() ({
        %run_scoped3A = tpu.sem_alloc : memref<!tpu.dma_semaphore, #tpu.memory_space<semaphore_mem>>
        tpu.enqueue_dma source(%arg21 : memref<5120xf32, #tpu.memory_space<vmem>>) target(%arg9 : memref<5120xf32, #tpu.memory_space<hbm>>) target_semaphore(%run_scoped3A : memref<!tpu.dma_semaphore, #tpu.memory_space<semaphore_mem>>)
        tpu.wait_dma2 semaphore(%run_scoped3A : memref<!tpu.dma_semaphore, #tpu.memory_space<semaphore_mem>>) src(%arg21 : memref<5120xf32, #tpu.memory_space<vmem>>) dst(%arg9 : memref<5120xf32, #tpu.memory_space<hbm>>)
        tpu.yield
      }) : () -> ()
      "tpu.region"() ({
        %run_scoped3A = tpu.sem_alloc : memref<!tpu.dma_semaphore, #tpu.memory_space<semaphore_mem>>
        tpu.enqueue_dma source(%arg22 : memref<5120xf32, #tpu.memory_space<vmem>>) target(%arg10 : memref<5120xf32, #tpu.memory_space<hbm>>) target_semaphore(%run_scoped3A : memref<!tpu.dma_semaphore, #tpu.memory_space<semaphore_mem>>)
        tpu.wait_dma2 semaphore(%run_scoped3A : memref<!tpu.dma_semaphore, #tpu.memory_space<semaphore_mem>>) src(%arg22 : memref<5120xf32, #tpu.memory_space<vmem>>) dst(%arg10 : memref<5120xf32, #tpu.memory_space<hbm>>)
        tpu.yield
      }) : () -> ()
      "tpu.region"() ({
        %run_scoped3A = tpu.sem_alloc : memref<!tpu.dma_semaphore, #tpu.memory_space<semaphore_mem>>
        tpu.enqueue_dma source(%arg23 : memref<5120xf32, #tpu.memory_space<vmem>>) target(%arg11 : memref<5120xf32, #tpu.memory_space<hbm>>) target_semaphore(%run_scoped3A : memref<!tpu.dma_semaphore, #tpu.memory_space<semaphore_mem>>)
        tpu.wait_dma2 semaphore(%run_scoped3A : memref<!tpu.dma_semaphore, #tpu.memory_space<semaphore_mem>>) src(%arg23 : memref<5120xf32, #tpu.memory_space<vmem>>) dst(%arg11 : memref<5120xf32, #tpu.memory_space<hbm>>)
        tpu.yield
      }) : () -> ()
      "tpu.region"() ({
        %run_scoped3A = tpu.sem_alloc : memref<!tpu.dma_semaphore, #tpu.memory_space<semaphore_mem>>
        tpu.enqueue_dma source(%arg24 : memref<5120xf32, #tpu.memory_space<vmem>>) target(%arg12 : memref<5120xf32, #tpu.memory_space<hbm>>) target_semaphore(%run_scoped3A : memref<!tpu.dma_semaphore, #tpu.memory_space<semaphore_mem>>)
        tpu.wait_dma2 semaphore(%run_scoped3A : memref<!tpu.dma_semaphore, #tpu.memory_space<semaphore_mem>>) src(%arg24 : memref<5120xf32, #tpu.memory_space<vmem>>) dst(%arg12 : memref<5120xf32, #tpu.memory_space<hbm>>)
        tpu.yield
      }) : () -> ()
    } else {
    }
    return
  }
}

</mosaic_0001>

<sc_bundles>
// kernel: _run.3.cloned.1.call-start
scs
__scs_entry_jumppad:
0x0: {  	(pc) =	sbr.rel $0x88, $3  }
0x1: {  	(tag) =	ssettag $0x0;
	lr =	simm.s32 $0x1  }
0x2: {  	[smem:$0x3F9B] =	sst lr;
	_ =	strace $0xD0000000  }
0x3: {  	_ = 	snop  }
0x4: {  	_ = 	snop  }
0x5: {  	_ = 	snop  }
0x6: {  	_ = 	snop  }
0x7: {  	_ = 	snop  }
__scs_overlays_trampoline_lowered:
0x8: {  	[smem:$0x3FAA] =	sst s0  }
0x9: {  	[smem:$0x3FAB] =	sst s1  }
0xa: {  	[smem:$0x3FAC] =	sst s2  }
0xb: {  	[smem:$0x3FAD] =	sst s3  }
0xc: {  	[smem:$0x3FAE] =	sst s4  }
0xd: {  	[smem:$0x3FAF] =	sst s5  }
0xe: {  	[smem:$0x3FB0] =	sst s6  }
0xf: {  	[smem:$0x3FB1] =	sst s7  }
0x10: {  	[smem:$0x3FB2] =	sst s8  }
0x11: {  	[smem:$0x3FB3] =	sst s9;
	s0 =	simm.s32 @!p0 $0x0  }
0x12: {  	s1 =	sld [smem:$0x3F99];
	s0 =	simm.s32 @p0 $0x1  }
0x13: {  	[smem:$0x3FB4] =	sst s0;
	s0 =	simm.s32 @!p1 $0x0  }
0x14: {  	s2 =	sld [smem:$0x3F98];
	s0 =	simm.s32 @p1 $0x1  }
0x15: {  	[smem:$0x3FB5] =	sst s0;
	s0 =	simm.s32 @!p2 $0x0  }
0x16: {  	s3 =	sld [smem:$0x3FDB];
	s0 =	simm.s32 @p2 $0x1  }
0x17: {  	s4 =	simm.s32 $0x1BF5;
	[smem:$0x3FB7] =	sst s0  }
0x18: {  	s0 =	sld [smem:$0x3F9A];
	_ =	swait.ge [sflag:s4], $0x0  }
0x19: {  	s7 =	sld [smem:$0x3F9B]  }
0x1a: {  	s8 =	sadd.s32 $0xFFFFE003, lr  }
0x1b: {  	s9 =	sadd.s32 $0xFFFFFEF7, lr;
	s5 =	simm.s32 $0xFFFFFFFF;
	p2 =	slt.u32 s8, $0xFFFFF086  }
0x1c: {  	p1 =	slt.u32 s9, $0xF7A;
	s5 =	simm.s32 @!p2 $0x0  }
0x1d: {  	s5 =	simm.s32 @p1 $0x1;
	p0 =	seq.s32 s7, s2  }
0x1e: {  	s7 =	smul.u32 @!p0 $0xF7A, s2;
	p2 =	seq.s32 @!p0 s5, $0x0  }
0x1f: {  	s9 =	smul.u32 $0xF7A, s1;
	s8 =	simm.s32 @!p0 $0x1BF5;
	p2 =	por !p2, p0  }
0x20: {  	[sflag:s8] =	ssyncset.s32 @!p0 $0xFFFFF086;
	s6 =	sadd.s32 @!p0 s3, s7;
	s7 =	simm.s32 @!p0 $0x108  }
0x21: {  	s3 =	sadd.s32 s3, s9;
	s6 =	sadd.s32 @!p0 $0x88, s6;
	s7 =	simm.s32 @p2 $0x1082  }
0x22: {  	[simem:s7], [sflag:s8] =	dma.local @!p0 [hbm:s6], $0xF7A  }
0x23: {  	s9 =	sor.u32 $0xD0000000, s2;
	s6 =	simm.s32 $0x108;
	_ =	swait.ge @!p0 [sflag:s8], $0x0  }
0x24: {  	s3 =	sadd.s32 $0x88, s3;
	s6 =	simm.s32 @!p1 $0x1082;
	[sflag:s4] =	ssyncset.s32 $0xFFFFF086  }
0x25: {  	[simem:s6], [sflag:s4] =	dma.local [hbm:s3], $0xF7A  }
0x26: {  	[smem:$0x3F9B] =	sst s1;
	(tag) =	ssettag s2;
	_ =	strace s9  }
0x27: {  	s1 =	sld [smem:$0x3FAB]  }
0x28: {  	s2 =	sld [smem:$0x3FAC]  }
0x29: {  	s4 =	sld [smem:$0x3FAE]  }
0x2a: {  	p0 =	seq.s32 s5, $0x0;
	s5 =	sld [smem:$0x3FAF]  }
0x2b: {  	s6 =	sld [smem:$0x3FB0]  }
0x2c: {  	s7 =	sld [smem:$0x3FB1]  }
0x2d: {  	s3 =	simm.s32 $0x108;
	s8 =	sld [smem:$0x3FB2]  }
0x2e: {  	s3 =	simm.s32 @!p0 $0x1082;
	s9 =	sld [smem:$0x3FB3]  }
0x2f: {  	lr =	sadd.s32 s0, s3;
	s0 =	sld [smem:$0x3FAA]  }
0x30: {  	s3 =	sld [smem:$0x3FAD]  }
0x31: {  	[smem:$0x3FB6] =	sst s10  }
0x32: {  	s10 =	sld [smem:$0x3FB4];
	_ =	sdelay $0x3  }
0x33: {  	p0 =	seq.s32 s10, $0x1;
	s10 =	sld [smem:$0x3FB6];
	_ =	sdelay $0x3  }
0x34: {  	[smem:$0x3FB6] =	sst s10  }
0x35: {  	s10 =	sld [smem:$0x3FB5];
	_ =	sdelay $0x3  }
0x36: {  	p1 =	seq.s32 s10, $0x1;
	s10 =	sld [smem:$0x3FB6];
	_ =	sdelay $0x3  }
0x37: {  	[smem:$0x3FB6] =	sst s10  }
0x38: {  	s10 =	sld [smem:$0x3FB7]  }
0x39: {  	_ = 	snop;
	(pc) =	sbr.ind lr, $3  }
0x3a: {  	_ = 	snop  }
0x3b: {  	_ = 	snop  }
0x3c: {  	p2 =	seq.s32 s10, $0x1;
	s10 =	sld [smem:$0x3FB6]  }
0x3d: {  	_ =	shalt  }
0x3e: {  	_ =	shalt  }
0x3f: {  	_ =	shalt  }
0x40: {  	_ =	shalt  }
0x41: {  	_ =	shalt  }
0x42: {  	_ =	shalt  }
0x43: {  	_ =	shalt  }
0x44: {  	_ =	shalt  }
0x45: {  	_ =	shalt  }
0x46: {  	_ =	shalt  }
0x47: {  	_ =	shalt  }
0x48: {  	_ =	shalt  }
0x49: {  	_ =	shalt  }
0x4a: {  	_ =	shalt  }
0x4b: {  	_ =	shalt  }
0x4c: {  	_ =	shalt  }
0x4d: {  	_ =	shalt  }
0x4e: {  	_ =	shalt  }
0x4f: {  	_ =	shalt  }
0x50: {  	_ =	shalt  }
0x51: {  	_ =	shalt  }
0x52: {  	_ =	shalt  }
0x53: {  	_ =	shalt  }
0x54: {  	_ =	shalt  }
0x55: {  	_ =	shalt  }
0x56: {  	_ =	shalt  }
0x57: {  	_ =	shalt  }
0x58: {  	_ =	shalt  }
0x59: {  	_ =	shalt  }
0x5a: {  	_ =	shalt  }
0x5b: {  	_ =	shalt  }
0x5c: {  	_ =	shalt  }
0x5d: {  	_ =	shalt  }
0x5e: {  	_ =	shalt  }
0x5f: {  	_ =	shalt  }
0x60: {  	_ =	shalt  }
0x61: {  	_ =	shalt  }
0x62: {  	_ =	shalt  }
0x63: {  	_ =	shalt  }
0x64: {  	_ =	shalt  }
0x65: {  	_ =	shalt  }
0x66: {  	_ =	shalt  }
0x67: {  	_ =	shalt  }
0x68: {  	_ =	shalt  }
0x69: {  	_ =	shalt  }
0x6a: {  	_ =	shalt  }
0x6b: {  	_ =	shalt  }
0x6c: {  	_ =	shalt  }
0x6d: {  	_ =	shalt  }
0x6e: {  	_ =	shalt  }
0x6f: {  	_ =	shalt  }
0x70: {  	_ =	shalt  }
0x71: {  	_ =	shalt  }
0x72: {  	_ =	shalt  }
0x73: {  	_ =	shalt  }
0x74: {  	_ =	shalt  }
0x75: {  	_ =	shalt  }
0x76: {  	_ =	shalt  }
0x77: {  	_ =	shalt  }
0x78: {  	_ =	shalt  }
0x79: {  	_ =	shalt  }
0x7a: {  	_ =	shalt  }
0x7b: {  	_ =	shalt  }
0x7c: {  	_ =	shalt  }
0x7d: {  	_ =	shalt  }
0x7e: {  	_ =	shalt  }
0x7f: {  	_ =	shalt  }
0x80: {  	_ =	shalt  }
0x81: {  	_ =	shalt  }
0x82: {  	_ =	shalt  }
0x83: {  	_ =	shalt  }
0x84: {  	_ =	shalt  }
0x85: {  	_ =	shalt  }
0x86: {  	_ =	shalt  }
0x87: {  	_ =	shalt  }
.Lfunc_end0:
.L_simem_size_0:
called_computation_lowered:
.L_overlay_start_0:
0x88: {  	s2 =	sld [smem:$0x3FD9]  }
0x89: {  	s3 =	sld [smem:$0x3FFE];
	_ =	sdelay $0x1  }
0x8a: {  	s1 =	srdreg.scid  }
0x8b: {  	s0 =	sand.u32 $0x1, s1  }
0x8c: {  	s30 =	sshll.u32 s0, $0xA;
	s2 =	sadd.s32 s3, s2  }
0x8d: {  	s2 =	sadd.s32 s2, s30  }
0x8e: {  	[smem:$0x3FC2] =	sst s2  }
0x8f: {  	_ = 	snop  }
0x90: {  	s2 =	sld [smem:$0x3FC9]  }
0x91: {  	s31 =	sld [smem:$0x3FC8]  }
0x92: {  	s4 =	sld [smem:$0x3FC7]  }
0x93: {  	s5 =	sld [smem:$0x3FD0]  }
0x94: {  	s6 =	sld [smem:$0x3FC6]  }
0x95: {  	s7 =	sld [smem:$0x3FC5]  }
0x96: {  	s9 =	simm.s32 $0xA;
	s10 =	simm.s32 $0x10;
	s8 =	sld [smem:$0x3FC4]  }
0x97: {  	[smem:s10], [sflag:s9] =	dma.local [hbm:s5], $0x1  }
0x98: {  	_ =	swait.eq [sflag:s9], $0x1  }
0x99: {  	s10 =	sld [smem:$0x10]  }
0x9a: {  	s18 =	sld [smem:$0x11]  }
0x9b: {  	s11 =	sld [smem:$0x12];
	[sflag:s9] =	ssyncset.done $0x0  }
0x9c: {  	s12 =	sld [smem:$0x13];
	[sflag:s9] =	ssyncadd.s32 $0xFFFFFFFF  }
0x9d: {  	s19 =	sld [smem:$0x14];
	(tm) =	ssettm $0x1  }
0x9e: {  	s13 =	sld [smem:$0x3FFB];
	_ =	sdelay $0x3  }
0x9f: {  	_ =	strace s13  }
0xa0: {  	s13 =	sld [smem:$0x3FFC];
	_ =	sdelay $0x3  }
0xa1: {  	_ =	strace s13  }
0xa2: {  	s13 =	sld [smem:$0x3FFD];
	_ =	sdelay $0x3  }
0xa3: {  	_ =	strace s13  }
0xa4: {  	_ =	strace $0x8FFFFFFF  }
0xa5: {  	s20 =	sld [smem:$0x3FDB];
	_ =	sdelay $0x1  }
0xa6: {  	s14 =	simm.s32 $_scs_section_size  }
0xa7: {  	s15 =	simm.s32 $_size__tile_overlayer_lowered;
	s16 =	simm.s32 $_tile_overlayer_lowered  }
0xa8: {  	s23 =	simm.s32 $0x1BFF;
	s22 =	sshll.u32 s16, $0x1;
	s13 =	sadd.s32 s14, s20  }
0xa9: {  	s17 =	simm.s32 $0x0;
	s21 =	sshll.u32 s15, $0x1;
	s15 =	sadd.s32 s22, s13  }
0xaa: {  	[timem:s17], [sflag:s23] =	dma.local [hbm:s15], s21  }
0xab: {  	_ =	swait.ge [sflag:s23], s21  }
0xac: {  	s14 =	ssub.s32 $0x0, s21;
	[sflag:s23] =	ssyncset.done $0x0  }
0xad: {  	[sflag:s23] =	ssyncadd.s32 s14;
	_ =	sdelay $0x1  }
0xae: {  	s24 =	simm.s32 $0x1B8B  }
0xaf: {  	_ =	swait.ge [sflag:s24], $0x1  }
0xb0: {  	[sflag:s24] =	ssyncset.done $0x0  }
0xb1: {  	s25 =	simm.s32 $0x1B8E;
	[sflag:s24] =	ssyncadd.s32 $0xFFFFFFFF  }
0xb2: {  	s26 =	simm.s32 $execute0_lowered;
	[smem:$0x3FD2] =	sst s25  }
0xb3: {  	s14 =	sshll.u32 s26, $0x1;
	_ =	strace $0x80000046;
	[dreg:$0x1] =	wrdreg $0xFFFFFFFF  }
0xb4: {  	s28 =	simm.s32 $_size_execute0_lowered;
	s13 =	sadd.s32 s13, s14;
	[dreg:$0x0] =	wrdreg $0x0  }
0xb5: {  	s14 =	sshll.u32 s28, $0x1;
	[dreg:$0x2] =	wrdreg s13  }
0xb6: {  	[dreg:$0x3] =	wrdreg s14  }
0xb7: {  	[dreg:$0x4] =	wrdreg $0xC0  }
0xb8: {  	_ =	task [dreg:s17], $0x5FFFF  }
0xb9: {  	[dreg:$0x1] =	wrdreg $0xFFFFFFFF  }
0xba: {  	[dreg:$0x0] =	wrdreg $0x60  }
0xbb: {  	[dreg:$0x2] =	wrdreg s2  }
0xbc: {  	[dreg:$0x3] =	wrdreg s31  }
0xbd: {  	[dreg:$0x4] =	wrdreg s4  }
0xbe: {  	[dreg:$0x5] =	wrdreg s6  }
0xbf: {  	[dreg:$0x6] =	wrdreg s7  }
0xc0: {  	[dreg:$0x7] =	wrdreg s8  }
0xc1: {  	[dreg:$0x8] =	wrdreg s10  }
0xc2: {  	[dreg:$0x9] =	wrdreg s18  }
0xc3: {  	[dreg:$0xa] =	wrdreg s11  }
0xc4: {  	[dreg:$0xb] =	wrdreg s12  }
0xc5: {  	[dreg:$0xc] =	wrdreg s19  }
0xc6: {  	[dreg:$0xd] =	wrdreg $0x9  }
0xc7: {  	_ =	task.clear_ibuf [dreg:s17], $0xEFFFF;
	_ =	strace $0x90000046  }
0xc8: {  	s29 =	simm.s32 $0x9;
	_ =	strace $0x80000048  }
0xc9: {  	_ =	swait.ge [sflag:s29], $0x1  }
0xca: {  	[sflag:s29] =	ssyncadd.s32 $0xFFFFFFFF  }
0xcb: {  	_ =	strace $0x90000048  }
0xcc: {  	_ =	sfence  }
0xcd: {  	s30 =	sld [smem:$0x0];
	_ =	sdelay $0x2  }
0xce: {  	s31 =	sshll.u32 s1, $0xD;
	s1 =	sshrl.u32 s1, $0x2  }
0xcf: {  	s3 =	sand.u32 $0x4000, s31;
	s1 =	sadd.s32 s1, s30  }
0xd0: {  	s0 =	sor.u32 s3, s0;
	s1 =	sshll.u32 s1, $0x11  }
0xd1: {  	s0 =	sor.u32 s1, s0  }
0xd2: {  	s0 =	sadd.s32 $0x8F2B, s0  }
0xd3: {  	[sflag:s0] =	ssyncadd.remote.s32 $0x1  }
0xd4: {  	_ =	sfence.sel $0xFFFF  }
0xd5: {  	[dreg:$0x0] =	wrdreg $0xFFFFFFFF;
	(pc) =	sbr.abs _section_cstart, $3  }
0xd6: {  	[dreg:$0x1] =	wrdreg $0xFFFFFFFF  }
0xd7: {  	_ =	task.clear_ibuf [dreg:s17], $0x2FFFF;
	_ =	strace $0x9FFFFFFF  }
0xd8: {  	(tm) =	ssettm $0x7FFFFFFF  }
0xd9: {  	_ =	shalt  }
tec
execute0_lowered:
.L_overlay_start_1:
0x0: {  	(tag) =	ssettag $0x1  }
0x1: {  	s0 =	rddreg [dreg:$0x0]  }
0x2: {  	s1 =	rddreg [dreg:$0x1]  }
0x3: {  	s2 =	rddreg [dreg:$0x2];
	s8 =	srdreg.scid  }
0x4: {  	s3 =	rddreg [dreg:$0x3];
	s10 =	stileid.u32;
	s8 =	sand.u32 $0x1, s8  }
0x5: {  	s4 =	rddreg [dreg:$0x4];
	s10 =	sor.u32 s10, s8  }
0x6: {  	s5 =	rddreg [dreg:$0x5];
	p0 =	sne.s32 s10, $0x0  }
.Ltmp0:
0x7: {  	s6 =	rddreg [dreg:$0x6];
	(pc) =	sbr.rel @p0 .LBB2_201-.Ltmp0, $4  }
0x8: {  	s7 =	rddreg [dreg:$0x7]  }
0x9: {  	s9 =	rddreg [dreg:$0x8]  }
0xa: {  	s11 =	rddreg [dreg:$0x9]  }
0xb: {  	s12 =	rddreg [dreg:$0xa];
	_ =	strace $0x80000047  }
0xc: {  	s8 =	ssub.s32 $0x2, s8;
	s14 =	simm.s32 $0x0  }
0xd: {  	s15 =	simm.s32 $0x1;
	s21 =	simm.s32 $0x8C00;
	s22 =	simm.s32 $0xA000  }
0xe: {  	v0 =	vlaneseq.u32;
	s23 =	simm.s32 $0xB400;
	s24 =	simm.s32 $0xC800;
	s10 =	sshrl.u32 s8, $0x1  }
0xf: {  	v1 =	vimm.s32 $0x0;
	v3 =	vimm.f32 $0.0e+00;
	s25 =	simm.s32 $0xDC00;
	s26 =	simm.s32 $0x0;
	v2 =	vmul.u32 $0xFFFFFFFF, v0;
	s13 =	ssub.s32 s8, s10  }
.LBB2_2:
0x10: {  	[tilespmem:s14], [sflag:$0x1] =	stream.linear.gather [hbm4b:s0+s14], $0x1400, $0x38;
	[tilespmem:$0xF200] =	vst v63  }
0x11: {  	_ =	swait.ge [sflag:s15], $0x1400  }
0x12: {  	[sflag:s15] =	ssyncset.done $0x0  }
0x13: {  	s8 =	simm.s32 $0x1400;
	[sflag:s15] =	ssyncadd.s32 $0xFFFFEC00  }
0x14: {  	[tilespmem:s8], [sflag:$0x1] =	stream.linear.gather [hbm4b:s1+s14], $0x1400, $0x38;
	[tilespmem:$0xF200] =	vst v63  }
0x15: {  	_ =	swait.ge [sflag:s15], $0x1400  }
0x16: {  	[sflag:s15] =	ssyncset.done $0x0  }
0x17: {  	s19 =	simm.s32 $0x2800;
	[sflag:s15] =	ssyncadd.s32 $0xFFFFEC00  }
0x18: {  	[tilespmem:s19], [sflag:$0x1] =	stream.linear.gather [hbm4b:s2+s14], $0x1400, $0x38;
	[tilespmem:$0xF200] =	vst v63  }
0x19: {  	_ =	swait.ge [sflag:s15], $0x1400  }
0x1a: {  	[sflag:s15] =	ssyncset.done $0x0  }
0x1b: {  	s20 =	simm.s32 $0x3C00;
	[sflag:s15] =	ssyncadd.s32 $0xFFFFEC00  }
0x1c: {  	[tilespmem:s20], [sflag:$0x1] =	stream.linear.gather [hbm4b:s3+s14], $0x1400, $0x38;
	[tilespmem:$0xF200] =	vst v63  }
0x1d: {  	_ =	swait.ge [sflag:s15], $0x1400  }
0x1e: {  	[sflag:s15] =	ssyncset.done $0x0  }
0x1f: {  	s30 =	simm.s32 $0x5000;
	[sflag:s15] =	ssyncadd.s32 $0xFFFFEC00  }
0x20: {  	[tilespmem:s30], [sflag:$0x1] =	stream.linear.gather [hbm4b:s4+s14], $0x1400, $0x38;
	[tilespmem:$0xF200] =	vst v63  }
0x21: {  	_ =	swait.ge [sflag:s15], $0x1400  }
0x22: {  	[sflag:s15] =	ssyncset.done $0x0  }
0x23: {  	s31 =	simm.s32 $0xF000;
	[sflag:s15] =	ssyncadd.s32 $0xFFFFEC00  }
0x24: {  	[tilespmem:s31], [sflag:$0x1] =	stream.linear.gather [hbm4b:s5+s14], $0x200, $0x38;
	[tilespmem:$0xF200] =	vst v63  }
0x25: {  	_ =	swait.ge [sflag:s15], $0x200  }
0x26: {  	[sflag:s15] =	ssyncset.done $0x0  }
0x27: {  	[sflag:s15] =	ssyncadd.s32 $0xFFFFFE00  }
0x28: {  	v6 =	vld [tilespmem:$0xF000]  }
0x29: {  	v5 =	vld [tilespmem:$0xF080]  }
0x2a: {  	v8 =	vld [tilespmem:$0xF100]  }
0x2b: {  	v7 =	vld [tilespmem:$0xF180]  }
0x2c: {  	s8 =	simm.s32 $0x0  }
0x2d: {  	v4 =	vld [tilespmem:s8+$0x1400]  }
0x2e: {  	v9 =	vld [tilespmem:s8+$0x3C00];
	_ =	sdelay $0x1  }
0x2f: {  	v10 =	vsub.f32 v8, v6;
	v11 =	vsub.f32 v7, v5;
	_ =	sdelay $0x1  }
0x30: {  	v10 =	vmul.f32 v11, v10  }
0x31: {  	v11 =	vsub.f32 v9, v4  }
0x32: {  	v13 =	vld [tilespmem:s8+$0x2800];
	v10 =	vadd.f32 $9.999999970e-07, v10  }
0x33: {  	v17 =	vld [tilespmem:s8+$0x0];
	v12 =	vadd.f32 $9.999999960e-13, v11  }
0x34: {  	(erf) = vrcp.f32 v10  }
0x35: {  	s28 =	simm.s32 $0x10;
	(erf) = vrcp.f32 v12  }
0x36: {  	v15 =	vld [tilespmem:s28+$0x3C00]  }
0x37: {  	v12 =	vld [tilespmem:s28+$0x1400]  }
0x38: {  	v14 =	vmax.f32 v6, v17;
	v10 =	vmin.f32 v8, v13  }
0x39: {  	v18 =	vld [tilespmem:s8+$0x5000];
	v9 =	vmin.f32 v7, v9;
	v4 =	vmax.f32 v5, v4;
	v10 =	vsub.f32 v10, v14  }
0x3a: {  	v16 =	vld [tilespmem:s28+$0x0];
	v9 =	vsub.f32 v9, v4  }
0x3b: {  	v14 =	vld [tilespmem:s28+$0x2800]  }
0x3c: {  	v9 =	vmax.f32 v9, $0.0e+00;
	v19 =	vmax.f32 v10, $0.0e+00;
	v4 =	vsub.f32 v15, v12  }
0x3d: {  	v13 =	vsub.f32 v13, v17;
	v9 =	vmul.f32 v9, v19;
	v10 =	vpop (erf)  }
0x3e: {  	v21 =	vadd.f32 $9.999999960e-13, v4;
	v17 =	vpop (erf)  }
0x3f: {  	s29 =	simm.s32 $0x20;
	vm0 =	vgt.f32 v18, $5.000000000e-01;
	v9 =	vmul.f32 v9, v10;
	v20 =	vmul.f32 v17, v13  }
0x40: {  	v19 =	vmin.f32 v8, v14;
	(erf) = vrcp.f32 v21;
	v21 =	vmax.f32 v6, v16;
	v17 =	vld [tilespmem:s29+$0x1400]  }
0x41: {  	s10 =	simm.s32 $0xC0;
	v18 =	vld [tilespmem:s29+$0x3C00];
	vm1 =	vgt.f32 v9, $9.999999770e-03;
	v9 =	vimm.s32 $0x0;
	vm2 =	vgt.f32 v20, $2.500000000e-01  }
.LBB2_3:
0x42: {  	p0 =	sne.s32 s10, $0x4FC0;
	vm2 =	vmneg vm2;
	vm3 =	vlt.f32 v20, $4.000000000e+00;
	vm1 =	vmneg vm1  }
0x43: {  	v15 =	vmin.f32 v7, v15;
	vm3 =	vmneg vm3;
	vm1 =	vmor vm2, vm1  }
0x44: {  	v23 =	vmax.f32 v5, v12;
	vm0 =	vmneg vm0;
	vm1 =	vmor vm1, vm3  }
0x45: {  	v19 =	vsub.f32 v19, v21;
	v20 =	vsub.f32 v15, v23;
	v22 =	vld [tilespmem:s28+$0x5000];
	vm0 =	vmor vm0, vm1;
	v12 =	vmovc v17  }
0x46: {  	v24 =	vmul.f32 v11, v13;
	v11 =	vmovc v4;
	v21 =	vld [tilespmem:s29+$0x2800];
	vm1 =	vmneg vm0;
	v4 =	vsub.f32 v18, v12;
	v15 =	vmovc v18  }
0x47: {  	v18 =	vmax.f32 v19, $0.0e+00;
	v19 =	vmax.f32 v20, $0.0e+00;
	v23 =	vld [tilespmem:s29+$0x0];
	v20 =	vsel vm1, $0x1, v1  }
.Ltmp1:
0x48: {  	v13 =	vsub.f32 v14, v16;
	v25 =	vmul.f32 v19, v18;
	[tilespmem:s8+$0x6400] =	vst v24;
	v9 =	vadd.s32 v20, v9;
	(pc) =	sbr.rel @p0 .LBB2_3-.Ltmp1, $4  }
0x49: {  	v18 =	vsel vm0, $0x1, v1;
	v26 =	vadd.f32 $9.999999960e-13, v4;
	v17 =	vpop (erf)  }
0x4a: {  	v24 =	vmul.f32 v25, v10;
	v20 =	vmul.f32 v17, v13;
	[tilespmem:s8+$0x7800] =	vst v18;
	s8 =	smov.u32 s28;
	s28 =	smov.u32 s29;
	s29 =	sshra.s32 s10, $0x2  }
0x4b: {  	vm0 =	vgt.f32 v22, $5.000000000e-01;
	v17 =	vld [tilespmem:s29+$0x1400];
	v19 =	vmin.f32 v8, v21;
	(erf) = vrcp.f32 v26;
	v14 =	vmovc v21  }
0x4c: {  	s10 =	sadd.s32 $0x40, s10;
	vm1 =	vgt.f32 v24, $9.999999770e-03;
	v18 =	vld [tilespmem:s29+$0x3C00];
	v21 =	vmax.f32 v6, v23;
	vm2 =	vgt.f32 v20, $2.500000000e-01;
	v16 =	vmovc v23  }
0x4d: {  	_ =	sdelay $0x3  }
0x4e: {  	v22 =	vsub.f32 v18, v17  }
0x4f: {  	vm2 =	vmneg vm2;
	vm3 =	vlt.f32 v20, $4.000000000e+00;
	vm1 =	vmneg vm1  }
0x50: {  	v15 =	vmin.f32 v7, v15;
	v12 =	vmax.f32 v5, v12;
	v50 =	vld [tilespmem:s29+$0x2800];
	v51 =	vadd.f32 $9.999999960e-13, v22  }
0x51: {  	v19 =	vsub.f32 v19, v21;
	v52 =	vld [tilespmem:s29+$0x0];
	vm0 =	vmneg vm0;
	vm1 =	vmor vm2, vm1  }
0x52: {  	vm14 =	vmneg vm3;
	v12 =	vsub.f32 v15, v12;
	(erf) = vrcp.f32 v51  }
0x53: {  	v53 =	vld [tilespmem:s28+$0x5000];
	v14 =	vsub.f32 v14, v16;
	v11 =	vmul.f32 v11, v13;
	vm1 =	vmor vm1, vm14  }
0x54: {  	v55 =	vmax.f32 v19, $0.0e+00;
	vm1 =	vmor vm0, vm1;
	v12 =	vmax.f32 v12, $0.0e+00  }
0x55: {  	v5 =	vmax.f32 v5, v17;
	v12 =	vmul.f32 v12, v55;
	v57 =	vmin.f32 v7, v18  }
0x56: {  	v58 =	vsel vm1, $0x1, v1;
	v8 =	vmin.f32 v8, v50;
	v6 =	vmax.f32 v6, v52  }
0x57: {  	v5 =	vsub.f32 v57, v5;
	v12 =	vmul.f32 v12, v10;
	v6 =	vsub.f32 v8, v6;
	v54 =	vpop (erf)  }
0x58: {  	vm15 =	vgt.f32 v53, $5.000000000e-01;
	v59 =	vsub.f32 v50, v52;
	v56 =	vmul.f32 v54, v14  }
0x59: {  	[tilespmem:s8+$0x6400] =	vst v11;
	v5 =	vmax.f32 v5, $0.0e+00;
	vm9 =	vgt.f32 v12, $9.999999770e-03;
	v6 =	vmax.f32 v6, $0.0e+00  }
0x5a: {  	[tilespmem:s8+$0x7800] =	vst v58;
	v5 =	vmul.f32 v5, v6;
	vm8 =	vgt.f32 v56, $2.500000000e-01;
	vm4 =	vlt.f32 v56, $4.000000000e+00  }
0x5b: {  	v60 =	vld [tilespmem:s29+$0x5000];
	vm3 =	vmneg vm9;
	vm2 =	vmneg vm8;
	vm4 =	vmneg vm4;
	v61 =	vpop (erf)  }
0x5c: {  	v5 =	vmul.f32 v5, v10;
	vm2 =	vmor vm2, vm3;
	v8 =	vmul.f32 v61, v59  }
0x5d: {  	vm0 =	vmneg vm15;
	vm2 =	vmor vm2, vm4  }
0x5e: {  	vm11 =	vgt.f32 v5, $9.999999770e-03;
	vm0 =	vmor vm0, vm2;
	vm10 =	vgt.f32 v8, $2.500000000e-01  }
0x5f: {  	vm3 =	vmneg vm11;
	vm12 =	vlt.f32 v8, $4.000000000e+00;
	vm2 =	vmneg vm10  }
0x60: {  	vm13 =	vgt.f32 v60, $5.000000000e-01;
	vm4 =	vmneg vm12;
	vm2 =	vmor vm2, vm3  }
0x61: {  	vm1 =	vmneg vm1;
	vm3 =	vmneg vm13;
	vm2 =	vmor vm2, vm4  }
0x62: {  	v5 =	vsel vm1, $0x1, v1;
	vm14 =	vmneg vm0;
	vm15 =	vmor vm3, vm2  }
0x63: {  	v5 =	vadd.s32 v5, v9;
	v62 =	vsel vm14, $0x1, v1;
	vm2 =	vmneg vm15  }
0x64: {  	v5 =	vadd.s32 v62, v5;
	v63 =	vsel vm2, $0x1, v1  }
0x65: {  	v5 =	vadd.s32 v63, v5  }
0x66: {  	(v2sf) =	vpush v5, $0x0  }
0x67: {  	(v2sf) =	vpush v5, $0x1  }
0x68: {  	(v2sf) =	vpush v5, $0x2  }
0x69: {  	(v2sf) =	vpush v5, $0x3  }
0x6a: {  	(v2sf) =	vpush v5, $0x4  }
0x6b: {  	(v2sf) =	vpush v5, $0x5  }
0x6c: {  	(v2sf) =	vpush v5, $0x6  }
0x6d: {  	(v2sf) =	vpush v5, $0x7  }
0x6e: {  	(v2sf) =	vpush v5, $0x8  }
0x6f: {  	(v2sf) =	vpush v5, $0x9  }
0x70: {  	(v2sf) =	vpush v5, $0xA  }
0x71: {  	(v2sf) =	vpush v5, $0xB  }
0x72: {  	(v2sf) =	vpush v5, $0xC  }
0x73: {  	(v2sf) =	vpush v5, $0xD  }
0x74: {  	(v2sf) =	vpush v5, $0xE  }
0x75: {  	s18 =	spop (v2sf);
	(v2sf) =	vpush v5, $0xF  }
0x76: {  	s10 =	spop (v2sf)  }
0x77: {  	s16 =	spop (v2sf)  }
0x78: {  	s8 =	sadd.s32 s10, s18;
	s19 =	spop (v2sf)  }
0x79: {  	s8 =	sadd.s32 s16, s8;
	s20 =	spop (v2sf)  }
0x7a: {  	s8 =	sadd.s32 s19, s8;
	s31 =	spop (v2sf)  }
0x7b: {  	s8 =	sadd.s32 s20, s8;
	s17 =	spop (v2sf)  }
0x7c: {  	s8 =	sadd.s32 s31, s8;
	s18 =	spop (v2sf)  }
0x7d: {  	s8 =	sadd.s32 s17, s8;
	s19 =	spop (v2sf)  }
0x7e: {  	s8 =	sadd.s32 s18, s8;
	s20 =	spop (v2sf)  }
0x7f: {  	s8 =	sadd.s32 s19, s8;
	s31 =	spop (v2sf)  }
0x80: {  	s8 =	sadd.s32 s20, s8;
	s17 =	spop (v2sf)  }
0x81: {  	s8 =	sadd.s32 s31, s8;
	s18 =	spop (v2sf)  }
0x82: {  	s8 =	sadd.s32 s17, s8;
	s19 =	spop (v2sf)  }
0x83: {  	v4 =	vmul.f32 v4, v14;
	s8 =	sadd.s32 s18, s8;
	s20 =	spop (v2sf)  }
0x84: {  	s8 =	sadd.s32 s19, s8;
	s31 =	spop (v2sf)  }
.Ltmp2:
0x85: {  	[tilespmem:s28+$0x6400] =	vst v4;
	v4 =	vsel vm0, $0x1, v1;
	v5 =	vmul.f32 v22, v59;
	s8 =	sadd.s32 s20, s8;
	s10 =	ssub.s32 $0x0, s31;
	(pc) =	sbr.rel .LBB2_5-.Ltmp2, $4  }
0x86: {  	[tilespmem:s28+$0x7800] =	vst v4;
	p0 =	sne.s32 s8, s10  }
0x87: {  	v4 =	vsel vm15, $0x1, v1;
	[tilespmem:s29+$0x6400] =	vst v5;
	v5 =	vimm.s32 @!p0 $0x1;
	vm0 =	vcmask @!p0 $0x300  }
0x88: {  	[tilespmem:s29+$0x7800] =	vst v4;
	v4 =	vsel @!p0 vm0, $0x0, v5  }
0x89: {  	s30 =	simm.s32 $0x0;
	s29 =	simm.s32 $0x0;
	s17 =	simm.s32 $0x0;
	[tilespmem:$0x7800] =	vst @!p0 v4  }
.LBB2_187:
0x8a: {  	s16 =	smov.u32 s10;
	s28 =	smov.u32 s17  }
.LBB2_196:
0x8b: {  	v21 =	vld [tilespmem:s16+$0x1400];
	[tilespmem:s19+$0x7800] =	vst @p2 v19;
	s18 =	smov.u32 @p1 s20  }
0x8c: {  	v17 =	vmax.f32 @p0 v17, $0.0e+00;
	v19 =	vmul.f32 @p1 $3.000000120e-01, v20;
	v20 =	vld @p1 [tilespmem:s18+$0x7800]  }
0x8d: {  	v18 =	vmax.f32 @p0 v18, $0.0e+00;
	v22 =	vmov @p1 s28;
	v14 =	vadd.f32 @p0 v14, v4  }
0x8e: {  	v17 =	vmul.f32 @p0 v18, v17;
	vm0 =	vgt.u32 @p1 v22, v6;
	vm1 =	vgt.f32 @p1 v16, v19  }
0x8f: {  	v8 =	vmin.f32 v8, v12;
	vm0 =	vmand @p1 vm0, vm1  }
0x90: {  	v62 =	vld [tilespmem:s16+$0x6400];
	v12 =	vsub.f32 @p0 v14, v17;
	v5 =	vmin.f32 v7, v5;
	v7 =	vsel @p1 vm0, $0x1, v1  }
0x91: {  	v7 =	vor.u32 @p1 v7, v20  }
0x92: {  	v9 =	vmax.f32 v9, v11;
	v12 =	vadd.f32 @p0 $9.999999970e-07, v12;
	v7 =	vpsel p1, v7, v0  }
0x93: {  	s18 =	smov.u32 @p1 s18;
	v8 =	vsub.f32 v8, v9;
	v10 =	vmax.f32 v10, v21  }
0x94: {  	s10 =	smov.u32 @p0 s8;
	s8 =	sadd.s32 @p1 $0x10, s28;
	s19 =	smov.u32 s17;
	v5 =	vsub.f32 v5, v10;
	v9 =	vpsel p0, v12, v15;
	[tilespmem:s18+$0x7800] =	vst @p1 v7  }
0x95: {  	s19 =	smov.u32 @p1 s8;
	v8 =	vmax.f32 v8, $0.0e+00;
	v4 =	vadd.f32 v62, v4;
	v9 =	vmul.f32 @p0 $3.000000120e-01, v9;
	v10 =	vld @p0 [tilespmem:s10+$0x7800];
	v7 =	vmovc @p0 v17  }
0x96: {  	v12 =	vmov @p0 s19;
	v5 =	vmax.f32 v5, $0.0e+00;
	v7 =	vpsel p0, v7, v13  }
0x97: {  	vm0 =	vgt.u32 @p0 v12, v6;
	v5 =	vmul.f32 v5, v8;
	vm1 =	vgt.f32 @p0 v7, v9  }
0x98: {  	vm0 =	vmand @p0 vm0, vm1  }
0x99: {  	v4 =	vsub.f32 v4, v5;
	v7 =	vsel @p0 vm0, $0x1, v1  }
0x9a: {  	v7 =	vor.u32 @p0 v7, v10  }
0x9b: {  	s8 =	smov.u32 @p0 s10;
	v4 =	vadd.f32 $9.999999970e-07, v4;
	v7 =	vpsel p0, v7, v0  }
0x9c: {  	s18 =	smov.u32 s17;
	s10 =	sadd.s32 @p0 $0x10, s19;
	[tilespmem:s8+$0x7800] =	vst @p0 v7  }
0x9d: {  	s18 =	smov.u32 @p0 s10;
	v4 =	vmul.f32 $3.000000120e-01, v4;
	v7 =	vld [tilespmem:s16+$0x7800]  }
0x9e: {  	v63 =	vmov s18  }
0x9f: {  	vm14 =	vgt.u32 v63, v6;
	vm15 =	vgt.f32 v5, v4  }
0xa0: {  	vm0 =	vmand vm14, vm15  }
0xa1: {  	v4 =	vsel vm0, $0x1, v1  }
0xa2: {  	v4 =	vor.u32 v4, v7  }
0xa3: {  	[tilespmem:s16+$0x7800] =	vst v4  }
.LBB2_197:
0xa4: {  	s30 =	sadd.s32 $0x1, s30  }
0xa5: {  	p0 =	sne.s32 s30, $0x140  }
.Ltmp3:
0xa6: {  	_ = 	snop;
	(pc) =	sbr.rel @!p0 .LBB2_198-.Ltmp3, $2  }
0xa7: {  	_ =	sdelay $0x2  }
0xa8: {  	s29 =	sadd.s32 $0x40, s29;
	s17 =	sadd.s32 $0x10, s17  }
.LBB2_5:
0xa9: {  	s31 =	sshll.u32 s30, $0x4  }
0xaa: {  	v4 =	vld [tilespmem:s31+$0x7800];
	_ =	sdelay $0x4  }
0xab: {  	(v2sf) =	vpush v4, $0x0;
	_ =	sdelay $0xe  }
0xac: {  	s8 =	spop (v2sf)  }
0xad: {  	p0 =	sne.s32 s8, $0x0  }
.Ltmp4:
0xae: {  	v6 =	vld [tilespmem:s31+$0x0];
	(pc) =	sbr.rel @p0 .LBB2_17-.Ltmp4, $4  }
0xaf: {  	v8 =	vld [tilespmem:s31+$0x2800]  }
0xb0: {  	v7 =	vld [tilespmem:s31+$0x3C00]  }
0xb1: {  	v5 =	vld [tilespmem:s31+$0x6400]  }
0xb2: {  	v4 =	vld [tilespmem:s31+$0x1400]  }
0xb3: {  	p3 =	sne.s32 s29, $0x4FC0  }
.Ltmp5:
0xb4: {  	_ = 	snop;
	(pc) =	sbr.rel @!p3 .LBB2_7-.Ltmp5, $4  }
0xb5: {  	s19 =	sshra.s32 s29, $0x2  }
0xb6: {  	v11 =	vbroadcast v6, $0x0;
	v15 =	vld [tilespmem:s19+$0x0]  }
0xb7: {  	s8 =	sadd.s32 $0x40, s29;
	v14 =	vbroadcast v8, $0x0;
	v16 =	vld [tilespmem:s19+$0x2800];
	v12 =	vbroadcast v7, $0x0  }
0xb8: {  	v9 =	vmov s31;
	p0 =	por $0x0, $0x0;
	p1 =	por $0x0, $0x0;
	p2 =	por $0x0, $0x0;
	v17 =	vld [tilespmem:s19+$0x3C00];
	v10 =	vbroadcast v5, $0x0;
	v13 =	vbroadcast v4, $0x0  }
0xb9: {  	v18 =	vld [tilespmem:s19+$0x1400]  }
0xba: {  	p3 =	sne.s32 s8, $0x4FC0  }
.Ltmp6:
0xbb: {  	_ = 	snop;
	(pc) =	sbr.rel @!p3 .LBB2_9-.Ltmp6, $4  }
0xbc: {  	s16 =	sshra.s32 s8, $0x2;
	v19 =	vld [tilespmem:s19+$0x6400]  }
0xbd: {  	v20 =	vmax.f32 v11, v15;
	v15 =	vld [tilespmem:s16+$0x0]  }
0xbe: {  	v21 =	vmin.f32 v14, v16;
	v16 =	vld [tilespmem:s16+$0x2800];
	v23 =	vmin.f32 v12, v17;
	v18 =	vmax.f32 v13, v18  }
0xbf: {  	s8 =	sadd.s32 $0x40, s8;
	p0 =	por $0x1, $0x1;
	v22 =	vsub.f32 v21, v20;
	v17 =	vld [tilespmem:s16+$0x3C00];
	v23 =	vsub.f32 v23, v18  }
0xc0: {  	v20 =	vld [tilespmem:s16+$0x1400]  }
0xc1: {  	p3 =	sne.s32 s8, $0x4FC0;
	v18 =	vmax.f32 v22, $0.0e+00;
	v21 =	vmax.f32 v23, $0.0e+00  }
.Ltmp7:
0xc2: {  	v18 =	vmul.f32 v21, v18;
	v21 =	vadd.f32 v19, v10;
	(pc) =	sbr.rel @!p3 .LBB2_11-.Ltmp7, $4  }
0xc3: {  	s10 =	sshra.s32 s8, $0x2;
	v19 =	vld [tilespmem:s16+$0x6400]  }
0xc4: {  	v22 =	vmax.f32 v11, v15;
	v15 =	vld [tilespmem:s10+$0x0];
	v23 =	vmin.f32 v14, v16;
	v21 =	vsub.f32 v21, v18  }
0xc5: {  	v16 =	vld [tilespmem:s10+$0x2800];
	v24 =	vmin.f32 v12, v17;
	v22 =	vsub.f32 v23, v22;
	v20 =	vmax.f32 v13, v20  }
0xc6: {  	s18 =	sadd.s32 $0x40, s8;
	p1 =	por $0x1, $0x1;
	v17 =	vld [tilespmem:s10+$0x3C00];
	v23 =	vsub.f32 v24, v20;
	v20 =	vadd.f32 $9.999999970e-07, v21  }
0xc7: {  	v24 =	vld [tilespmem:s10+$0x1400];
	v25 =	vor.u32 s17, v0  }
0xc8: {  	v21 =	vmax.f32 v22, $0.0e+00;
	v26 =	vld [tilespmem:s19+$0x7800];
	p3 =	sne.s32 s18, $0x4FC0;
	v22 =	vmax.f32 v23, $0.0e+00;
	v23 =	vmul.f32 $3.000000120e-01, v20  }
.Ltmp8:
0xc9: {  	vm0 =	vgt.u32 v25, v9;
	v21 =	vmul.f32 v22, v21;
	v22 =	vadd.f32 v19, v10;
	(pc) =	sbr.rel @!p3 .LBB2_13-.Ltmp8, $4  }
0xca: {  	s8 =	sshra.s32 s18, $0x2;
	v19 =	vld [tilespmem:s10+$0x6400];
	v27 =	vmax.f32 v11, v15;
	v25 =	vmin.f32 v14, v16;
	vm1 =	vgt.f32 v18, v23  }
0xcb: {  	v15 =	vld [tilespmem:s8+$0x0];
	v23 =	vmin.f32 v12, v17;
	v28 =	vsub.f32 v22, v21;
	vm0 =	vmand vm0, vm1  }
0xcc: {  	s20 =	sadd.s32 $0x40, s18;
	v16 =	vld [tilespmem:s8+$0x2800];
	v22 =	vsub.f32 v25, v27;
	v24 =	vmax.f32 v13, v24;
	v27 =	vsel vm0, $0x1, v1  }
0xcd: {  	s28 =	sadd.s32 $0x10, s17;
	p2 =	por $0x1, $0x1;
	s18 =	smov.u32 s19;
	v17 =	vld [tilespmem:s8+$0x3C00];
	v23 =	vsub.f32 v23, v24;
	v25 =	vadd.f32 $9.999999970e-07, v28;
	v24 =	vor.u32 v27, v26  }
.LBB2_14:
0xce: {  	p3 =	sne.s32 s20, $0x4FC0;
	v26 =	vld [tilespmem:s8+$0x1400];
	v27 =	vor.u32 s28, v0;
	[tilespmem:s18+$0x7800] =	vst v24;
	s18 =	smov.u32 s16;
	s16 =	smov.u32 s10  }
0xcf: {  	v22 =	vmax.f32 v22, $0.0e+00;
	s10 =	smov.u32 s8;
	v23 =	vmax.f32 v23, $0.0e+00;
	v24 =	vmul.f32 $3.000000120e-01, v25;
	v28 =	vld [tilespmem:s18+$0x7800]  }
.Ltmp9:
0xd0: {  	vm0 =	vgt.u32 v27, v9;
	v22 =	vmul.f32 v23, v22;
	v23 =	vadd.f32 v19, v10;
	(pc) =	sbr.rel @p3 .LBB2_14-.Ltmp9, $4  }
0xd1: {  	s8 =	sshra.s32 s20, $0x2;
	v27 =	vmax.f32 v11, v15;
	v19 =	vld [tilespmem:s10+$0x6400];
	v25 =	vmin.f32 v14, v16;
	vm1 =	vgt.f32 v21, v24  }
0xd2: {  	v15 =	vld [tilespmem:s8+$0x0];
	v24 =	vmin.f32 v12, v17;
	v29 =	vsub.f32 v23, v22;
	vm0 =	vmand vm0, vm1;
	v21 =	vmovc v22  }
0xd3: {  	v22 =	vsub.f32 v25, v27;
	v16 =	vld [tilespmem:s8+$0x2800];
	v23 =	vmax.f32 v13, v26;
	v26 =	vsel vm0, $0x1, v1  }
0xd4: {  	s20 =	sadd.s32 $0x40, s20;
	s28 =	sadd.s32 $0x10, s28;
	v17 =	vld [tilespmem:s8+$0x3C00];
	v23 =	vsub.f32 v24, v23;
	v25 =	vadd.f32 $9.999999970e-07, v29;
	v24 =	vor.u32 v26, v28  }
0xd5: {  	s20 =	smov.u32 s16;
	s16 =	smov.u32 s10  }
.LBB2_16:
0xd6: {  	v26 =	vld [tilespmem:s8+$0x1400];
	[tilespmem:s18+$0x7800] =	vst @p2 v24;
	s10 =	smov.u32 @p1 s20  }
0xd7: {  	v22 =	vmax.f32 @p0 v22, $0.0e+00;
	v24 =	vmul.f32 @p1 $3.000000120e-01, v25;
	v25 =	vld @p1 [tilespmem:s10+$0x7800]  }
0xd8: {  	v23 =	vmax.f32 @p0 v23, $0.0e+00;
	v27 =	vor.u32 @p1 s28, v0;
	v19 =	vadd.f32 @p0 v19, v10  }
0xd9: {  	v22 =	vmul.f32 @p0 v23, v22;
	vm0 =	vgt.u32 @p1 v27, v9;
	vm1 =	vgt.f32 @p1 v21, v24  }
0xda: {  	v11 =	vmax.f32 v11, v15;
	vm0 =	vmand @p1 vm0, vm1  }
0xdb: {  	v62 =	vld [tilespmem:s8+$0x6400];
	v14 =	vmin.f32 v14, v16;
	v16 =	vsub.f32 @p0 v19, v22;
	v15 =	vsel @p1 vm0, $0x1, v1  }
0xdc: {  	v12 =	vmin.f32 v12, v17;
	v13 =	vmax.f32 v13, v26;
	v15 =	vor.u32 @p1 v15, v25  }
0xdd: {  	v16 =	vadd.f32 @p0 $9.999999970e-07, v16;
	v12 =	vsub.f32 v12, v13;
	v13 =	vpsel p1, v15, v0  }
0xde: {  	s19 =	smov.u32 @p0 s16;
	s10 =	smov.u32 @p1 s10;
	v11 =	vsub.f32 v14, v11  }
0xdf: {  	s16 =	sadd.s32 @p1 $0x10, s28;
	s18 =	smov.u32 s17;
	v14 =	vpsel p0, v16, v20;
	[tilespmem:s10+$0x7800] =	vst @p1 v13;
	s10 =	smov.u32 @p0 s19  }
0xe0: {  	s18 =	smov.u32 @p1 s16;
	v11 =	vmax.f32 v11, $0.0e+00;
	v10 =	vadd.f32 v62, v10;
	v14 =	vmul.f32 @p0 $3.000000120e-01, v14;
	v15 =	vld @p0 [tilespmem:s10+$0x7800];
	v13 =	vmovc @p0 v22  }
0xe1: {  	v16 =	vor.u32 @p0 s18, v0;
	v12 =	vmax.f32 v12, $0.0e+00;
	v13 =	vpsel p0, v13, v18  }
0xe2: {  	vm0 =	vgt.u32 @p0 v16, v9;
	v11 =	vmul.f32 v12, v11;
	vm1 =	vgt.f32 @p0 v13, v14  }
0xe3: {  	vm0 =	vmand @p0 vm0, vm1  }
0xe4: {  	v10 =	vsub.f32 v10, v11;
	v12 =	vsel @p0 vm0, $0x1, v1  }
0xe5: {  	v12 =	vor.u32 @p0 v12, v15  }
0xe6: {  	s10 =	smov.u32 @p0 s10;
	v10 =	vadd.f32 $9.999999970e-07, v10;
	v12 =	vpsel p0, v12, v0  }
0xe7: {  	s16 =	sadd.s32 @p0 $0x10, s18;
	s18 =	smov.u32 s17;
	[tilespmem:s10+$0x7800] =	vst @p0 v12  }
0xe8: {  	s18 =	smov.u32 @p0 s16;
	v10 =	vmul.f32 $3.000000120e-01, v10;
	v12 =	vld [tilespmem:s8+$0x7800]  }
0xe9: {  	v63 =	vor.u32 s18, v0  }
0xea: {  	vm14 =	vgt.u32 v63, v9;
	vm15 =	vgt.f32 v11, v10  }
0xeb: {  	vm0 =	vmand vm14, vm15  }
0xec: {  	v9 =	vsel vm0, $0x1, v1  }
0xed: {  	v9 =	vor.u32 v9, v12  }
0xee: {  	[tilespmem:s8+$0x7800] =	vst v9  }
.LBB2_17:
0xef: {  	v9 =	vld [tilespmem:s31+$0x7800];
	_ =	sdelay $0x4  }
0xf0: {  	(v2sf) =	vpush v9, $0x1;
	_ =	sdelay $0xe  }
0xf1: {  	s8 =	spop (v2sf)  }
0xf2: {  	p0 =	sne.s32 s8, $0x0  }
.Ltmp10:
0xf3: {  	_ = 	snop;
	(pc) =	sbr.rel @p0 .LBB2_29-.Ltmp10, $1  }
0xf4: {  	_ =	sdelay $0x3  }
0xf5: {  	p3 =	sne.s32 s29, $0x4FC0  }
.Ltmp11:
0xf6: {  	_ = 	snop;
	(pc) =	sbr.rel @!p3 .LBB2_19-.Ltmp11, $4  }
0xf7: {  	s10 =	sshra.s32 s29, $0x2  }
0xf8: {  	v11 =	vbroadcast v8, $0x1;
	v15 =	vld [tilespmem:s10+$0x0]  }
0xf9: {  	s8 =	sor.u32 $0x1, s31;
	v12 =	vbroadcast v6, $0x1;
	v13 =	vbroadcast v7, $0x1;
	s16 =	sadd.s32 $0x40, s29;
	v16 =	vld [tilespmem:s10+$0x2800]  }
0xfa: {  	v14 =	vbroadcast v4, $0x1;
	v10 =	vbroadcast v5, $0x1;
	p0 =	por $0x0, $0x0;
	p1 =	por $0x0, $0x0;
	p2 =	por $0x0, $0x0;
	v9 =	vmov s8;
	v17 =	vld [tilespmem:s10+$0x3C00]  }
0xfb: {  	v18 =	vld [tilespmem:s10+$0x1400]  }
0xfc: {  	p3 =	sne.s32 s16, $0x4FC0  }
.Ltmp12:
0xfd: {  	_ = 	snop;
	(pc) =	sbr.rel @!p3 .LBB2_21-.Ltmp12, $4  }
0xfe: {  	s8 =	sshra.s32 s16, $0x2;
	v19 =	vld [tilespmem:s10+$0x6400]  }
0xff: {  	v20 =	vmax.f32 v12, v15;
	v15 =	vld [tilespmem:s8+$0x0]  }
0x100: {  	v21 =	vmin.f32 v11, v16;
	v16 =	vld [tilespmem:s8+$0x2800];
	v23 =	vmin.f32 v13, v17;
	v18 =	vmax.f32 v14, v18  }
0x101: {  	s16 =	sadd.s32 $0x40, s16;
	p0 =	por $0x1, $0x1;
	v22 =	vsub.f32 v21, v20;
	v17 =	vld [tilespmem:s8+$0x3C00];
	v23 =	vsub.f32 v23, v18  }
0x102: {  	v20 =	vld [tilespmem:s8+$0x1400]  }
0x103: {  	p3 =	sne.s32 s16, $0x4FC0;
	v18 =	vmax.f32 v22, $0.0e+00;
	v21 =	vmax.f32 v23, $0.0e+00  }
.Ltmp13:
0x104: {  	v18 =	vmul.f32 v21, v18;
	v21 =	vadd.f32 v19, v10;
	(pc) =	sbr.rel @!p3 .LBB2_23-.Ltmp13, $4  }
0x105: {  	s18 =	sshra.s32 s16, $0x2;
	v19 =	vld [tilespmem:s8+$0x6400]  }
0x106: {  	v22 =	vmax.f32 v12, v15;
	v15 =	vld [tilespmem:s18+$0x0];
	v23 =	vmin.f32 v11, v16;
	v21 =	vsub.f32 v21, v18  }
0x107: {  	v16 =	vld [tilespmem:s18+$0x2800];
	v24 =	vmin.f32 v13, v17;
	v22 =	vsub.f32 v23, v22;
	v20 =	vmax.f32 v14, v20  }
0x108: {  	s19 =	sadd.s32 $0x40, s16;
	p1 =	por $0x1, $0x1;
	v17 =	vld [tilespmem:s18+$0x3C00];
	v23 =	vsub.f32 v24, v20;
	v20 =	vadd.f32 $9.999999970e-07, v21  }
0x109: {  	v24 =	vld [tilespmem:s18+$0x1400];
	v25 =	vor.u32 s17, v0  }
0x10a: {  	v21 =	vmax.f32 v22, $0.0e+00;
	v26 =	vld [tilespmem:s10+$0x7800];
	p3 =	sne.s32 s19, $0x4FC0;
	v22 =	vmax.f32 v23, $0.0e+00;
	v23 =	vmul.f32 $3.000000120e-01, v20  }
.Ltmp14:
0x10b: {  	vm0 =	vgt.u32 v25, v9;
	v21 =	vmul.f32 v22, v21;
	v22 =	vadd.f32 v19, v10;
	(pc) =	sbr.rel @!p3 .LBB2_25-.Ltmp14, $4  }
0x10c: {  	s16 =	sshra.s32 s19, $0x2;
	v19 =	vld [tilespmem:s18+$0x6400];
	v27 =	vmax.f32 v12, v15;
	v25 =	vmin.f32 v11, v16;
	vm1 =	vgt.f32 v18, v23  }
0x10d: {  	v15 =	vld [tilespmem:s16+$0x0];
	v23 =	vmin.f32 v13, v17;
	v28 =	vsub.f32 v22, v21;
	vm0 =	vmand vm0, vm1  }
0x10e: {  	s20 =	sadd.s32 $0x40, s19;
	v16 =	vld [tilespmem:s16+$0x2800];
	v22 =	vsub.f32 v25, v27;
	v24 =	vmax.f32 v14, v24;
	v27 =	vsel vm0, $0x1, v1  }
0x10f: {  	s28 =	sadd.s32 $0x10, s17;
	p2 =	por $0x1, $0x1;
	s19 =	smov.u32 s10;
	v17 =	vld [tilespmem:s16+$0x3C00];
	v23 =	vsub.f32 v23, v24;
	v25 =	vadd.f32 $9.999999970e-07, v28;
	v24 =	vor.u32 v27, v26  }
.LBB2_26:
0x110: {  	p3 =	sne.s32 s20, $0x4FC0;
	v26 =	vld [tilespmem:s16+$0x1400];
	v27 =	vor.u32 s28, v0;
	[tilespmem:s19+$0x7800] =	vst v24;
	s19 =	smov.u32 s8;
	s8 =	smov.u32 s18  }
0x111: {  	v22 =	vmax.f32 v22, $0.0e+00;
	s18 =	smov.u32 s16;
	v23 =	vmax.f32 v23, $0.0e+00;
	v24 =	vmul.f32 $3.000000120e-01, v25;
	v28 =	vld [tilespmem:s19+$0x7800]  }
.Ltmp15:
0x112: {  	vm0 =	vgt.u32 v27, v9;
	v22 =	vmul.f32 v23, v22;
	v23 =	vadd.f32 v19, v10;
	(pc) =	sbr.rel @p3 .LBB2_26-.Ltmp15, $4  }
0x113: {  	s16 =	sshra.s32 s20, $0x2;
	v27 =	vmax.f32 v12, v15;
	v19 =	vld [tilespmem:s18+$0x6400];
	v25 =	vmin.f32 v11, v16;
	vm1 =	vgt.f32 v21, v24  }
0x114: {  	v15 =	vld [tilespmem:s16+$0x0];
	v24 =	vmin.f32 v13, v17;
	v29 =	vsub.f32 v23, v22;
	vm0 =	vmand vm0, vm1;
	v21 =	vmovc v22  }
0x115: {  	v22 =	vsub.f32 v25, v27;
	v16 =	vld [tilespmem:s16+$0x2800];
	v23 =	vmax.f32 v14, v26;
	v26 =	vsel vm0, $0x1, v1  }
0x116: {  	s20 =	sadd.s32 $0x40, s20;
	s28 =	sadd.s32 $0x10, s28;
	v17 =	vld [tilespmem:s16+$0x3C00];
	v23 =	vsub.f32 v24, v23;
	v25 =	vadd.f32 $9.999999970e-07, v29;
	v24 =	vor.u32 v26, v28  }
0x117: {  	s20 =	smov.u32 s8;
	s8 =	smov.u32 s18  }
.LBB2_28:
0x118: {  	v26 =	vld [tilespmem:s16+$0x1400];
	[tilespmem:s19+$0x7800] =	vst @p2 v24;
	s18 =	smov.u32 @p1 s20  }
0x119: {  	v22 =	vmax.f32 @p0 v22, $0.0e+00;
	v24 =	vmul.f32 @p1 $3.000000120e-01, v25;
	v25 =	vld @p1 [tilespmem:s18+$0x7800]  }
0x11a: {  	v23 =	vmax.f32 @p0 v23, $0.0e+00;
	v27 =	vor.u32 @p1 s28, v0;
	v19 =	vadd.f32 @p0 v19, v10  }
0x11b: {  	v22 =	vmul.f32 @p0 v23, v22;
	vm0 =	vgt.u32 @p1 v27, v9;
	vm1 =	vgt.f32 @p1 v21, v24  }
0x11c: {  	v12 =	vmax.f32 v12, v15;
	vm0 =	vmand @p1 vm0, vm1  }
0x11d: {  	v61 =	vld [tilespmem:s16+$0x6400];
	v11 =	vmin.f32 v11, v16;
	v16 =	vsub.f32 @p0 v19, v22;
	v15 =	vsel @p1 vm0, $0x1, v1  }
0x11e: {  	v13 =	vmin.f32 v13, v17;
	v14 =	vmax.f32 v14, v26;
	v15 =	vor.u32 @p1 v15, v25  }
0x11f: {  	v16 =	vadd.f32 @p0 $9.999999970e-07, v16;
	v62 =	vsub.f32 v13, v14;
	v13 =	vpsel p1, v15, v0  }
0x120: {  	s18 =	smov.u32 @p1 s18;
	v11 =	vsub.f32 v11, v12  }
0x121: {  	s10 =	smov.u32 @p0 s8;
	s8 =	sadd.s32 @p1 $0x10, s28;
	s19 =	smov.u32 s17;
	v14 =	vpsel p0, v16, v20;
	[tilespmem:s18+$0x7800] =	vst @p1 v13  }
0x122: {  	s19 =	smov.u32 @p1 s8;
	v11 =	vmax.f32 v11, $0.0e+00;
	v10 =	vadd.f32 v61, v10;
	v14 =	vmul.f32 @p0 $3.000000120e-01, v14;
	v15 =	vld @p0 [tilespmem:s10+$0x7800];
	v13 =	vmovc @p0 v22  }
0x123: {  	v16 =	vor.u32 @p0 s19, v0;
	v12 =	vmax.f32 v62, $0.0e+00;
	v13 =	vpsel p0, v13, v18  }
0x124: {  	vm0 =	vgt.u32 @p0 v16, v9;
	v11 =	vmul.f32 v12, v11;
	vm1 =	vgt.f32 @p0 v13, v14  }
0x125: {  	vm0 =	vmand @p0 vm0, vm1  }
0x126: {  	v10 =	vsub.f32 v10, v11;
	v12 =	vsel @p0 vm0, $0x1, v1  }
0x127: {  	v12 =	vor.u32 @p0 v12, v15  }
0x128: {  	s8 =	smov.u32 @p0 s10;
	v10 =	vadd.f32 $9.999999970e-07, v10;
	v12 =	vpsel p0, v12, v0  }
0x129: {  	s18 =	smov.u32 s17;
	s10 =	sadd.s32 @p0 $0x10, s19;
	[tilespmem:s8+$0x7800] =	vst @p0 v12  }
0x12a: {  	s18 =	smov.u32 @p0 s10;
	v10 =	vmul.f32 $3.000000120e-01, v10;
	v12 =	vld [tilespmem:s16+$0x7800]  }
0x12b: {  	v63 =	vor.u32 s18, v0  }
0x12c: {  	vm14 =	vgt.u32 v63, v9;
	vm15 =	vgt.f32 v11, v10  }
0x12d: {  	vm0 =	vmand vm14, vm15  }
0x12e: {  	v9 =	vsel vm0, $0x1, v1  }
0x12f: {  	v9 =	vor.u32 v9, v12  }
0x130: {  	[tilespmem:s16+$0x7800] =	vst v9  }
.LBB2_29:
0x131: {  	v9 =	vld [tilespmem:s31+$0x7800];
	_ =	sdelay $0x4  }
0x132: {  	(v2sf) =	vpush v9, $0x2;
	_ =	sdelay $0xe  }
0x133: {  	s8 =	spop (v2sf)  }
0x134: {  	p0 =	sne.s32 s8, $0x0  }
.Ltmp16:
0x135: {  	_ = 	snop;
	(pc) =	sbr.rel @p0 .LBB2_41-.Ltmp16, $1  }
0x136: {  	_ =	sdelay $0x3  }
0x137: {  	p3 =	sne.s32 s29, $0x4FC0  }
.Ltmp17:
0x138: {  	_ = 	snop;
	(pc) =	sbr.rel @!p3 .LBB2_31-.Ltmp17, $4  }
0x139: {  	s10 =	sshra.s32 s29, $0x2  }
0x13a: {  	v11 =	vbroadcast v8, $0x2;
	v15 =	vld [tilespmem:s10+$0x0]  }
0x13b: {  	s8 =	sor.u32 $0x2, s31;
	v12 =	vbroadcast v6, $0x2;
	v13 =	vbroadcast v7, $0x2;
	s16 =	sadd.s32 $0x40, s29;
	v16 =	vld [tilespmem:s10+$0x2800]  }
0x13c: {  	v14 =	vbroadcast v4, $0x2;
	v10 =	vbroadcast v5, $0x2;
	p0 =	por $0x0, $0x0;
	p1 =	por $0x0, $0x0;
	p2 =	por $0x0, $0x0;
	v9 =	vmov s8;
	v17 =	vld [tilespmem:s10+$0x3C00]  }
0x13d: {  	v18 =	vld [tilespmem:s10+$0x1400]  }
0x13e: {  	p3 =	sne.s32 s16, $0x4FC0  }
.Ltmp18:
0x13f: {  	_ = 	snop;
	(pc) =	sbr.rel @!p3 .LBB2_33-.Ltmp18, $4  }
0x140: {  	s8 =	sshra.s32 s16, $0x2;
	v19 =	vld [tilespmem:s10+$0x6400]  }
0x141: {  	v20 =	vmax.f32 v12, v15;
	v15 =	vld [tilespmem:s8+$0x0]  }
0x142: {  	v21 =	vmin.f32 v11, v16;
	v16 =	vld [tilespmem:s8+$0x2800];
	v23 =	vmin.f32 v13, v17;
	v18 =	vmax.f32 v14, v18  }
0x143: {  	s16 =	sadd.s32 $0x40, s16;
	p0 =	por $0x1, $0x1;
	v22 =	vsub.f32 v21, v20;
	v17 =	vld [tilespmem:s8+$0x3C00];
	v23 =	vsub.f32 v23, v18  }
0x144: {  	v20 =	vld [tilespmem:s8+$0x1400]  }
0x145: {  	p3 =	sne.s32 s16, $0x4FC0;
	v18 =	vmax.f32 v22, $0.0e+00;
	v21 =	vmax.f32 v23, $0.0e+00  }
.Ltmp19:
0x146: {  	v18 =	vmul.f32 v21, v18;
	v21 =	vadd.f32 v19, v10;
	(pc) =	sbr.rel @!p3 .LBB2_35-.Ltmp19, $4  }
0x147: {  	s18 =	sshra.s32 s16, $0x2;
	v19 =	vld [tilespmem:s8+$0x6400]  }
0x148: {  	v22 =	vmax.f32 v12, v15;
	v15 =	vld [tilespmem:s18+$0x0];
	v23 =	vmin.f32 v11, v16;
	v21 =	vsub.f32 v21, v18  }
0x149: {  	v16 =	vld [tilespmem:s18+$0x2800];
	v24 =	vmin.f32 v13, v17;
	v22 =	vsub.f32 v23, v22;
	v20 =	vmax.f32 v14, v20  }
0x14a: {  	s19 =	sadd.s32 $0x40, s16;
	p1 =	por $0x1, $0x1;
	v17 =	vld [tilespmem:s18+$0x3C00];
	v23 =	vsub.f32 v24, v20;
	v20 =	vadd.f32 $9.999999970e-07, v21  }
0x14b: {  	v24 =	vld [tilespmem:s18+$0x1400];
	v25 =	vor.u32 s17, v0  }
0x14c: {  	v21 =	vmax.f32 v22, $0.0e+00;
	v26 =	vld [tilespmem:s10+$0x7800];
	p3 =	sne.s32 s19, $0x4FC0;
	v22 =	vmax.f32 v23, $0.0e+00;
	v23 =	vmul.f32 $3.000000120e-01, v20  }
.Ltmp20:
0x14d: {  	vm0 =	vgt.u32 v25, v9;
	v21 =	vmul.f32 v22, v21;
	v22 =	vadd.f32 v19, v10;
	(pc) =	sbr.rel @!p3 .LBB2_37-.Ltmp20, $4  }
0x14e: {  	s16 =	sshra.s32 s19, $0x2;
	v19 =	vld [tilespmem:s18+$0x6400];
	v27 =	vmax.f32 v12, v15;
	v25 =	vmin.f32 v11, v16;
	vm1 =	vgt.f32 v18, v23  }
0x14f: {  	v15 =	vld [tilespmem:s16+$0x0];
	v23 =	vmin.f32 v13, v17;
	v28 =	vsub.f32 v22, v21;
	vm0 =	vmand vm0, vm1  }
0x150: {  	s20 =	sadd.s32 $0x40, s19;
	v16 =	vld [tilespmem:s16+$0x2800];
	v22 =	vsub.f32 v25, v27;
	v24 =	vmax.f32 v14, v24;
	v27 =	vsel vm0, $0x1, v1  }
0x151: {  	s28 =	sadd.s32 $0x10, s17;
	p2 =	por $0x1, $0x1;
	s19 =	smov.u32 s10;
	v17 =	vld [tilespmem:s16+$0x3C00];
	v23 =	vsub.f32 v23, v24;
	v25 =	vadd.f32 $9.999999970e-07, v28;
	v24 =	vor.u32 v27, v26  }
.LBB2_38:
0x152: {  	p3 =	sne.s32 s20, $0x4FC0;
	v26 =	vld [tilespmem:s16+$0x1400];
	v27 =	vor.u32 s28, v0;
	[tilespmem:s19+$0x7800] =	vst v24;
	s19 =	smov.u32 s8;
	s8 =	smov.u32 s18  }
0x153: {  	v22 =	vmax.f32 v22, $0.0e+00;
	s18 =	smov.u32 s16;
	v23 =	vmax.f32 v23, $0.0e+00;
	v24 =	vmul.f32 $3.000000120e-01, v25;
	v28 =	vld [tilespmem:s19+$0x7800]  }
.Ltmp21:
0x154: {  	vm0 =	vgt.u32 v27, v9;
	v22 =	vmul.f32 v23, v22;
	v23 =	vadd.f32 v19, v10;
	(pc) =	sbr.rel @p3 .LBB2_38-.Ltmp21, $4  }
0x155: {  	s16 =	sshra.s32 s20, $0x2;
	v27 =	vmax.f32 v12, v15;
	v19 =	vld [tilespmem:s18+$0x6400];
	v25 =	vmin.f32 v11, v16;
	vm1 =	vgt.f32 v21, v24  }
0x156: {  	v15 =	vld [tilespmem:s16+$0x0];
	v24 =	vmin.f32 v13, v17;
	v29 =	vsub.f32 v23, v22;
	vm0 =	vmand vm0, vm1;
	v21 =	vmovc v22  }
0x157: {  	v22 =	vsub.f32 v25, v27;
	v16 =	vld [tilespmem:s16+$0x2800];
	v23 =	vmax.f32 v14, v26;
	v26 =	vsel vm0, $0x1, v1  }
0x158: {  	s20 =	sadd.s32 $0x40, s20;
	s28 =	sadd.s32 $0x10, s28;
	v17 =	vld [tilespmem:s16+$0x3C00];
	v23 =	vsub.f32 v24, v23;
	v25 =	vadd.f32 $9.999999970e-07, v29;
	v24 =	vor.u32 v26, v28  }
0x159: {  	s20 =	smov.u32 s8;
	s8 =	smov.u32 s18  }
.LBB2_40:
0x15a: {  	v26 =	vld [tilespmem:s16+$0x1400];
	[tilespmem:s19+$0x7800] =	vst @p2 v24;
	s18 =	smov.u32 @p1 s20  }
0x15b: {  	v22 =	vmax.f32 @p0 v22, $0.0e+00;
	v24 =	vmul.f32 @p1 $3.000000120e-01, v25;
	v25 =	vld @p1 [tilespmem:s18+$0x7800]  }
0x15c: {  	v23 =	vmax.f32 @p0 v23, $0.0e+00;
	v27 =	vor.u32 @p1 s28, v0;
	v19 =	vadd.f32 @p0 v19, v10  }
0x15d: {  	v22 =	vmul.f32 @p0 v23, v22;
	vm0 =	vgt.u32 @p1 v27, v9;
	vm1 =	vgt.f32 @p1 v21, v24  }
0x15e: {  	v12 =	vmax.f32 v12, v15;
	vm0 =	vmand @p1 vm0, vm1  }
0x15f: {  	v61 =	vld [tilespmem:s16+$0x6400];
	v11 =	vmin.f32 v11, v16;
	v16 =	vsub.f32 @p0 v19, v22;
	v15 =	vsel @p1 vm0, $0x1, v1  }
0x160: {  	v13 =	vmin.f32 v13, v17;
	v14 =	vmax.f32 v14, v26;
	v15 =	vor.u32 @p1 v15, v25  }
0x161: {  	v16 =	vadd.f32 @p0 $9.999999970e-07, v16;
	v62 =	vsub.f32 v13, v14;
	v13 =	vpsel p1, v15, v0  }
0x162: {  	s18 =	smov.u32 @p1 s18;
	v11 =	vsub.f32 v11, v12  }
0x163: {  	s10 =	smov.u32 @p0 s8;
	s8 =	sadd.s32 @p1 $0x10, s28;
	s19 =	smov.u32 s17;
	v14 =	vpsel p0, v16, v20;
	[tilespmem:s18+$0x7800] =	vst @p1 v13  }
0x164: {  	s19 =	smov.u32 @p1 s8;
	v11 =	vmax.f32 v11, $0.0e+00;
	v10 =	vadd.f32 v61, v10;
	v14 =	vmul.f32 @p0 $3.000000120e-01, v14;
	v15 =	vld @p0 [tilespmem:s10+$0x7800];
	v13 =	vmovc @p0 v22  }
0x165: {  	v16 =	vor.u32 @p0 s19, v0;
	v12 =	vmax.f32 v62, $0.0e+00;
	v13 =	vpsel p0, v13, v18  }
0x166: {  	vm0 =	vgt.u32 @p0 v16, v9;
	v11 =	vmul.f32 v12, v11;
	vm1 =	vgt.f32 @p0 v13, v14  }
0x167: {  	vm0 =	vmand @p0 vm0, vm1  }
0x168: {  	v10 =	vsub.f32 v10, v11;
	v12 =	vsel @p0 vm0, $0x1, v1  }
0x169: {  	v12 =	vor.u32 @p0 v12, v15  }
0x16a: {  	s8 =	smov.u32 @p0 s10;
	v10 =	vadd.f32 $9.999999970e-07, v10;
	v12 =	vpsel p0, v12, v0  }
0x16b: {  	s18 =	smov.u32 s17;
	s10 =	sadd.s32 @p0 $0x10, s19;
	[tilespmem:s8+$0x7800] =	vst @p0 v12  }
0x16c: {  	s18 =	smov.u32 @p0 s10;
	v10 =	vmul.f32 $3.000000120e-01, v10;
	v12 =	vld [tilespmem:s16+$0x7800]  }
0x16d: {  	v63 =	vor.u32 s18, v0  }
0x16e: {  	vm14 =	vgt.u32 v63, v9;
	vm15 =	vgt.f32 v11, v10  }
0x16f: {  	vm0 =	vmand vm14, vm15  }
0x170: {  	v9 =	vsel vm0, $0x1, v1  }
0x171: {  	v9 =	vor.u32 v9, v12  }
0x172: {  	[tilespmem:s16+$0x7800] =	vst v9  }
.LBB2_41:
0x173: {  	v9 =	vld [tilespmem:s31+$0x7800];
	_ =	sdelay $0x4  }
0x174: {  	(v2sf) =	vpush v9, $0x3;
	_ =	sdelay $0xe  }
0x175: {  	s8 =	spop (v2sf)  }
0x176: {  	p0 =	sne.s32 s8, $0x0  }
.Ltmp22:
0x177: {  	_ = 	snop;
	(pc) =	sbr.rel @p0 .LBB2_53-.Ltmp22, $1  }
0x178: {  	_ =	sdelay $0x3  }
0x179: {  	p3 =	sne.s32 s29, $0x4FC0  }
.Ltmp23:
0x17a: {  	_ = 	snop;
	(pc) =	sbr.rel @!p3 .LBB2_43-.Ltmp23, $4  }
0x17b: {  	s10 =	sshra.s32 s29, $0x2  }
0x17c: {  	v11 =	vbroadcast v8, $0x3;
	v15 =	vld [tilespmem:s10+$0x0]  }
0x17d: {  	s8 =	sor.u32 $0x3, s31;
	v12 =	vbroadcast v6, $0x3;
	v13 =	vbroadcast v7, $0x3;
	s16 =	sadd.s32 $0x40, s29;
	v16 =	vld [tilespmem:s10+$0x2800]  }
0x17e: {  	v14 =	vbroadcast v4, $0x3;
	v10 =	vbroadcast v5, $0x3;
	p0 =	por $0x0, $0x0;
	p1 =	por $0x0, $0x0;
	p2 =	por $0x0, $0x0;
	v9 =	vmov s8;
	v17 =	vld [tilespmem:s10+$0x3C00]  }
0x17f: {  	v18 =	vld [tilespmem:s10+$0x1400]  }
0x180: {  	p3 =	sne.s32 s16, $0x4FC0  }
.Ltmp24:
0x181: {  	_ = 	snop;
	(pc) =	sbr.rel @!p3 .LBB2_45-.Ltmp24, $4  }
0x182: {  	s8 =	sshra.s32 s16, $0x2;
	v19 =	vld [tilespmem:s10+$0x6400]  }
0x183: {  	v20 =	vmax.f32 v12, v15;
	v15 =	vld [tilespmem:s8+$0x0]  }
0x184: {  	v21 =	vmin.f32 v11, v16;
	v16 =	vld [tilespmem:s8+$0x2800];
	v23 =	vmin.f32 v13, v17;
	v18 =	vmax.f32 v14, v18  }
0x185: {  	s16 =	sadd.s32 $0x40, s16;
	p0 =	por $0x1, $0x1;
	v22 =	vsub.f32 v21, v20;
	v17 =	vld [tilespmem:s8+$0x3C00];
	v23 =	vsub.f32 v23, v18  }
0x186: {  	v20 =	vld [tilespmem:s8+$0x1400]  }
0x187: {  	p3 =	sne.s32 s16, $0x4FC0;
	v18 =	vmax.f32 v22, $0.0e+00;
	v21 =	vmax.f32 v23, $0.0e+00  }
.Ltmp25:
0x188: {  	v18 =	vmul.f32 v21, v18;
	v21 =	vadd.f32 v19, v10;
	(pc) =	sbr.rel @!p3 .LBB2_47-.Ltmp25, $4  }
0x189: {  	s18 =	sshra.s32 s16, $0x2;
	v19 =	vld [tilespmem:s8+$0x6400]  }
0x18a: {  	v22 =	vmax.f32 v12, v15;
	v15 =	vld [tilespmem:s18+$0x0];
	v23 =	vmin.f32 v11, v16;
	v21 =	vsub.f32 v21, v18  }
0x18b: {  	v16 =	vld [tilespmem:s18+$0x2800];
	v24 =	vmin.f32 v13, v17;
	v22 =	vsub.f32 v23, v22;
	v20 =	vmax.f32 v14, v20  }
0x18c: {  	s19 =	sadd.s32 $0x40, s16;
	p1 =	por $0x1, $0x1;
	v17 =	vld [tilespmem:s18+$0x3C00];
	v23 =	vsub.f32 v24, v20;
	v20 =	vadd.f32 $9.999999970e-07, v21  }
0x18d: {  	v24 =	vld [tilespmem:s18+$0x1400];
	v25 =	vor.u32 s17, v0  }
0x18e: {  	v21 =	vmax.f32 v22, $0.0e+00;
	v26 =	vld [tilespmem:s10+$0x7800];
	p3 =	sne.s32 s19, $0x4FC0;
	v22 =	vmax.f32 v23, $0.0e+00;
	v23 =	vmul.f32 $3.000000120e-01, v20  }
.Ltmp26:
0x18f: {  	vm0 =	vgt.u32 v25, v9;
	v21 =	vmul.f32 v22, v21;
	v22 =	vadd.f32 v19, v10;
	(pc) =	sbr.rel @!p3 .LBB2_49-.Ltmp26, $4  }
0x190: {  	s16 =	sshra.s32 s19, $0x2;
	v19 =	vld [tilespmem:s18+$0x6400];
	v27 =	vmax.f32 v12, v15;
	v25 =	vmin.f32 v11, v16;
	vm1 =	vgt.f32 v18, v23  }
0x191: {  	v15 =	vld [tilespmem:s16+$0x0];
	v23 =	vmin.f32 v13, v17;
	v28 =	vsub.f32 v22, v21;
	vm0 =	vmand vm0, vm1  }
0x192: {  	s20 =	sadd.s32 $0x40, s19;
	v16 =	vld [tilespmem:s16+$0x2800];
	v22 =	vsub.f32 v25, v27;
	v24 =	vmax.f32 v14, v24;
	v27 =	vsel vm0, $0x1, v1  }
0x193: {  	s28 =	sadd.s32 $0x10, s17;
	p2 =	por $0x1, $0x1;
	s19 =	smov.u32 s10;
	v17 =	vld [tilespmem:s16+$0x3C00];
	v23 =	vsub.f32 v23, v24;
	v25 =	vadd.f32 $9.999999970e-07, v28;
	v24 =	vor.u32 v27, v26  }
.LBB2_50:
0x194: {  	p3 =	sne.s32 s20, $0x4FC0;
	v26 =	vld [tilespmem:s16+$0x1400];
	v27 =	vor.u32 s28, v0;
	[tilespmem:s19+$0x7800] =	vst v24;
	s19 =	smov.u32 s8;
	s8 =	smov.u32 s18  }
0x195: {  	v22 =	vmax.f32 v22, $0.0e+00;
	s18 =	smov.u32 s16;
	v23 =	vmax.f32 v23, $0.0e+00;
	v24 =	vmul.f32 $3.000000120e-01, v25;
	v28 =	vld [tilespmem:s19+$0x7800]  }
.Ltmp27:
0x196: {  	vm0 =	vgt.u32 v27, v9;
	v22 =	vmul.f32 v23, v22;
	v23 =	vadd.f32 v19, v10;
	(pc) =	sbr.rel @p3 .LBB2_50-.Ltmp27, $4  }
0x197: {  	s16 =	sshra.s32 s20, $0x2;
	v27 =	vmax.f32 v12, v15;
	v19 =	vld [tilespmem:s18+$0x6400];
	v25 =	vmin.f32 v11, v16;
	vm1 =	vgt.f32 v21, v24  }
0x198: {  	v15 =	vld [tilespmem:s16+$0x0];
	v24 =	vmin.f32 v13, v17;
	v29 =	vsub.f32 v23, v22;
	vm0 =	vmand vm0, vm1;
	v21 =	vmovc v22  }
0x199: {  	v22 =	vsub.f32 v25, v27;
	v16 =	vld [tilespmem:s16+$0x2800];
	v23 =	vmax.f32 v14, v26;
	v26 =	vsel vm0, $0x1, v1  }
0x19a: {  	s20 =	sadd.s32 $0x40, s20;
	s28 =	sadd.s32 $0x10, s28;
	v17 =	vld [tilespmem:s16+$0x3C00];
	v23 =	vsub.f32 v24, v23;
	v25 =	vadd.f32 $9.999999970e-07, v29;
	v24 =	vor.u32 v26, v28  }
0x19b: {  	s20 =	smov.u32 s8;
	s8 =	smov.u32 s18  }
.LBB2_52:
0x19c: {  	v26 =	vld [tilespmem:s16+$0x1400];
	[tilespmem:s19+$0x7800] =	vst @p2 v24;
	s18 =	smov.u32 @p1 s20  }
0x19d: {  	v22 =	vmax.f32 @p0 v22, $0.0e+00;
	v24 =	vmul.f32 @p1 $3.000000120e-01, v25;
	v25 =	vld @p1 [tilespmem:s18+$0x7800]  }
0x19e: {  	v23 =	vmax.f32 @p0 v23, $0.0e+00;
	v27 =	vor.u32 @p1 s28, v0;
	v19 =	vadd.f32 @p0 v19, v10  }
0x19f: {  	v22 =	vmul.f32 @p0 v23, v22;
	vm0 =	vgt.u32 @p1 v27, v9;
	vm1 =	vgt.f32 @p1 v21, v24  }
0x1a0: {  	v12 =	vmax.f32 v12, v15;
	vm0 =	vmand @p1 vm0, vm1  }
0x1a1: {  	v61 =	vld [tilespmem:s16+$0x6400];
	v11 =	vmin.f32 v11, v16;
	v16 =	vsub.f32 @p0 v19, v22;
	v15 =	vsel @p1 vm0, $0x1, v1  }
0x1a2: {  	v13 =	vmin.f32 v13, v17;
	v14 =	vmax.f32 v14, v26;
	v15 =	vor.u32 @p1 v15, v25  }
0x1a3: {  	v16 =	vadd.f32 @p0 $9.999999970e-07, v16;
	v62 =	vsub.f32 v13, v14;
	v13 =	vpsel p1, v15, v0  }
0x1a4: {  	s18 =	smov.u32 @p1 s18;
	v11 =	vsub.f32 v11, v12  }
0x1a5: {  	s10 =	smov.u32 @p0 s8;
	s8 =	sadd.s32 @p1 $0x10, s28;
	s19 =	smov.u32 s17;
	v14 =	vpsel p0, v16, v20;
	[tilespmem:s18+$0x7800] =	vst @p1 v13  }
0x1a6: {  	s19 =	smov.u32 @p1 s8;
	v11 =	vmax.f32 v11, $0.0e+00;
	v10 =	vadd.f32 v61, v10;
	v14 =	vmul.f32 @p0 $3.000000120e-01, v14;
	v15 =	vld @p0 [tilespmem:s10+$0x7800];
	v13 =	vmovc @p0 v22  }
0x1a7: {  	v16 =	vor.u32 @p0 s19, v0;
	v12 =	vmax.f32 v62, $0.0e+00;
	v13 =	vpsel p0, v13, v18  }
0x1a8: {  	vm0 =	vgt.u32 @p0 v16, v9;
	v11 =	vmul.f32 v12, v11;
	vm1 =	vgt.f32 @p0 v13, v14  }
0x1a9: {  	vm0 =	vmand @p0 vm0, vm1  }
0x1aa: {  	v10 =	vsub.f32 v10, v11;
	v12 =	vsel @p0 vm0, $0x1, v1  }
0x1ab: {  	v12 =	vor.u32 @p0 v12, v15  }
0x1ac: {  	s8 =	smov.u32 @p0 s10;
	v10 =	vadd.f32 $9.999999970e-07, v10;
	v12 =	vpsel p0, v12, v0  }
0x1ad: {  	s18 =	smov.u32 s17;
	s10 =	sadd.s32 @p0 $0x10, s19;
	[tilespmem:s8+$0x7800] =	vst @p0 v12  }
0x1ae: {  	s18 =	smov.u32 @p0 s10;
	v10 =	vmul.f32 $3.000000120e-01, v10;
	v12 =	vld [tilespmem:s16+$0x7800]  }
0x1af: {  	v63 =	vor.u32 s18, v0  }
0x1b0: {  	vm14 =	vgt.u32 v63, v9;
	vm15 =	vgt.f32 v11, v10  }
0x1b1: {  	vm0 =	vmand vm14, vm15  }
0x1b2: {  	v9 =	vsel vm0, $0x1, v1  }
0x1b3: {  	v9 =	vor.u32 v9, v12  }
0x1b4: {  	[tilespmem:s16+$0x7800] =	vst v9  }
.LBB2_53:
0x1b5: {  	v9 =	vld [tilespmem:s31+$0x7800];
	_ =	sdelay $0x4  }
0x1b6: {  	(v2sf) =	vpush v9, $0x4;
	_ =	sdelay $0xe  }
0x1b7: {  	s8 =	spop (v2sf)  }
0x1b8: {  	p0 =	sne.s32 s8, $0x0  }
.Ltmp28:
0x1b9: {  	_ = 	snop;
	(pc) =	sbr.rel @p0 .LBB2_65-.Ltmp28, $1  }
0x1ba: {  	_ =	sdelay $0x3  }
0x1bb: {  	p3 =	sne.s32 s29, $0x4FC0  }
.Ltmp29:
0x1bc: {  	_ = 	snop;
	(pc) =	sbr.rel @!p3 .LBB2_55-.Ltmp29, $4  }
0x1bd: {  	s10 =	sshra.s32 s29, $0x2  }
0x1be: {  	v11 =	vbroadcast v8, $0x4;
	v15 =	vld [tilespmem:s10+$0x0]  }
0x1bf: {  	s8 =	sor.u32 $0x4, s31;
	v12 =	vbroadcast v6, $0x4;
	v13 =	vbroadcast v7, $0x4;
	s16 =	sadd.s32 $0x40, s29;
	v16 =	vld [tilespmem:s10+$0x2800]  }
0x1c0: {  	v14 =	vbroadcast v4, $0x4;
	v10 =	vbroadcast v5, $0x4;
	p0 =	por $0x0, $0x0;
	p1 =	por $0x0, $0x0;
	p2 =	por $0x0, $0x0;
	v9 =	vmov s8;
	v17 =	vld [tilespmem:s10+$0x3C00]  }
0x1c1: {  	v18 =	vld [tilespmem:s10+$0x1400]  }
0x1c2: {  	p3 =	sne.s32 s16, $0x4FC0  }
.Ltmp30:
0x1c3: {  	_ = 	snop;
	(pc) =	sbr.rel @!p3 .LBB2_57-.Ltmp30, $4  }
0x1c4: {  	s8 =	sshra.s32 s16, $0x2;
	v19 =	vld [tilespmem:s10+$0x6400]  }
0x1c5: {  	v20 =	vmax.f32 v12, v15;
	v15 =	vld [tilespmem:s8+$0x0]  }
0x1c6: {  	v21 =	vmin.f32 v11, v16;
	v16 =	vld [tilespmem:s8+$0x2800];
	v23 =	vmin.f32 v13, v17;
	v18 =	vmax.f32 v14, v18  }
0x1c7: {  	s16 =	sadd.s32 $0x40, s16;
	p0 =	por $0x1, $0x1;
	v22 =	vsub.f32 v21, v20;
	v17 =	vld [tilespmem:s8+$0x3C00];
	v23 =	vsub.f32 v23, v18  }
0x1c8: {  	v20 =	vld [tilespmem:s8+$0x1400]  }
0x1c9: {  	p3 =	sne.s32 s16, $0x4FC0;
	v18 =	vmax.f32 v22, $0.0e+00;
	v21 =	vmax.f32 v23, $0.0e+00  }
.Ltmp31:
0x1ca: {  	v18 =	vmul.f32 v21, v18;
	v21 =	vadd.f32 v19, v10;
	(pc) =	sbr.rel @!p3 .LBB2_59-.Ltmp31, $4  }
0x1cb: {  	s18 =	sshra.s32 s16, $0x2;
	v19 =	vld [tilespmem:s8+$0x6400]  }
0x1cc: {  	v22 =	vmax.f32 v12, v15;
	v15 =	vld [tilespmem:s18+$0x0];
	v23 =	vmin.f32 v11, v16;
	v21 =	vsub.f32 v21, v18  }
0x1cd: {  	v16 =	vld [tilespmem:s18+$0x2800];
	v24 =	vmin.f32 v13, v17;
	v22 =	vsub.f32 v23, v22;
	v20 =	vmax.f32 v14, v20  }
0x1ce: {  	s19 =	sadd.s32 $0x40, s16;
	p1 =	por $0x1, $0x1;
	v17 =	vld [tilespmem:s18+$0x3C00];
	v23 =	vsub.f32 v24, v20;
	v20 =	vadd.f32 $9.999999970e-07, v21  }
0x1cf: {  	v24 =	vld [tilespmem:s18+$0x1400];
	v25 =	vor.u32 s17, v0  }
0x1d0: {  	v21 =	vmax.f32 v22, $0.0e+00;
	v26 =	vld [tilespmem:s10+$0x7800];
	p3 =	sne.s32 s19, $0x4FC0;
	v22 =	vmax.f32 v23, $0.0e+00;
	v23 =	vmul.f32 $3.000000120e-01, v20  }
.Ltmp32:
0x1d1: {  	vm0 =	vgt.u32 v25, v9;
	v21 =	vmul.f32 v22, v21;
	v22 =	vadd.f32 v19, v10;
	(pc) =	sbr.rel @!p3 .LBB2_61-.Ltmp32, $4  }
0x1d2: {  	s16 =	sshra.s32 s19, $0x2;
	v19 =	vld [tilespmem:s18+$0x6400];
	v27 =	vmax.f32 v12, v15;
	v25 =	vmin.f32 v11, v16;
	vm1 =	vgt.f32 v18, v23  }
0x1d3: {  	v15 =	vld [tilespmem:s16+$0x0];
	v23 =	vmin.f32 v13, v17;
	v28 =	vsub.f32 v22, v21;
	vm0 =	vmand vm0, vm1  }
0x1d4: {  	s20 =	sadd.s32 $0x40, s19;
	v16 =	vld [tilespmem:s16+$0x2800];
	v22 =	vsub.f32 v25, v27;
	v24 =	vmax.f32 v14, v24;
	v27 =	vsel vm0, $0x1, v1  }
0x1d5: {  	s28 =	sadd.s32 $0x10, s17;
	p2 =	por $0x1, $0x1;
	s19 =	smov.u32 s10;
	v17 =	vld [tilespmem:s16+$0x3C00];
	v23 =	vsub.f32 v23, v24;
	v25 =	vadd.f32 $9.999999970e-07, v28;
	v24 =	vor.u32 v27, v26  }
.LBB2_62:
0x1d6: {  	p3 =	sne.s32 s20, $0x4FC0;
	v26 =	vld [tilespmem:s16+$0x1400];
	v27 =	vor.u32 s28, v0;
	[tilespmem:s19+$0x7800] =	vst v24;
	s19 =	smov.u32 s8;
	s8 =	smov.u32 s18  }
0x1d7: {  	v22 =	vmax.f32 v22, $0.0e+00;
	s18 =	smov.u32 s16;
	v23 =	vmax.f32 v23, $0.0e+00;
	v24 =	vmul.f32 $3.000000120e-01, v25;
	v28 =	vld [tilespmem:s19+$0x7800]  }
.Ltmp33:
0x1d8: {  	vm0 =	vgt.u32 v27, v9;
	v22 =	vmul.f32 v23, v22;
	v23 =	vadd.f32 v19, v10;
	(pc) =	sbr.rel @p3 .LBB2_62-.Ltmp33, $4  }
0x1d9: {  	s16 =	sshra.s32 s20, $0x2;
	v27 =	vmax.f32 v12, v15;
	v19 =	vld [tilespmem:s18+$0x6400];
	v25 =	vmin.f32 v11, v16;
	vm1 =	vgt.f32 v21, v24  }
0x1da: {  	v15 =	vld [tilespmem:s16+$0x0];
	v24 =	vmin.f32 v13, v17;
	v29 =	vsub.f32 v23, v22;
	vm0 =	vmand vm0, vm1;
	v21 =	vmovc v22  }
0x1db: {  	v22 =	vsub.f32 v25, v27;
	v16 =	vld [tilespmem:s16+$0x2800];
	v23 =	vmax.f32 v14, v26;
	v26 =	vsel vm0, $0x1, v1  }
0x1dc: {  	s20 =	sadd.s32 $0x40, s20;
	s28 =	sadd.s32 $0x10, s28;
	v17 =	vld [tilespmem:s16+$0x3C00];
	v23 =	vsub.f32 v24, v23;
	v25 =	vadd.f32 $9.999999970e-07, v29;
	v24 =	vor.u32 v26, v28  }
0x1dd: {  	s20 =	smov.u32 s8;
	s8 =	smov.u32 s18  }
.LBB2_64:
0x1de: {  	v26 =	vld [tilespmem:s16+$0x1400];
	[tilespmem:s19+$0x7800] =	vst @p2 v24;
	s18 =	smov.u32 @p1 s20  }
0x1df: {  	v22 =	vmax.f32 @p0 v22, $0.0e+00;
	v24 =	vmul.f32 @p1 $3.000000120e-01, v25;
	v25 =	vld @p1 [tilespmem:s18+$0x7800]  }
0x1e0: {  	v23 =	vmax.f32 @p0 v23, $0.0e+00;
	v27 =	vor.u32 @p1 s28, v0;
	v19 =	vadd.f32 @p0 v19, v10  }
0x1e1: {  	v22 =	vmul.f32 @p0 v23, v22;
	vm0 =	vgt.u32 @p1 v27, v9;
	vm1 =	vgt.f32 @p1 v21, v24  }
0x1e2: {  	v12 =	vmax.f32 v12, v15;
	vm0 =	vmand @p1 vm0, vm1  }
0x1e3: {  	v61 =	vld [tilespmem:s16+$0x6400];
	v11 =	vmin.f32 v11, v16;
	v16 =	vsub.f32 @p0 v19, v22;
	v15 =	vsel @p1 vm0, $0x1, v1  }
0x1e4: {  	v13 =	vmin.f32 v13, v17;
	v14 =	vmax.f32 v14, v26;
	v15 =	vor.u32 @p1 v15, v25  }
0x1e5: {  	v16 =	vadd.f32 @p0 $9.999999970e-07, v16;
	v62 =	vsub.f32 v13, v14;
	v13 =	vpsel p1, v15, v0  }
0x1e6: {  	s18 =	smov.u32 @p1 s18;
	v11 =	vsub.f32 v11, v12  }
0x1e7: {  	s10 =	smov.u32 @p0 s8;
	s8 =	sadd.s32 @p1 $0x10, s28;
	s19 =	smov.u32 s17;
	v14 =	vpsel p0, v16, v20;
	[tilespmem:s18+$0x7800] =	vst @p1 v13  }
0x1e8: {  	s19 =	smov.u32 @p1 s8;
	v11 =	vmax.f32 v11, $0.0e+00;
	v10 =	vadd.f32 v61, v10;
	v14 =	vmul.f32 @p0 $3.000000120e-01, v14;
	v15 =	vld @p0 [tilespmem:s10+$0x7800];
	v13 =	vmovc @p0 v22  }
0x1e9: {  	v16 =	vor.u32 @p0 s19, v0;
	v12 =	vmax.f32 v62, $0.0e+00;
	v13 =	vpsel p0, v13, v18  }
0x1ea: {  	vm0 =	vgt.u32 @p0 v16, v9;
	v11 =	vmul.f32 v12, v11;
	vm1 =	vgt.f32 @p0 v13, v14  }
0x1eb: {  	vm0 =	vmand @p0 vm0, vm1  }
0x1ec: {  	v10 =	vsub.f32 v10, v11;
	v12 =	vsel @p0 vm0, $0x1, v1  }
0x1ed: {  	v12 =	vor.u32 @p0 v12, v15  }
0x1ee: {  	s8 =	smov.u32 @p0 s10;
	v10 =	vadd.f32 $9.999999970e-07, v10;
	v12 =	vpsel p0, v12, v0  }
0x1ef: {  	s18 =	smov.u32 s17;
	s10 =	sadd.s32 @p0 $0x10, s19;
	[tilespmem:s8+$0x7800] =	vst @p0 v12  }
0x1f0: {  	s18 =	smov.u32 @p0 s10;
	v10 =	vmul.f32 $3.000000120e-01, v10;
	v12 =	vld [tilespmem:s16+$0x7800]  }
0x1f1: {  	v63 =	vor.u32 s18, v0  }
0x1f2: {  	vm14 =	vgt.u32 v63, v9;
	vm15 =	vgt.f32 v11, v10  }
0x1f3: {  	vm0 =	vmand vm14, vm15  }
0x1f4: {  	v9 =	vsel vm0, $0x1, v1  }
0x1f5: {  	v9 =	vor.u32 v9, v12  }
0x1f6: {  	[tilespmem:s16+$0x7800] =	vst v9  }
.LBB2_65:
0x1f7: {  	v9 =	vld [tilespmem:s31+$0x7800];
	_ =	sdelay $0x4  }
0x1f8: {  	(v2sf) =	vpush v9, $0x5;
	_ =	sdelay $0xe  }
0x1f9: {  	s8 =	spop (v2sf)  }
0x1fa: {  	p0 =	sne.s32 s8, $0x0  }
.Ltmp34:
0x1fb: {  	_ = 	snop;
	(pc) =	sbr.rel @p0 .LBB2_77-.Ltmp34, $1  }
0x1fc: {  	_ =	sdelay $0x3  }
0x1fd: {  	p3 =	sne.s32 s29, $0x4FC0  }
.Ltmp35:
0x1fe: {  	_ = 	snop;
	(pc) =	sbr.rel @!p3 .LBB2_67-.Ltmp35, $4  }
0x1ff: {  	s10 =	sshra.s32 s29, $0x2  }
0x200: {  	v11 =	vbroadcast v8, $0x5;
	v15 =	vld [tilespmem:s10+$0x0]  }
0x201: {  	s8 =	sor.u32 $0x5, s31;
	v12 =	vbroadcast v6, $0x5;
	v13 =	vbroadcast v7, $0x5;
	s16 =	sadd.s32 $0x40, s29;
	v16 =	vld [tilespmem:s10+$0x2800]  }
0x202: {  	v14 =	vbroadcast v4, $0x5;
	v10 =	vbroadcast v5, $0x5;
	p0 =	por $0x0, $0x0;
	p1 =	por $0x0, $0x0;
	p2 =	por $0x0, $0x0;
	v9 =	vmov s8;
	v17 =	vld [tilespmem:s10+$0x3C00]  }
0x203: {  	v18 =	vld [tilespmem:s10+$0x1400]  }
0x204: {  	p3 =	sne.s32 s16, $0x4FC0  }
.Ltmp36:
0x205: {  	_ = 	snop;
	(pc) =	sbr.rel @!p3 .LBB2_69-.Ltmp36, $4  }
0x206: {  	s8 =	sshra.s32 s16, $0x2;
	v19 =	vld [tilespmem:s10+$0x6400]  }
0x207: {  	v20 =	vmax.f32 v12, v15;
	v15 =	vld [tilespmem:s8+$0x0]  }
0x208: {  	v21 =	vmin.f32 v11, v16;
	v16 =	vld [tilespmem:s8+$0x2800];
	v23 =	vmin.f32 v13, v17;
	v18 =	vmax.f32 v14, v18  }
0x209: {  	s16 =	sadd.s32 $0x40, s16;
	p0 =	por $0x1, $0x1;
	v22 =	vsub.f32 v21, v20;
	v17 =	vld [tilespmem:s8+$0x3C00];
	v23 =	vsub.f32 v23, v18  }
0x20a: {  	v20 =	vld [tilespmem:s8+$0x1400]  }
0x20b: {  	p3 =	sne.s32 s16, $0x4FC0;
	v18 =	vmax.f32 v22, $0.0e+00;
	v21 =	vmax.f32 v23, $0.0e+00  }
.Ltmp37:
0x20c: {  	v18 =	vmul.f32 v21, v18;
	v21 =	vadd.f32 v19, v10;
	(pc) =	sbr.rel @!p3 .LBB2_71-.Ltmp37, $4  }
0x20d: {  	s18 =	sshra.s32 s16, $0x2;
	v19 =	vld [tilespmem:s8+$0x6400]  }
0x20e: {  	v22 =	vmax.f32 v12, v15;
	v15 =	vld [tilespmem:s18+$0x0];
	v23 =	vmin.f32 v11, v16;
	v21 =	vsub.f32 v21, v18  }
0x20f: {  	v16 =	vld [tilespmem:s18+$0x2800];
	v24 =	vmin.f32 v13, v17;
	v22 =	vsub.f32 v23, v22;
	v20 =	vmax.f32 v14, v20  }
0x210: {  	s19 =	sadd.s32 $0x40, s16;
	p1 =	por $0x1, $0x1;
	v17 =	vld [tilespmem:s18+$0x3C00];
	v23 =	vsub.f32 v24, v20;
	v20 =	vadd.f32 $9.999999970e-07, v21  }
0x211: {  	v24 =	vld [tilespmem:s18+$0x1400];
	v25 =	vor.u32 s17, v0  }
0x212: {  	v21 =	vmax.f32 v22, $0.0e+00;
	v26 =	vld [tilespmem:s10+$0x7800];
	p3 =	sne.s32 s19, $0x4FC0;
	v22 =	vmax.f32 v23, $0.0e+00;
	v23 =	vmul.f32 $3.000000120e-01, v20  }
.Ltmp38:
0x213: {  	vm0 =	vgt.u32 v25, v9;
	v21 =	vmul.f32 v22, v21;
	v22 =	vadd.f32 v19, v10;
	(pc) =	sbr.rel @!p3 .LBB2_73-.Ltmp38, $4  }
0x214: {  	s16 =	sshra.s32 s19, $0x2;
	v19 =	vld [tilespmem:s18+$0x6400];
	v27 =	vmax.f32 v12, v15;
	v25 =	vmin.f32 v11, v16;
	vm1 =	vgt.f32 v18, v23  }
0x215: {  	v15 =	vld [tilespmem:s16+$0x0];
	v23 =	vmin.f32 v13, v17;
	v28 =	vsub.f32 v22, v21;
	vm0 =	vmand vm0, vm1  }
0x216: {  	s20 =	sadd.s32 $0x40, s19;
	v16 =	vld [tilespmem:s16+$0x2800];
	v22 =	vsub.f32 v25, v27;
	v24 =	vmax.f32 v14, v24;
	v27 =	vsel vm0, $0x1, v1  }
0x217: {  	s28 =	sadd.s32 $0x10, s17;
	p2 =	por $0x1, $0x1;
	s19 =	smov.u32 s10;
	v17 =	vld [tilespmem:s16+$0x3C00];
	v23 =	vsub.f32 v23, v24;
	v25 =	vadd.f32 $9.999999970e-07, v28;
	v24 =	vor.u32 v27, v26  }
.LBB2_74:
0x218: {  	p3 =	sne.s32 s20, $0x4FC0;
	v26 =	vld [tilespmem:s16+$0x1400];
	v27 =	vor.u32 s28, v0;
	[tilespmem:s19+$0x7800] =	vst v24;
	s19 =	smov.u32 s8;
	s8 =	smov.u32 s18  }
0x219: {  	v22 =	vmax.f32 v22, $0.0e+00;
	s18 =	smov.u32 s16;
	v23 =	vmax.f32 v23, $0.0e+00;
	v24 =	vmul.f32 $3.000000120e-01, v25;
	v28 =	vld [tilespmem:s19+$0x7800]  }
.Ltmp39:
0x21a: {  	vm0 =	vgt.u32 v27, v9;
	v22 =	vmul.f32 v23, v22;
	v23 =	vadd.f32 v19, v10;
	(pc) =	sbr.rel @p3 .LBB2_74-.Ltmp39, $4  }
0x21b: {  	s16 =	sshra.s32 s20, $0x2;
	v27 =	vmax.f32 v12, v15;
	v19 =	vld [tilespmem:s18+$0x6400];
	v25 =	vmin.f32 v11, v16;
	vm1 =	vgt.f32 v21, v24  }
0x21c: {  	v15 =	vld [tilespmem:s16+$0x0];
	v24 =	vmin.f32 v13, v17;
	v29 =	vsub.f32 v23, v22;
	vm0 =	vmand vm0, vm1;
	v21 =	vmovc v22  }
0x21d: {  	v22 =	vsub.f32 v25, v27;
	v16 =	vld [tilespmem:s16+$0x2800];
	v23 =	vmax.f32 v14, v26;
	v26 =	vsel vm0, $0x1, v1  }
0x21e: {  	s20 =	sadd.s32 $0x40, s20;
	s28 =	sadd.s32 $0x10, s28;
	v17 =	vld [tilespmem:s16+$0x3C00];
	v23 =	vsub.f32 v24, v23;
	v25 =	vadd.f32 $9.999999970e-07, v29;
	v24 =	vor.u32 v26, v28  }
0x21f: {  	s20 =	smov.u32 s8;
	s8 =	smov.u32 s18  }
.LBB2_76:
0x220: {  	v26 =	vld [tilespmem:s16+$0x1400];
	[tilespmem:s19+$0x7800] =	vst @p2 v24;
	s18 =	smov.u32 @p1 s20  }
0x221: {  	v22 =	vmax.f32 @p0 v22, $0.0e+00;
	v24 =	vmul.f32 @p1 $3.000000120e-01, v25;
	v25 =	vld @p1 [tilespmem:s18+$0x7800]  }
0x222: {  	v23 =	vmax.f32 @p0 v23, $0.0e+00;
	v27 =	vor.u32 @p1 s28, v0;
	v19 =	vadd.f32 @p0 v19, v10  }
0x223: {  	v22 =	vmul.f32 @p0 v23, v22;
	vm0 =	vgt.u32 @p1 v27, v9;
	vm1 =	vgt.f32 @p1 v21, v24  }
0x224: {  	v12 =	vmax.f32 v12, v15;
	vm0 =	vmand @p1 vm0, vm1  }
0x225: {  	v61 =	vld [tilespmem:s16+$0x6400];
	v11 =	vmin.f32 v11, v16;
	v16 =	vsub.f32 @p0 v19, v22;
	v15 =	vsel @p1 vm0, $0x1, v1  }
0x226: {  	v13 =	vmin.f32 v13, v17;
	v14 =	vmax.f32 v14, v26;
	v15 =	vor.u32 @p1 v15, v25  }
0x227: {  	v16 =	vadd.f32 @p0 $9.999999970e-07, v16;
	v62 =	vsub.f32 v13, v14;
	v13 =	vpsel p1, v15, v0  }
0x228: {  	s18 =	smov.u32 @p1 s18;
	v11 =	vsub.f32 v11, v12  }
0x229: {  	s10 =	smov.u32 @p0 s8;
	s8 =	sadd.s32 @p1 $0x10, s28;
	s19 =	smov.u32 s17;
	v14 =	vpsel p0, v16, v20;
	[tilespmem:s18+$0x7800] =	vst @p1 v13  }
0x22a: {  	s19 =	smov.u32 @p1 s8;
	v11 =	vmax.f32 v11, $0.0e+00;
	v10 =	vadd.f32 v61, v10;
	v14 =	vmul.f32 @p0 $3.000000120e-01, v14;
	v15 =	vld @p0 [tilespmem:s10+$0x7800];
	v13 =	vmovc @p0 v22  }
0x22b: {  	v16 =	vor.u32 @p0 s19, v0;
	v12 =	vmax.f32 v62, $0.0e+00;
	v13 =	vpsel p0, v13, v18  }
0x22c: {  	vm0 =	vgt.u32 @p0 v16, v9;
	v11 =	vmul.f32 v12, v11;
	vm1 =	vgt.f32 @p0 v13, v14  }
0x22d: {  	vm0 =	vmand @p0 vm0, vm1  }
0x22e: {  	v10 =	vsub.f32 v10, v11;
	v12 =	vsel @p0 vm0, $0x1, v1  }
0x22f: {  	v12 =	vor.u32 @p0 v12, v15  }
0x230: {  	s8 =	smov.u32 @p0 s10;
	v10 =	vadd.f32 $9.999999970e-07, v10;
	v12 =	vpsel p0, v12, v0  }
0x231: {  	s18 =	smov.u32 s17;
	s10 =	sadd.s32 @p0 $0x10, s19;
	[tilespmem:s8+$0x7800] =	vst @p0 v12  }
0x232: {  	s18 =	smov.u32 @p0 s10;
	v10 =	vmul.f32 $3.000000120e-01, v10;
	v12 =	vld [tilespmem:s16+$0x7800]  }
0x233: {  	v63 =	vor.u32 s18, v0  }
0x234: {  	vm14 =	vgt.u32 v63, v9;
	vm15 =	vgt.f32 v11, v10  }
0x235: {  	vm0 =	vmand vm14, vm15  }
0x236: {  	v9 =	vsel vm0, $0x1, v1  }
0x237: {  	v9 =	vor.u32 v9, v12  }
0x238: {  	[tilespmem:s16+$0x7800] =	vst v9  }
.LBB2_77:
0x239: {  	v9 =	vld [tilespmem:s31+$0x7800];
	_ =	sdelay $0x4  }
0x23a: {  	(v2sf) =	vpush v9, $0x6;
	_ =	sdelay $0xe  }
0x23b: {  	s8 =	spop (v2sf)  }
0x23c: {  	p0 =	sne.s32 s8, $0x0  }
.Ltmp40:
0x23d: {  	_ = 	snop;
	(pc) =	sbr.rel @p0 .LBB2_89-.Ltmp40, $1  }
0x23e: {  	_ =	sdelay $0x3  }
0x23f: {  	p3 =	sne.s32 s29, $0x4FC0  }
.Ltmp41:
0x240: {  	_ = 	snop;
	(pc) =	sbr.rel @!p3 .LBB2_79-.Ltmp41, $4  }
0x241: {  	s10 =	sshra.s32 s29, $0x2  }
0x242: {  	v11 =	vbroadcast v8, $0x6;
	v15 =	vld [tilespmem:s10+$0x0]  }
0x243: {  	s8 =	sor.u32 $0x6, s31;
	v12 =	vbroadcast v6, $0x6;
	v13 =	vbroadcast v7, $0x6;
	s16 =	sadd.s32 $0x40, s29;
	v16 =	vld [tilespmem:s10+$0x2800]  }
0x244: {  	v14 =	vbroadcast v4, $0x6;
	v10 =	vbroadcast v5, $0x6;
	p0 =	por $0x0, $0x0;
	p1 =	por $0x0, $0x0;
	p2 =	por $0x0, $0x0;
	v9 =	vmov s8;
	v17 =	vld [tilespmem:s10+$0x3C00]  }
0x245: {  	v18 =	vld [tilespmem:s10+$0x1400]  }
0x246: {  	p3 =	sne.s32 s16, $0x4FC0  }
.Ltmp42:
0x247: {  	_ = 	snop;
	(pc) =	sbr.rel @!p3 .LBB2_81-.Ltmp42, $4  }
0x248: {  	s8 =	sshra.s32 s16, $0x2;
	v19 =	vld [tilespmem:s10+$0x6400]  }
0x249: {  	v20 =	vmax.f32 v12, v15;
	v15 =	vld [tilespmem:s8+$0x0]  }
0x24a: {  	v21 =	vmin.f32 v11, v16;
	v16 =	vld [tilespmem:s8+$0x2800];
	v23 =	vmin.f32 v13, v17;
	v18 =	vmax.f32 v14, v18  }
0x24b: {  	s16 =	sadd.s32 $0x40, s16;
	p0 =	por $0x1, $0x1;
	v22 =	vsub.f32 v21, v20;
	v17 =	vld [tilespmem:s8+$0x3C00];
	v23 =	vsub.f32 v23, v18  }
0x24c: {  	v20 =	vld [tilespmem:s8+$0x1400]  }
0x24d: {  	p3 =	sne.s32 s16, $0x4FC0;
	v18 =	vmax.f32 v22, $0.0e+00;
	v21 =	vmax.f32 v23, $0.0e+00  }
.Ltmp43:
0x24e: {  	v18 =	vmul.f32 v21, v18;
	v21 =	vadd.f32 v19, v10;
	(pc) =	sbr.rel @!p3 .LBB2_83-.Ltmp43, $4  }
0x24f: {  	s18 =	sshra.s32 s16, $0x2;
	v19 =	vld [tilespmem:s8+$0x6400]  }
0x250: {  	v22 =	vmax.f32 v12, v15;
	v15 =	vld [tilespmem:s18+$0x0];
	v23 =	vmin.f32 v11, v16;
	v21 =	vsub.f32 v21, v18  }
0x251: {  	v16 =	vld [tilespmem:s18+$0x2800];
	v24 =	vmin.f32 v13, v17;
	v22 =	vsub.f32 v23, v22;
	v20 =	vmax.f32 v14, v20  }
0x252: {  	s19 =	sadd.s32 $0x40, s16;
	p1 =	por $0x1, $0x1;
	v17 =	vld [tilespmem:s18+$0x3C00];
	v23 =	vsub.f32 v24, v20;
	v20 =	vadd.f32 $9.999999970e-07, v21  }
0x253: {  	v24 =	vld [tilespmem:s18+$0x1400];
	v25 =	vor.u32 s17, v0  }
0x254: {  	v21 =	vmax.f32 v22, $0.0e+00;
	v26 =	vld [tilespmem:s10+$0x7800];
	p3 =	sne.s32 s19, $0x4FC0;
	v22 =	vmax.f32 v23, $0.0e+00;
	v23 =	vmul.f32 $3.000000120e-01, v20  }
.Ltmp44:
0x255: {  	vm0 =	vgt.u32 v25, v9;
	v21 =	vmul.f32 v22, v21;
	v22 =	vadd.f32 v19, v10;
	(pc) =	sbr.rel @!p3 .LBB2_85-.Ltmp44, $4  }
0x256: {  	s16 =	sshra.s32 s19, $0x2;
	v19 =	vld [tilespmem:s18+$0x6400];
	v27 =	vmax.f32 v12, v15;
	v25 =	vmin.f32 v11, v16;
	vm1 =	vgt.f32 v18, v23  }
0x257: {  	v15 =	vld [tilespmem:s16+$0x0];
	v23 =	vmin.f32 v13, v17;
	v28 =	vsub.f32 v22, v21;
	vm0 =	vmand vm0, vm1  }
0x258: {  	s20 =	sadd.s32 $0x40, s19;
	v16 =	vld [tilespmem:s16+$0x2800];
	v22 =	vsub.f32 v25, v27;
	v24 =	vmax.f32 v14, v24;
	v27 =	vsel vm0, $0x1, v1  }
0x259: {  	s28 =	sadd.s32 $0x10, s17;
	p2 =	por $0x1, $0x1;
	s19 =	smov.u32 s10;
	v17 =	vld [tilespmem:s16+$0x3C00];
	v23 =	vsub.f32 v23, v24;
	v25 =	vadd.f32 $9.999999970e-07, v28;
	v24 =	vor.u32 v27, v26  }
.LBB2_86:
0x25a: {  	p3 =	sne.s32 s20, $0x4FC0;
	v26 =	vld [tilespmem:s16+$0x1400];
	v27 =	vor.u32 s28, v0;
	[tilespmem:s19+$0x7800] =	vst v24;
	s19 =	smov.u32 s8;
	s8 =	smov.u32 s18  }
0x25b: {  	v22 =	vmax.f32 v22, $0.0e+00;
	s18 =	smov.u32 s16;
	v23 =	vmax.f32 v23, $0.0e+00;
	v24 =	vmul.f32 $3.000000120e-01, v25;
	v28 =	vld [tilespmem:s19+$0x7800]  }
.Ltmp45:
0x25c: {  	vm0 =	vgt.u32 v27, v9;
	v22 =	vmul.f32 v23, v22;
	v23 =	vadd.f32 v19, v10;
	(pc) =	sbr.rel @p3 .LBB2_86-.Ltmp45, $4  }
0x25d: {  	s16 =	sshra.s32 s20, $0x2;
	v27 =	vmax.f32 v12, v15;
	v19 =	vld [tilespmem:s18+$0x6400];
	v25 =	vmin.f32 v11, v16;
	vm1 =	vgt.f32 v21, v24  }
0x25e: {  	v15 =	vld [tilespmem:s16+$0x0];
	v24 =	vmin.f32 v13, v17;
	v29 =	vsub.f32 v23, v22;
	vm0 =	vmand vm0, vm1;
	v21 =	vmovc v22  }
0x25f: {  	v22 =	vsub.f32 v25, v27;
	v16 =	vld [tilespmem:s16+$0x2800];
	v23 =	vmax.f32 v14, v26;
	v26 =	vsel vm0, $0x1, v1  }
0x260: {  	s20 =	sadd.s32 $0x40, s20;
	s28 =	sadd.s32 $0x10, s28;
	v17 =	vld [tilespmem:s16+$0x3C00];
	v23 =	vsub.f32 v24, v23;
	v25 =	vadd.f32 $9.999999970e-07, v29;
	v24 =	vor.u32 v26, v28  }
0x261: {  	s20 =	smov.u32 s8;
	s8 =	smov.u32 s18  }
.LBB2_88:
0x262: {  	v26 =	vld [tilespmem:s16+$0x1400];
	[tilespmem:s19+$0x7800] =	vst @p2 v24;
	s18 =	smov.u32 @p1 s20  }
0x263: {  	v22 =	vmax.f32 @p0 v22, $0.0e+00;
	v24 =	vmul.f32 @p1 $3.000000120e-01, v25;
	v25 =	vld @p1 [tilespmem:s18+$0x7800]  }
0x264: {  	v23 =	vmax.f32 @p0 v23, $0.0e+00;
	v27 =	vor.u32 @p1 s28, v0;
	v19 =	vadd.f32 @p0 v19, v10  }
0x265: {  	v22 =	vmul.f32 @p0 v23, v22;
	vm0 =	vgt.u32 @p1 v27, v9;
	vm1 =	vgt.f32 @p1 v21, v24  }
0x266: {  	v12 =	vmax.f32 v12, v15;
	vm0 =	vmand @p1 vm0, vm1  }
0x267: {  	v61 =	vld [tilespmem:s16+$0x6400];
	v11 =	vmin.f32 v11, v16;
	v16 =	vsub.f32 @p0 v19, v22;
	v15 =	vsel @p1 vm0, $0x1, v1  }
0x268: {  	v13 =	vmin.f32 v13, v17;
	v14 =	vmax.f32 v14, v26;
	v15 =	vor.u32 @p1 v15, v25  }
0x269: {  	v16 =	vadd.f32 @p0 $9.999999970e-07, v16;
	v62 =	vsub.f32 v13, v14;
	v13 =	vpsel p1, v15, v0  }
0x26a: {  	s18 =	smov.u32 @p1 s18;
	v11 =	vsub.f32 v11, v12  }
0x26b: {  	s10 =	smov.u32 @p0 s8;
	s8 =	sadd.s32 @p1 $0x10, s28;
	s19 =	smov.u32 s17;
	v14 =	vpsel p0, v16, v20;
	[tilespmem:s18+$0x7800] =	vst @p1 v13  }
0x26c: {  	s19 =	smov.u32 @p1 s8;
	v11 =	vmax.f32 v11, $0.0e+00;
	v10 =	vadd.f32 v61, v10;
	v14 =	vmul.f32 @p0 $3.000000120e-01, v14;
	v15 =	vld @p0 [tilespmem:s10+$0x7800];
	v13 =	vmovc @p0 v22  }
0x26d: {  	v16 =	vor.u32 @p0 s19, v0;
	v12 =	vmax.f32 v62, $0.0e+00;
	v13 =	vpsel p0, v13, v18  }
0x26e: {  	vm0 =	vgt.u32 @p0 v16, v9;
	v11 =	vmul.f32 v12, v11;
	vm1 =	vgt.f32 @p0 v13, v14  }
0x26f: {  	vm0 =	vmand @p0 vm0, vm1  }
0x270: {  	v10 =	vsub.f32 v10, v11;
	v12 =	vsel @p0 vm0, $0x1, v1  }
0x271: {  	v12 =	vor.u32 @p0 v12, v15  }
0x272: {  	s8 =	smov.u32 @p0 s10;
	v10 =	vadd.f32 $9.999999970e-07, v10;
	v12 =	vpsel p0, v12, v0  }
0x273: {  	s18 =	smov.u32 s17;
	s10 =	sadd.s32 @p0 $0x10, s19;
	[tilespmem:s8+$0x7800] =	vst @p0 v12  }
0x274: {  	s18 =	smov.u32 @p0 s10;
	v10 =	vmul.f32 $3.000000120e-01, v10;
	v12 =	vld [tilespmem:s16+$0x7800]  }
0x275: {  	v63 =	vor.u32 s18, v0  }
0x276: {  	vm14 =	vgt.u32 v63, v9;
	vm15 =	vgt.f32 v11, v10  }
0x277: {  	vm0 =	vmand vm14, vm15  }
0x278: {  	v9 =	vsel vm0, $0x1, v1  }
0x279: {  	v9 =	vor.u32 v9, v12  }
0x27a: {  	[tilespmem:s16+$0x7800] =	vst v9  }
.LBB2_89:
0x27b: {  	v9 =	vld [tilespmem:s31+$0x7800];
	_ =	sdelay $0x4  }
0x27c: {  	(v2sf) =	vpush v9, $0x7;
	_ =	sdelay $0xe  }
0x27d: {  	s8 =	spop (v2sf)  }
0x27e: {  	p0 =	sne.s32 s8, $0x0  }
.Ltmp46:
0x27f: {  	_ = 	snop;
	(pc) =	sbr.rel @p0 .LBB2_101-.Ltmp46, $1  }
0x280: {  	_ =	sdelay $0x3  }
0x281: {  	p3 =	sne.s32 s29, $0x4FC0  }
.Ltmp47:
0x282: {  	_ = 	snop;
	(pc) =	sbr.rel @!p3 .LBB2_91-.Ltmp47, $4  }
0x283: {  	s10 =	sshra.s32 s29, $0x2  }
0x284: {  	v11 =	vbroadcast v8, $0x7;
	v15 =	vld [tilespmem:s10+$0x0]  }
0x285: {  	s8 =	sor.u32 $0x7, s31;
	v12 =	vbroadcast v6, $0x7;
	v13 =	vbroadcast v7, $0x7;
	s16 =	sadd.s32 $0x40, s29;
	v16 =	vld [tilespmem:s10+$0x2800]  }
0x286: {  	v14 =	vbroadcast v4, $0x7;
	v10 =	vbroadcast v5, $0x7;
	p0 =	por $0x0, $0x0;
	p1 =	por $0x0, $0x0;
	p2 =	por $0x0, $0x0;
	v9 =	vmov s8;
	v17 =	vld [tilespmem:s10+$0x3C00]  }
0x287: {  	v18 =	vld [tilespmem:s10+$0x1400]  }
0x288: {  	p3 =	sne.s32 s16, $0x4FC0  }
.Ltmp48:
0x289: {  	_ = 	snop;
	(pc) =	sbr.rel @!p3 .LBB2_93-.Ltmp48, $4  }
0x28a: {  	s8 =	sshra.s32 s16, $0x2;
	v19 =	vld [tilespmem:s10+$0x6400]  }
0x28b: {  	v20 =	vmax.f32 v12, v15;
	v15 =	vld [tilespmem:s8+$0x0]  }
0x28c: {  	v21 =	vmin.f32 v11, v16;
	v16 =	vld [tilespmem:s8+$0x2800];
	v23 =	vmin.f32 v13, v17;
	v18 =	vmax.f32 v14, v18  }
0x28d: {  	s16 =	sadd.s32 $0x40, s16;
	p0 =	por $0x1, $0x1;
	v22 =	vsub.f32 v21, v20;
	v17 =	vld [tilespmem:s8+$0x3C00];
	v23 =	vsub.f32 v23, v18  }
0x28e: {  	v20 =	vld [tilespmem:s8+$0x1400]  }
0x28f: {  	p3 =	sne.s32 s16, $0x4FC0;
	v18 =	vmax.f32 v22, $0.0e+00;
	v21 =	vmax.f32 v23, $0.0e+00  }
.Ltmp49:
0x290: {  	v18 =	vmul.f32 v21, v18;
	v21 =	vadd.f32 v19, v10;
	(pc) =	sbr.rel @!p3 .LBB2_95-.Ltmp49, $4  }
0x291: {  	s18 =	sshra.s32 s16, $0x2;
	v19 =	vld [tilespmem:s8+$0x6400]  }
0x292: {  	v22 =	vmax.f32 v12, v15;
	v15 =	vld [tilespmem:s18+$0x0];
	v23 =	vmin.f32 v11, v16;
	v21 =	vsub.f32 v21, v18  }
0x293: {  	v16 =	vld [tilespmem:s18+$0x2800];
	v24 =	vmin.f32 v13, v17;
	v22 =	vsub.f32 v23, v22;
	v20 =	vmax.f32 v14, v20  }
0x294: {  	s19 =	sadd.s32 $0x40, s16;
	p1 =	por $0x1, $0x1;
	v17 =	vld [tilespmem:s18+$0x3C00];
	v23 =	vsub.f32 v24, v20;
	v20 =	vadd.f32 $9.999999970e-07, v21  }
0x295: {  	v24 =	vld [tilespmem:s18+$0x1400];
	v25 =	vor.u32 s17, v0  }
0x296: {  	v21 =	vmax.f32 v22, $0.0e+00;
	v26 =	vld [tilespmem:s10+$0x7800];
	p3 =	sne.s32 s19, $0x4FC0;
	v22 =	vmax.f32 v23, $0.0e+00;
	v23 =	vmul.f32 $3.000000120e-01, v20  }
.Ltmp50:
0x297: {  	vm0 =	vgt.u32 v25, v9;
	v21 =	vmul.f32 v22, v21;
	v22 =	vadd.f32 v19, v10;
	(pc) =	sbr.rel @!p3 .LBB2_97-.Ltmp50, $4  }
0x298: {  	s16 =	sshra.s32 s19, $0x2;
	v19 =	vld [tilespmem:s18+$0x6400];
	v27 =	vmax.f32 v12, v15;
	v25 =	vmin.f32 v11, v16;
	vm1 =	vgt.f32 v18, v23  }
0x299: {  	v15 =	vld [tilespmem:s16+$0x0];
	v23 =	vmin.f32 v13, v17;
	v28 =	vsub.f32 v22, v21;
	vm0 =	vmand vm0, vm1  }
0x29a: {  	s20 =	sadd.s32 $0x40, s19;
	v16 =	vld [tilespmem:s16+$0x2800];
	v22 =	vsub.f32 v25, v27;
	v24 =	vmax.f32 v14, v24;
	v27 =	vsel vm0, $0x1, v1  }
0x29b: {  	s28 =	sadd.s32 $0x10, s17;
	p2 =	por $0x1, $0x1;
	s19 =	smov.u32 s10;
	v17 =	vld [tilespmem:s16+$0x3C00];
	v23 =	vsub.f32 v23, v24;
	v25 =	vadd.f32 $9.999999970e-07, v28;
	v24 =	vor.u32 v27, v26  }
.LBB2_98:
0x29c: {  	p3 =	sne.s32 s20, $0x4FC0;
	v26 =	vld [tilespmem:s16+$0x1400];
	v27 =	vor.u32 s28, v0;
	[tilespmem:s19+$0x7800] =	vst v24;
	s19 =	smov.u32 s8;
	s8 =	smov.u32 s18  }
0x29d: {  	v22 =	vmax.f32 v22, $0.0e+00;
	s18 =	smov.u32 s16;
	v23 =	vmax.f32 v23, $0.0e+00;
	v24 =	vmul.f32 $3.000000120e-01, v25;
	v28 =	vld [tilespmem:s19+$0x7800]  }
.Ltmp51:
0x29e: {  	vm0 =	vgt.u32 v27, v9;
	v22 =	vmul.f32 v23, v22;
	v23 =	vadd.f32 v19, v10;
	(pc) =	sbr.rel @p3 .LBB2_98-.Ltmp51, $4  }
0x29f: {  	s16 =	sshra.s32 s20, $0x2;
	v27 =	vmax.f32 v12, v15;
	v19 =	vld [tilespmem:s18+$0x6400];
	v25 =	vmin.f32 v11, v16;
	vm1 =	vgt.f32 v21, v24  }
0x2a0: {  	v15 =	vld [tilespmem:s16+$0x0];
	v24 =	vmin.f32 v13, v17;
	v29 =	vsub.f32 v23, v22;
	vm0 =	vmand vm0, vm1;
	v21 =	vmovc v22  }
0x2a1: {  	v22 =	vsub.f32 v25, v27;
	v16 =	vld [tilespmem:s16+$0x2800];
	v23 =	vmax.f32 v14, v26;
	v26 =	vsel vm0, $0x1, v1  }
0x2a2: {  	s20 =	sadd.s32 $0x40, s20;
	s28 =	sadd.s32 $0x10, s28;
	v17 =	vld [tilespmem:s16+$0x3C00];
	v23 =	vsub.f32 v24, v23;
	v25 =	vadd.f32 $9.999999970e-07, v29;
	v24 =	vor.u32 v26, v28  }
0x2a3: {  	s20 =	smov.u32 s8;
	s8 =	smov.u32 s18  }
.LBB2_100:
0x2a4: {  	v26 =	vld [tilespmem:s16+$0x1400];
	[tilespmem:s19+$0x7800] =	vst @p2 v24;
	s18 =	smov.u32 @p1 s20  }
0x2a5: {  	v22 =	vmax.f32 @p0 v22, $0.0e+00;
	v24 =	vmul.f32 @p1 $3.000000120e-01, v25;
	v25 =	vld @p1 [tilespmem:s18+$0x7800]  }
0x2a6: {  	v23 =	vmax.f32 @p0 v23, $0.0e+00;
	v27 =	vor.u32 @p1 s28, v0;
	v19 =	vadd.f32 @p0 v19, v10  }
0x2a7: {  	v22 =	vmul.f32 @p0 v23, v22;
	vm0 =	vgt.u32 @p1 v27, v9;
	vm1 =	vgt.f32 @p1 v21, v24  }
0x2a8: {  	v12 =	vmax.f32 v12, v15;
	vm0 =	vmand @p1 vm0, vm1  }
0x2a9: {  	v61 =	vld [tilespmem:s16+$0x6400];
	v11 =	vmin.f32 v11, v16;
	v16 =	vsub.f32 @p0 v19, v22;
	v15 =	vsel @p1 vm0, $0x1, v1  }
0x2aa: {  	v13 =	vmin.f32 v13, v17;
	v14 =	vmax.f32 v14, v26;
	v15 =	vor.u32 @p1 v15, v25  }
0x2ab: {  	v16 =	vadd.f32 @p0 $9.999999970e-07, v16;
	v62 =	vsub.f32 v13, v14;
	v13 =	vpsel p1, v15, v0  }
0x2ac: {  	s18 =	smov.u32 @p1 s18;
	v11 =	vsub.f32 v11, v12  }
0x2ad: {  	s10 =	smov.u32 @p0 s8;
	s8 =	sadd.s32 @p1 $0x10, s28;
	s19 =	smov.u32 s17;
	v14 =	vpsel p0, v16, v20;
	[tilespmem:s18+$0x7800] =	vst @p1 v13  }
0x2ae: {  	s19 =	smov.u32 @p1 s8;
	v11 =	vmax.f32 v11, $0.0e+00;
	v10 =	vadd.f32 v61, v10;
	v14 =	vmul.f32 @p0 $3.000000120e-01, v14;
	v15 =	vld @p0 [tilespmem:s10+$0x7800];
	v13 =	vmovc @p0 v22  }
0x2af: {  	v16 =	vor.u32 @p0 s19, v0;
	v12 =	vmax.f32 v62, $0.0e+00;
	v13 =	vpsel p0, v13, v18  }
0x2b0: {  	vm0 =	vgt.u32 @p0 v16, v9;
	v11 =	vmul.f32 v12, v11;
	vm1 =	vgt.f32 @p0 v13, v14  }
0x2b1: {  	vm0 =	vmand @p0 vm0, vm1  }
0x2b2: {  	v10 =	vsub.f32 v10, v11;
	v12 =	vsel @p0 vm0, $0x1, v1  }
0x2b3: {  	v12 =	vor.u32 @p0 v12, v15  }
0x2b4: {  	s8 =	smov.u32 @p0 s10;
	v10 =	vadd.f32 $9.999999970e-07, v10;
	v12 =	vpsel p0, v12, v0  }
0x2b5: {  	s18 =	smov.u32 s17;
	s10 =	sadd.s32 @p0 $0x10, s19;
	[tilespmem:s8+$0x7800] =	vst @p0 v12  }
0x2b6: {  	s18 =	smov.u32 @p0 s10;
	v10 =	vmul.f32 $3.000000120e-01, v10;
	v12 =	vld [tilespmem:s16+$0x7800]  }
0x2b7: {  	v63 =	vor.u32 s18, v0  }
0x2b8: {  	vm14 =	vgt.u32 v63, v9;
	vm15 =	vgt.f32 v11, v10  }
0x2b9: {  	vm0 =	vmand vm14, vm15  }
0x2ba: {  	v9 =	vsel vm0, $0x1, v1  }
0x2bb: {  	v9 =	vor.u32 v9, v12  }
0x2bc: {  	[tilespmem:s16+$0x7800] =	vst v9  }
.LBB2_101:
0x2bd: {  	v9 =	vld [tilespmem:s31+$0x7800];
	_ =	sdelay $0x4  }
0x2be: {  	(v2sf) =	vpush v9, $0x8;
	_ =	sdelay $0xe  }
0x2bf: {  	s8 =	spop (v2sf)  }
0x2c0: {  	p0 =	sne.s32 s8, $0x0  }
.Ltmp52:
0x2c1: {  	_ = 	snop;
	(pc) =	sbr.rel @p0 .LBB2_113-.Ltmp52, $1  }
0x2c2: {  	_ =	sdelay $0x3  }
0x2c3: {  	p3 =	sne.s32 s29, $0x4FC0  }
.Ltmp53:
0x2c4: {  	_ = 	snop;
	(pc) =	sbr.rel @!p3 .LBB2_103-.Ltmp53, $4  }
0x2c5: {  	s10 =	sshra.s32 s29, $0x2  }
0x2c6: {  	v11 =	vbroadcast v8, $0x8;
	v15 =	vld [tilespmem:s10+$0x0]  }
0x2c7: {  	s8 =	sor.u32 $0x8, s31;
	v12 =	vbroadcast v6, $0x8;
	v13 =	vbroadcast v7, $0x8;
	s16 =	sadd.s32 $0x40, s29;
	v16 =	vld [tilespmem:s10+$0x2800]  }
0x2c8: {  	v14 =	vbroadcast v4, $0x8;
	v10 =	vbroadcast v5, $0x8;
	p0 =	por $0x0, $0x0;
	p1 =	por $0x0, $0x0;
	p2 =	por $0x0, $0x0;
	v9 =	vmov s8;
	v17 =	vld [tilespmem:s10+$0x3C00]  }
0x2c9: {  	v18 =	vld [tilespmem:s10+$0x1400]  }
0x2ca: {  	p3 =	sne.s32 s16, $0x4FC0  }
.Ltmp54:
0x2cb: {  	_ = 	snop;
	(pc) =	sbr.rel @!p3 .LBB2_105-.Ltmp54, $4  }
0x2cc: {  	s8 =	sshra.s32 s16, $0x2;
	v19 =	vld [tilespmem:s10+$0x6400]  }
0x2cd: {  	v20 =	vmax.f32 v12, v15;
	v15 =	vld [tilespmem:s8+$0x0]  }
0x2ce: {  	v21 =	vmin.f32 v11, v16;
	v16 =	vld [tilespmem:s8+$0x2800];
	v23 =	vmin.f32 v13, v17;
	v18 =	vmax.f32 v14, v18  }
0x2cf: {  	s16 =	sadd.s32 $0x40, s16;
	p0 =	por $0x1, $0x1;
	v22 =	vsub.f32 v21, v20;
	v17 =	vld [tilespmem:s8+$0x3C00];
	v23 =	vsub.f32 v23, v18  }
0x2d0: {  	v20 =	vld [tilespmem:s8+$0x1400]  }
0x2d1: {  	p3 =	sne.s32 s16, $0x4FC0;
	v18 =	vmax.f32 v22, $0.0e+00;
	v21 =	vmax.f32 v23, $0.0e+00  }
.Ltmp55:
0x2d2: {  	v18 =	vmul.f32 v21, v18;
	v21 =	vadd.f32 v19, v10;
	(pc) =	sbr.rel @!p3 .LBB2_107-.Ltmp55, $4  }
0x2d3: {  	s18 =	sshra.s32 s16, $0x2;
	v19 =	vld [tilespmem:s8+$0x6400]  }
0x2d4: {  	v22 =	vmax.f32 v12, v15;
	v15 =	vld [tilespmem:s18+$0x0];
	v23 =	vmin.f32 v11, v16;
	v21 =	vsub.f32 v21, v18  }
0x2d5: {  	v16 =	vld [tilespmem:s18+$0x2800];
	v24 =	vmin.f32 v13, v17;
	v22 =	vsub.f32 v23, v22;
	v20 =	vmax.f32 v14, v20  }
0x2d6: {  	s19 =	sadd.s32 $0x40, s16;
	p1 =	por $0x1, $0x1;
	v17 =	vld [tilespmem:s18+$0x3C00];
	v23 =	vsub.f32 v24, v20;
	v20 =	vadd.f32 $9.999999970e-07, v21  }
0x2d7: {  	v24 =	vld [tilespmem:s18+$0x1400];
	v25 =	vor.u32 s17, v0  }
0x2d8: {  	v21 =	vmax.f32 v22, $0.0e+00;
	v26 =	vld [tilespmem:s10+$0x7800];
	p3 =	sne.s32 s19, $0x4FC0;
	v22 =	vmax.f32 v23, $0.0e+00;
	v23 =	vmul.f32 $3.000000120e-01, v20  }
.Ltmp56:
0x2d9: {  	vm0 =	vgt.u32 v25, v9;
	v21 =	vmul.f32 v22, v21;
	v22 =	vadd.f32 v19, v10;
	(pc) =	sbr.rel @!p3 .LBB2_109-.Ltmp56, $4  }
0x2da: {  	s16 =	sshra.s32 s19, $0x2;
	v19 =	vld [tilespmem:s18+$0x6400];
	v27 =	vmax.f32 v12, v15;
	v25 =	vmin.f32 v11, v16;
	vm1 =	vgt.f32 v18, v23  }
0x2db: {  	v15 =	vld [tilespmem:s16+$0x0];
	v23 =	vmin.f32 v13, v17;
	v28 =	vsub.f32 v22, v21;
	vm0 =	vmand vm0, vm1  }
0x2dc: {  	s20 =	sadd.s32 $0x40, s19;
	v16 =	vld [tilespmem:s16+$0x2800];
	v22 =	vsub.f32 v25, v27;
	v24 =	vmax.f32 v14, v24;
	v27 =	vsel vm0, $0x1, v1  }
0x2dd: {  	s28 =	sadd.s32 $0x10, s17;
	p2 =	por $0x1, $0x1;
	s19 =	smov.u32 s10;
	v17 =	vld [tilespmem:s16+$0x3C00];
	v23 =	vsub.f32 v23, v24;
	v25 =	vadd.f32 $9.999999970e-07, v28;
	v24 =	vor.u32 v27, v26  }
.LBB2_110:
0x2de: {  	p3 =	sne.s32 s20, $0x4FC0;
	v26 =	vld [tilespmem:s16+$0x1400];
	v27 =	vor.u32 s28, v0;
	[tilespmem:s19+$0x7800] =	vst v24;
	s19 =	smov.u32 s8;
	s8 =	smov.u32 s18  }
0x2df: {  	v22 =	vmax.f32 v22, $0.0e+00;
	s18 =	smov.u32 s16;
	v23 =	vmax.f32 v23, $0.0e+00;
	v24 =	vmul.f32 $3.000000120e-01, v25;
	v28 =	vld [tilespmem:s19+$0x7800]  }
.Ltmp57:
0x2e0: {  	vm0 =	vgt.u32 v27, v9;
	v22 =	vmul.f32 v23, v22;
	v23 =	vadd.f32 v19, v10;
	(pc) =	sbr.rel @p3 .LBB2_110-.Ltmp57, $4  }
0x2e1: {  	s16 =	sshra.s32 s20, $0x2;
	v27 =	vmax.f32 v12, v15;
	v19 =	vld [tilespmem:s18+$0x6400];
	v25 =	vmin.f32 v11, v16;
	vm1 =	vgt.f32 v21, v24  }
0x2e2: {  	v15 =	vld [tilespmem:s16+$0x0];
	v24 =	vmin.f32 v13, v17;
	v29 =	vsub.f32 v23, v22;
	vm0 =	vmand vm0, vm1;
	v21 =	vmovc v22  }
0x2e3: {  	v22 =	vsub.f32 v25, v27;
	v16 =	vld [tilespmem:s16+$0x2800];
	v23 =	vmax.f32 v14, v26;
	v26 =	vsel vm0, $0x1, v1  }
0x2e4: {  	s20 =	sadd.s32 $0x40, s20;
	s28 =	sadd.s32 $0x10, s28;
	v17 =	vld [tilespmem:s16+$0x3C00];
	v23 =	vsub.f32 v24, v23;
	v25 =	vadd.f32 $9.999999970e-07, v29;
	v24 =	vor.u32 v26, v28  }
0x2e5: {  	s20 =	smov.u32 s8;
	s8 =	smov.u32 s18  }
.LBB2_112:
0x2e6: {  	v26 =	vld [tilespmem:s16+$0x1400];
	[tilespmem:s19+$0x7800] =	vst @p2 v24;
	s18 =	smov.u32 @p1 s20  }
0x2e7: {  	v22 =	vmax.f32 @p0 v22, $0.0e+00;
	v24 =	vmul.f32 @p1 $3.000000120e-01, v25;
	v25 =	vld @p1 [tilespmem:s18+$0x7800]  }
0x2e8: {  	v23 =	vmax.f32 @p0 v23, $0.0e+00;
	v27 =	vor.u32 @p1 s28, v0;
	v19 =	vadd.f32 @p0 v19, v10  }
0x2e9: {  	v22 =	vmul.f32 @p0 v23, v22;
	vm0 =	vgt.u32 @p1 v27, v9;
	vm1 =	vgt.f32 @p1 v21, v24  }
0x2ea: {  	v12 =	vmax.f32 v12, v15;
	vm0 =	vmand @p1 vm0, vm1  }
0x2eb: {  	v61 =	vld [tilespmem:s16+$0x6400];
	v11 =	vmin.f32 v11, v16;
	v16 =	vsub.f32 @p0 v19, v22;
	v15 =	vsel @p1 vm0, $0x1, v1  }
0x2ec: {  	v13 =	vmin.f32 v13, v17;
	v14 =	vmax.f32 v14, v26;
	v15 =	vor.u32 @p1 v15, v25  }
0x2ed: {  	v16 =	vadd.f32 @p0 $9.999999970e-07, v16;
	v62 =	vsub.f32 v13, v14;
	v13 =	vpsel p1, v15, v0  }
0x2ee: {  	s18 =	smov.u32 @p1 s18;
	v11 =	vsub.f32 v11, v12  }
0x2ef: {  	s10 =	smov.u32 @p0 s8;
	s8 =	sadd.s32 @p1 $0x10, s28;
	s19 =	smov.u32 s17;
	v14 =	vpsel p0, v16, v20;
	[tilespmem:s18+$0x7800] =	vst @p1 v13  }
0x2f0: {  	s19 =	smov.u32 @p1 s8;
	v11 =	vmax.f32 v11, $0.0e+00;
	v10 =	vadd.f32 v61, v10;
	v14 =	vmul.f32 @p0 $3.000000120e-01, v14;
	v15 =	vld @p0 [tilespmem:s10+$0x7800];
	v13 =	vmovc @p0 v22  }
0x2f1: {  	v16 =	vor.u32 @p0 s19, v0;
	v12 =	vmax.f32 v62, $0.0e+00;
	v13 =	vpsel p0, v13, v18  }
0x2f2: {  	vm0 =	vgt.u32 @p0 v16, v9;
	v11 =	vmul.f32 v12, v11;
	vm1 =	vgt.f32 @p0 v13, v14  }
0x2f3: {  	vm0 =	vmand @p0 vm0, vm1  }
0x2f4: {  	v10 =	vsub.f32 v10, v11;
	v12 =	vsel @p0 vm0, $0x1, v1  }
0x2f5: {  	v12 =	vor.u32 @p0 v12, v15  }
0x2f6: {  	s8 =	smov.u32 @p0 s10;
	v10 =	vadd.f32 $9.999999970e-07, v10;
	v12 =	vpsel p0, v12, v0  }
0x2f7: {  	s18 =	smov.u32 s17;
	s10 =	sadd.s32 @p0 $0x10, s19;
	[tilespmem:s8+$0x7800] =	vst @p0 v12  }
0x2f8: {  	s18 =	smov.u32 @p0 s10;
	v10 =	vmul.f32 $3.000000120e-01, v10;
	v12 =	vld [tilespmem:s16+$0x7800]  }
0x2f9: {  	v63 =	vor.u32 s18, v0  }
0x2fa: {  	vm14 =	vgt.u32 v63, v9;
	vm15 =	vgt.f32 v11, v10  }
0x2fb: {  	vm0 =	vmand vm14, vm15  }
0x2fc: {  	v9 =	vsel vm0, $0x1, v1  }
0x2fd: {  	v9 =	vor.u32 v9, v12  }
0x2fe: {  	[tilespmem:s16+$0x7800] =	vst v9  }
.LBB2_113:
0x2ff: {  	v9 =	vld [tilespmem:s31+$0x7800];
	_ =	sdelay $0x4  }
0x300: {  	(v2sf) =	vpush v9, $0x9;
	_ =	sdelay $0xe  }
0x301: {  	s8 =	spop (v2sf)  }
0x302: {  	p0 =	sne.s32 s8, $0x0  }
.Ltmp58:
0x303: {  	_ = 	snop;
	(pc) =	sbr.rel @p0 .LBB2_125-.Ltmp58, $1  }
0x304: {  	_ =	sdelay $0x3  }
0x305: {  	p3 =	sne.s32 s29, $0x4FC0  }
.Ltmp59:
0x306: {  	_ = 	snop;
	(pc) =	sbr.rel @!p3 .LBB2_115-.Ltmp59, $4  }
0x307: {  	s10 =	sshra.s32 s29, $0x2  }
0x308: {  	v11 =	vbroadcast v8, $0x9;
	v15 =	vld [tilespmem:s10+$0x0]  }
0x309: {  	s8 =	sor.u32 $0x9, s31;
	v12 =	vbroadcast v6, $0x9;
	v13 =	vbroadcast v7, $0x9;
	s16 =	sadd.s32 $0x40, s29;
	v16 =	vld [tilespmem:s10+$0x2800]  }
0x30a: {  	v14 =	vbroadcast v4, $0x9;
	v10 =	vbroadcast v5, $0x9;
	p0 =	por $0x0, $0x0;
	p1 =	por $0x0, $0x0;
	p2 =	por $0x0, $0x0;
	v9 =	vmov s8;
	v17 =	vld [tilespmem:s10+$0x3C00]  }
0x30b: {  	v18 =	vld [tilespmem:s10+$0x1400]  }
0x30c: {  	p3 =	sne.s32 s16, $0x4FC0  }
.Ltmp60:
0x30d: {  	_ = 	snop;
	(pc) =	sbr.rel @!p3 .LBB2_117-.Ltmp60, $4  }
0x30e: {  	s8 =	sshra.s32 s16, $0x2;
	v19 =	vld [tilespmem:s10+$0x6400]  }
0x30f: {  	v20 =	vmax.f32 v12, v15;
	v15 =	vld [tilespmem:s8+$0x0]  }
0x310: {  	v21 =	vmin.f32 v11, v16;
	v16 =	vld [tilespmem:s8+$0x2800];
	v23 =	vmin.f32 v13, v17;
	v18 =	vmax.f32 v14, v18  }
0x311: {  	s16 =	sadd.s32 $0x40, s16;
	p0 =	por $0x1, $0x1;
	v22 =	vsub.f32 v21, v20;
	v17 =	vld [tilespmem:s8+$0x3C00];
	v23 =	vsub.f32 v23, v18  }
0x312: {  	v20 =	vld [tilespmem:s8+$0x1400]  }
0x313: {  	p3 =	sne.s32 s16, $0x4FC0;
	v18 =	vmax.f32 v22, $0.0e+00;
	v21 =	vmax.f32 v23, $0.0e+00  }
.Ltmp61:
0x314: {  	v18 =	vmul.f32 v21, v18;
	v21 =	vadd.f32 v19, v10;
	(pc) =	sbr.rel @!p3 .LBB2_119-.Ltmp61, $4  }
0x315: {  	s18 =	sshra.s32 s16, $0x2;
	v19 =	vld [tilespmem:s8+$0x6400]  }
0x316: {  	v22 =	vmax.f32 v12, v15;
	v15 =	vld [tilespmem:s18+$0x0];
	v23 =	vmin.f32 v11, v16;
	v21 =	vsub.f32 v21, v18  }
0x317: {  	v16 =	vld [tilespmem:s18+$0x2800];
	v24 =	vmin.f32 v13, v17;
	v22 =	vsub.f32 v23, v22;
	v20 =	vmax.f32 v14, v20  }
0x318: {  	s19 =	sadd.s32 $0x40, s16;
	p1 =	por $0x1, $0x1;
	v17 =	vld [tilespmem:s18+$0x3C00];
	v23 =	vsub.f32 v24, v20;
	v20 =	vadd.f32 $9.999999970e-07, v21  }
0x319: {  	v24 =	vld [tilespmem:s18+$0x1400];
	v25 =	vor.u32 s17, v0  }
0x31a: {  	v21 =	vmax.f32 v22, $0.0e+00;
	v26 =	vld [tilespmem:s10+$0x7800];
	p3 =	sne.s32 s19, $0x4FC0;
	v22 =	vmax.f32 v23, $0.0e+00;
	v23 =	vmul.f32 $3.000000120e-01, v20  }
.Ltmp62:
0x31b: {  	vm0 =	vgt.u32 v25, v9;
	v21 =	vmul.f32 v22, v21;
	v22 =	vadd.f32 v19, v10;
	(pc) =	sbr.rel @!p3 .LBB2_121-.Ltmp62, $4  }
0x31c: {  	s16 =	sshra.s32 s19, $0x2;
	v19 =	vld [tilespmem:s18+$0x6400];
	v27 =	vmax.f32 v12, v15;
	v25 =	vmin.f32 v11, v16;
	vm1 =	vgt.f32 v18, v23  }
0x31d: {  	v15 =	vld [tilespmem:s16+$0x0];
	v23 =	vmin.f32 v13, v17;
	v28 =	vsub.f32 v22, v21;
	vm0 =	vmand vm0, vm1  }
0x31e: {  	s20 =	sadd.s32 $0x40, s19;
	v16 =	vld [tilespmem:s16+$0x2800];
	v22 =	vsub.f32 v25, v27;
	v24 =	vmax.f32 v14, v24;
	v27 =	vsel vm0, $0x1, v1  }
0x31f: {  	s28 =	sadd.s32 $0x10, s17;
	p2 =	por $0x1, $0x1;
	s19 =	smov.u32 s10;
	v17 =	vld [tilespmem:s16+$0x3C00];
	v23 =	vsub.f32 v23, v24;
	v25 =	vadd.f32 $9.999999970e-07, v28;
	v24 =	vor.u32 v27, v26  }
.LBB2_122:
0x320: {  	p3 =	sne.s32 s20, $0x4FC0;
	v26 =	vld [tilespmem:s16+$0x1400];
	v27 =	vor.u32 s28, v0;
	[tilespmem:s19+$0x7800] =	vst v24;
	s19 =	smov.u32 s8;
	s8 =	smov.u32 s18  }
0x321: {  	v22 =	vmax.f32 v22, $0.0e+00;
	s18 =	smov.u32 s16;
	v23 =	vmax.f32 v23, $0.0e+00;
	v24 =	vmul.f32 $3.000000120e-01, v25;
	v28 =	vld [tilespmem:s19+$0x7800]  }
.Ltmp63:
0x322: {  	vm0 =	vgt.u32 v27, v9;
	v22 =	vmul.f32 v23, v22;
	v23 =	vadd.f32 v19, v10;
	(pc) =	sbr.rel @p3 .LBB2_122-.Ltmp63, $4  }
0x323: {  	s16 =	sshra.s32 s20, $0x2;
	v27 =	vmax.f32 v12, v15;
	v19 =	vld [tilespmem:s18+$0x6400];
	v25 =	vmin.f32 v11, v16;
	vm1 =	vgt.f32 v21, v24  }
0x324: {  	v15 =	vld [tilespmem:s16+$0x0];
	v24 =	vmin.f32 v13, v17;
	v29 =	vsub.f32 v23, v22;
	vm0 =	vmand vm0, vm1;
	v21 =	vmovc v22  }
0x325: {  	v22 =	vsub.f32 v25, v27;
	v16 =	vld [tilespmem:s16+$0x2800];
	v23 =	vmax.f32 v14, v26;
	v26 =	vsel vm0, $0x1, v1  }
0x326: {  	s20 =	sadd.s32 $0x40, s20;
	s28 =	sadd.s32 $0x10, s28;
	v17 =	vld [tilespmem:s16+$0x3C00];
	v23 =	vsub.f32 v24, v23;
	v25 =	vadd.f32 $9.999999970e-07, v29;
	v24 =	vor.u32 v26, v28  }
0x327: {  	s20 =	smov.u32 s8;
	s8 =	smov.u32 s18  }
.LBB2_124:
0x328: {  	v26 =	vld [tilespmem:s16+$0x1400];
	[tilespmem:s19+$0x7800] =	vst @p2 v24;
	s18 =	smov.u32 @p1 s20  }
0x329: {  	v22 =	vmax.f32 @p0 v22, $0.0e+00;
	v24 =	vmul.f32 @p1 $3.000000120e-01, v25;
	v25 =	vld @p1 [tilespmem:s18+$0x7800]  }
0x32a: {  	v23 =	vmax.f32 @p0 v23, $0.0e+00;
	v27 =	vor.u32 @p1 s28, v0;
	v19 =	vadd.f32 @p0 v19, v10  }
0x32b: {  	v22 =	vmul.f32 @p0 v23, v22;
	vm0 =	vgt.u32 @p1 v27, v9;
	vm1 =	vgt.f32 @p1 v21, v24  }
0x32c: {  	v12 =	vmax.f32 v12, v15;
	vm0 =	vmand @p1 vm0, vm1  }
0x32d: {  	v61 =	vld [tilespmem:s16+$0x6400];
	v11 =	vmin.f32 v11, v16;
	v16 =	vsub.f32 @p0 v19, v22;
	v15 =	vsel @p1 vm0, $0x1, v1  }
0x32e: {  	v13 =	vmin.f32 v13, v17;
	v14 =	vmax.f32 v14, v26;
	v15 =	vor.u32 @p1 v15, v25  }
0x32f: {  	v16 =	vadd.f32 @p0 $9.999999970e-07, v16;
	v62 =	vsub.f32 v13, v14;
	v13 =	vpsel p1, v15, v0  }
0x330: {  	s18 =	smov.u32 @p1 s18;
	v11 =	vsub.f32 v11, v12  }
0x331: {  	s10 =	smov.u32 @p0 s8;
	s8 =	sadd.s32 @p1 $0x10, s28;
	s19 =	smov.u32 s17;
	v14 =	vpsel p0, v16, v20;
	[tilespmem:s18+$0x7800] =	vst @p1 v13  }
0x332: {  	s19 =	smov.u32 @p1 s8;
	v11 =	vmax.f32 v11, $0.0e+00;
	v10 =	vadd.f32 v61, v10;
	v14 =	vmul.f32 @p0 $3.000000120e-01, v14;
	v15 =	vld @p0 [tilespmem:s10+$0x7800];
	v13 =	vmovc @p0 v22  }
0x333: {  	v16 =	vor.u32 @p0 s19, v0;
	v12 =	vmax.f32 v62, $0.0e+00;
	v13 =	vpsel p0, v13, v18  }
0x334: {  	vm0 =	vgt.u32 @p0 v16, v9;
	v11 =	vmul.f32 v12, v11;
	vm1 =	vgt.f32 @p0 v13, v14  }
0x335: {  	vm0 =	vmand @p0 vm0, vm1  }
0x336: {  	v10 =	vsub.f32 v10, v11;
	v12 =	vsel @p0 vm0, $0x1, v1  }
0x337: {  	v12 =	vor.u32 @p0 v12, v15  }
0x338: {  	s8 =	smov.u32 @p0 s10;
	v10 =	vadd.f32 $9.999999970e-07, v10;
	v12 =	vpsel p0, v12, v0  }
0x339: {  	s18 =	smov.u32 s17;
	s10 =	sadd.s32 @p0 $0x10, s19;
	[tilespmem:s8+$0x7800] =	vst @p0 v12  }
0x33a: {  	s18 =	smov.u32 @p0 s10;
	v10 =	vmul.f32 $3.000000120e-01, v10;
	v12 =	vld [tilespmem:s16+$0x7800]  }
0x33b: {  	v63 =	vor.u32 s18, v0  }
0x33c: {  	vm14 =	vgt.u32 v63, v9;
	vm15 =	vgt.f32 v11, v10  }
0x33d: {  	vm0 =	vmand vm14, vm15  }
0x33e: {  	v9 =	vsel vm0, $0x1, v1  }
0x33f: {  	v9 =	vor.u32 v9, v12  }
0x340: {  	[tilespmem:s16+$0x7800] =	vst v9  }
.LBB2_125:
0x341: {  	v9 =	vld [tilespmem:s31+$0x7800];
	_ =	sdelay $0x4  }
0x342: {  	(v2sf) =	vpush v9, $0xA;
	_ =	sdelay $0xe  }
0x343: {  	s8 =	spop (v2sf)  }
0x344: {  	p0 =	sne.s32 s8, $0x0  }
.Ltmp64:
0x345: {  	_ = 	snop;
	(pc) =	sbr.rel @p0 .LBB2_137-.Ltmp64, $1  }
0x346: {  	_ =	sdelay $0x3  }
0x347: {  	p3 =	sne.s32 s29, $0x4FC0  }
.Ltmp65:
0x348: {  	_ = 	snop;
	(pc) =	sbr.rel @!p3 .LBB2_127-.Ltmp65, $4  }
0x349: {  	s10 =	sshra.s32 s29, $0x2  }
0x34a: {  	v11 =	vbroadcast v8, $0xA;
	v15 =	vld [tilespmem:s10+$0x0]  }
0x34b: {  	s8 =	sor.u32 $0xA, s31;
	v12 =	vbroadcast v6, $0xA;
	v13 =	vbroadcast v7, $0xA;
	s16 =	sadd.s32 $0x40, s29;
	v16 =	vld [tilespmem:s10+$0x2800]  }
0x34c: {  	v14 =	vbroadcast v4, $0xA;
	v10 =	vbroadcast v5, $0xA;
	p0 =	por $0x0, $0x0;
	p1 =	por $0x0, $0x0;
	p2 =	por $0x0, $0x0;
	v9 =	vmov s8;
	v17 =	vld [tilespmem:s10+$0x3C00]  }
0x34d: {  	v18 =	vld [tilespmem:s10+$0x1400]  }
0x34e: {  	p3 =	sne.s32 s16, $0x4FC0  }
.Ltmp66:
0x34f: {  	_ = 	snop;
	(pc) =	sbr.rel @!p3 .LBB2_129-.Ltmp66, $4  }
0x350: {  	s8 =	sshra.s32 s16, $0x2;
	v19 =	vld [tilespmem:s10+$0x6400]  }
0x351: {  	v20 =	vmax.f32 v12, v15;
	v15 =	vld [tilespmem:s8+$0x0]  }
0x352: {  	v21 =	vmin.f32 v11, v16;
	v16 =	vld [tilespmem:s8+$0x2800];
	v23 =	vmin.f32 v13, v17;
	v18 =	vmax.f32 v14, v18  }
0x353: {  	s16 =	sadd.s32 $0x40, s16;
	p0 =	por $0x1, $0x1;
	v22 =	vsub.f32 v21, v20;
	v17 =	vld [tilespmem:s8+$0x3C00];
	v23 =	vsub.f32 v23, v18  }
0x354: {  	v20 =	vld [tilespmem:s8+$0x1400]  }
0x355: {  	p3 =	sne.s32 s16, $0x4FC0;
	v18 =	vmax.f32 v22, $0.0e+00;
	v21 =	vmax.f32 v23, $0.0e+00  }
.Ltmp67:
0x356: {  	v18 =	vmul.f32 v21, v18;
	v21 =	vadd.f32 v19, v10;
	(pc) =	sbr.rel @!p3 .LBB2_131-.Ltmp67, $4  }
0x357: {  	s18 =	sshra.s32 s16, $0x2;
	v19 =	vld [tilespmem:s8+$0x6400]  }
0x358: {  	v22 =	vmax.f32 v12, v15;
	v15 =	vld [tilespmem:s18+$0x0];
	v23 =	vmin.f32 v11, v16;
	v21 =	vsub.f32 v21, v18  }
0x359: {  	v16 =	vld [tilespmem:s18+$0x2800];
	v24 =	vmin.f32 v13, v17;
	v22 =	vsub.f32 v23, v22;
	v20 =	vmax.f32 v14, v20  }
0x35a: {  	s19 =	sadd.s32 $0x40, s16;
	p1 =	por $0x1, $0x1;
	v17 =	vld [tilespmem:s18+$0x3C00];
	v23 =	vsub.f32 v24, v20;
	v20 =	vadd.f32 $9.999999970e-07, v21  }
0x35b: {  	v24 =	vld [tilespmem:s18+$0x1400];
	v25 =	vor.u32 s17, v0  }
0x35c: {  	v21 =	vmax.f32 v22, $0.0e+00;
	v26 =	vld [tilespmem:s10+$0x7800];
	p3 =	sne.s32 s19, $0x4FC0;
	v22 =	vmax.f32 v23, $0.0e+00;
	v23 =	vmul.f32 $3.000000120e-01, v20  }
.Ltmp68:
0x35d: {  	vm0 =	vgt.u32 v25, v9;
	v21 =	vmul.f32 v22, v21;
	v22 =	vadd.f32 v19, v10;
	(pc) =	sbr.rel @!p3 .LBB2_133-.Ltmp68, $4  }
0x35e: {  	s16 =	sshra.s32 s19, $0x2;
	v19 =	vld [tilespmem:s18+$0x6400];
	v27 =	vmax.f32 v12, v15;
	v25 =	vmin.f32 v11, v16;
	vm1 =	vgt.f32 v18, v23  }
0x35f: {  	v15 =	vld [tilespmem:s16+$0x0];
	v23 =	vmin.f32 v13, v17;
	v28 =	vsub.f32 v22, v21;
	vm0 =	vmand vm0, vm1  }
0x360: {  	s20 =	sadd.s32 $0x40, s19;
	v16 =	vld [tilespmem:s16+$0x2800];
	v22 =	vsub.f32 v25, v27;
	v24 =	vmax.f32 v14, v24;
	v27 =	vsel vm0, $0x1, v1  }
0x361: {  	s28 =	sadd.s32 $0x10, s17;
	p2 =	por $0x1, $0x1;
	s19 =	smov.u32 s10;
	v17 =	vld [tilespmem:s16+$0x3C00];
	v23 =	vsub.f32 v23, v24;
	v25 =	vadd.f32 $9.999999970e-07, v28;
	v24 =	vor.u32 v27, v26  }
.LBB2_134:
0x362: {  	p3 =	sne.s32 s20, $0x4FC0;
	v26 =	vld [tilespmem:s16+$0x1400];
	v27 =	vor.u32 s28, v0;
	[tilespmem:s19+$0x7800] =	vst v24;
	s19 =	smov.u32 s8;
	s8 =	smov.u32 s18  }
0x363: {  	v22 =	vmax.f32 v22, $0.0e+00;
	s18 =	smov.u32 s16;
	v23 =	vmax.f32 v23, $0.0e+00;
	v24 =	vmul.f32 $3.000000120e-01, v25;
	v28 =	vld [tilespmem:s19+$0x7800]  }
.Ltmp69:
0x364: {  	vm0 =	vgt.u32 v27, v9;
	v22 =	vmul.f32 v23, v22;
	v23 =	vadd.f32 v19, v10;
	(pc) =	sbr.rel @p3 .LBB2_134-.Ltmp69, $4  }
0x365: {  	s16 =	sshra.s32 s20, $0x2;
	v27 =	vmax.f32 v12, v15;
	v19 =	vld [tilespmem:s18+$0x6400];
	v25 =	vmin.f32 v11, v16;
	vm1 =	vgt.f32 v21, v24  }
0x366: {  	v15 =	vld [tilespmem:s16+$0x0];
	v24 =	vmin.f32 v13, v17;
	v29 =	vsub.f32 v23, v22;
	vm0 =	vmand vm0, vm1;
	v21 =	vmovc v22  }
0x367: {  	v22 =	vsub.f32 v25, v27;
	v16 =	vld [tilespmem:s16+$0x2800];
	v23 =	vmax.f32 v14, v26;
	v26 =	vsel vm0, $0x1, v1  }
0x368: {  	s20 =	sadd.s32 $0x40, s20;
	s28 =	sadd.s32 $0x10, s28;
	v17 =	vld [tilespmem:s16+$0x3C00];
	v23 =	vsub.f32 v24, v23;
	v25 =	vadd.f32 $9.999999970e-07, v29;
	v24 =	vor.u32 v26, v28  }
0x369: {  	s20 =	smov.u32 s8;
	s8 =	smov.u32 s18  }
.LBB2_136:
0x36a: {  	v26 =	vld [tilespmem:s16+$0x1400];
	[tilespmem:s19+$0x7800] =	vst @p2 v24;
	s18 =	smov.u32 @p1 s20  }
0x36b: {  	v22 =	vmax.f32 @p0 v22, $0.0e+00;
	v24 =	vmul.f32 @p1 $3.000000120e-01, v25;
	v25 =	vld @p1 [tilespmem:s18+$0x7800]  }
0x36c: {  	v23 =	vmax.f32 @p0 v23, $0.0e+00;
	v27 =	vor.u32 @p1 s28, v0;
	v19 =	vadd.f32 @p0 v19, v10  }
0x36d: {  	v22 =	vmul.f32 @p0 v23, v22;
	vm0 =	vgt.u32 @p1 v27, v9;
	vm1 =	vgt.f32 @p1 v21, v24  }
0x36e: {  	v12 =	vmax.f32 v12, v15;
	vm0 =	vmand @p1 vm0, vm1  }
0x36f: {  	v61 =	vld [tilespmem:s16+$0x6400];
	v11 =	vmin.f32 v11, v16;
	v16 =	vsub.f32 @p0 v19, v22;
	v15 =	vsel @p1 vm0, $0x1, v1  }
0x370: {  	v13 =	vmin.f32 v13, v17;
	v14 =	vmax.f32 v14, v26;
	v15 =	vor.u32 @p1 v15, v25  }
0x371: {  	v16 =	vadd.f32 @p0 $9.999999970e-07, v16;
	v62 =	vsub.f32 v13, v14;
	v13 =	vpsel p1, v15, v0  }
0x372: {  	s18 =	smov.u32 @p1 s18;
	v11 =	vsub.f32 v11, v12  }
0x373: {  	s10 =	smov.u32 @p0 s8;
	s8 =	sadd.s32 @p1 $0x10, s28;
	s19 =	smov.u32 s17;
	v14 =	vpsel p0, v16, v20;
	[tilespmem:s18+$0x7800] =	vst @p1 v13  }
0x374: {  	s19 =	smov.u32 @p1 s8;
	v11 =	vmax.f32 v11, $0.0e+00;
	v10 =	vadd.f32 v61, v10;
	v14 =	vmul.f32 @p0 $3.000000120e-01, v14;
	v15 =	vld @p0 [tilespmem:s10+$0x7800];
	v13 =	vmovc @p0 v22  }
0x375: {  	v16 =	vor.u32 @p0 s19, v0;
	v12 =	vmax.f32 v62, $0.0e+00;
	v13 =	vpsel p0, v13, v18  }
0x376: {  	vm0 =	vgt.u32 @p0 v16, v9;
	v11 =	vmul.f32 v12, v11;
	vm1 =	vgt.f32 @p0 v13, v14  }
0x377: {  	vm0 =	vmand @p0 vm0, vm1  }
0x378: {  	v10 =	vsub.f32 v10, v11;
	v12 =	vsel @p0 vm0, $0x1, v1  }
0x379: {  	v12 =	vor.u32 @p0 v12, v15  }
0x37a: {  	s8 =	smov.u32 @p0 s10;
	v10 =	vadd.f32 $9.999999970e-07, v10;
	v12 =	vpsel p0, v12, v0  }
0x37b: {  	s18 =	smov.u32 s17;
	s10 =	sadd.s32 @p0 $0x10, s19;
	[tilespmem:s8+$0x7800] =	vst @p0 v12  }
0x37c: {  	s18 =	smov.u32 @p0 s10;
	v10 =	vmul.f32 $3.000000120e-01, v10;
	v12 =	vld [tilespmem:s16+$0x7800]  }
0x37d: {  	v63 =	vor.u32 s18, v0  }
0x37e: {  	vm14 =	vgt.u32 v63, v9;
	vm15 =	vgt.f32 v11, v10  }
0x37f: {  	vm0 =	vmand vm14, vm15  }
0x380: {  	v9 =	vsel vm0, $0x1, v1  }
0x381: {  	v9 =	vor.u32 v9, v12  }
0x382: {  	[tilespmem:s16+$0x7800] =	vst v9  }
.LBB2_137:
0x383: {  	v9 =	vld [tilespmem:s31+$0x7800];
	_ =	sdelay $0x4  }
0x384: {  	(v2sf) =	vpush v9, $0xB;
	_ =	sdelay $0xe  }
0x385: {  	s8 =	spop (v2sf)  }
0x386: {  	p0 =	sne.s32 s8, $0x0  }
.Ltmp70:
0x387: {  	_ = 	snop;
	(pc) =	sbr.rel @p0 .LBB2_149-.Ltmp70, $1  }
0x388: {  	_ =	sdelay $0x3  }
0x389: {  	p3 =	sne.s32 s29, $0x4FC0  }
.Ltmp71:
0x38a: {  	_ = 	snop;
	(pc) =	sbr.rel @!p3 .LBB2_139-.Ltmp71, $4  }
0x38b: {  	s10 =	sshra.s32 s29, $0x2  }
0x38c: {  	v11 =	vbroadcast v8, $0xB;
	v15 =	vld [tilespmem:s10+$0x0]  }
0x38d: {  	s8 =	sor.u32 $0xB, s31;
	v12 =	vbroadcast v6, $0xB;
	v13 =	vbroadcast v7, $0xB;
	s16 =	sadd.s32 $0x40, s29;
	v16 =	vld [tilespmem:s10+$0x2800]  }
0x38e: {  	v14 =	vbroadcast v4, $0xB;
	v10 =	vbroadcast v5, $0xB;
	p0 =	por $0x0, $0x0;
	p1 =	por $0x0, $0x0;
	p2 =	por $0x0, $0x0;
	v9 =	vmov s8;
	v17 =	vld [tilespmem:s10+$0x3C00]  }
0x38f: {  	v18 =	vld [tilespmem:s10+$0x1400]  }
0x390: {  	p3 =	sne.s32 s16, $0x4FC0  }
.Ltmp72:
0x391: {  	_ = 	snop;
	(pc) =	sbr.rel @!p3 .LBB2_141-.Ltmp72, $4  }
0x392: {  	s8 =	sshra.s32 s16, $0x2;
	v19 =	vld [tilespmem:s10+$0x6400]  }
0x393: {  	v20 =	vmax.f32 v12, v15;
	v15 =	vld [tilespmem:s8+$0x0]  }
0x394: {  	v21 =	vmin.f32 v11, v16;
	v16 =	vld [tilespmem:s8+$0x2800];
	v23 =	vmin.f32 v13, v17;
	v18 =	vmax.f32 v14, v18  }
0x395: {  	s16 =	sadd.s32 $0x40, s16;
	p0 =	por $0x1, $0x1;
	v22 =	vsub.f32 v21, v20;
	v17 =	vld [tilespmem:s8+$0x3C00];
	v23 =	vsub.f32 v23, v18  }
0x396: {  	v20 =	vld [tilespmem:s8+$0x1400]  }
0x397: {  	p3 =	sne.s32 s16, $0x4FC0;
	v18 =	vmax.f32 v22, $0.0e+00;
	v21 =	vmax.f32 v23, $0.0e+00  }
.Ltmp73:
0x398: {  	v18 =	vmul.f32 v21, v18;
	v21 =	vadd.f32 v19, v10;
	(pc) =	sbr.rel @!p3 .LBB2_143-.Ltmp73, $4  }
0x399: {  	s18 =	sshra.s32 s16, $0x2;
	v19 =	vld [tilespmem:s8+$0x6400]  }
0x39a: {  	v22 =	vmax.f32 v12, v15;
	v15 =	vld [tilespmem:s18+$0x0];
	v23 =	vmin.f32 v11, v16;
	v21 =	vsub.f32 v21, v18  }
0x39b: {  	v16 =	vld [tilespmem:s18+$0x2800];
	v24 =	vmin.f32 v13, v17;
	v22 =	vsub.f32 v23, v22;
	v20 =	vmax.f32 v14, v20  }
0x39c: {  	s19 =	sadd.s32 $0x40, s16;
	p1 =	por $0x1, $0x1;
	v17 =	vld [tilespmem:s18+$0x3C00];
	v23 =	vsub.f32 v24, v20;
	v20 =	vadd.f32 $9.999999970e-07, v21  }
0x39d: {  	v24 =	vld [tilespmem:s18+$0x1400];
	v25 =	vor.u32 s17, v0  }
0x39e: {  	v21 =	vmax.f32 v22, $0.0e+00;
	v26 =	vld [tilespmem:s10+$0x7800];
	p3 =	sne.s32 s19, $0x4FC0;
	v22 =	vmax.f32 v23, $0.0e+00;
	v23 =	vmul.f32 $3.000000120e-01, v20  }
.Ltmp74:
0x39f: {  	vm0 =	vgt.u32 v25, v9;
	v21 =	vmul.f32 v22, v21;
	v22 =	vadd.f32 v19, v10;
	(pc) =	sbr.rel @!p3 .LBB2_145-.Ltmp74, $4  }
0x3a0: {  	s16 =	sshra.s32 s19, $0x2;
	v19 =	vld [tilespmem:s18+$0x6400];
	v27 =	vmax.f32 v12, v15;
	v25 =	vmin.f32 v11, v16;
	vm1 =	vgt.f32 v18, v23  }
0x3a1: {  	v15 =	vld [tilespmem:s16+$0x0];
	v23 =	vmin.f32 v13, v17;
	v28 =	vsub.f32 v22, v21;
	vm0 =	vmand vm0, vm1  }
0x3a2: {  	s20 =	sadd.s32 $0x40, s19;
	v16 =	vld [tilespmem:s16+$0x2800];
	v22 =	vsub.f32 v25, v27;
	v24 =	vmax.f32 v14, v24;
	v27 =	vsel vm0, $0x1, v1  }
0x3a3: {  	s28 =	sadd.s32 $0x10, s17;
	p2 =	por $0x1, $0x1;
	s19 =	smov.u32 s10;
	v17 =	vld [tilespmem:s16+$0x3C00];
	v23 =	vsub.f32 v23, v24;
	v25 =	vadd.f32 $9.999999970e-07, v28;
	v24 =	vor.u32 v27, v26  }
.LBB2_146:
0x3a4: {  	p3 =	sne.s32 s20, $0x4FC0;
	v26 =	vld [tilespmem:s16+$0x1400];
	v27 =	vor.u32 s28, v0;
	[tilespmem:s19+$0x7800] =	vst v24;
	s19 =	smov.u32 s8;
	s8 =	smov.u32 s18  }
0x3a5: {  	v22 =	vmax.f32 v22, $0.0e+00;
	s18 =	smov.u32 s16;
	v23 =	vmax.f32 v23, $0.0e+00;
	v24 =	vmul.f32 $3.000000120e-01, v25;
	v28 =	vld [tilespmem:s19+$0x7800]  }
.Ltmp75:
0x3a6: {  	vm0 =	vgt.u32 v27, v9;
	v22 =	vmul.f32 v23, v22;
	v23 =	vadd.f32 v19, v10;
	(pc) =	sbr.rel @p3 .LBB2_146-.Ltmp75, $4  }
0x3a7: {  	s16 =	sshra.s32 s20, $0x2;
	v27 =	vmax.f32 v12, v15;
	v19 =	vld [tilespmem:s18+$0x6400];
	v25 =	vmin.f32 v11, v16;
	vm1 =	vgt.f32 v21, v24  }
0x3a8: {  	v15 =	vld [tilespmem:s16+$0x0];
	v24 =	vmin.f32 v13, v17;
	v29 =	vsub.f32 v23, v22;
	vm0 =	vmand vm0, vm1;
	v21 =	vmovc v22  }
0x3a9: {  	v22 =	vsub.f32 v25, v27;
	v16 =	vld [tilespmem:s16+$0x2800];
	v23 =	vmax.f32 v14, v26;
	v26 =	vsel vm0, $0x1, v1  }
0x3aa: {  	s20 =	sadd.s32 $0x40, s20;
	s28 =	sadd.s32 $0x10, s28;
	v17 =	vld [tilespmem:s16+$0x3C00];
	v23 =	vsub.f32 v24, v23;
	v25 =	vadd.f32 $9.999999970e-07, v29;
	v24 =	vor.u32 v26, v28  }
0x3ab: {  	s20 =	smov.u32 s8;
	s8 =	smov.u32 s18  }
.LBB2_148:
0x3ac: {  	v26 =	vld [tilespmem:s16+$0x1400];
	[tilespmem:s19+$0x7800] =	vst @p2 v24;
	s18 =	smov.u32 @p1 s20  }
0x3ad: {  	v22 =	vmax.f32 @p0 v22, $0.0e+00;
	v24 =	vmul.f32 @p1 $3.000000120e-01, v25;
	v25 =	vld @p1 [tilespmem:s18+$0x7800]  }
0x3ae: {  	v23 =	vmax.f32 @p0 v23, $0.0e+00;
	v27 =	vor.u32 @p1 s28, v0;
	v19 =	vadd.f32 @p0 v19, v10  }
0x3af: {  	v22 =	vmul.f32 @p0 v23, v22;
	vm0 =	vgt.u32 @p1 v27, v9;
	vm1 =	vgt.f32 @p1 v21, v24  }
0x3b0: {  	v12 =	vmax.f32 v12, v15;
	vm0 =	vmand @p1 vm0, vm1  }
0x3b1: {  	v61 =	vld [tilespmem:s16+$0x6400];
	v11 =	vmin.f32 v11, v16;
	v16 =	vsub.f32 @p0 v19, v22;
	v15 =	vsel @p1 vm0, $0x1, v1  }
0x3b2: {  	v13 =	vmin.f32 v13, v17;
	v14 =	vmax.f32 v14, v26;
	v15 =	vor.u32 @p1 v15, v25  }
0x3b3: {  	v16 =	vadd.f32 @p0 $9.999999970e-07, v16;
	v62 =	vsub.f32 v13, v14;
	v13 =	vpsel p1, v15, v0  }
0x3b4: {  	s18 =	smov.u32 @p1 s18;
	v11 =	vsub.f32 v11, v12  }
0x3b5: {  	s10 =	smov.u32 @p0 s8;
	s8 =	sadd.s32 @p1 $0x10, s28;
	s19 =	smov.u32 s17;
	v14 =	vpsel p0, v16, v20;
	[tilespmem:s18+$0x7800] =	vst @p1 v13  }
0x3b6: {  	s19 =	smov.u32 @p1 s8;
	v11 =	vmax.f32 v11, $0.0e+00;
	v10 =	vadd.f32 v61, v10;
	v14 =	vmul.f32 @p0 $3.000000120e-01, v14;
	v15 =	vld @p0 [tilespmem:s10+$0x7800];
	v13 =	vmovc @p0 v22  }
0x3b7: {  	v16 =	vor.u32 @p0 s19, v0;
	v12 =	vmax.f32 v62, $0.0e+00;
	v13 =	vpsel p0, v13, v18  }
0x3b8: {  	vm0 =	vgt.u32 @p0 v16, v9;
	v11 =	vmul.f32 v12, v11;
	vm1 =	vgt.f32 @p0 v13, v14  }
0x3b9: {  	vm0 =	vmand @p0 vm0, vm1  }
0x3ba: {  	v10 =	vsub.f32 v10, v11;
	v12 =	vsel @p0 vm0, $0x1, v1  }
0x3bb: {  	v12 =	vor.u32 @p0 v12, v15  }
0x3bc: {  	s8 =	smov.u32 @p0 s10;
	v10 =	vadd.f32 $9.999999970e-07, v10;
	v12 =	vpsel p0, v12, v0  }
0x3bd: {  	s18 =	smov.u32 s17;
	s10 =	sadd.s32 @p0 $0x10, s19;
	[tilespmem:s8+$0x7800] =	vst @p0 v12  }
0x3be: {  	s18 =	smov.u32 @p0 s10;
	v10 =	vmul.f32 $3.000000120e-01, v10;
	v12 =	vld [tilespmem:s16+$0x7800]  }
0x3bf: {  	v63 =	vor.u32 s18, v0  }
0x3c0: {  	vm14 =	vgt.u32 v63, v9;
	vm15 =	vgt.f32 v11, v10  }
0x3c1: {  	vm0 =	vmand vm14, vm15  }
0x3c2: {  	v9 =	vsel vm0, $0x1, v1  }
0x3c3: {  	v9 =	vor.u32 v9, v12  }
0x3c4: {  	[tilespmem:s16+$0x7800] =	vst v9  }
.LBB2_149:
0x3c5: {  	v9 =	vld [tilespmem:s31+$0x7800];
	_ =	sdelay $0x4  }
0x3c6: {  	(v2sf) =	vpush v9, $0xC;
	_ =	sdelay $0xe  }
0x3c7: {  	s8 =	spop (v2sf)  }
0x3c8: {  	p0 =	sne.s32 s8, $0x0  }
.Ltmp76:
0x3c9: {  	_ = 	snop;
	(pc) =	sbr.rel @p0 .LBB2_161-.Ltmp76, $1  }
0x3ca: {  	_ =	sdelay $0x3  }
0x3cb: {  	p3 =	sne.s32 s29, $0x4FC0  }
.Ltmp77:
0x3cc: {  	_ = 	snop;
	(pc) =	sbr.rel @!p3 .LBB2_151-.Ltmp77, $4  }
0x3cd: {  	s10 =	sshra.s32 s29, $0x2  }
0x3ce: {  	v11 =	vbroadcast v8, $0xC;
	v15 =	vld [tilespmem:s10+$0x0]  }
0x3cf: {  	s8 =	sor.u32 $0xC, s31;
	v12 =	vbroadcast v6, $0xC;
	v13 =	vbroadcast v7, $0xC;
	s16 =	sadd.s32 $0x40, s29;
	v16 =	vld [tilespmem:s10+$0x2800]  }
0x3d0: {  	v14 =	vbroadcast v4, $0xC;
	v10 =	vbroadcast v5, $0xC;
	p0 =	por $0x0, $0x0;
	p1 =	por $0x0, $0x0;
	p2 =	por $0x0, $0x0;
	v9 =	vmov s8;
	v17 =	vld [tilespmem:s10+$0x3C00]  }
0x3d1: {  	v18 =	vld [tilespmem:s10+$0x1400]  }
0x3d2: {  	p3 =	sne.s32 s16, $0x4FC0  }
.Ltmp78:
0x3d3: {  	_ = 	snop;
	(pc) =	sbr.rel @!p3 .LBB2_153-.Ltmp78, $4  }
0x3d4: {  	s8 =	sshra.s32 s16, $0x2;
	v19 =	vld [tilespmem:s10+$0x6400]  }
0x3d5: {  	v20 =	vmax.f32 v12, v15;
	v15 =	vld [tilespmem:s8+$0x0]  }
0x3d6: {  	v21 =	vmin.f32 v11, v16;
	v16 =	vld [tilespmem:s8+$0x2800];
	v23 =	vmin.f32 v13, v17;
	v18 =	vmax.f32 v14, v18  }
0x3d7: {  	s16 =	sadd.s32 $0x40, s16;
	p0 =	por $0x1, $0x1;
	v22 =	vsub.f32 v21, v20;
	v17 =	vld [tilespmem:s8+$0x3C00];
	v23 =	vsub.f32 v23, v18  }
0x3d8: {  	v20 =	vld [tilespmem:s8+$0x1400]  }
0x3d9: {  	p3 =	sne.s32 s16, $0x4FC0;
	v18 =	vmax.f32 v22, $0.0e+00;
	v21 =	vmax.f32 v23, $0.0e+00  }
.Ltmp79:
0x3da: {  	v18 =	vmul.f32 v21, v18;
	v21 =	vadd.f32 v19, v10;
	(pc) =	sbr.rel @!p3 .LBB2_155-.Ltmp79, $4  }
0x3db: {  	s18 =	sshra.s32 s16, $0x2;
	v19 =	vld [tilespmem:s8+$0x6400]  }
0x3dc: {  	v22 =	vmax.f32 v12, v15;
	v15 =	vld [tilespmem:s18+$0x0];
	v23 =	vmin.f32 v11, v16;
	v21 =	vsub.f32 v21, v18  }
0x3dd: {  	v16 =	vld [tilespmem:s18+$0x2800];
	v24 =	vmin.f32 v13, v17;
	v22 =	vsub.f32 v23, v22;
	v20 =	vmax.f32 v14, v20  }
0x3de: {  	s19 =	sadd.s32 $0x40, s16;
	p1 =	por $0x1, $0x1;
	v17 =	vld [tilespmem:s18+$0x3C00];
	v23 =	vsub.f32 v24, v20;
	v20 =	vadd.f32 $9.999999970e-07, v21  }
0x3df: {  	v24 =	vld [tilespmem:s18+$0x1400];
	v25 =	vor.u32 s17, v0  }
0x3e0: {  	v21 =	vmax.f32 v22, $0.0e+00;
	v26 =	vld [tilespmem:s10+$0x7800];
	p3 =	sne.s32 s19, $0x4FC0;
	v22 =	vmax.f32 v23, $0.0e+00;
	v23 =	vmul.f32 $3.000000120e-01, v20  }
.Ltmp80:
0x3e1: {  	vm0 =	vgt.u32 v25, v9;
	v21 =	vmul.f32 v22, v21;
	v22 =	vadd.f32 v19, v10;
	(pc) =	sbr.rel @!p3 .LBB2_157-.Ltmp80, $4  }
0x3e2: {  	s16 =	sshra.s32 s19, $0x2;
	v19 =	vld [tilespmem:s18+$0x6400];
	v27 =	vmax.f32 v12, v15;
	v25 =	vmin.f32 v11, v16;
	vm1 =	vgt.f32 v18, v23  }
0x3e3: {  	v15 =	vld [tilespmem:s16+$0x0];
	v23 =	vmin.f32 v13, v17;
	v28 =	vsub.f32 v22, v21;
	vm0 =	vmand vm0, vm1  }
0x3e4: {  	s20 =	sadd.s32 $0x40, s19;
	v16 =	vld [tilespmem:s16+$0x2800];
	v22 =	vsub.f32 v25, v27;
	v24 =	vmax.f32 v14, v24;
	v27 =	vsel vm0, $0x1, v1  }
0x3e5: {  	s28 =	sadd.s32 $0x10, s17;
	p2 =	por $0x1, $0x1;
	s19 =	smov.u32 s10;
	v17 =	vld [tilespmem:s16+$0x3C00];
	v23 =	vsub.f32 v23, v24;
	v25 =	vadd.f32 $9.999999970e-07, v28;
	v24 =	vor.u32 v27, v26  }
.LBB2_158:
0x3e6: {  	p3 =	sne.s32 s20, $0x4FC0;
	v26 =	vld [tilespmem:s16+$0x1400];
	v27 =	vor.u32 s28, v0;
	[tilespmem:s19+$0x7800] =	vst v24;
	s19 =	smov.u32 s8;
	s8 =	smov.u32 s18  }
0x3e7: {  	v22 =	vmax.f32 v22, $0.0e+00;
	s18 =	smov.u32 s16;
	v23 =	vmax.f32 v23, $0.0e+00;
	v24 =	vmul.f32 $3.000000120e-01, v25;
	v28 =	vld [tilespmem:s19+$0x7800]  }
.Ltmp81:
0x3e8: {  	vm0 =	vgt.u32 v27, v9;
	v22 =	vmul.f32 v23, v22;
	v23 =	vadd.f32 v19, v10;
	(pc) =	sbr.rel @p3 .LBB2_158-.Ltmp81, $4  }
0x3e9: {  	s16 =	sshra.s32 s20, $0x2;
	v27 =	vmax.f32 v12, v15;
	v19 =	vld [tilespmem:s18+$0x6400];
	v25 =	vmin.f32 v11, v16;
	vm1 =	vgt.f32 v21, v24  }
0x3ea: {  	v15 =	vld [tilespmem:s16+$0x0];
	v24 =	vmin.f32 v13, v17;
	v29 =	vsub.f32 v23, v22;
	vm0 =	vmand vm0, vm1;
	v21 =	vmovc v22  }
0x3eb: {  	v22 =	vsub.f32 v25, v27;
	v16 =	vld [tilespmem:s16+$0x2800];
	v23 =	vmax.f32 v14, v26;
	v26 =	vsel vm0, $0x1, v1  }
0x3ec: {  	s20 =	sadd.s32 $0x40, s20;
	s28 =	sadd.s32 $0x10, s28;
	v17 =	vld [tilespmem:s16+$0x3C00];
	v23 =	vsub.f32 v24, v23;
	v25 =	vadd.f32 $9.999999970e-07, v29;
	v24 =	vor.u32 v26, v28  }
0x3ed: {  	s20 =	smov.u32 s8;
	s8 =	smov.u32 s18  }
.LBB2_160:
0x3ee: {  	v26 =	vld [tilespmem:s16+$0x1400];
	[tilespmem:s19+$0x7800] =	vst @p2 v24;
	s18 =	smov.u32 @p1 s20  }
0x3ef: {  	v22 =	vmax.f32 @p0 v22, $0.0e+00;
	v24 =	vmul.f32 @p1 $3.000000120e-01, v25;
	v25 =	vld @p1 [tilespmem:s18+$0x7800]  }
0x3f0: {  	v23 =	vmax.f32 @p0 v23, $0.0e+00;
	v27 =	vor.u32 @p1 s28, v0;
	v19 =	vadd.f32 @p0 v19, v10  }
0x3f1: {  	v22 =	vmul.f32 @p0 v23, v22;
	vm0 =	vgt.u32 @p1 v27, v9;
	vm1 =	vgt.f32 @p1 v21, v24  }
0x3f2: {  	v12 =	vmax.f32 v12, v15;
	vm0 =	vmand @p1 vm0, vm1  }
0x3f3: {  	v61 =	vld [tilespmem:s16+$0x6400];
	v11 =	vmin.f32 v11, v16;
	v16 =	vsub.f32 @p0 v19, v22;
	v15 =	vsel @p1 vm0, $0x1, v1  }
0x3f4: {  	v13 =	vmin.f32 v13, v17;
	v14 =	vmax.f32 v14, v26;
	v15 =	vor.u32 @p1 v15, v25  }
0x3f5: {  	v16 =	vadd.f32 @p0 $9.999999970e-07, v16;
	v62 =	vsub.f32 v13, v14;
	v13 =	vpsel p1, v15, v0  }
0x3f6: {  	s18 =	smov.u32 @p1 s18;
	v11 =	vsub.f32 v11, v12  }
0x3f7: {  	s10 =	smov.u32 @p0 s8;
	s8 =	sadd.s32 @p1 $0x10, s28;
	s19 =	smov.u32 s17;
	v14 =	vpsel p0, v16, v20;
	[tilespmem:s18+$0x7800] =	vst @p1 v13  }
0x3f8: {  	s19 =	smov.u32 @p1 s8;
	v11 =	vmax.f32 v11, $0.0e+00;
	v10 =	vadd.f32 v61, v10;
	v14 =	vmul.f32 @p0 $3.000000120e-01, v14;
	v15 =	vld @p0 [tilespmem:s10+$0x7800];
	v13 =	vmovc @p0 v22  }
0x3f9: {  	v16 =	vor.u32 @p0 s19, v0;
	v12 =	vmax.f32 v62, $0.0e+00;
	v13 =	vpsel p0, v13, v18  }
0x3fa: {  	vm0 =	vgt.u32 @p0 v16, v9;
	v11 =	vmul.f32 v12, v11;
	vm1 =	vgt.f32 @p0 v13, v14  }
0x3fb: {  	vm0 =	vmand @p0 vm0, vm1  }
0x3fc: {  	v10 =	vsub.f32 v10, v11;
	v12 =	vsel @p0 vm0, $0x1, v1  }
0x3fd: {  	v12 =	vor.u32 @p0 v12, v15  }
0x3fe: {  	s8 =	smov.u32 @p0 s10;
	v10 =	vadd.f32 $9.999999970e-07, v10;
	v12 =	vpsel p0, v12, v0  }
0x3ff: {  	s18 =	smov.u32 s17;
	s10 =	sadd.s32 @p0 $0x10, s19;
	[tilespmem:s8+$0x7800] =	vst @p0 v12  }
0x400: {  	s18 =	smov.u32 @p0 s10;
	v10 =	vmul.f32 $3.000000120e-01, v10;
	v12 =	vld [tilespmem:s16+$0x7800]  }
0x401: {  	v63 =	vor.u32 s18, v0  }
0x402: {  	vm14 =	vgt.u32 v63, v9;
	vm15 =	vgt.f32 v11, v10  }
0x403: {  	vm0 =	vmand vm14, vm15  }
0x404: {  	v9 =	vsel vm0, $0x1, v1  }
0x405: {  	v9 =	vor.u32 v9, v12  }
0x406: {  	[tilespmem:s16+$0x7800] =	vst v9  }
.LBB2_161:
0x407: {  	v9 =	vld [tilespmem:s31+$0x7800];
	_ =	sdelay $0x4  }
0x408: {  	(v2sf) =	vpush v9, $0xD;
	_ =	sdelay $0xe  }
0x409: {  	s8 =	spop (v2sf)  }
0x40a: {  	p0 =	sne.s32 s8, $0x0  }
.Ltmp82:
0x40b: {  	_ = 	snop;
	(pc) =	sbr.rel @p0 .LBB2_173-.Ltmp82, $1  }
0x40c: {  	_ =	sdelay $0x3  }
0x40d: {  	p3 =	sne.s32 s29, $0x4FC0  }
.Ltmp83:
0x40e: {  	_ = 	snop;
	(pc) =	sbr.rel @!p3 .LBB2_163-.Ltmp83, $4  }
0x40f: {  	s10 =	sshra.s32 s29, $0x2  }
0x410: {  	v11 =	vbroadcast v8, $0xD;
	v15 =	vld [tilespmem:s10+$0x0]  }
0x411: {  	s8 =	sor.u32 $0xD, s31;
	v12 =	vbroadcast v6, $0xD;
	v13 =	vbroadcast v7, $0xD;
	s16 =	sadd.s32 $0x40, s29;
	v16 =	vld [tilespmem:s10+$0x2800]  }
0x412: {  	v14 =	vbroadcast v4, $0xD;
	v10 =	vbroadcast v5, $0xD;
	p0 =	por $0x0, $0x0;
	p1 =	por $0x0, $0x0;
	p2 =	por $0x0, $0x0;
	v9 =	vmov s8;
	v17 =	vld [tilespmem:s10+$0x3C00]  }
0x413: {  	v18 =	vld [tilespmem:s10+$0x1400]  }
0x414: {  	p3 =	sne.s32 s16, $0x4FC0  }
.Ltmp84:
0x415: {  	_ = 	snop;
	(pc) =	sbr.rel @!p3 .LBB2_165-.Ltmp84, $4  }
0x416: {  	s8 =	sshra.s32 s16, $0x2;
	v19 =	vld [tilespmem:s10+$0x6400]  }
0x417: {  	v20 =	vmax.f32 v12, v15;
	v15 =	vld [tilespmem:s8+$0x0]  }
0x418: {  	v21 =	vmin.f32 v11, v16;
	v16 =	vld [tilespmem:s8+$0x2800];
	v23 =	vmin.f32 v13, v17;
	v18 =	vmax.f32 v14, v18  }
0x419: {  	s16 =	sadd.s32 $0x40, s16;
	p0 =	por $0x1, $0x1;
	v22 =	vsub.f32 v21, v20;
	v17 =	vld [tilespmem:s8+$0x3C00];
	v23 =	vsub.f32 v23, v18  }
0x41a: {  	v20 =	vld [tilespmem:s8+$0x1400]  }
0x41b: {  	p3 =	sne.s32 s16, $0x4FC0;
	v18 =	vmax.f32 v22, $0.0e+00;
	v21 =	vmax.f32 v23, $0.0e+00  }
.Ltmp85:
0x41c: {  	v18 =	vmul.f32 v21, v18;
	v21 =	vadd.f32 v19, v10;
	(pc) =	sbr.rel @!p3 .LBB2_167-.Ltmp85, $4  }
0x41d: {  	s18 =	sshra.s32 s16, $0x2;
	v19 =	vld [tilespmem:s8+$0x6400]  }
0x41e: {  	v22 =	vmax.f32 v12, v15;
	v15 =	vld [tilespmem:s18+$0x0];
	v23 =	vmin.f32 v11, v16;
	v21 =	vsub.f32 v21, v18  }
0x41f: {  	v16 =	vld [tilespmem:s18+$0x2800];
	v24 =	vmin.f32 v13, v17;
	v22 =	vsub.f32 v23, v22;
	v20 =	vmax.f32 v14, v20  }
0x420: {  	s19 =	sadd.s32 $0x40, s16;
	p1 =	por $0x1, $0x1;
	v17 =	vld [tilespmem:s18+$0x3C00];
	v23 =	vsub.f32 v24, v20;
	v20 =	vadd.f32 $9.999999970e-07, v21  }
0x421: {  	v24 =	vld [tilespmem:s18+$0x1400];
	v25 =	vor.u32 s17, v0  }
0x422: {  	v21 =	vmax.f32 v22, $0.0e+00;
	v26 =	vld [tilespmem:s10+$0x7800];
	p3 =	sne.s32 s19, $0x4FC0;
	v22 =	vmax.f32 v23, $0.0e+00;
	v23 =	vmul.f32 $3.000000120e-01, v20  }
.Ltmp86:
0x423: {  	vm0 =	vgt.u32 v25, v9;
	v21 =	vmul.f32 v22, v21;
	v22 =	vadd.f32 v19, v10;
	(pc) =	sbr.rel @!p3 .LBB2_169-.Ltmp86, $4  }
0x424: {  	s16 =	sshra.s32 s19, $0x2;
	v19 =	vld [tilespmem:s18+$0x6400];
	v27 =	vmax.f32 v12, v15;
	v25 =	vmin.f32 v11, v16;
	vm1 =	vgt.f32 v18, v23  }
0x425: {  	v15 =	vld [tilespmem:s16+$0x0];
	v23 =	vmin.f32 v13, v17;
	v28 =	vsub.f32 v22, v21;
	vm0 =	vmand vm0, vm1  }
0x426: {  	s20 =	sadd.s32 $0x40, s19;
	v16 =	vld [tilespmem:s16+$0x2800];
	v22 =	vsub.f32 v25, v27;
	v24 =	vmax.f32 v14, v24;
	v27 =	vsel vm0, $0x1, v1  }
0x427: {  	s28 =	sadd.s32 $0x10, s17;
	p2 =	por $0x1, $0x1;
	s19 =	smov.u32 s10;
	v17 =	vld [tilespmem:s16+$0x3C00];
	v23 =	vsub.f32 v23, v24;
	v25 =	vadd.f32 $9.999999970e-07, v28;
	v24 =	vor.u32 v27, v26  }
.LBB2_170:
0x428: {  	p3 =	sne.s32 s20, $0x4FC0;
	v26 =	vld [tilespmem:s16+$0x1400];
	v27 =	vor.u32 s28, v0;
	[tilespmem:s19+$0x7800] =	vst v24;
	s19 =	smov.u32 s8;
	s8 =	smov.u32 s18  }
0x429: {  	v22 =	vmax.f32 v22, $0.0e+00;
	s18 =	smov.u32 s16;
	v23 =	vmax.f32 v23, $0.0e+00;
	v24 =	vmul.f32 $3.000000120e-01, v25;
	v28 =	vld [tilespmem:s19+$0x7800]  }
.Ltmp87:
0x42a: {  	vm0 =	vgt.u32 v27, v9;
	v22 =	vmul.f32 v23, v22;
	v23 =	vadd.f32 v19, v10;
	(pc) =	sbr.rel @p3 .LBB2_170-.Ltmp87, $4  }
0x42b: {  	s16 =	sshra.s32 s20, $0x2;
	v27 =	vmax.f32 v12, v15;
	v19 =	vld [tilespmem:s18+$0x6400];
	v25 =	vmin.f32 v11, v16;
	vm1 =	vgt.f32 v21, v24  }
0x42c: {  	v15 =	vld [tilespmem:s16+$0x0];
	v24 =	vmin.f32 v13, v17;
	v29 =	vsub.f32 v23, v22;
	vm0 =	vmand vm0, vm1;
	v21 =	vmovc v22  }
0x42d: {  	v22 =	vsub.f32 v25, v27;
	v16 =	vld [tilespmem:s16+$0x2800];
	v23 =	vmax.f32 v14, v26;
	v26 =	vsel vm0, $0x1, v1  }
0x42e: {  	s20 =	sadd.s32 $0x40, s20;
	s28 =	sadd.s32 $0x10, s28;
	v17 =	vld [tilespmem:s16+$0x3C00];
	v23 =	vsub.f32 v24, v23;
	v25 =	vadd.f32 $9.999999970e-07, v29;
	v24 =	vor.u32 v26, v28  }
0x42f: {  	s20 =	smov.u32 s8;
	s8 =	smov.u32 s18  }
.LBB2_172:
0x430: {  	v26 =	vld [tilespmem:s16+$0x1400];
	[tilespmem:s19+$0x7800] =	vst @p2 v24;
	s18 =	smov.u32 @p1 s20  }
0x431: {  	v22 =	vmax.f32 @p0 v22, $0.0e+00;
	v24 =	vmul.f32 @p1 $3.000000120e-01, v25;
	v25 =	vld @p1 [tilespmem:s18+$0x7800]  }
0x432: {  	v23 =	vmax.f32 @p0 v23, $0.0e+00;
	v27 =	vor.u32 @p1 s28, v0;
	v19 =	vadd.f32 @p0 v19, v10  }
0x433: {  	v22 =	vmul.f32 @p0 v23, v22;
	vm0 =	vgt.u32 @p1 v27, v9;
	vm1 =	vgt.f32 @p1 v21, v24  }
0x434: {  	v12 =	vmax.f32 v12, v15;
	vm0 =	vmand @p1 vm0, vm1  }
0x435: {  	v61 =	vld [tilespmem:s16+$0x6400];
	v11 =	vmin.f32 v11, v16;
	v16 =	vsub.f32 @p0 v19, v22;
	v15 =	vsel @p1 vm0, $0x1, v1  }
0x436: {  	v13 =	vmin.f32 v13, v17;
	v14 =	vmax.f32 v14, v26;
	v15 =	vor.u32 @p1 v15, v25  }
0x437: {  	v16 =	vadd.f32 @p0 $9.999999970e-07, v16;
	v62 =	vsub.f32 v13, v14;
	v13 =	vpsel p1, v15, v0  }
0x438: {  	s18 =	smov.u32 @p1 s18;
	v11 =	vsub.f32 v11, v12  }
0x439: {  	s10 =	smov.u32 @p0 s8;
	s8 =	sadd.s32 @p1 $0x10, s28;
	s19 =	smov.u32 s17;
	v14 =	vpsel p0, v16, v20;
	[tilespmem:s18+$0x7800] =	vst @p1 v13  }
0x43a: {  	s19 =	smov.u32 @p1 s8;
	v11 =	vmax.f32 v11, $0.0e+00;
	v10 =	vadd.f32 v61, v10;
	v14 =	vmul.f32 @p0 $3.000000120e-01, v14;
	v15 =	vld @p0 [tilespmem:s10+$0x7800];
	v13 =	vmovc @p0 v22  }
0x43b: {  	v16 =	vor.u32 @p0 s19, v0;
	v12 =	vmax.f32 v62, $0.0e+00;
	v13 =	vpsel p0, v13, v18  }
0x43c: {  	vm0 =	vgt.u32 @p0 v16, v9;
	v11 =	vmul.f32 v12, v11;
	vm1 =	vgt.f32 @p0 v13, v14  }
0x43d: {  	vm0 =	vmand @p0 vm0, vm1  }
0x43e: {  	v10 =	vsub.f32 v10, v11;
	v12 =	vsel @p0 vm0, $0x1, v1  }
0x43f: {  	v12 =	vor.u32 @p0 v12, v15  }
0x440: {  	s8 =	smov.u32 @p0 s10;
	v10 =	vadd.f32 $9.999999970e-07, v10;
	v12 =	vpsel p0, v12, v0  }
0x441: {  	s18 =	smov.u32 s17;
	s10 =	sadd.s32 @p0 $0x10, s19;
	[tilespmem:s8+$0x7800] =	vst @p0 v12  }
0x442: {  	s18 =	smov.u32 @p0 s10;
	v10 =	vmul.f32 $3.000000120e-01, v10;
	v12 =	vld [tilespmem:s16+$0x7800]  }
0x443: {  	v63 =	vor.u32 s18, v0  }
0x444: {  	vm14 =	vgt.u32 v63, v9;
	vm15 =	vgt.f32 v11, v10  }
0x445: {  	vm0 =	vmand vm14, vm15  }
0x446: {  	v9 =	vsel vm0, $0x1, v1  }
0x447: {  	v9 =	vor.u32 v9, v12  }
0x448: {  	[tilespmem:s16+$0x7800] =	vst v9  }
.LBB2_173:
0x449: {  	v9 =	vld [tilespmem:s31+$0x7800];
	_ =	sdelay $0x4  }
0x44a: {  	(v2sf) =	vpush v9, $0xE;
	_ =	sdelay $0xe  }
0x44b: {  	s8 =	spop (v2sf)  }
0x44c: {  	p0 =	sne.s32 s8, $0x0  }
.Ltmp88:
0x44d: {  	_ = 	snop;
	(pc) =	sbr.rel @p0 .LBB2_185-.Ltmp88, $1  }
0x44e: {  	_ =	sdelay $0x3  }
0x44f: {  	p3 =	sne.s32 s29, $0x4FC0  }
.Ltmp89:
0x450: {  	_ = 	snop;
	(pc) =	sbr.rel @!p3 .LBB2_175-.Ltmp89, $4  }
0x451: {  	s10 =	sshra.s32 s29, $0x2  }
0x452: {  	v11 =	vbroadcast v8, $0xE;
	v15 =	vld [tilespmem:s10+$0x0]  }
0x453: {  	s8 =	sor.u32 $0xE, s31;
	v12 =	vbroadcast v6, $0xE;
	v13 =	vbroadcast v7, $0xE;
	s16 =	sadd.s32 $0x40, s29;
	v16 =	vld [tilespmem:s10+$0x2800]  }
0x454: {  	v14 =	vbroadcast v4, $0xE;
	v10 =	vbroadcast v5, $0xE;
	p0 =	por $0x0, $0x0;
	p1 =	por $0x0, $0x0;
	p2 =	por $0x0, $0x0;
	v9 =	vmov s8;
	v17 =	vld [tilespmem:s10+$0x3C00]  }
0x455: {  	v18 =	vld [tilespmem:s10+$0x1400]  }
0x456: {  	p3 =	sne.s32 s16, $0x4FC0  }
.Ltmp90:
0x457: {  	_ = 	snop;
	(pc) =	sbr.rel @!p3 .LBB2_177-.Ltmp90, $4  }
0x458: {  	s8 =	sshra.s32 s16, $0x2;
	v19 =	vld [tilespmem:s10+$0x6400]  }
0x459: {  	v20 =	vmax.f32 v12, v15;
	v15 =	vld [tilespmem:s8+$0x0]  }
0x45a: {  	v21 =	vmin.f32 v11, v16;
	v16 =	vld [tilespmem:s8+$0x2800];
	v23 =	vmin.f32 v13, v17;
	v18 =	vmax.f32 v14, v18  }
0x45b: {  	s16 =	sadd.s32 $0x40, s16;
	p0 =	por $0x1, $0x1;
	v22 =	vsub.f32 v21, v20;
	v17 =	vld [tilespmem:s8+$0x3C00];
	v23 =	vsub.f32 v23, v18  }
0x45c: {  	v20 =	vld [tilespmem:s8+$0x1400]  }
0x45d: {  	p3 =	sne.s32 s16, $0x4FC0;
	v18 =	vmax.f32 v22, $0.0e+00;
	v21 =	vmax.f32 v23, $0.0e+00  }
.Ltmp91:
0x45e: {  	v18 =	vmul.f32 v21, v18;
	v21 =	vadd.f32 v19, v10;
	(pc) =	sbr.rel @!p3 .LBB2_179-.Ltmp91, $4  }
0x45f: {  	s18 =	sshra.s32 s16, $0x2;
	v19 =	vld [tilespmem:s8+$0x6400]  }
0x460: {  	v22 =	vmax.f32 v12, v15;
	v15 =	vld [tilespmem:s18+$0x0];
	v23 =	vmin.f32 v11, v16;
	v21 =	vsub.f32 v21, v18  }
0x461: {  	v16 =	vld [tilespmem:s18+$0x2800];
	v24 =	vmin.f32 v13, v17;
	v22 =	vsub.f32 v23, v22;
	v20 =	vmax.f32 v14, v20  }
0x462: {  	s19 =	sadd.s32 $0x40, s16;
	p1 =	por $0x1, $0x1;
	v17 =	vld [tilespmem:s18+$0x3C00];
	v23 =	vsub.f32 v24, v20;
	v20 =	vadd.f32 $9.999999970e-07, v21  }
0x463: {  	v24 =	vld [tilespmem:s18+$0x1400];
	v25 =	vor.u32 s17, v0  }
0x464: {  	v21 =	vmax.f32 v22, $0.0e+00;
	v26 =	vld [tilespmem:s10+$0x7800];
	p3 =	sne.s32 s19, $0x4FC0;
	v22 =	vmax.f32 v23, $0.0e+00;
	v23 =	vmul.f32 $3.000000120e-01, v20  }
.Ltmp92:
0x465: {  	vm0 =	vgt.u32 v25, v9;
	v21 =	vmul.f32 v22, v21;
	v22 =	vadd.f32 v19, v10;
	(pc) =	sbr.rel @!p3 .LBB2_181-.Ltmp92, $4  }
0x466: {  	s16 =	sshra.s32 s19, $0x2;
	v19 =	vld [tilespmem:s18+$0x6400];
	v27 =	vmax.f32 v12, v15;
	v25 =	vmin.f32 v11, v16;
	vm1 =	vgt.f32 v18, v23  }
0x467: {  	v15 =	vld [tilespmem:s16+$0x0];
	v23 =	vmin.f32 v13, v17;
	v28 =	vsub.f32 v22, v21;
	vm0 =	vmand vm0, vm1  }
0x468: {  	s20 =	sadd.s32 $0x40, s19;
	v16 =	vld [tilespmem:s16+$0x2800];
	v22 =	vsub.f32 v25, v27;
	v24 =	vmax.f32 v14, v24;
	v27 =	vsel vm0, $0x1, v1  }
0x469: {  	s28 =	sadd.s32 $0x10, s17;
	p2 =	por $0x1, $0x1;
	s19 =	smov.u32 s10;
	v17 =	vld [tilespmem:s16+$0x3C00];
	v23 =	vsub.f32 v23, v24;
	v25 =	vadd.f32 $9.999999970e-07, v28;
	v24 =	vor.u32 v27, v26  }
.LBB2_182:
0x46a: {  	p3 =	sne.s32 s20, $0x4FC0;
	v26 =	vld [tilespmem:s16+$0x1400];
	v27 =	vor.u32 s28, v0;
	[tilespmem:s19+$0x7800] =	vst v24;
	s19 =	smov.u32 s8;
	s8 =	smov.u32 s18  }
0x46b: {  	v22 =	vmax.f32 v22, $0.0e+00;
	s18 =	smov.u32 s16;
	v23 =	vmax.f32 v23, $0.0e+00;
	v24 =	vmul.f32 $3.000000120e-01, v25;
	v28 =	vld [tilespmem:s19+$0x7800]  }
.Ltmp93:
0x46c: {  	vm0 =	vgt.u32 v27, v9;
	v22 =	vmul.f32 v23, v22;
	v23 =	vadd.f32 v19, v10;
	(pc) =	sbr.rel @p3 .LBB2_182-.Ltmp93, $4  }
0x46d: {  	s16 =	sshra.s32 s20, $0x2;
	v27 =	vmax.f32 v12, v15;
	v19 =	vld [tilespmem:s18+$0x6400];
	v25 =	vmin.f32 v11, v16;
	vm1 =	vgt.f32 v21, v24  }
0x46e: {  	v15 =	vld [tilespmem:s16+$0x0];
	v24 =	vmin.f32 v13, v17;
	v29 =	vsub.f32 v23, v22;
	vm0 =	vmand vm0, vm1;
	v21 =	vmovc v22  }
0x46f: {  	v22 =	vsub.f32 v25, v27;
	v16 =	vld [tilespmem:s16+$0x2800];
	v23 =	vmax.f32 v14, v26;
	v26 =	vsel vm0, $0x1, v1  }
0x470: {  	s20 =	sadd.s32 $0x40, s20;
	s28 =	sadd.s32 $0x10, s28;
	v17 =	vld [tilespmem:s16+$0x3C00];
	v23 =	vsub.f32 v24, v23;
	v25 =	vadd.f32 $9.999999970e-07, v29;
	v24 =	vor.u32 v26, v28  }
0x471: {  	s20 =	smov.u32 s8;
	s8 =	smov.u32 s18  }
.LBB2_184:
0x472: {  	v26 =	vld [tilespmem:s16+$0x1400];
	[tilespmem:s19+$0x7800] =	vst @p2 v24;
	s18 =	smov.u32 @p1 s20  }
0x473: {  	v22 =	vmax.f32 @p0 v22, $0.0e+00;
	v24 =	vmul.f32 @p1 $3.000000120e-01, v25;
	v25 =	vld @p1 [tilespmem:s18+$0x7800]  }
0x474: {  	v23 =	vmax.f32 @p0 v23, $0.0e+00;
	v27 =	vor.u32 @p1 s28, v0;
	v19 =	vadd.f32 @p0 v19, v10  }
0x475: {  	v22 =	vmul.f32 @p0 v23, v22;
	vm0 =	vgt.u32 @p1 v27, v9;
	vm1 =	vgt.f32 @p1 v21, v24  }
0x476: {  	v12 =	vmax.f32 v12, v15;
	vm0 =	vmand @p1 vm0, vm1  }
0x477: {  	v61 =	vld [tilespmem:s16+$0x6400];
	v11 =	vmin.f32 v11, v16;
	v16 =	vsub.f32 @p0 v19, v22;
	v15 =	vsel @p1 vm0, $0x1, v1  }
0x478: {  	v13 =	vmin.f32 v13, v17;
	v14 =	vmax.f32 v14, v26;
	v15 =	vor.u32 @p1 v15, v25  }
0x479: {  	v16 =	vadd.f32 @p0 $9.999999970e-07, v16;
	v62 =	vsub.f32 v13, v14;
	v13 =	vpsel p1, v15, v0  }
0x47a: {  	s18 =	smov.u32 @p1 s18;
	v11 =	vsub.f32 v11, v12  }
0x47b: {  	s10 =	smov.u32 @p0 s8;
	s8 =	sadd.s32 @p1 $0x10, s28;
	s19 =	smov.u32 s17;
	v14 =	vpsel p0, v16, v20;
	[tilespmem:s18+$0x7800] =	vst @p1 v13  }
0x47c: {  	s19 =	smov.u32 @p1 s8;
	v11 =	vmax.f32 v11, $0.0e+00;
	v10 =	vadd.f32 v61, v10;
	v14 =	vmul.f32 @p0 $3.000000120e-01, v14;
	v15 =	vld @p0 [tilespmem:s10+$0x7800];
	v13 =	vmovc @p0 v22  }
0x47d: {  	v16 =	vor.u32 @p0 s19, v0;
	v12 =	vmax.f32 v62, $0.0e+00;
	v13 =	vpsel p0, v13, v18  }
0x47e: {  	vm0 =	vgt.u32 @p0 v16, v9;
	v11 =	vmul.f32 v12, v11;
	vm1 =	vgt.f32 @p0 v13, v14  }
0x47f: {  	vm0 =	vmand @p0 vm0, vm1  }
0x480: {  	v10 =	vsub.f32 v10, v11;
	v12 =	vsel @p0 vm0, $0x1, v1  }
0x481: {  	v12 =	vor.u32 @p0 v12, v15  }
0x482: {  	s8 =	smov.u32 @p0 s10;
	v10 =	vadd.f32 $9.999999970e-07, v10;
	v12 =	vpsel p0, v12, v0  }
0x483: {  	s18 =	smov.u32 s17;
	s10 =	sadd.s32 @p0 $0x10, s19;
	[tilespmem:s8+$0x7800] =	vst @p0 v12  }
0x484: {  	s18 =	smov.u32 @p0 s10;
	v10 =	vmul.f32 $3.000000120e-01, v10;
	v12 =	vld [tilespmem:s16+$0x7800]  }
0x485: {  	v63 =	vor.u32 s18, v0  }
0x486: {  	vm14 =	vgt.u32 v63, v9;
	vm15 =	vgt.f32 v11, v10  }
0x487: {  	vm0 =	vmand vm14, vm15  }
0x488: {  	v9 =	vsel vm0, $0x1, v1  }
0x489: {  	v9 =	vor.u32 v9, v12  }
0x48a: {  	[tilespmem:s16+$0x7800] =	vst v9  }
.LBB2_185:
0x48b: {  	v9 =	vld [tilespmem:s31+$0x7800];
	_ =	sdelay $0x4  }
0x48c: {  	(v2sf) =	vpush v9, $0xF;
	_ =	sdelay $0xe  }
0x48d: {  	s8 =	spop (v2sf)  }
0x48e: {  	p0 =	sne.s32 s8, $0x0  }
.Ltmp94:
0x48f: {  	_ = 	snop;
	(pc) =	sbr.rel @p0 .LBB2_197-.Ltmp94, $1  }
0x490: {  	_ =	sdelay $0x3  }
0x491: {  	p3 =	sne.s32 s29, $0x4FC0  }
.Ltmp95:
0x492: {  	_ = 	snop;
	(pc) =	sbr.rel @!p3 .LBB2_187-.Ltmp95, $4  }
0x493: {  	s10 =	sshra.s32 s29, $0x2  }
0x494: {  	v8 =	vbroadcast v8, $0xF;
	v11 =	vld [tilespmem:s10+$0x0]  }
0x495: {  	s8 =	sor.u32 $0xF, s31;
	v9 =	vbroadcast v6, $0xF;
	v7 =	vbroadcast v7, $0xF;
	s16 =	sadd.s32 $0x40, s29;
	v12 =	vld [tilespmem:s10+$0x2800]  }
0x496: {  	v10 =	vbroadcast v4, $0xF;
	v4 =	vbroadcast v5, $0xF;
	p0 =	por $0x0, $0x0;
	p1 =	por $0x0, $0x0;
	p2 =	por $0x0, $0x0;
	v6 =	vadd.s32 s8, v2;
	v5 =	vld [tilespmem:s10+$0x3C00]  }
0x497: {  	v13 =	vld [tilespmem:s10+$0x1400]  }
0x498: {  	p3 =	sne.s32 s16, $0x4FC0  }
.Ltmp96:
0x499: {  	_ = 	snop;
	(pc) =	sbr.rel @!p3 .LBB2_189-.Ltmp96, $4  }
0x49a: {  	s8 =	sshra.s32 s16, $0x2;
	v14 =	vld [tilespmem:s10+$0x6400]  }
0x49b: {  	v15 =	vmax.f32 v9, v11;
	v11 =	vld [tilespmem:s8+$0x0]  }
0x49c: {  	v16 =	vmin.f32 v8, v12;
	v12 =	vld [tilespmem:s8+$0x2800];
	v18 =	vmin.f32 v7, v5;
	v13 =	vmax.f32 v10, v13  }
0x49d: {  	s16 =	sadd.s32 $0x40, s16;
	p0 =	por $0x1, $0x1;
	v17 =	vsub.f32 v16, v15;
	v5 =	vld [tilespmem:s8+$0x3C00];
	v18 =	vsub.f32 v18, v13  }
0x49e: {  	v15 =	vld [tilespmem:s8+$0x1400]  }
0x49f: {  	p3 =	sne.s32 s16, $0x4FC0;
	v13 =	vmax.f32 v17, $0.0e+00;
	v16 =	vmax.f32 v18, $0.0e+00  }
.Ltmp97:
0x4a0: {  	v13 =	vmul.f32 v16, v13;
	v16 =	vadd.f32 v14, v4;
	(pc) =	sbr.rel @!p3 .LBB2_191-.Ltmp97, $4  }
0x4a1: {  	s18 =	sshra.s32 s16, $0x2;
	v14 =	vld [tilespmem:s8+$0x6400]  }
0x4a2: {  	v17 =	vmax.f32 v9, v11;
	v11 =	vld [tilespmem:s18+$0x0];
	v18 =	vmin.f32 v8, v12;
	v16 =	vsub.f32 v16, v13  }
0x4a3: {  	v12 =	vld [tilespmem:s18+$0x2800];
	v19 =	vmin.f32 v7, v5;
	v17 =	vsub.f32 v18, v17;
	v15 =	vmax.f32 v10, v15  }
0x4a4: {  	s19 =	sadd.s32 $0x40, s16;
	p1 =	por $0x1, $0x1;
	v5 =	vld [tilespmem:s18+$0x3C00];
	v18 =	vsub.f32 v19, v15;
	v15 =	vadd.f32 $9.999999970e-07, v16  }
0x4a5: {  	v19 =	vld [tilespmem:s18+$0x1400];
	v20 =	vmov s17  }
0x4a6: {  	v16 =	vmax.f32 v17, $0.0e+00;
	v21 =	vld [tilespmem:s10+$0x7800];
	p3 =	sne.s32 s19, $0x4FC0;
	v17 =	vmax.f32 v18, $0.0e+00;
	v18 =	vmul.f32 $3.000000120e-01, v15  }
.Ltmp98:
0x4a7: {  	vm0 =	vgt.u32 v20, v6;
	v16 =	vmul.f32 v17, v16;
	v17 =	vadd.f32 v14, v4;
	(pc) =	sbr.rel @!p3 .LBB2_193-.Ltmp98, $4  }
0x4a8: {  	s16 =	sshra.s32 s19, $0x2;
	v14 =	vld [tilespmem:s18+$0x6400];
	v22 =	vmax.f32 v9, v11;
	v20 =	vmin.f32 v8, v12;
	vm1 =	vgt.f32 v13, v18  }
0x4a9: {  	v11 =	vld [tilespmem:s16+$0x0];
	v18 =	vmin.f32 v7, v5;
	v23 =	vsub.f32 v17, v16;
	vm0 =	vmand vm0, vm1  }
0x4aa: {  	s20 =	sadd.s32 $0x40, s19;
	v12 =	vld [tilespmem:s16+$0x2800];
	v17 =	vsub.f32 v20, v22;
	v19 =	vmax.f32 v10, v19;
	v22 =	vsel vm0, $0x1, v1  }
0x4ab: {  	s28 =	sadd.s32 $0x10, s17;
	p2 =	por $0x1, $0x1;
	s19 =	smov.u32 s10;
	v5 =	vld [tilespmem:s16+$0x3C00];
	v18 =	vsub.f32 v18, v19;
	v20 =	vadd.f32 $9.999999970e-07, v23;
	v19 =	vor.u32 v22, v21  }
.LBB2_194:
0x4ac: {  	p3 =	sne.s32 s20, $0x4FC0;
	v21 =	vld [tilespmem:s16+$0x1400];
	v22 =	vmov s28;
	[tilespmem:s19+$0x7800] =	vst v19;
	s19 =	smov.u32 s8;
	s8 =	smov.u32 s18  }
0x4ad: {  	v17 =	vmax.f32 v17, $0.0e+00;
	s18 =	smov.u32 s16;
	v18 =	vmax.f32 v18, $0.0e+00;
	v19 =	vmul.f32 $3.000000120e-01, v20;
	v23 =	vld [tilespmem:s19+$0x7800]  }
.Ltmp99:
0x4ae: {  	vm0 =	vgt.u32 v22, v6;
	v17 =	vmul.f32 v18, v17;
	v18 =	vadd.f32 v14, v4;
	(pc) =	sbr.rel @p3 .LBB2_194-.Ltmp99, $4  }
0x4af: {  	s16 =	sshra.s32 s20, $0x2;
	v22 =	vmax.f32 v9, v11;
	v14 =	vld [tilespmem:s18+$0x6400];
	v20 =	vmin.f32 v8, v12;
	vm1 =	vgt.f32 v16, v19  }
0x4b0: {  	v11 =	vld [tilespmem:s16+$0x0];
	v19 =	vmin.f32 v7, v5;
	v24 =	vsub.f32 v18, v17;
	vm0 =	vmand vm0, vm1;
	v16 =	vmovc v17  }
0x4b1: {  	v17 =	vsub.f32 v20, v22;
	v12 =	vld [tilespmem:s16+$0x2800];
	v18 =	vmax.f32 v10, v21;
	v21 =	vsel vm0, $0x1, v1  }
0x4b2: {  	s20 =	sadd.s32 $0x40, s20;
	s28 =	sadd.s32 $0x10, s28;
	v5 =	vld [tilespmem:s16+$0x3C00];
	v18 =	vsub.f32 v19, v18;
	v20 =	vadd.f32 $9.999999970e-07, v24;
	v19 =	vor.u32 v21, v23  }
.Ltmp100:
0x4b3: {  	(pc) =	sbr.rel .LBB2_196-.Ltmp100, $2  }
0x4b4: {  	_ =	sdelay $0x2  }
0x4b5: {  	s20 =	smov.u32 s8;
	s8 =	smov.u32 s18  }
.LBB2_7:
.Ltmp101:
0x4b6: {  	(pc) =	sbr.rel .LBB2_16-.Ltmp101, $2  }
0x4b7: {  	_ =	sdelay $0x2  }
0x4b8: {  	s8 =	smov.u32 s19;
	s28 =	smov.u32 s17  }
.LBB2_19:
.Ltmp102:
0x4b9: {  	(pc) =	sbr.rel .LBB2_28-.Ltmp102, $2  }
0x4ba: {  	_ =	sdelay $0x2  }
0x4bb: {  	s16 =	smov.u32 s10;
	s28 =	smov.u32 s17  }
.LBB2_31:
.Ltmp103:
0x4bc: {  	(pc) =	sbr.rel .LBB2_40-.Ltmp103, $2  }
0x4bd: {  	_ =	sdelay $0x2  }
0x4be: {  	s16 =	smov.u32 s10;
	s28 =	smov.u32 s17  }
.LBB2_43:
.Ltmp104:
0x4bf: {  	(pc) =	sbr.rel .LBB2_52-.Ltmp104, $2  }
0x4c0: {  	_ =	sdelay $0x2  }
0x4c1: {  	s16 =	smov.u32 s10;
	s28 =	smov.u32 s17  }
.LBB2_55:
.Ltmp105:
0x4c2: {  	(pc) =	sbr.rel .LBB2_64-.Ltmp105, $2  }
0x4c3: {  	_ =	sdelay $0x2  }
0x4c4: {  	s16 =	smov.u32 s10;
	s28 =	smov.u32 s17  }
.LBB2_67:
.Ltmp106:
0x4c5: {  	(pc) =	sbr.rel .LBB2_76-.Ltmp106, $2  }
0x4c6: {  	_ =	sdelay $0x2  }
0x4c7: {  	s16 =	smov.u32 s10;
	s28 =	smov.u32 s17  }
.LBB2_79:
.Ltmp107:
0x4c8: {  	(pc) =	sbr.rel .LBB2_88-.Ltmp107, $2  }
0x4c9: {  	_ =	sdelay $0x2  }
0x4ca: {  	s16 =	smov.u32 s10;
	s28 =	smov.u32 s17  }
.LBB2_91:
.Ltmp108:
0x4cb: {  	(pc) =	sbr.rel .LBB2_100-.Ltmp108, $2  }
0x4cc: {  	_ =	sdelay $0x2  }
0x4cd: {  	s16 =	smov.u32 s10;
	s28 =	smov.u32 s17  }
.LBB2_103:
.Ltmp109:
0x4ce: {  	(pc) =	sbr.rel .LBB2_112-.Ltmp109, $2  }
0x4cf: {  	_ =	sdelay $0x2  }
0x4d0: {  	s16 =	smov.u32 s10;
	s28 =	smov.u32 s17  }
.LBB2_115:
.Ltmp110:
0x4d1: {  	(pc) =	sbr.rel .LBB2_124-.Ltmp110, $2  }
0x4d2: {  	_ =	sdelay $0x2  }
0x4d3: {  	s16 =	smov.u32 s10;
	s28 =	smov.u32 s17  }
.LBB2_127:
.Ltmp111:
0x4d4: {  	(pc) =	sbr.rel .LBB2_136-.Ltmp111, $2  }
0x4d5: {  	_ =	sdelay $0x2  }
0x4d6: {  	s16 =	smov.u32 s10;
	s28 =	smov.u32 s17  }
.LBB2_139:
.Ltmp112:
0x4d7: {  	(pc) =	sbr.rel .LBB2_148-.Ltmp112, $2  }
0x4d8: {  	_ =	sdelay $0x2  }
0x4d9: {  	s16 =	smov.u32 s10;
	s28 =	smov.u32 s17  }
.LBB2_151:
.Ltmp113:
0x4da: {  	(pc) =	sbr.rel .LBB2_160-.Ltmp113, $2  }
0x4db: {  	_ =	sdelay $0x2  }
0x4dc: {  	s16 =	smov.u32 s10;
	s28 =	smov.u32 s17  }
.LBB2_163:
.Ltmp114:
0x4dd: {  	(pc) =	sbr.rel .LBB2_172-.Ltmp114, $2  }
0x4de: {  	_ =	sdelay $0x2  }
0x4df: {  	s16 =	smov.u32 s10;
	s28 =	smov.u32 s17  }
.LBB2_175:
.Ltmp115:
0x4e0: {  	(pc) =	sbr.rel .LBB2_184-.Ltmp115, $2  }
0x4e1: {  	_ =	sdelay $0x2  }
0x4e2: {  	s16 =	smov.u32 s10;
	s28 =	smov.u32 s17  }
.LBB2_9:
.Ltmp116:
0x4e3: {  	(pc) =	sbr.rel .LBB2_16-.Ltmp116, $2  }
0x4e4: {  	_ =	sdelay $0x2  }
0x4e5: {  	s8 =	smov.u32 s16;
	s16 =	smov.u32 s19;
	s28 =	smov.u32 s17  }
.LBB2_21:
.Ltmp117:
0x4e6: {  	(pc) =	sbr.rel .LBB2_28-.Ltmp117, $2  }
0x4e7: {  	_ =	sdelay $0x2  }
0x4e8: {  	s16 =	smov.u32 s8;
	s8 =	smov.u32 s10;
	s28 =	smov.u32 s17  }
.LBB2_33:
.Ltmp118:
0x4e9: {  	(pc) =	sbr.rel .LBB2_40-.Ltmp118, $2  }
0x4ea: {  	_ =	sdelay $0x2  }
0x4eb: {  	s16 =	smov.u32 s8;
	s8 =	smov.u32 s10;
	s28 =	smov.u32 s17  }
.LBB2_45:
.Ltmp119:
0x4ec: {  	(pc) =	sbr.rel .LBB2_52-.Ltmp119, $2  }
0x4ed: {  	_ =	sdelay $0x2  }
0x4ee: {  	s16 =	smov.u32 s8;
	s8 =	smov.u32 s10;
	s28 =	smov.u32 s17  }
.LBB2_57:
.Ltmp120:
0x4ef: {  	(pc) =	sbr.rel .LBB2_64-.Ltmp120, $2  }
0x4f0: {  	_ =	sdelay $0x2  }
0x4f1: {  	s16 =	smov.u32 s8;
	s8 =	smov.u32 s10;
	s28 =	smov.u32 s17  }
.LBB2_69:
.Ltmp121:
0x4f2: {  	(pc) =	sbr.rel .LBB2_76-.Ltmp121, $2  }
0x4f3: {  	_ =	sdelay $0x2  }
0x4f4: {  	s16 =	smov.u32 s8;
	s8 =	smov.u32 s10;
	s28 =	smov.u32 s17  }
.LBB2_81:
.Ltmp122:
0x4f5: {  	(pc) =	sbr.rel .LBB2_88-.Ltmp122, $2  }
0x4f6: {  	_ =	sdelay $0x2  }
0x4f7: {  	s16 =	smov.u32 s8;
	s8 =	smov.u32 s10;
	s28 =	smov.u32 s17  }
.LBB2_93:
.Ltmp123:
0x4f8: {  	(pc) =	sbr.rel .LBB2_100-.Ltmp123, $2  }
0x4f9: {  	_ =	sdelay $0x2  }
0x4fa: {  	s16 =	smov.u32 s8;
	s8 =	smov.u32 s10;
	s28 =	smov.u32 s17  }
.LBB2_105:
.Ltmp124:
0x4fb: {  	(pc) =	sbr.rel .LBB2_112-.Ltmp124, $2  }
0x4fc: {  	_ =	sdelay $0x2  }
0x4fd: {  	s16 =	smov.u32 s8;
	s8 =	smov.u32 s10;
	s28 =	smov.u32 s17  }
.LBB2_117:
.Ltmp125:
0x4fe: {  	(pc) =	sbr.rel .LBB2_124-.Ltmp125, $2  }
0x4ff: {  	_ =	sdelay $0x2  }
0x500: {  	s16 =	smov.u32 s8;
	s8 =	smov.u32 s10;
	s28 =	smov.u32 s17  }
.LBB2_129:
.Ltmp126:
0x501: {  	(pc) =	sbr.rel .LBB2_136-.Ltmp126, $2  }
0x502: {  	_ =	sdelay $0x2  }
0x503: {  	s16 =	smov.u32 s8;
	s8 =	smov.u32 s10;
	s28 =	smov.u32 s17  }
.LBB2_141:
.Ltmp127:
0x504: {  	(pc) =	sbr.rel .LBB2_148-.Ltmp127, $2  }
0x505: {  	_ =	sdelay $0x2  }
0x506: {  	s16 =	smov.u32 s8;
	s8 =	smov.u32 s10;
	s28 =	smov.u32 s17  }
.LBB2_153:
.Ltmp128:
0x507: {  	(pc) =	sbr.rel .LBB2_160-.Ltmp128, $2  }
0x508: {  	_ =	sdelay $0x2  }
0x509: {  	s16 =	smov.u32 s8;
	s8 =	smov.u32 s10;
	s28 =	smov.u32 s17  }
.LBB2_165:
.Ltmp129:
0x50a: {  	(pc) =	sbr.rel .LBB2_172-.Ltmp129, $2  }
0x50b: {  	_ =	sdelay $0x2  }
0x50c: {  	s16 =	smov.u32 s8;
	s8 =	smov.u32 s10;
	s28 =	smov.u32 s17  }
.LBB2_177:
.Ltmp130:
0x50d: {  	(pc) =	sbr.rel .LBB2_184-.Ltmp130, $2  }
0x50e: {  	_ =	sdelay $0x2  }
0x50f: {  	s16 =	smov.u32 s8;
	s8 =	smov.u32 s10;
	s28 =	smov.u32 s17  }
.LBB2_189:
.Ltmp131:
0x510: {  	(pc) =	sbr.rel .LBB2_196-.Ltmp131, $2  }
0x511: {  	_ =	sdelay $0x2  }
0x512: {  	s16 =	smov.u32 s8;
	s8 =	smov.u32 s10;
	s28 =	smov.u32 s17  }
.LBB2_11:
.Ltmp132:
0x513: {  	(pc) =	sbr.rel .LBB2_16-.Ltmp132, $2  }
0x514: {  	_ =	sdelay $0x2  }
0x515: {  	s8 =	smov.u32 s10;
	s28 =	smov.u32 s17;
	s20 =	smov.u32 s19;
	v21 =	vmov v18;
	v25 =	vmov v20  }
.LBB2_23:
.Ltmp133:
0x516: {  	(pc) =	sbr.rel .LBB2_28-.Ltmp133, $2  }
0x517: {  	_ =	sdelay $0x2  }
0x518: {  	s16 =	smov.u32 s18;
	s28 =	smov.u32 s17;
	s20 =	smov.u32 s10;
	v21 =	vmov v18;
	v25 =	vmov v20  }
.LBB2_35:
.Ltmp134:
0x519: {  	(pc) =	sbr.rel .LBB2_40-.Ltmp134, $2  }
0x51a: {  	_ =	sdelay $0x2  }
0x51b: {  	s16 =	smov.u32 s18;
	s28 =	smov.u32 s17;
	s20 =	smov.u32 s10;
	v21 =	vmov v18;
	v25 =	vmov v20  }
.LBB2_47:
.Ltmp135:
0x51c: {  	(pc) =	sbr.rel .LBB2_52-.Ltmp135, $2  }
0x51d: {  	_ =	sdelay $0x2  }
0x51e: {  	s16 =	smov.u32 s18;
	s28 =	smov.u32 s17;
	s20 =	smov.u32 s10;
	v21 =	vmov v18;
	v25 =	vmov v20  }
.LBB2_59:
.Ltmp136:
0x51f: {  	(pc) =	sbr.rel .LBB2_64-.Ltmp136, $2  }
0x520: {  	_ =	sdelay $0x2  }
0x521: {  	s16 =	smov.u32 s18;
	s28 =	smov.u32 s17;
	s20 =	smov.u32 s10;
	v21 =	vmov v18;
	v25 =	vmov v20  }
.LBB2_71:
.Ltmp137:
0x522: {  	(pc) =	sbr.rel .LBB2_76-.Ltmp137, $2  }
0x523: {  	_ =	sdelay $0x2  }
0x524: {  	s16 =	smov.u32 s18;
	s28 =	smov.u32 s17;
	s20 =	smov.u32 s10;
	v21 =	vmov v18;
	v25 =	vmov v20  }
.LBB2_83:
.Ltmp138:
0x525: {  	(pc) =	sbr.rel .LBB2_88-.Ltmp138, $2  }
0x526: {  	_ =	sdelay $0x2  }
0x527: {  	s16 =	smov.u32 s18;
	s28 =	smov.u32 s17;
	s20 =	smov.u32 s10;
	v21 =	vmov v18;
	v25 =	vmov v20  }
.LBB2_95:
.Ltmp139:
0x528: {  	(pc) =	sbr.rel .LBB2_100-.Ltmp139, $2  }
0x529: {  	_ =	sdelay $0x2  }
0x52a: {  	s16 =	smov.u32 s18;
	s28 =	smov.u32 s17;
	s20 =	smov.u32 s10;
	v21 =	vmov v18;
	v25 =	vmov v20  }
.LBB2_107:
.Ltmp140:
0x52b: {  	(pc) =	sbr.rel .LBB2_112-.Ltmp140, $2  }
0x52c: {  	_ =	sdelay $0x2  }
0x52d: {  	s16 =	smov.u32 s18;
	s28 =	smov.u32 s17;
	s20 =	smov.u32 s10;
	v21 =	vmov v18;
	v25 =	vmov v20  }
.LBB2_119:
.Ltmp141:
0x52e: {  	(pc) =	sbr.rel .LBB2_124-.Ltmp141, $2  }
0x52f: {  	_ =	sdelay $0x2  }
0x530: {  	s16 =	smov.u32 s18;
	s28 =	smov.u32 s17;
	s20 =	smov.u32 s10;
	v21 =	vmov v18;
	v25 =	vmov v20  }
.LBB2_131:
.Ltmp142:
0x531: {  	(pc) =	sbr.rel .LBB2_136-.Ltmp142, $2  }
0x532: {  	_ =	sdelay $0x2  }
0x533: {  	s16 =	smov.u32 s18;
	s28 =	smov.u32 s17;
	s20 =	smov.u32 s10;
	v21 =	vmov v18;
	v25 =	vmov v20  }
.LBB2_143:
.Ltmp143:
0x534: {  	(pc) =	sbr.rel .LBB2_148-.Ltmp143, $2  }
0x535: {  	_ =	sdelay $0x2  }
0x536: {  	s16 =	smov.u32 s18;
	s28 =	smov.u32 s17;
	s20 =	smov.u32 s10;
	v21 =	vmov v18;
	v25 =	vmov v20  }
.LBB2_155:
.Ltmp144:
0x537: {  	(pc) =	sbr.rel .LBB2_160-.Ltmp144, $2  }
0x538: {  	_ =	sdelay $0x2  }
0x539: {  	s16 =	smov.u32 s18;
	s28 =	smov.u32 s17;
	s20 =	smov.u32 s10;
	v21 =	vmov v18;
	v25 =	vmov v20  }
.LBB2_167:
.Ltmp145:
0x53a: {  	(pc) =	sbr.rel .LBB2_172-.Ltmp145, $2  }
0x53b: {  	_ =	sdelay $0x2  }
0x53c: {  	s16 =	smov.u32 s18;
	s28 =	smov.u32 s17;
	s20 =	smov.u32 s10;
	v21 =	vmov v18;
	v25 =	vmov v20  }
.LBB2_179:
.Ltmp146:
0x53d: {  	(pc) =	sbr.rel .LBB2_184-.Ltmp146, $2  }
0x53e: {  	_ =	sdelay $0x2  }
0x53f: {  	s16 =	smov.u32 s18;
	s28 =	smov.u32 s17;
	s20 =	smov.u32 s10;
	v21 =	vmov v18;
	v25 =	vmov v20  }
.LBB2_191:
.Ltmp147:
0x540: {  	(pc) =	sbr.rel .LBB2_196-.Ltmp147, $2  }
0x541: {  	_ =	sdelay $0x2  }
0x542: {  	s16 =	smov.u32 s18;
	s28 =	smov.u32 s17;
	s20 =	smov.u32 s10;
	v16 =	vmov v13;
	v20 =	vmov v15  }
.LBB2_13:
.Ltmp148:
0x543: {  	(pc) =	sbr.rel .LBB2_16-.Ltmp148, $2  }
0x544: {  	_ =	sdelay $0x2  }
0x545: {  	s20 =	smov.u32 s16;
	s18 =	smov.u32 s19;
	s16 =	smov.u32 s10  }
.LBB2_25:
.Ltmp149:
0x546: {  	(pc) =	sbr.rel .LBB2_28-.Ltmp149, $2  }
0x547: {  	_ =	sdelay $0x2  }
0x548: {  	s20 =	smov.u32 s8;
	s19 =	smov.u32 s10;
	s8 =	smov.u32 s18  }
.LBB2_37:
.Ltmp150:
0x549: {  	(pc) =	sbr.rel .LBB2_40-.Ltmp150, $2  }
0x54a: {  	_ =	sdelay $0x2  }
0x54b: {  	s20 =	smov.u32 s8;
	s19 =	smov.u32 s10;
	s8 =	smov.u32 s18  }
.LBB2_49:
.Ltmp151:
0x54c: {  	(pc) =	sbr.rel .LBB2_52-.Ltmp151, $2  }
0x54d: {  	_ =	sdelay $0x2  }
0x54e: {  	s20 =	smov.u32 s8;
	s19 =	smov.u32 s10;
	s8 =	smov.u32 s18  }
.LBB2_61:
.Ltmp152:
0x54f: {  	(pc) =	sbr.rel .LBB2_64-.Ltmp152, $2  }
0x550: {  	_ =	sdelay $0x2  }
0x551: {  	s20 =	smov.u32 s8;
	s19 =	smov.u32 s10;
	s8 =	smov.u32 s18  }
.LBB2_73:
.Ltmp153:
0x552: {  	(pc) =	sbr.rel .LBB2_76-.Ltmp153, $2  }
0x553: {  	_ =	sdelay $0x2  }
0x554: {  	s20 =	smov.u32 s8;
	s19 =	smov.u32 s10;
	s8 =	smov.u32 s18  }
.LBB2_85:
.Ltmp154:
0x555: {  	(pc) =	sbr.rel .LBB2_88-.Ltmp154, $2  }
0x556: {  	_ =	sdelay $0x2  }
0x557: {  	s20 =	smov.u32 s8;
	s19 =	smov.u32 s10;
	s8 =	smov.u32 s18  }
.LBB2_97:
.Ltmp155:
0x558: {  	(pc) =	sbr.rel .LBB2_100-.Ltmp155, $2  }
0x559: {  	_ =	sdelay $0x2  }
0x55a: {  	s20 =	smov.u32 s8;
	s19 =	smov.u32 s10;
	s8 =	smov.u32 s18  }
.LBB2_109:
.Ltmp156:
0x55b: {  	(pc) =	sbr.rel .LBB2_112-.Ltmp156, $2  }
0x55c: {  	_ =	sdelay $0x2  }
0x55d: {  	s20 =	smov.u32 s8;
	s19 =	smov.u32 s10;
	s8 =	smov.u32 s18  }
.LBB2_121:
.Ltmp157:
0x55e: {  	(pc) =	sbr.rel .LBB2_124-.Ltmp157, $2  }
0x55f: {  	_ =	sdelay $0x2  }
0x560: {  	s20 =	smov.u32 s8;
	s19 =	smov.u32 s10;
	s8 =	smov.u32 s18  }
.LBB2_133:
.Ltmp158:
0x561: {  	(pc) =	sbr.rel .LBB2_136-.Ltmp158, $2  }
0x562: {  	_ =	sdelay $0x2  }
0x563: {  	s20 =	smov.u32 s8;
	s19 =	smov.u32 s10;
	s8 =	smov.u32 s18  }
.LBB2_145:
.Ltmp159:
0x564: {  	(pc) =	sbr.rel .LBB2_148-.Ltmp159, $2  }
0x565: {  	_ =	sdelay $0x2  }
0x566: {  	s20 =	smov.u32 s8;
	s19 =	smov.u32 s10;
	s8 =	smov.u32 s18  }
.LBB2_157:
.Ltmp160:
0x567: {  	(pc) =	sbr.rel .LBB2_160-.Ltmp160, $2  }
0x568: {  	_ =	sdelay $0x2  }
0x569: {  	s20 =	smov.u32 s8;
	s19 =	smov.u32 s10;
	s8 =	smov.u32 s18  }
.LBB2_169:
.Ltmp161:
0x56a: {  	(pc) =	sbr.rel .LBB2_172-.Ltmp161, $2  }
0x56b: {  	_ =	sdelay $0x2  }
0x56c: {  	s20 =	smov.u32 s8;
	s19 =	smov.u32 s10;
	s8 =	smov.u32 s18  }
.LBB2_181:
.Ltmp162:
0x56d: {  	(pc) =	sbr.rel .LBB2_184-.Ltmp162, $2  }
0x56e: {  	_ =	sdelay $0x2  }
0x56f: {  	s20 =	smov.u32 s8;
	s19 =	smov.u32 s10;
	s8 =	smov.u32 s18  }
.LBB2_193:
.Ltmp163:
0x570: {  	(pc) =	sbr.rel .LBB2_196-.Ltmp163, $2  }
0x571: {  	_ =	sdelay $0x2  }
0x572: {  	s20 =	smov.u32 s8;
	s19 =	smov.u32 s10;
	s8 =	smov.u32 s18  }
.LBB2_198:
0x573: {  	s10 =	simm.s32 $0x0  }
0x574: {  	v4 =	vld [tilespmem:s10+$0x7800]  }
0x575: {  	v6 =	vld [tilespmem:s10+$0x0]  }
0x576: {  	v5 =	vld [tilespmem:s10+$0x5000]  }
0x577: {  	v9 =	vld [tilespmem:s10+$0x1400]  }
0x578: {  	v11 =	vld [tilespmem:s10+$0x2800]  }
0x579: {  	s8 =	simm.s32 $0x10;
	v12 =	vld [tilespmem:s10+$0x3C00];
	vm0 =	veq.s32 v4, $0x0  }
0x57a: {  	v7 =	vld [tilespmem:s8+$0x7800];
	v13 =	vsel vm0, $0x3F800000, v3  }
0x57b: {  	v8 =	vld [tilespmem:s8+$0x5000];
	v10 =	vmul.f32 v5, v13  }
0x57c: {  	v4 =	vld [tilespmem:s8+$0x0];
	v14 =	vmul.f32 v13, v6  }
0x57d: {  	v5 =	vld [tilespmem:s8+$0x1400];
	[tilespmem:s10+$0xDC00] =	vst v10;
	v10 =	vmul.f32 v9, v13  }
0x57e: {  	s16 =	simm.s32 $0x80;
	v11 =	vmul.f32 v11, v13;
	v9 =	vmul.f32 v12, v13;
	v6 =	vld [tilespmem:s8+$0x2800];
	[tilespmem:s10+$0x8C00] =	vst v14  }
.LBB2_199:
0x57f: {  	s17 =	sshra.s32 s16, $0x2;
	p0 =	sne.s32 s16, $0x4FC0;
	s16 =	sadd.s32 $0x40, s16;
	vm0 =	veq.s32 v7, $0x0;
	v12 =	vld [tilespmem:s8+$0x3C00];
	[tilespmem:s10+$0xA000] =	vst v10  }
.Ltmp164:
0x580: {  	v7 =	vld [tilespmem:s17+$0x7800];
	v13 =	vsel vm0, $0x3F800000, v3;
	[tilespmem:s10+$0xB400] =	vst v11;
	(pc) =	sbr.rel @p0 .LBB2_199-.Ltmp164, $4  }
0x581: {  	v14 =	vmul.f32 v13, v4;
	v4 =	vld [tilespmem:s17+$0x0];
	v15 =	vmul.f32 v8, v13;
	[tilespmem:s10+$0xC800] =	vst v9;
	s10 =	smov.u32 s8;
	s8 =	smov.u32 s17  }
0x582: {  	v8 =	vld [tilespmem:s8+$0x5000];
	v10 =	vmul.f32 v5, v13  }
0x583: {  	v5 =	vld [tilespmem:s8+$0x1400];
	v11 =	vmul.f32 v6, v13;
	[tilespmem:s10+$0xDC00] =	vst v15  }
0x584: {  	v6 =	vld [tilespmem:s8+$0x2800];
	[tilespmem:s10+$0x8C00] =	vst v14;
	v9 =	vmul.f32 v12, v13  }
0x585: {  	vm0 =	veq.s32 v7, $0x0  }
0x586: {  	v62 =	vld [tilespmem:s8+$0x3C00];
	[tilespmem:s10+$0xA000] =	vst v10;
	v63 =	vsel vm0, $0x3F800000, v3  }
0x587: {  	[tilespmem:s10+$0xB400] =	vst v11;
	v8 =	vmul.f32 v8, v63  }
0x588: {  	[tilespmem:s10+$0xC800] =	vst v9;
	v4 =	vmul.f32 v63, v4  }
0x589: {  	v5 =	vmul.f32 v5, v63;
	[tilespmem:s8+$0xDC00] =	vst v8  }
0x58a: {  	v6 =	vmul.f32 v6, v63;
	[tilespmem:s8+$0x8C00] =	vst v4  }
0x58b: {  	v4 =	vmul.f32 v62, v63;
	[tilespmem:s8+$0xA000] =	vst v5  }
0x58c: {  	[tilespmem:s8+$0xB400] =	vst v6  }
0x58d: {  	[tilespmem:s8+$0xC800] =	vst v4  }
0x58e: {  	[hbm4b:s6+s14] =	stream.linear.scatter [tilespmem:s21], [sflag:$0x1], $0x1400, $0x38;
	[tilespmem:$0xF200] =	vst v63  }
0x58f: {  	_ =	swait.ge [sflag:s15], $0x1400  }
0x590: {  	[sflag:s15] =	ssyncset.done $0x0  }
0x591: {  	[sflag:s15] =	ssyncadd.s32 $0xFFFFEC00  }
0x592: {  	[hbm4b:s7+s14] =	stream.linear.scatter [tilespmem:s22], [sflag:$0x1], $0x1400, $0x38;
	[tilespmem:$0xF200] =	vst v63  }
0x593: {  	_ =	swait.ge [sflag:s15], $0x1400  }
0x594: {  	[sflag:s15] =	ssyncset.done $0x0  }
0x595: {  	[sflag:s15] =	ssyncadd.s32 $0xFFFFEC00  }
0x596: {  	[hbm4b:s9+s14] =	stream.linear.scatter [tilespmem:s23], [sflag:$0x1], $0x1400, $0x38;
	[tilespmem:$0xF200] =	vst v63  }
0x597: {  	_ =	swait.ge [sflag:s15], $0x1400  }
0x598: {  	[sflag:s15] =	ssyncset.done $0x0  }
0x599: {  	[sflag:s15] =	ssyncadd.s32 $0xFFFFEC00  }
0x59a: {  	[hbm4b:s11+s14] =	stream.linear.scatter [tilespmem:s24], [sflag:$0x1], $0x1400, $0x38;
	[tilespmem:$0xF200] =	vst v63  }
0x59b: {  	s26 =	sadd.s32 $0x1, s26;
	_ =	swait.ge [sflag:s15], $0x1400  }
0x59c: {  	p0 =	sne.s32 s26, s13;
	[sflag:s15] =	ssyncset.done $0x0  }
.Ltmp165:
0x59d: {  	[sflag:s15] =	ssyncadd.s32 $0xFFFFEC00;
	(pc) =	sbr.rel @p0 .LBB2_2-.Ltmp165, $4  }
0x59e: {  	[hbm4b:s12+s14] =	stream.linear.scatter [tilespmem:s25], [sflag:$0x1], $0x1400, $0x38;
	[tilespmem:$0xF200] =	vst v63  }
0x59f: {  	_ =	swait.ge [sflag:s15], $0x1400  }
0x5a0: {  	[sflag:s15] =	ssyncset.done $0x0  }
0x5a1: {  	[sflag:s15] =	ssyncadd.s32 $0xFFFFEC00  }
.LBB2_201:
0x5a2: {  	_ =	sfence.sel $0x180000  }
0x5a3: {  	[bflag:$0x0] =	sbarrier.arrive $0xFFFF  }
0x5a4: {  	_ =	strace $0x90000047  }
0x5a5: {  	s0 =	stileid.u32;
	[bflag:$0x2] =	sbarrier.arrive $0xFFFF  }
0x5a6: {  	p0 =	sne.s32 s0, $0x0;
	s0 =	rddreg [dreg:$0xb]  }
0x5a7: {  	s0 =	sadd.s32 @!p0 $0x100000, s0  }
0x5a8: {  	[sflag:s0] =	ssyncadd.tile.s32 @!p0 $0x1;
	_ =	shalt  }
.Lfunc_end2:
_tile_overlayer_lowered:
.L_overlay_start_2:
0x5a9: {  	(tag) =	ssettag $0x2  }
0x5aa: {  	s0 =	rddreg [dreg:$0x0];
	s2 =	stileid.u32  }
0x5ab: {  	s1 =	rddreg [dreg:$0x1];
	p0 =	sne.s32 s2, $0x0  }
0x5ac: {  	s3 =	rddreg [dreg:$0x2];
	[bflag:$0x3] =	sbarrier.arrive $0xFFFF;
	s2 =	simm.s32 @!p0 $0x1C01  }
0x5ad: {  	[timem:s3], [sflag:s2] =	dma.local @!p0 [hbm:s0], s1  }
0x5ae: {  	s0 =	simm.s32 @!p0 $0x1  }
0x5af: {  	_ =	swait.ge @!p0 [sflag:s0], s1  }
0x5b0: {  	s1 =	ssub.s32 @!p0 $0x0, s1;
	[sflag:s0] =	ssyncset.done @!p0 $0x0  }
0x5b1: {  	[sflag:s0] =	ssyncadd.s32 @!p0 s1  }
0x5b2: {  	[bflag:$0x3] =	sbarrier.arrive $0xFFFF  }
0x5b3: {  	_ =	shalt  }

</sc_bundles>
